<compile_context>
chip_gen: v7x
topology: tpu7x:2x2x1
jax: 0.10.2.dev20260603
libtpu: 0.0.44.dev20260713+nightly
codegen_flags: <defaults>
</compile_context>

<pallas_src>
import functools

import jax
import jax.numpy as jnp
from jax import lax
from jax.experimental import pallas as pl
from jax.experimental.pallas import tpu as pltpu
from jax.experimental.pallas import tpu_sc as plsc

N = 10000
E = 320000
D = 128
NUM_LAYERS = 2

NC = 2
NS = 16
NW = NC * NS
CH = 128
E_PAD = 327680
CHUNKS = E_PAD // CH
EPW = E_PAD // NW
CPW = EPW // CH
N_PAD = 10240
ROWS_PER_SUB = N_PAD // NS

_mesh = plsc.VectorSubcoreMesh(core_axis_name="c", subcore_axis_name="s")


@functools.partial(
    pl.kernel,
    mesh=_mesh,
    out_type=jax.ShapeDtypeStruct((NC, N_PAD, D), jnp.float32),
    scratch_types=[
        pltpu.VMEM((8, CH), jnp.int32),
        pltpu.VMEM((8, CH), jnp.int32),
        pltpu.VMEM((8, CH), jnp.int32),
        pltpu.VMEM((8, CH), jnp.int32),
        pltpu.VMEM((CH, D), jnp.float32),
        pltpu.VMEM((CH, D), jnp.float32),
        pltpu.VMEM_SHARED((N_PAD, D), jnp.float32),
        pltpu.SemaphoreType.DMA,
        pltpu.SemaphoreType.DMA,
        pltpu.SemaphoreType.DMA,
        pltpu.SemaphoreType.DMA,
    ],
)
def _sc_segment_sum(m_hbm, src_hbm, dst_hbm, zero_hbm, out_hbm,
                    srca, dsta, srcb, dstb, rows0, rows1, agg_sh,
                    semg0, sems0, sems1, semi):
    c = lax.axis_index("c")
    s = lax.axis_index("s")
    wid = s * NC + c
    row0 = s * ROWS_PER_SUB

    base = wid * CPW

    ia = pltpu.async_copy(src_hbm.at[pl.ds(base, 8)], srca, semi)
    ib = pltpu.async_copy(dst_hbm.at[pl.ds(base, 8)], dsta, semi)

    pltpu.sync_copy(zero_hbm, rows0)
    for t in range(ROWS_PER_SUB // CH):
        pltpu.sync_copy(rows0, agg_sh.at[pl.ds(row0 + t * CH, CH)])
    plsc.subcore_barrier()
    ia.wait()
    ib.wait()

    rows = (rows0, rows1)
    sems = (sems0, sems1)

    def run_group(src_v, dst_v, s_state):
        for j in range(8):
            if s_state[j % 2] is not None:
                s_state[j % 2].wait()
            pltpu.async_copy(m_hbm.at[src_v.at[j]],
                             rows[j % 2], semg0).wait()
            s_state[j % 2] = pltpu.async_copy(rows[j % 2],
                                              agg_sh.at[dst_v.at[j]],
                                              sems[j % 2], add=True)
        return s_state

    @pl.loop(0, CPW, step=16)
    def _(g):
        pa0 = pltpu.async_copy(src_hbm.at[pl.ds(base + g + 8, 8)], srcb,
                               semi)
        pa1 = pltpu.async_copy(dst_hbm.at[pl.ds(base + g + 8, 8)], dstb,
                               semi)
        s_state = run_group(srca, dsta, [None, None])
        pa0.wait()
        pa1.wait()
        nxt = jnp.minimum(base + g + 16, CHUNKS - 8)
        pb0 = pltpu.async_copy(src_hbm.at[pl.ds(nxt, 8)], srca, semi)
        pb1 = pltpu.async_copy(dst_hbm.at[pl.ds(nxt, 8)], dsta, semi)
        s_state = run_group(srcb, dstb, s_state)
        s_state[0].wait()
        s_state[1].wait()
        pb0.wait()
        pb1.wait()

    plsc.subcore_barrier()
    pltpu.sync_copy(agg_sh.at[pl.ds(row0, ROWS_PER_SUB)],
                    out_hbm.at[c, pl.ds(row0, ROWS_PER_SUB)])


BLK = 2000


def _dot(a, b):
    return jnp.dot(a, b, preferred_element_type=jnp.float32)


def _linear_body(h_ref, w_ref, b_ref, o_ref):
    o_ref[...] = _dot(h_ref[...], w_ref[...]) + b_ref[...]


def _tc_linear(h, w, b):
    return pl.pallas_call(
        _linear_body,
        grid=(N // BLK,),
        in_specs=[
            pl.BlockSpec((BLK, D), lambda i: (i, 0)),
            pl.BlockSpec((D, D), lambda i: (0, 0)),
            pl.BlockSpec((1, D), lambda i: (0, 0)),
        ],
        out_specs=pl.BlockSpec((BLK, D), lambda i: (i, 0)),
        out_shape=jax.ShapeDtypeStruct((N, D), jnp.float32),
    )(h, w, b.reshape(1, D))


def _gru_body(h_ref, agg_ref, Wz_ref, Uz_ref, bz_ref, Wr_ref, Ur_ref, br_ref,
              Wh_ref, Uh_ref, bh_ref, Wm_ref, bm_ref, h_out_ref, m_out_ref):
    agg = agg_ref[0] + agg_ref[1]
    h = h_ref[...]
    z = jax.nn.sigmoid(_dot(agg, Wz_ref[...]) + _dot(h, Uz_ref[...])
                       + bz_ref[...])
    r = jax.nn.sigmoid(_dot(agg, Wr_ref[...]) + _dot(h, Ur_ref[...])
                       + br_ref[...])
    h_t = jnp.tanh(_dot(agg, Wh_ref[...]) + _dot(r * h, Uh_ref[...])
                   + bh_ref[...])
    h_new = (1.0 - z) * h + z * h_t
    h_out_ref[...] = h_new
    if m_out_ref is not None:
        m_out_ref[...] = _dot(h_new, Wm_ref[...]) + bm_ref[...]


def _tc_gru(h, agg2, Wz, Uz, bz, Wr, Ur, br, Wh, Uh, bh, Wm, bm,
            compute_m):
    n_out = 2 if compute_m else 1
    body = _gru_body if compute_m else (
        lambda *refs: _gru_body(*refs, None))
    wspec = pl.BlockSpec((D, D), lambda i: (0, 0))
    bspec = pl.BlockSpec((1, D), lambda i: (0, 0))
    rowspec = pl.BlockSpec((BLK, D), lambda i: (i, 0))
    out = pl.pallas_call(
        body,
        grid=(N // BLK,),
        in_specs=[
            rowspec,
            pl.BlockSpec((NC, BLK, D), lambda i: (0, i, 0)),
            wspec, wspec, bspec,
            wspec, wspec, bspec,
            wspec, wspec, bspec,
            wspec, bspec,
        ],
        out_specs=[rowspec] * n_out,
        out_shape=[jax.ShapeDtypeStruct((N, D), jnp.float32)] * n_out,
    )(h, agg2, Wz, Uz, bz.reshape(1, D), Wr, Ur, br.reshape(1, D),
      Wh, Uh, bh.reshape(1, D), Wm, bm.reshape(1, D))
    return out


@jax.jit
def kernel(features, edge_index, W_msg, b_msg, Wz, Uz, bz, Wr, Ur, br,
           Wh, Uh, bh):
    pad = E_PAD - E
    src_pad = jnp.arange(pad, dtype=jnp.int32) % N
    src = jnp.concatenate([edge_index[0], src_pad]).reshape(CHUNKS, CH)
    dst_pad = N + (jnp.arange(pad, dtype=jnp.int32) % (N_PAD - N))
    dst = jnp.concatenate([edge_index[1], dst_pad]).reshape(CHUNKS, CH)
    zeros = jnp.zeros((CH, D), jnp.float32)
    h = features
    m = _tc_linear(features, W_msg, b_msg)
    for layer in range(NUM_LAYERS):
        agg2 = _sc_segment_sum(m, src, dst, zeros)
        compute_m = layer < NUM_LAYERS - 1
        out = _tc_gru(h, agg2, Wz, Uz, bz, Wr, Ur, br, Wh, Uh, bh,
                      W_msg, b_msg, compute_m)
        if compute_m:
            h, m = out
        else:
            (h,) = out
    return h

# --- scband reference (transcript-rebuilt; emitter-appended) ---
"""Pipeline reference for scband-gnnclassifier-798863917196 (READ-ONLY COPY).

The authoritative reference and input builder live on the scoring server;
editing this copy changes nothing except your own understanding.
"""

import jax, jax.numpy as jnp
import numpy as np

N = 10000
E = 320000
D = 128
NUM_LAYERS = 2


def setup_inputs(seed: int = 0) -> dict:
    key = jax.random.key(seed)
    ks = jax.random.split(key, 14)
    s = 0.05
    inp = {}
    inp["features"] = jax.random.normal(ks[0], (N, D), dtype=jnp.float32)
    inp["edge_index"] = jax.random.randint(ks[1], (2, E), 0, N, dtype=jnp.int32)
    inp["W_msg"] = jax.random.normal(ks[2], (D, D), dtype=jnp.float32) * s
    inp["b_msg"] = jnp.zeros((D,), dtype=jnp.float32)
    inp["Wz"] = jax.random.normal(ks[3], (D, D), dtype=jnp.float32) * s
    inp["Uz"] = jax.random.normal(ks[4], (D, D), dtype=jnp.float32) * s
    inp["bz"] = jnp.zeros((D,), dtype=jnp.float32)
    inp["Wr"] = jax.random.normal(ks[5], (D, D), dtype=jnp.float32) * s
    inp["Ur"] = jax.random.normal(ks[6], (D, D), dtype=jnp.float32) * s
    inp["br"] = jnp.zeros((D,), dtype=jnp.float32)
    inp["Wh"] = jax.random.normal(ks[7], (D, D), dtype=jnp.float32) * s
    inp["Uh"] = jax.random.normal(ks[8], (D, D), dtype=jnp.float32) * s
    inp["bh"] = jnp.zeros((D,), dtype=jnp.float32)
    return inp


def reference(features, edge_index, W_msg, b_msg, Wz, Uz, bz, Wr, Ur, br, Wh, Uh, bh):
    # GGNN (Gated Graph Neural Network), uni-directional message passing.
    # Per propagation step: message = W_msg h_u + b_msg gathered along edges,
    # scatter-add aggregated at destination nodes, then GRU-style node update.
    src = edge_index[0]
    dst = edge_index[1]
    h = features
    for _ in range(NUM_LAYERS):
        m = h @ W_msg + b_msg
        msgs = jnp.take(m, src, axis=0)  # gather per-edge messages
        agg = jax.ops.segment_sum(msgs, dst, num_segments=N)  # scatter-add
        z = jax.nn.sigmoid(agg @ Wz + h @ Uz + bz)
        r = jax.nn.sigmoid(agg @ Wr + h @ Ur + br)
        h_tilde = jnp.tanh(agg @ Wh + (r * h) @ Uh + bh)
        h = (1.0 - z) * h + z * h_tilde
    return h

if __name__ == "__main__":
    import jax
    _d = setup_inputs()
    print(jax.jit(kernel)(*tuple(_d.values())))

</pallas_src>

<mosaic_0001>
#map = affine_map<(d0, d1) -> (0, 0)>
#map1 = affine_map<(d0, d1) -> (0, 0, 0)>
module attributes {stable_mosaic.version = 14 : i64} {
  func.func @_sc_segment_sum(%arg0: i32, %arg1: i32, %arg2: memref<10000x128xf32, #tpu.memory_space<hbm>>, %arg3: memref<2560x128xi32, #tpu.memory_space<hbm>>, %arg4: memref<2560x128xi32, #tpu.memory_space<hbm>>, %arg5: memref<128x128xf32, #tpu.memory_space<hbm>>, %arg6: memref<2x10240x128xf32, #tpu.memory_space<hbm>>, %arg7: memref<8x128xi32, #tpu.memory_space<vmem>>, %arg8: memref<8x128xi32, #tpu.memory_space<vmem>>, %arg9: memref<8x128xi32, #tpu.memory_space<vmem>>, %arg10: memref<8x128xi32, #tpu.memory_space<vmem>>, %arg11: memref<128x128xf32, #tpu.memory_space<vmem>>, %arg12: memref<128x128xf32, #tpu.memory_space<vmem>>, %arg13: memref<10240x128xf32, #tpu.memory_space<vmem_shared>>, %arg14: memref<!tpu.dma_semaphore, #tpu.memory_space<semaphore_mem>>, %arg15: memref<!tpu.dma_semaphore, #tpu.memory_space<semaphore_mem>>, %arg16: memref<!tpu.dma_semaphore, #tpu.memory_space<semaphore_mem>>, %arg17: memref<!tpu.dma_semaphore, #tpu.memory_space<semaphore_mem>>) attributes {dimension_semantics = [#tpu.dimension_semantics<core_parallel>, #tpu.dimension_semantics<subcore_parallel>], iteration_bounds = array<i64: 2, 16>, scalar_prefetch = 0 : i64, scratch_operands = 11 : i64, tpu.core_type = #tpu.core_type<sc_vector_subcore>, window_params = [{transform_indices = #map}, {transform_indices = #map}, {transform_indices = #map}, {transform_indices = #map}, {transform_indices = #map1}]} {
    %mul3A = arith.constant 2 : i32
    %mul3A_0 = arith.muli %arg1, %mul3A : i32
    %add3A = arith.addi %mul3A_0, %arg0 : i32
    %mul3A_1 = arith.constant 640 : i32
    %mul3A_2 = arith.muli %arg1, %mul3A_1 : i32
    %mul3A_3 = arith.constant 80 : i32
    %mul3A_4 = arith.muli %add3A, %mul3A_3 : i32
    %dma_start3A = arith.constant 0 : i32
    %dma_start3A_5 = tpu.memref_slice %arg3[%mul3A_4, %dma_start3A] : memref<2560x128xi32, #tpu.memory_space<hbm>> -> memref<8x128xi32, #tpu.memory_space<hbm>>
    %dma_start3A_6 = arith.constant 0 : i32
    %dma_start3A_7 = tpu.memref_slice %arg3[%mul3A_4, %dma_start3A_6] : memref<2560x128xi32, #tpu.memory_space<hbm>> -> memref<8x128xi32, #tpu.memory_space<hbm>>
    tpu.enqueue_dma source(%dma_start3A_7 : memref<8x128xi32, #tpu.memory_space<hbm>>) target(%arg7 : memref<8x128xi32, #tpu.memory_space<vmem>>) target_semaphore(%arg17 : memref<!tpu.dma_semaphore, #tpu.memory_space<semaphore_mem>>)
    %dma_start3A_8 = arith.constant 0 : i32
    %dma_start3A_9 = tpu.memref_slice %arg4[%mul3A_4, %dma_start3A_8] : memref<2560x128xi32, #tpu.memory_space<hbm>> -> memref<8x128xi32, #tpu.memory_space<hbm>>
    %dma_start3A_10 = arith.constant 0 : i32
    %dma_start3A_11 = tpu.memref_slice %arg4[%mul3A_4, %dma_start3A_10] : memref<2560x128xi32, #tpu.memory_space<hbm>> -> memref<8x128xi32, #tpu.memory_space<hbm>>
    tpu.enqueue_dma source(%dma_start3A_11 : memref<8x128xi32, #tpu.memory_space<hbm>>) target(%arg8 : memref<8x128xi32, #tpu.memory_space<vmem>>) target_semaphore(%arg17 : memref<!tpu.dma_semaphore, #tpu.memory_space<semaphore_mem>>)
    "tpu.region"() ({
      %run_scoped3A = tpu.sem_alloc : memref<!tpu.dma_semaphore, #tpu.memory_space<semaphore_mem>>
      tpu.enqueue_dma source(%arg5 : memref<128x128xf32, #tpu.memory_space<hbm>>) target(%arg11 : memref<128x128xf32, #tpu.memory_space<vmem>>) target_semaphore(%run_scoped3A : memref<!tpu.dma_semaphore, #tpu.memory_space<semaphore_mem>>)
      tpu.wait_dma2 semaphore(%run_scoped3A : memref<!tpu.dma_semaphore, #tpu.memory_space<semaphore_mem>>) src(%arg5 : memref<128x128xf32, #tpu.memory_space<hbm>>) dst(%arg11 : memref<128x128xf32, #tpu.memory_space<vmem>>)
      tpu.yield
    }) : () -> ()
    %add3A_12 = arith.constant 0 : i32
    %add3A_13 = arith.addi %mul3A_2, %add3A_12 : i32
    "tpu.region"() ({
      %run_scoped3A = tpu.sem_alloc : memref<!tpu.dma_semaphore, #tpu.memory_space<semaphore_mem>>
      %dma_start3A_34 = arith.constant 0 : i32
      %dma_start3A_35 = tpu.memref_slice %arg13[%add3A_13, %dma_start3A_34] : memref<10240x128xf32, #tpu.memory_space<vmem_shared>> -> memref<128x128xf32, #tpu.memory_space<vmem_shared>>
      %dma_start3A_36 = arith.constant 0 : i32
      %dma_start3A_37 = tpu.memref_slice %arg13[%add3A_13, %dma_start3A_36] : memref<10240x128xf32, #tpu.memory_space<vmem_shared>> -> memref<128x128xf32, #tpu.memory_space<vmem_shared>>
      tpu.enqueue_dma source(%arg11 : memref<128x128xf32, #tpu.memory_space<vmem>>) target(%dma_start3A_37 : memref<128x128xf32, #tpu.memory_space<vmem_shared>>) target_semaphore(%run_scoped3A : memref<!tpu.dma_semaphore, #tpu.memory_space<semaphore_mem>>)
      %dma_wait3A_38 = arith.constant 0 : i32
      %dma_wait3A_39 = tpu.memref_slice %arg13[%add3A_13, %dma_wait3A_38] : memref<10240x128xf32, #tpu.memory_space<vmem_shared>> -> memref<128x128xf32, #tpu.memory_space<vmem_shared>>
      %dma_wait3A_40 = arith.constant 0 : i32
      %dma_wait3A_41 = tpu.memref_slice %arg13[%add3A_13, %dma_wait3A_40] : memref<10240x128xf32, #tpu.memory_space<vmem_shared>> -> memref<128x128xf32, #tpu.memory_space<vmem_shared>>
      tpu.wait_dma2 semaphore(%run_scoped3A : memref<!tpu.dma_semaphore, #tpu.memory_space<semaphore_mem>>) src(%arg11 : memref<128x128xf32, #tpu.memory_space<vmem>>) dst(%dma_wait3A_41 : memref<128x128xf32, #tpu.memory_space<vmem_shared>>)
      tpu.yield
    }) : () -> ()
    %add3A_14 = arith.constant 128 : i32
    %add3A_15 = arith.addi %mul3A_2, %add3A_14 : i32
    "tpu.region"() ({
      %run_scoped3A = tpu.sem_alloc : memref<!tpu.dma_semaphore, #tpu.memory_space<semaphore_mem>>
      %dma_start3A_34 = arith.constant 0 : i32
      %dma_start3A_35 = tpu.memref_slice %arg13[%add3A_15, %dma_start3A_34] : memref<10240x128xf32, #tpu.memory_space<vmem_shared>> -> memref<128x128xf32, #tpu.memory_space<vmem_shared>>
      %dma_start3A_36 = arith.constant 0 : i32
      %dma_start3A_37 = tpu.memref_slice %arg13[%add3A_15, %dma_start3A_36] : memref<10240x128xf32, #tpu.memory_space<vmem_shared>> -> memref<128x128xf32, #tpu.memory_space<vmem_shared>>
      tpu.enqueue_dma source(%arg11 : memref<128x128xf32, #tpu.memory_space<vmem>>) target(%dma_start3A_37 : memref<128x128xf32, #tpu.memory_space<vmem_shared>>) target_semaphore(%run_scoped3A : memref<!tpu.dma_semaphore, #tpu.memory_space<semaphore_mem>>)
      %dma_wait3A_38 = arith.constant 0 : i32
      %dma_wait3A_39 = tpu.memref_slice %arg13[%add3A_15, %dma_wait3A_38] : memref<10240x128xf32, #tpu.memory_space<vmem_shared>> -> memref<128x128xf32, #tpu.memory_space<vmem_shared>>
      %dma_wait3A_40 = arith.constant 0 : i32
      %dma_wait3A_41 = tpu.memref_slice %arg13[%add3A_15, %dma_wait3A_40] : memref<10240x128xf32, #tpu.memory_space<vmem_shared>> -> memref<128x128xf32, #tpu.memory_space<vmem_shared>>
      tpu.wait_dma2 semaphore(%run_scoped3A : memref<!tpu.dma_semaphore, #tpu.memory_space<semaphore_mem>>) src(%arg11 : memref<128x128xf32, #tpu.memory_space<vmem>>) dst(%dma_wait3A_41 : memref<128x128xf32, #tpu.memory_space<vmem_shared>>)
      tpu.yield
    }) : () -> ()
    %add3A_16 = arith.constant 256 : i32
    %add3A_17 = arith.addi %mul3A_2, %add3A_16 : i32
    "tpu.region"() ({
      %run_scoped3A = tpu.sem_alloc : memref<!tpu.dma_semaphore, #tpu.memory_space<semaphore_mem>>
      %dma_start3A_34 = arith.constant 0 : i32
      %dma_start3A_35 = tpu.memref_slice %arg13[%add3A_17, %dma_start3A_34] : memref<10240x128xf32, #tpu.memory_space<vmem_shared>> -> memref<128x128xf32, #tpu.memory_space<vmem_shared>>
      %dma_start3A_36 = arith.constant 0 : i32
      %dma_start3A_37 = tpu.memref_slice %arg13[%add3A_17, %dma_start3A_36] : memref<10240x128xf32, #tpu.memory_space<vmem_shared>> -> memref<128x128xf32, #tpu.memory_space<vmem_shared>>
      tpu.enqueue_dma source(%arg11 : memref<128x128xf32, #tpu.memory_space<vmem>>) target(%dma_start3A_37 : memref<128x128xf32, #tpu.memory_space<vmem_shared>>) target_semaphore(%run_scoped3A : memref<!tpu.dma_semaphore, #tpu.memory_space<semaphore_mem>>)
      %dma_wait3A_38 = arith.constant 0 : i32
      %dma_wait3A_39 = tpu.memref_slice %arg13[%add3A_17, %dma_wait3A_38] : memref<10240x128xf32, #tpu.memory_space<vmem_shared>> -> memref<128x128xf32, #tpu.memory_space<vmem_shared>>
      %dma_wait3A_40 = arith.constant 0 : i32
      %dma_wait3A_41 = tpu.memref_slice %arg13[%add3A_17, %dma_wait3A_40] : memref<10240x128xf32, #tpu.memory_space<vmem_shared>> -> memref<128x128xf32, #tpu.memory_space<vmem_shared>>
      tpu.wait_dma2 semaphore(%run_scoped3A : memref<!tpu.dma_semaphore, #tpu.memory_space<semaphore_mem>>) src(%arg11 : memref<128x128xf32, #tpu.memory_space<vmem>>) dst(%dma_wait3A_41 : memref<128x128xf32, #tpu.memory_space<vmem_shared>>)
      tpu.yield
    }) : () -> ()
    %add3A_18 = arith.constant 384 : i32
    %add3A_19 = arith.addi %mul3A_2, %add3A_18 : i32
    "tpu.region"() ({
      %run_scoped3A = tpu.sem_alloc : memref<!tpu.dma_semaphore, #tpu.memory_space<semaphore_mem>>
      %dma_start3A_34 = arith.constant 0 : i32
      %dma_start3A_35 = tpu.memref_slice %arg13[%add3A_19, %dma_start3A_34] : memref<10240x128xf32, #tpu.memory_space<vmem_shared>> -> memref<128x128xf32, #tpu.memory_space<vmem_shared>>
      %dma_start3A_36 = arith.constant 0 : i32
      %dma_start3A_37 = tpu.memref_slice %arg13[%add3A_19, %dma_start3A_36] : memref<10240x128xf32, #tpu.memory_space<vmem_shared>> -> memref<128x128xf32, #tpu.memory_space<vmem_shared>>
      tpu.enqueue_dma source(%arg11 : memref<128x128xf32, #tpu.memory_space<vmem>>) target(%dma_start3A_37 : memref<128x128xf32, #tpu.memory_space<vmem_shared>>) target_semaphore(%run_scoped3A : memref<!tpu.dma_semaphore, #tpu.memory_space<semaphore_mem>>)
      %dma_wait3A_38 = arith.constant 0 : i32
      %dma_wait3A_39 = tpu.memref_slice %arg13[%add3A_19, %dma_wait3A_38] : memref<10240x128xf32, #tpu.memory_space<vmem_shared>> -> memref<128x128xf32, #tpu.memory_space<vmem_shared>>
      %dma_wait3A_40 = arith.constant 0 : i32
      %dma_wait3A_41 = tpu.memref_slice %arg13[%add3A_19, %dma_wait3A_40] : memref<10240x128xf32, #tpu.memory_space<vmem_shared>> -> memref<128x128xf32, #tpu.memory_space<vmem_shared>>
      tpu.wait_dma2 semaphore(%run_scoped3A : memref<!tpu.dma_semaphore, #tpu.memory_space<semaphore_mem>>) src(%arg11 : memref<128x128xf32, #tpu.memory_space<vmem>>) dst(%dma_wait3A_41 : memref<128x128xf32, #tpu.memory_space<vmem_shared>>)
      tpu.yield
    }) : () -> ()
    %add3A_20 = arith.constant 512 : i32
    %add3A_21 = arith.addi %mul3A_2, %add3A_20 : i32
    "tpu.region"() ({
      %run_scoped3A = tpu.sem_alloc : memref<!tpu.dma_semaphore, #tpu.memory_space<semaphore_mem>>
      %dma_start3A_34 = arith.constant 0 : i32
      %dma_start3A_35 = tpu.memref_slice %arg13[%add3A_21, %dma_start3A_34] : memref<10240x128xf32, #tpu.memory_space<vmem_shared>> -> memref<128x128xf32, #tpu.memory_space<vmem_shared>>
      %dma_start3A_36 = arith.constant 0 : i32
      %dma_start3A_37 = tpu.memref_slice %arg13[%add3A_21, %dma_start3A_36] : memref<10240x128xf32, #tpu.memory_space<vmem_shared>> -> memref<128x128xf32, #tpu.memory_space<vmem_shared>>
      tpu.enqueue_dma source(%arg11 : memref<128x128xf32, #tpu.memory_space<vmem>>) target(%dma_start3A_37 : memref<128x128xf32, #tpu.memory_space<vmem_shared>>) target_semaphore(%run_scoped3A : memref<!tpu.dma_semaphore, #tpu.memory_space<semaphore_mem>>)
      %dma_wait3A_38 = arith.constant 0 : i32
      %dma_wait3A_39 = tpu.memref_slice %arg13[%add3A_21, %dma_wait3A_38] : memref<10240x128xf32, #tpu.memory_space<vmem_shared>> -> memref<128x128xf32, #tpu.memory_space<vmem_shared>>
      %dma_wait3A_40 = arith.constant 0 : i32
      %dma_wait3A_41 = tpu.memref_slice %arg13[%add3A_21, %dma_wait3A_40] : memref<10240x128xf32, #tpu.memory_space<vmem_shared>> -> memref<128x128xf32, #tpu.memory_space<vmem_shared>>
      tpu.wait_dma2 semaphore(%run_scoped3A : memref<!tpu.dma_semaphore, #tpu.memory_space<semaphore_mem>>) src(%arg11 : memref<128x128xf32, #tpu.memory_space<vmem>>) dst(%dma_wait3A_41 : memref<128x128xf32, #tpu.memory_space<vmem_shared>>)
      tpu.yield
    }) : () -> ()
    %barrier3A = arith.constant 0 : index
    tpu.barrier barrier_id(%barrier3A)
    %dma_wait3A = arith.constant 0 : i32
    %dma_wait3A_22 = tpu.memref_slice %arg3[%mul3A_4, %dma_wait3A] : memref<2560x128xi32, #tpu.memory_space<hbm>> -> memref<8x128xi32, #tpu.memory_space<hbm>>
    %dma_wait3A_23 = arith.constant 0 : i32
    %dma_wait3A_24 = tpu.memref_slice %arg3[%mul3A_4, %dma_wait3A_23] : memref<2560x128xi32, #tpu.memory_space<hbm>> -> memref<8x128xi32, #tpu.memory_space<hbm>>
    tpu.wait_dma2 semaphore(%arg17 : memref<!tpu.dma_semaphore, #tpu.memory_space<semaphore_mem>>) src(%dma_wait3A_24 : memref<8x128xi32, #tpu.memory_space<hbm>>) dst(%arg7 : memref<8x128xi32, #tpu.memory_space<vmem>>)
    %dma_wait3A_25 = arith.constant 0 : i32
    %dma_wait3A_26 = tpu.memref_slice %arg4[%mul3A_4, %dma_wait3A_25] : memref<2560x128xi32, #tpu.memory_space<hbm>> -> memref<8x128xi32, #tpu.memory_space<hbm>>
    %dma_wait3A_27 = arith.constant 0 : i32
    %dma_wait3A_28 = tpu.memref_slice %arg4[%mul3A_4, %dma_wait3A_27] : memref<2560x128xi32, #tpu.memory_space<hbm>> -> memref<8x128xi32, #tpu.memory_space<hbm>>
    tpu.wait_dma2 semaphore(%arg17 : memref<!tpu.dma_semaphore, #tpu.memory_space<semaphore_mem>>) src(%dma_wait3A_28 : memref<8x128xi32, #tpu.memory_space<hbm>>) dst(%arg8 : memref<8x128xi32, #tpu.memory_space<vmem>>)
    %scan3A = arith.constant 0 : i32
    %scan3A_29 = arith.constant 5 : i32
    %scan3A_30 = arith.addi %scan3A, %scan3A_29 : i32
    %scan3A_31 = arith.constant 1 : i32
    scf.for %scan3A_34 = %scan3A to %scan3A_30 step %scan3A_31  : i32 {
      %mul3A_35 = arith.constant 16 : i32
      %mul3A_36 = arith.muli %scan3A_34, %mul3A_35 : i32
      %add3A_37 = arith.constant 0 : i32
      %add3A_38 = arith.addi %add3A_37, %mul3A_36 : i32
      %add3A_39 = arith.addi %mul3A_4, %add3A_38 : i32
      %add3A_40 = arith.constant 8 : i32
      %add3A_41 = arith.addi %add3A_39, %add3A_40 : i32
      %dma_start3A_42 = arith.constant 0 : i32
      %dma_start3A_43 = tpu.memref_slice %arg3[%add3A_41, %dma_start3A_42] : memref<2560x128xi32, #tpu.memory_space<hbm>> -> memref<8x128xi32, #tpu.memory_space<hbm>>
      %dma_start3A_44 = arith.constant 0 : i32
      %dma_start3A_45 = tpu.memref_slice %arg3[%add3A_41, %dma_start3A_44] : memref<2560x128xi32, #tpu.memory_space<hbm>> -> memref<8x128xi32, #tpu.memory_space<hbm>>
      tpu.enqueue_dma source(%dma_start3A_45 : memref<8x128xi32, #tpu.memory_space<hbm>>) target(%arg9 : memref<8x128xi32, #tpu.memory_space<vmem>>) target_semaphore(%arg17 : memref<!tpu.dma_semaphore, #tpu.memory_space<semaphore_mem>>)
      %add3A_46 = arith.addi %mul3A_4, %add3A_38 : i32
      %add3A_47 = arith.constant 8 : i32
      %add3A_48 = arith.addi %add3A_46, %add3A_47 : i32
      %dma_start3A_49 = arith.constant 0 : i32
      %dma_start3A_50 = tpu.memref_slice %arg4[%add3A_48, %dma_start3A_49] : memref<2560x128xi32, #tpu.memory_space<hbm>> -> memref<8x128xi32, #tpu.memory_space<hbm>>
      %dma_start3A_51 = arith.constant 0 : i32
      %dma_start3A_52 = tpu.memref_slice %arg4[%add3A_48, %dma_start3A_51] : memref<2560x128xi32, #tpu.memory_space<hbm>> -> memref<8x128xi32, #tpu.memory_space<hbm>>
      tpu.enqueue_dma source(%dma_start3A_52 : memref<8x128xi32, #tpu.memory_space<hbm>>) target(%arg10 : memref<8x128xi32, #tpu.memory_space<vmem>>) target_semaphore(%arg17 : memref<!tpu.dma_semaphore, #tpu.memory_space<semaphore_mem>>)
      %dma_start3A_53 = arith.constant 0 : i32
      %dma_start3A_54 = arith.constant 0 : i32
      %dma_start3A_55 = tpu.memref_slice %arg7[%dma_start3A_53, %dma_start3A_54] : memref<8x128xi32, #tpu.memory_space<vmem>> -> memref<1x128xi32, #tpu.memory_space<vmem>>
      %dma_start3A_56 = tpu.memref_squeeze %dma_start3A_55 : memref<1x128xi32, #tpu.memory_space<vmem>> -> memref<128xi32, #tpu.memory_space<vmem>>
      %dma_start3A_57 = arith.constant 0 : i32
      %dma_start3A_58 = arith.constant 0 : i32
      %dma_start3A_59 = tpu.memref_slice %arg2[%dma_start3A_57, %dma_start3A_58] : memref<10000x128xf32, #tpu.memory_space<hbm>> -> memref<10000x128xf32, #tpu.memory_space<hbm>>
      tpu.enqueue_indirect_dma source(%dma_start3A_59 : memref<10000x128xf32, #tpu.memory_space<hbm>>) target(%arg11 : memref<128x128xf32, #tpu.memory_space<vmem>>) offsets(%dma_start3A_56 : memref<128xi32, #tpu.memory_space<vmem>>) semaphore(%arg14 : memref<!tpu.dma_semaphore, #tpu.memory_space<semaphore_mem>>)
      %dma_wait3A_60 = arith.constant 0 : i32
      %dma_wait3A_61 = arith.constant 0 : i32
      %dma_wait3A_62 = tpu.memref_slice %arg7[%dma_wait3A_60, %dma_wait3A_61] : memref<8x128xi32, #tpu.memory_space<vmem>> -> memref<1x128xi32, #tpu.memory_space<vmem>>
      %dma_wait3A_63 = tpu.memref_squeeze %dma_wait3A_62 : memref<1x128xi32, #tpu.memory_space<vmem>> -> memref<128xi32, #tpu.memory_space<vmem>>
      %dma_wait3A_64 = arith.constant 0 : i32
      %dma_wait3A_65 = arith.constant 0 : i32
      %dma_wait3A_66 = tpu.memref_slice %arg2[%dma_wait3A_64, %dma_wait3A_65] : memref<10000x128xf32, #tpu.memory_space<hbm>> -> memref<10000x128xf32, #tpu.memory_space<hbm>>
      tpu.wait_indirect_dma semaphore(%arg14 : memref<!tpu.dma_semaphore, #tpu.memory_space<semaphore_mem>>) src(%dma_wait3A_66 : memref<10000x128xf32, #tpu.memory_space<hbm>>) dst(%arg11 : memref<128x128xf32, #tpu.memory_space<vmem>>)
      %dma_start3A_67 = arith.constant 0 : i32
      %dma_start3A_68 = arith.constant 0 : i32
      %dma_start3A_69 = tpu.memref_slice %arg8[%dma_start3A_67, %dma_start3A_68] : memref<8x128xi32, #tpu.memory_space<vmem>> -> memref<1x128xi32, #tpu.memory_space<vmem>>
      %dma_start3A_70 = tpu.memref_squeeze %dma_start3A_69 : memref<1x128xi32, #tpu.memory_space<vmem>> -> memref<128xi32, #tpu.memory_space<vmem>>
      %dma_start3A_71 = arith.constant 0 : i32
      %dma_start3A_72 = arith.constant 0 : i32
      %dma_start3A_73 = tpu.memref_slice %arg13[%dma_start3A_71, %dma_start3A_72] : memref<10240x128xf32, #tpu.memory_space<vmem_shared>> -> memref<10240x128xf32, #tpu.memory_space<vmem_shared>>
      tpu.enqueue_indirect_dma source(%arg11 : memref<128x128xf32, #tpu.memory_space<vmem>>) target(%dma_start3A_73 : memref<10240x128xf32, #tpu.memory_space<vmem_shared>>) offsets(%dma_start3A_70 : memref<128xi32, #tpu.memory_space<vmem>>) semaphore(%arg15 : memref<!tpu.dma_semaphore, #tpu.memory_space<semaphore_mem>>) {add = true}
      %dma_start3A_74 = arith.constant 1 : i32
      %dma_start3A_75 = arith.constant 0 : i32
      %dma_start3A_76 = tpu.memref_slice %arg7[%dma_start3A_74, %dma_start3A_75] : memref<8x128xi32, #tpu.memory_space<vmem>> -> memref<1x128xi32, #tpu.memory_space<vmem>>
      %dma_start3A_77 = tpu.memref_squeeze %dma_start3A_76 : memref<1x128xi32, #tpu.memory_space<vmem>> -> memref<128xi32, #tpu.memory_space<vmem>>
      %dma_start3A_78 = arith.constant 0 : i32
      %dma_start3A_79 = arith.constant 0 : i32
      %dma_start3A_80 = tpu.memref_slice %arg2[%dma_start3A_78, %dma_start3A_79] : memref<10000x128xf32, #tpu.memory_space<hbm>> -> memref<10000x128xf32, #tpu.memory_space<hbm>>
      tpu.enqueue_indirect_dma source(%dma_start3A_80 : memref<10000x128xf32, #tpu.memory_space<hbm>>) target(%arg12 : memref<128x128xf32, #tpu.memory_space<vmem>>) offsets(%dma_start3A_77 : memref<128xi32, #tpu.memory_space<vmem>>) semaphore(%arg14 : memref<!tpu.dma_semaphore, #tpu.memory_space<semaphore_mem>>)
      %dma_wait3A_81 = arith.constant 1 : i32
      %dma_wait3A_82 = arith.constant 0 : i32
      %dma_wait3A_83 = tpu.memref_slice %arg7[%dma_wait3A_81, %dma_wait3A_82] : memref<8x128xi32, #tpu.memory_space<vmem>> -> memref<1x128xi32, #tpu.memory_space<vmem>>
      %dma_wait3A_84 = tpu.memref_squeeze %dma_wait3A_83 : memref<1x128xi32, #tpu.memory_space<vmem>> -> memref<128xi32, #tpu.memory_space<vmem>>
      %dma_wait3A_85 = arith.constant 0 : i32
      %dma_wait3A_86 = arith.constant 0 : i32
      %dma_wait3A_87 = tpu.memref_slice %arg2[%dma_wait3A_85, %dma_wait3A_86] : memref<10000x128xf32, #tpu.memory_space<hbm>> -> memref<10000x128xf32, #tpu.memory_space<hbm>>
      tpu.wait_indirect_dma semaphore(%arg14 : memref<!tpu.dma_semaphore, #tpu.memory_space<semaphore_mem>>) src(%dma_wait3A_87 : memref<10000x128xf32, #tpu.memory_space<hbm>>) dst(%arg12 : memref<128x128xf32, #tpu.memory_space<vmem>>)
      %dma_start3A_88 = arith.constant 1 : i32
      %dma_start3A_89 = arith.constant 0 : i32
      %dma_start3A_90 = tpu.memref_slice %arg8[%dma_start3A_88, %dma_start3A_89] : memref<8x128xi32, #tpu.memory_space<vmem>> -> memref<1x128xi32, #tpu.memory_space<vmem>>
      %dma_start3A_91 = tpu.memref_squeeze %dma_start3A_90 : memref<1x128xi32, #tpu.memory_space<vmem>> -> memref<128xi32, #tpu.memory_space<vmem>>
      %dma_start3A_92 = arith.constant 0 : i32
      %dma_start3A_93 = arith.constant 0 : i32
      %dma_start3A_94 = tpu.memref_slice %arg13[%dma_start3A_92, %dma_start3A_93] : memref<10240x128xf32, #tpu.memory_space<vmem_shared>> -> memref<10240x128xf32, #tpu.memory_space<vmem_shared>>
      tpu.enqueue_indirect_dma source(%arg12 : memref<128x128xf32, #tpu.memory_space<vmem>>) target(%dma_start3A_94 : memref<10240x128xf32, #tpu.memory_space<vmem_shared>>) offsets(%dma_start3A_91 : memref<128xi32, #tpu.memory_space<vmem>>) semaphore(%arg16 : memref<!tpu.dma_semaphore, #tpu.memory_space<semaphore_mem>>) {add = true}
      %dma_wait3A_95 = arith.constant 0 : i32
      %dma_wait3A_96 = arith.constant 0 : i32
      %dma_wait3A_97 = tpu.memref_slice %arg8[%dma_wait3A_95, %dma_wait3A_96] : memref<8x128xi32, #tpu.memory_space<vmem>> -> memref<1x128xi32, #tpu.memory_space<vmem>>
      %dma_wait3A_98 = tpu.memref_squeeze %dma_wait3A_97 : memref<1x128xi32, #tpu.memory_space<vmem>> -> memref<128xi32, #tpu.memory_space<vmem>>
      %dma_wait3A_99 = arith.constant 0 : i32
      %dma_wait3A_100 = arith.constant 0 : i32
      %dma_wait3A_101 = tpu.memref_slice %arg13[%dma_wait3A_99, %dma_wait3A_100] : memref<10240x128xf32, #tpu.memory_space<vmem_shared>> -> memref<10240x128xf32, #tpu.memory_space<vmem_shared>>
      tpu.wait_indirect_dma semaphore(%arg15 : memref<!tpu.dma_semaphore, #tpu.memory_space<semaphore_mem>>) src(%arg11 : memref<128x128xf32, #tpu.memory_space<vmem>>) dst(%dma_wait3A_101 : memref<10240x128xf32, #tpu.memory_space<vmem_shared>>)
      %dma_start3A_102 = arith.constant 2 : i32
      %dma_start3A_103 = arith.constant 0 : i32
      %dma_start3A_104 = tpu.memref_slice %arg7[%dma_start3A_102, %dma_start3A_103] : memref<8x128xi32, #tpu.memory_space<vmem>> -> memref<1x128xi32, #tpu.memory_space<vmem>>
      %dma_start3A_105 = tpu.memref_squeeze %dma_start3A_104 : memref<1x128xi32, #tpu.memory_space<vmem>> -> memref<128xi32, #tpu.memory_space<vmem>>
      %dma_start3A_106 = arith.constant 0 : i32
      %dma_start3A_107 = arith.constant 0 : i32
      %dma_start3A_108 = tpu.memref_slice %arg2[%dma_start3A_106, %dma_start3A_107] : memref<10000x128xf32, #tpu.memory_space<hbm>> -> memref<10000x128xf32, #tpu.memory_space<hbm>>
      tpu.enqueue_indirect_dma source(%dma_start3A_108 : memref<10000x128xf32, #tpu.memory_space<hbm>>) target(%arg11 : memref<128x128xf32, #tpu.memory_space<vmem>>) offsets(%dma_start3A_105 : memref<128xi32, #tpu.memory_space<vmem>>) semaphore(%arg14 : memref<!tpu.dma_semaphore, #tpu.memory_space<semaphore_mem>>)
      %dma_wait3A_109 = arith.constant 2 : i32
      %dma_wait3A_110 = arith.constant 0 : i32
      %dma_wait3A_111 = tpu.memref_slice %arg7[%dma_wait3A_109, %dma_wait3A_110] : memref<8x128xi32, #tpu.memory_space<vmem>> -> memref<1x128xi32, #tpu.memory_space<vmem>>
      %dma_wait3A_112 = tpu.memref_squeeze %dma_wait3A_111 : memref<1x128xi32, #tpu.memory_space<vmem>> -> memref<128xi32, #tpu.memory_space<vmem>>
      %dma_wait3A_113 = arith.constant 0 : i32
      %dma_wait3A_114 = arith.constant 0 : i32
      %dma_wait3A_115 = tpu.memref_slice %arg2[%dma_wait3A_113, %dma_wait3A_114] : memref<10000x128xf32, #tpu.memory_space<hbm>> -> memref<10000x128xf32, #tpu.memory_space<hbm>>
      tpu.wait_indirect_dma semaphore(%arg14 : memref<!tpu.dma_semaphore, #tpu.memory_space<semaphore_mem>>) src(%dma_wait3A_115 : memref<10000x128xf32, #tpu.memory_space<hbm>>) dst(%arg11 : memref<128x128xf32, #tpu.memory_space<vmem>>)
      %dma_start3A_116 = arith.constant 2 : i32
      %dma_start3A_117 = arith.constant 0 : i32
      %dma_start3A_118 = tpu.memref_slice %arg8[%dma_start3A_116, %dma_start3A_117] : memref<8x128xi32, #tpu.memory_space<vmem>> -> memref<1x128xi32, #tpu.memory_space<vmem>>
      %dma_start3A_119 = tpu.memref_squeeze %dma_start3A_118 : memref<1x128xi32, #tpu.memory_space<vmem>> -> memref<128xi32, #tpu.memory_space<vmem>>
      %dma_start3A_120 = arith.constant 0 : i32
      %dma_start3A_121 = arith.constant 0 : i32
      %dma_start3A_122 = tpu.memref_slice %arg13[%dma_start3A_120, %dma_start3A_121] : memref<10240x128xf32, #tpu.memory_space<vmem_shared>> -> memref<10240x128xf32, #tpu.memory_space<vmem_shared>>
      tpu.enqueue_indirect_dma source(%arg11 : memref<128x128xf32, #tpu.memory_space<vmem>>) target(%dma_start3A_122 : memref<10240x128xf32, #tpu.memory_space<vmem_shared>>) offsets(%dma_start3A_119 : memref<128xi32, #tpu.memory_space<vmem>>) semaphore(%arg15 : memref<!tpu.dma_semaphore, #tpu.memory_space<semaphore_mem>>) {add = true}
      %dma_wait3A_123 = arith.constant 1 : i32
      %dma_wait3A_124 = arith.constant 0 : i32
      %dma_wait3A_125 = tpu.memref_slice %arg8[%dma_wait3A_123, %dma_wait3A_124] : memref<8x128xi32, #tpu.memory_space<vmem>> -> memref<1x128xi32, #tpu.memory_space<vmem>>
      %dma_wait3A_126 = tpu.memref_squeeze %dma_wait3A_125 : memref<1x128xi32, #tpu.memory_space<vmem>> -> memref<128xi32, #tpu.memory_space<vmem>>
      %dma_wait3A_127 = arith.constant 0 : i32
      %dma_wait3A_128 = arith.constant 0 : i32
      %dma_wait3A_129 = tpu.memref_slice %arg13[%dma_wait3A_127, %dma_wait3A_128] : memref<10240x128xf32, #tpu.memory_space<vmem_shared>> -> memref<10240x128xf32, #tpu.memory_space<vmem_shared>>
      tpu.wait_indirect_dma semaphore(%arg16 : memref<!tpu.dma_semaphore, #tpu.memory_space<semaphore_mem>>) src(%arg12 : memref<128x128xf32, #tpu.memory_space<vmem>>) dst(%dma_wait3A_129 : memref<10240x128xf32, #tpu.memory_space<vmem_shared>>)
      %dma_start3A_130 = arith.constant 3 : i32
      %dma_start3A_131 = arith.constant 0 : i32
      %dma_start3A_132 = tpu.memref_slice %arg7[%dma_start3A_130, %dma_start3A_131] : memref<8x128xi32, #tpu.memory_space<vmem>> -> memref<1x128xi32, #tpu.memory_space<vmem>>
      %dma_start3A_133 = tpu.memref_squeeze %dma_start3A_132 : memref<1x128xi32, #tpu.memory_space<vmem>> -> memref<128xi32, #tpu.memory_space<vmem>>
      %dma_start3A_134 = arith.constant 0 : i32
      %dma_start3A_135 = arith.constant 0 : i32
      %dma_start3A_136 = tpu.memref_slice %arg2[%dma_start3A_134, %dma_start3A_135] : memref<10000x128xf32, #tpu.memory_space<hbm>> -> memref<10000x128xf32, #tpu.memory_space<hbm>>
      tpu.enqueue_indirect_dma source(%dma_start3A_136 : memref<10000x128xf32, #tpu.memory_space<hbm>>) target(%arg12 : memref<128x128xf32, #tpu.memory_space<vmem>>) offsets(%dma_start3A_133 : memref<128xi32, #tpu.memory_space<vmem>>) semaphore(%arg14 : memref<!tpu.dma_semaphore, #tpu.memory_space<semaphore_mem>>)
      %dma_wait3A_137 = arith.constant 3 : i32
      %dma_wait3A_138 = arith.constant 0 : i32
      %dma_wait3A_139 = tpu.memref_slice %arg7[%dma_wait3A_137, %dma_wait3A_138] : memref<8x128xi32, #tpu.memory_space<vmem>> -> memref<1x128xi32, #tpu.memory_space<vmem>>
      %dma_wait3A_140 = tpu.memref_squeeze %dma_wait3A_139 : memref<1x128xi32, #tpu.memory_space<vmem>> -> memref<128xi32, #tpu.memory_space<vmem>>
      %dma_wait3A_141 = arith.constant 0 : i32
      %dma_wait3A_142 = arith.constant 0 : i32
      %dma_wait3A_143 = tpu.memref_slice %arg2[%dma_wait3A_141, %dma_wait3A_142] : memref<10000x128xf32, #tpu.memory_space<hbm>> -> memref<10000x128xf32, #tpu.memory_space<hbm>>
      tpu.wait_indirect_dma semaphore(%arg14 : memref<!tpu.dma_semaphore, #tpu.memory_space<semaphore_mem>>) src(%dma_wait3A_143 : memref<10000x128xf32, #tpu.memory_space<hbm>>) dst(%arg12 : memref<128x128xf32, #tpu.memory_space<vmem>>)
      %dma_start3A_144 = arith.constant 3 : i32
      %dma_start3A_145 = arith.constant 0 : i32
      %dma_start3A_146 = tpu.memref_slice %arg8[%dma_start3A_144, %dma_start3A_145] : memref<8x128xi32, #tpu.memory_space<vmem>> -> memref<1x128xi32, #tpu.memory_space<vmem>>
      %dma_start3A_147 = tpu.memref_squeeze %dma_start3A_146 : memref<1x128xi32, #tpu.memory_space<vmem>> -> memref<128xi32, #tpu.memory_space<vmem>>
      %dma_start3A_148 = arith.constant 0 : i32
      %dma_start3A_149 = arith.constant 0 : i32
      %dma_start3A_150 = tpu.memref_slice %arg13[%dma_start3A_148, %dma_start3A_149] : memref<10240x128xf32, #tpu.memory_space<vmem_shared>> -> memref<10240x128xf32, #tpu.memory_space<vmem_shared>>
      tpu.enqueue_indirect_dma source(%arg12 : memref<128x128xf32, #tpu.memory_space<vmem>>) target(%dma_start3A_150 : memref<10240x128xf32, #tpu.memory_space<vmem_shared>>) offsets(%dma_start3A_147 : memref<128xi32, #tpu.memory_space<vmem>>) semaphore(%arg16 : memref<!tpu.dma_semaphore, #tpu.memory_space<semaphore_mem>>) {add = true}
      %dma_wait3A_151 = arith.constant 2 : i32
      %dma_wait3A_152 = arith.constant 0 : i32
      %dma_wait3A_153 = tpu.memref_slice %arg8[%dma_wait3A_151, %dma_wait3A_152] : memref<8x128xi32, #tpu.memory_space<vmem>> -> memref<1x128xi32, #tpu.memory_space<vmem>>
      %dma_wait3A_154 = tpu.memref_squeeze %dma_wait3A_153 : memref<1x128xi32, #tpu.memory_space<vmem>> -> memref<128xi32, #tpu.memory_space<vmem>>
      %dma_wait3A_155 = arith.constant 0 : i32
      %dma_wait3A_156 = arith.constant 0 : i32
      %dma_wait3A_157 = tpu.memref_slice %arg13[%dma_wait3A_155, %dma_wait3A_156] : memref<10240x128xf32, #tpu.memory_space<vmem_shared>> -> memref<10240x128xf32, #tpu.memory_space<vmem_shared>>
      tpu.wait_indirect_dma semaphore(%arg15 : memref<!tpu.dma_semaphore, #tpu.memory_space<semaphore_mem>>) src(%arg11 : memref<128x128xf32, #tpu.memory_space<vmem>>) dst(%dma_wait3A_157 : memref<10240x128xf32, #tpu.memory_space<vmem_shared>>)
      %dma_start3A_158 = arith.constant 4 : i32
      %dma_start3A_159 = arith.constant 0 : i32
      %dma_start3A_160 = tpu.memref_slice %arg7[%dma_start3A_158, %dma_start3A_159] : memref<8x128xi32, #tpu.memory_space<vmem>> -> memref<1x128xi32, #tpu.memory_space<vmem>>
      %dma_start3A_161 = tpu.memref_squeeze %dma_start3A_160 : memref<1x128xi32, #tpu.memory_space<vmem>> -> memref<128xi32, #tpu.memory_space<vmem>>
      %dma_start3A_162 = arith.constant 0 : i32
      %dma_start3A_163 = arith.constant 0 : i32
      %dma_start3A_164 = tpu.memref_slice %arg2[%dma_start3A_162, %dma_start3A_163] : memref<10000x128xf32, #tpu.memory_space<hbm>> -> memref<10000x128xf32, #tpu.memory_space<hbm>>
      tpu.enqueue_indirect_dma source(%dma_start3A_164 : memref<10000x128xf32, #tpu.memory_space<hbm>>) target(%arg11 : memref<128x128xf32, #tpu.memory_space<vmem>>) offsets(%dma_start3A_161 : memref<128xi32, #tpu.memory_space<vmem>>) semaphore(%arg14 : memref<!tpu.dma_semaphore, #tpu.memory_space<semaphore_mem>>)
      %dma_wait3A_165 = arith.constant 4 : i32
      %dma_wait3A_166 = arith.constant 0 : i32
      %dma_wait3A_167 = tpu.memref_slice %arg7[%dma_wait3A_165, %dma_wait3A_166] : memref<8x128xi32, #tpu.memory_space<vmem>> -> memref<1x128xi32, #tpu.memory_space<vmem>>
      %dma_wait3A_168 = tpu.memref_squeeze %dma_wait3A_167 : memref<1x128xi32, #tpu.memory_space<vmem>> -> memref<128xi32, #tpu.memory_space<vmem>>
      %dma_wait3A_169 = arith.constant 0 : i32
      %dma_wait3A_170 = arith.constant 0 : i32
      %dma_wait3A_171 = tpu.memref_slice %arg2[%dma_wait3A_169, %dma_wait3A_170] : memref<10000x128xf32, #tpu.memory_space<hbm>> -> memref<10000x128xf32, #tpu.memory_space<hbm>>
      tpu.wait_indirect_dma semaphore(%arg14 : memref<!tpu.dma_semaphore, #tpu.memory_space<semaphore_mem>>) src(%dma_wait3A_171 : memref<10000x128xf32, #tpu.memory_space<hbm>>) dst(%arg11 : memref<128x128xf32, #tpu.memory_space<vmem>>)
      %dma_start3A_172 = arith.constant 4 : i32
      %dma_start3A_173 = arith.constant 0 : i32
      %dma_start3A_174 = tpu.memref_slice %arg8[%dma_start3A_172, %dma_start3A_173] : memref<8x128xi32, #tpu.memory_space<vmem>> -> memref<1x128xi32, #tpu.memory_space<vmem>>
      %dma_start3A_175 = tpu.memref_squeeze %dma_start3A_174 : memref<1x128xi32, #tpu.memory_space<vmem>> -> memref<128xi32, #tpu.memory_space<vmem>>
      %dma_start3A_176 = arith.constant 0 : i32
      %dma_start3A_177 = arith.constant 0 : i32
      %dma_start3A_178 = tpu.memref_slice %arg13[%dma_start3A_176, %dma_start3A_177] : memref<10240x128xf32, #tpu.memory_space<vmem_shared>> -> memref<10240x128xf32, #tpu.memory_space<vmem_shared>>
      tpu.enqueue_indirect_dma source(%arg11 : memref<128x128xf32, #tpu.memory_space<vmem>>) target(%dma_start3A_178 : memref<10240x128xf32, #tpu.memory_space<vmem_shared>>) offsets(%dma_start3A_175 : memref<128xi32, #tpu.memory_space<vmem>>) semaphore(%arg15 : memref<!tpu.dma_semaphore, #tpu.memory_space<semaphore_mem>>) {add = true}
      %dma_wait3A_179 = arith.constant 3 : i32
      %dma_wait3A_180 = arith.constant 0 : i32
      %dma_wait3A_181 = tpu.memref_slice %arg8[%dma_wait3A_179, %dma_wait3A_180] : memref<8x128xi32, #tpu.memory_space<vmem>> -> memref<1x128xi32, #tpu.memory_space<vmem>>
      %dma_wait3A_182 = tpu.memref_squeeze %dma_wait3A_181 : memref<1x128xi32, #tpu.memory_space<vmem>> -> memref<128xi32, #tpu.memory_space<vmem>>
      %dma_wait3A_183 = arith.constant 0 : i32
      %dma_wait3A_184 = arith.constant 0 : i32
      %dma_wait3A_185 = tpu.memref_slice %arg13[%dma_wait3A_183, %dma_wait3A_184] : memref<10240x128xf32, #tpu.memory_space<vmem_shared>> -> memref<10240x128xf32, #tpu.memory_space<vmem_shared>>
      tpu.wait_indirect_dma semaphore(%arg16 : memref<!tpu.dma_semaphore, #tpu.memory_space<semaphore_mem>>) src(%arg12 : memref<128x128xf32, #tpu.memory_space<vmem>>) dst(%dma_wait3A_185 : memref<10240x128xf32, #tpu.memory_space<vmem_shared>>)
      %dma_start3A_186 = arith.constant 5 : i32
      %dma_start3A_187 = arith.constant 0 : i32
      %dma_start3A_188 = tpu.memref_slice %arg7[%dma_start3A_186, %dma_start3A_187] : memref<8x128xi32, #tpu.memory_space<vmem>> -> memref<1x128xi32, #tpu.memory_space<vmem>>
      %dma_start3A_189 = tpu.memref_squeeze %dma_start3A_188 : memref<1x128xi32, #tpu.memory_space<vmem>> -> memref<128xi32, #tpu.memory_space<vmem>>
      %dma_start3A_190 = arith.constant 0 : i32
      %dma_start3A_191 = arith.constant 0 : i32
      %dma_start3A_192 = tpu.memref_slice %arg2[%dma_start3A_190, %dma_start3A_191] : memref<10000x128xf32, #tpu.memory_space<hbm>> -> memref<10000x128xf32, #tpu.memory_space<hbm>>
      tpu.enqueue_indirect_dma source(%dma_start3A_192 : memref<10000x128xf32, #tpu.memory_space<hbm>>) target(%arg12 : memref<128x128xf32, #tpu.memory_space<vmem>>) offsets(%dma_start3A_189 : memref<128xi32, #tpu.memory_space<vmem>>) semaphore(%arg14 : memref<!tpu.dma_semaphore, #tpu.memory_space<semaphore_mem>>)
      %dma_wait3A_193 = arith.constant 5 : i32
      %dma_wait3A_194 = arith.constant 0 : i32
      %dma_wait3A_195 = tpu.memref_slice %arg7[%dma_wait3A_193, %dma_wait3A_194] : memref<8x128xi32, #tpu.memory_space<vmem>> -> memref<1x128xi32, #tpu.memory_space<vmem>>
      %dma_wait3A_196 = tpu.memref_squeeze %dma_wait3A_195 : memref<1x128xi32, #tpu.memory_space<vmem>> -> memref<128xi32, #tpu.memory_space<vmem>>
      %dma_wait3A_197 = arith.constant 0 : i32
      %dma_wait3A_198 = arith.constant 0 : i32
      %dma_wait3A_199 = tpu.memref_slice %arg2[%dma_wait3A_197, %dma_wait3A_198] : memref<10000x128xf32, #tpu.memory_space<hbm>> -> memref<10000x128xf32, #tpu.memory_space<hbm>>
      tpu.wait_indirect_dma semaphore(%arg14 : memref<!tpu.dma_semaphore, #tpu.memory_space<semaphore_mem>>) src(%dma_wait3A_199 : memref<10000x128xf32, #tpu.memory_space<hbm>>) dst(%arg12 : memref<128x128xf32, #tpu.memory_space<vmem>>)
      %dma_start3A_200 = arith.constant 5 : i32
      %dma_start3A_201 = arith.constant 0 : i32
      %dma_start3A_202 = tpu.memref_slice %arg8[%dma_start3A_200, %dma_start3A_201] : memref<8x128xi32, #tpu.memory_space<vmem>> -> memref<1x128xi32, #tpu.memory_space<vmem>>
      %dma_start3A_203 = tpu.memref_squeeze %dma_start3A_202 : memref<1x128xi32, #tpu.memory_space<vmem>> -> memref<128xi32, #tpu.memory_space<vmem>>
      %dma_start3A_204 = arith.constant 0 : i32
      %dma_start3A_205 = arith.constant 0 : i32
      %dma_start3A_206 = tpu.memref_slice %arg13[%dma_start3A_204, %dma_start3A_205] : memref<10240x128xf32, #tpu.memory_space<vmem_shared>> -> memref<10240x128xf32, #tpu.memory_space<vmem_shared>>
      tpu.enqueue_indirect_dma source(%arg12 : memref<128x128xf32, #tpu.memory_space<vmem>>) target(%dma_start3A_206 : memref<10240x128xf32, #tpu.memory_space<vmem_shared>>) offsets(%dma_start3A_203 : memref<128xi32, #tpu.memory_space<vmem>>) semaphore(%arg16 : memref<!tpu.dma_semaphore, #tpu.memory_space<semaphore_mem>>) {add = true}
      %dma_wait3A_207 = arith.constant 4 : i32
      %dma_wait3A_208 = arith.constant 0 : i32
      %dma_wait3A_209 = tpu.memref_slice %arg8[%dma_wait3A_207, %dma_wait3A_208] : memref<8x128xi32, #tpu.memory_space<vmem>> -> memref<1x128xi32, #tpu.memory_space<vmem>>
      %dma_wait3A_210 = tpu.memref_squeeze %dma_wait3A_209 : memref<1x128xi32, #tpu.memory_space<vmem>> -> memref<128xi32, #tpu.memory_space<vmem>>
      %dma_wait3A_211 = arith.constant 0 : i32
      %dma_wait3A_212 = arith.constant 0 : i32
      %dma_wait3A_213 = tpu.memref_slice %arg13[%dma_wait3A_211, %dma_wait3A_212] : memref<10240x128xf32, #tpu.memory_space<vmem_shared>> -> memref<10240x128xf32, #tpu.memory_space<vmem_shared>>
      tpu.wait_indirect_dma semaphore(%arg15 : memref<!tpu.dma_semaphore, #tpu.memory_space<semaphore_mem>>) src(%arg11 : memref<128x128xf32, #tpu.memory_space<vmem>>) dst(%dma_wait3A_213 : memref<10240x128xf32, #tpu.memory_space<vmem_shared>>)
      %dma_start3A_214 = arith.constant 6 : i32
      %dma_start3A_215 = arith.constant 0 : i32
      %dma_start3A_216 = tpu.memref_slice %arg7[%dma_start3A_214, %dma_start3A_215] : memref<8x128xi32, #tpu.memory_space<vmem>> -> memref<1x128xi32, #tpu.memory_space<vmem>>
      %dma_start3A_217 = tpu.memref_squeeze %dma_start3A_216 : memref<1x128xi32, #tpu.memory_space<vmem>> -> memref<128xi32, #tpu.memory_space<vmem>>
      %dma_start3A_218 = arith.constant 0 : i32
      %dma_start3A_219 = arith.constant 0 : i32
      %dma_start3A_220 = tpu.memref_slice %arg2[%dma_start3A_218, %dma_start3A_219] : memref<10000x128xf32, #tpu.memory_space<hbm>> -> memref<10000x128xf32, #tpu.memory_space<hbm>>
      tpu.enqueue_indirect_dma source(%dma_start3A_220 : memref<10000x128xf32, #tpu.memory_space<hbm>>) target(%arg11 : memref<128x128xf32, #tpu.memory_space<vmem>>) offsets(%dma_start3A_217 : memref<128xi32, #tpu.memory_space<vmem>>) semaphore(%arg14 : memref<!tpu.dma_semaphore, #tpu.memory_space<semaphore_mem>>)
      %dma_wait3A_221 = arith.constant 6 : i32
      %dma_wait3A_222 = arith.constant 0 : i32
      %dma_wait3A_223 = tpu.memref_slice %arg7[%dma_wait3A_221, %dma_wait3A_222] : memref<8x128xi32, #tpu.memory_space<vmem>> -> memref<1x128xi32, #tpu.memory_space<vmem>>
      %dma_wait3A_224 = tpu.memref_squeeze %dma_wait3A_223 : memref<1x128xi32, #tpu.memory_space<vmem>> -> memref<128xi32, #tpu.memory_space<vmem>>
      %dma_wait3A_225 = arith.constant 0 : i32
      %dma_wait3A_226 = arith.constant 0 : i32
      %dma_wait3A_227 = tpu.memref_slice %arg2[%dma_wait3A_225, %dma_wait3A_226] : memref<10000x128xf32, #tpu.memory_space<hbm>> -> memref<10000x128xf32, #tpu.memory_space<hbm>>
      tpu.wait_indirect_dma semaphore(%arg14 : memref<!tpu.dma_semaphore, #tpu.memory_space<semaphore_mem>>) src(%dma_wait3A_227 : memref<10000x128xf32, #tpu.memory_space<hbm>>) dst(%arg11 : memref<128x128xf32, #tpu.memory_space<vmem>>)
      %dma_start3A_228 = arith.constant 6 : i32
      %dma_start3A_229 = arith.constant 0 : i32
      %dma_start3A_230 = tpu.memref_slice %arg8[%dma_start3A_228, %dma_start3A_229] : memref<8x128xi32, #tpu.memory_space<vmem>> -> memref<1x128xi32, #tpu.memory_space<vmem>>
      %dma_start3A_231 = tpu.memref_squeeze %dma_start3A_230 : memref<1x128xi32, #tpu.memory_space<vmem>> -> memref<128xi32, #tpu.memory_space<vmem>>
      %dma_start3A_232 = arith.constant 0 : i32
      %dma_start3A_233 = arith.constant 0 : i32
      %dma_start3A_234 = tpu.memref_slice %arg13[%dma_start3A_232, %dma_start3A_233] : memref<10240x128xf32, #tpu.memory_space<vmem_shared>> -> memref<10240x128xf32, #tpu.memory_space<vmem_shared>>
      tpu.enqueue_indirect_dma source(%arg11 : memref<128x128xf32, #tpu.memory_space<vmem>>) target(%dma_start3A_234 : memref<10240x128xf32, #tpu.memory_space<vmem_shared>>) offsets(%dma_start3A_231 : memref<128xi32, #tpu.memory_space<vmem>>) semaphore(%arg15 : memref<!tpu.dma_semaphore, #tpu.memory_space<semaphore_mem>>) {add = true}
      %dma_wait3A_235 = arith.constant 5 : i32
      %dma_wait3A_236 = arith.constant 0 : i32
      %dma_wait3A_237 = tpu.memref_slice %arg8[%dma_wait3A_235, %dma_wait3A_236] : memref<8x128xi32, #tpu.memory_space<vmem>> -> memref<1x128xi32, #tpu.memory_space<vmem>>
      %dma_wait3A_238 = tpu.memref_squeeze %dma_wait3A_237 : memref<1x128xi32, #tpu.memory_space<vmem>> -> memref<128xi32, #tpu.memory_space<vmem>>
      %dma_wait3A_239 = arith.constant 0 : i32
      %dma_wait3A_240 = arith.constant 0 : i32
      %dma_wait3A_241 = tpu.memref_slice %arg13[%dma_wait3A_239, %dma_wait3A_240] : memref<10240x128xf32, #tpu.memory_space<vmem_shared>> -> memref<10240x128xf32, #tpu.memory_space<vmem_shared>>
      tpu.wait_indirect_dma semaphore(%arg16 : memref<!tpu.dma_semaphore, #tpu.memory_space<semaphore_mem>>) src(%arg12 : memref<128x128xf32, #tpu.memory_space<vmem>>) dst(%dma_wait3A_241 : memref<10240x128xf32, #tpu.memory_space<vmem_shared>>)
      %dma_start3A_242 = arith.constant 7 : i32
      %dma_start3A_243 = arith.constant 0 : i32
      %dma_start3A_244 = tpu.memref_slice %arg7[%dma_start3A_242, %dma_start3A_243] : memref<8x128xi32, #tpu.memory_space<vmem>> -> memref<1x128xi32, #tpu.memory_space<vmem>>
      %dma_start3A_245 = tpu.memref_squeeze %dma_start3A_244 : memref<1x128xi32, #tpu.memory_space<vmem>> -> memref<128xi32, #tpu.memory_space<vmem>>
      %dma_start3A_246 = arith.constant 0 : i32
      %dma_start3A_247 = arith.constant 0 : i32
      %dma_start3A_248 = tpu.memref_slice %arg2[%dma_start3A_246, %dma_start3A_247] : memref<10000x128xf32, #tpu.memory_space<hbm>> -> memref<10000x128xf32, #tpu.memory_space<hbm>>
      tpu.enqueue_indirect_dma source(%dma_start3A_248 : memref<10000x128xf32, #tpu.memory_space<hbm>>) target(%arg12 : memref<128x128xf32, #tpu.memory_space<vmem>>) offsets(%dma_start3A_245 : memref<128xi32, #tpu.memory_space<vmem>>) semaphore(%arg14 : memref<!tpu.dma_semaphore, #tpu.memory_space<semaphore_mem>>)
      %dma_wait3A_249 = arith.constant 7 : i32
      %dma_wait3A_250 = arith.constant 0 : i32
      %dma_wait3A_251 = tpu.memref_slice %arg7[%dma_wait3A_249, %dma_wait3A_250] : memref<8x128xi32, #tpu.memory_space<vmem>> -> memref<1x128xi32, #tpu.memory_space<vmem>>
      %dma_wait3A_252 = tpu.memref_squeeze %dma_wait3A_251 : memref<1x128xi32, #tpu.memory_space<vmem>> -> memref<128xi32, #tpu.memory_space<vmem>>
      %dma_wait3A_253 = arith.constant 0 : i32
      %dma_wait3A_254 = arith.constant 0 : i32
      %dma_wait3A_255 = tpu.memref_slice %arg2[%dma_wait3A_253, %dma_wait3A_254] : memref<10000x128xf32, #tpu.memory_space<hbm>> -> memref<10000x128xf32, #tpu.memory_space<hbm>>
      tpu.wait_indirect_dma semaphore(%arg14 : memref<!tpu.dma_semaphore, #tpu.memory_space<semaphore_mem>>) src(%dma_wait3A_255 : memref<10000x128xf32, #tpu.memory_space<hbm>>) dst(%arg12 : memref<128x128xf32, #tpu.memory_space<vmem>>)
      %dma_start3A_256 = arith.constant 7 : i32
      %dma_start3A_257 = arith.constant 0 : i32
      %dma_start3A_258 = tpu.memref_slice %arg8[%dma_start3A_256, %dma_start3A_257] : memref<8x128xi32, #tpu.memory_space<vmem>> -> memref<1x128xi32, #tpu.memory_space<vmem>>
      %dma_start3A_259 = tpu.memref_squeeze %dma_start3A_258 : memref<1x128xi32, #tpu.memory_space<vmem>> -> memref<128xi32, #tpu.memory_space<vmem>>
      %dma_start3A_260 = arith.constant 0 : i32
      %dma_start3A_261 = arith.constant 0 : i32
      %dma_start3A_262 = tpu.memref_slice %arg13[%dma_start3A_260, %dma_start3A_261] : memref<10240x128xf32, #tpu.memory_space<vmem_shared>> -> memref<10240x128xf32, #tpu.memory_space<vmem_shared>>
      tpu.enqueue_indirect_dma source(%arg12 : memref<128x128xf32, #tpu.memory_space<vmem>>) target(%dma_start3A_262 : memref<10240x128xf32, #tpu.memory_space<vmem_shared>>) offsets(%dma_start3A_259 : memref<128xi32, #tpu.memory_space<vmem>>) semaphore(%arg16 : memref<!tpu.dma_semaphore, #tpu.memory_space<semaphore_mem>>) {add = true}
      %dma_wait3A_263 = arith.constant 0 : i32
      %dma_wait3A_264 = tpu.memref_slice %arg3[%add3A_41, %dma_wait3A_263] : memref<2560x128xi32, #tpu.memory_space<hbm>> -> memref<8x128xi32, #tpu.memory_space<hbm>>
      %dma_wait3A_265 = arith.constant 0 : i32
      %dma_wait3A_266 = tpu.memref_slice %arg3[%add3A_41, %dma_wait3A_265] : memref<2560x128xi32, #tpu.memory_space<hbm>> -> memref<8x128xi32, #tpu.memory_space<hbm>>
      tpu.wait_dma2 semaphore(%arg17 : memref<!tpu.dma_semaphore, #tpu.memory_space<semaphore_mem>>) src(%dma_wait3A_266 : memref<8x128xi32, #tpu.memory_space<hbm>>) dst(%arg9 : memref<8x128xi32, #tpu.memory_space<vmem>>)
      %dma_wait3A_267 = arith.constant 0 : i32
      %dma_wait3A_268 = tpu.memref_slice %arg4[%add3A_48, %dma_wait3A_267] : memref<2560x128xi32, #tpu.memory_space<hbm>> -> memref<8x128xi32, #tpu.memory_space<hbm>>
      %dma_wait3A_269 = arith.constant 0 : i32
      %dma_wait3A_270 = tpu.memref_slice %arg4[%add3A_48, %dma_wait3A_269] : memref<2560x128xi32, #tpu.memory_space<hbm>> -> memref<8x128xi32, #tpu.memory_space<hbm>>
      tpu.wait_dma2 semaphore(%arg17 : memref<!tpu.dma_semaphore, #tpu.memory_space<semaphore_mem>>) src(%dma_wait3A_270 : memref<8x128xi32, #tpu.memory_space<hbm>>) dst(%arg10 : memref<8x128xi32, #tpu.memory_space<vmem>>)
      %add3A_271 = arith.addi %mul3A_4, %add3A_38 : i32
      %add3A_272 = arith.constant 16 : i32
      %add3A_273 = arith.addi %add3A_271, %add3A_272 : i32
      %min3A = arith.constant 2552 : i32
      %min3A_274 = arith.minsi %add3A_273, %min3A : i32
      %dma_start3A_275 = arith.constant 0 : i32
      %dma_start3A_276 = tpu.memref_slice %arg3[%min3A_274, %dma_start3A_275] : memref<2560x128xi32, #tpu.memory_space<hbm>> -> memref<8x128xi32, #tpu.memory_space<hbm>>
      %dma_start3A_277 = arith.constant 0 : i32
      %dma_start3A_278 = tpu.memref_slice %arg3[%min3A_274, %dma_start3A_277] : memref<2560x128xi32, #tpu.memory_space<hbm>> -> memref<8x128xi32, #tpu.memory_space<hbm>>
      tpu.enqueue_dma source(%dma_start3A_278 : memref<8x128xi32, #tpu.memory_space<hbm>>) target(%arg7 : memref<8x128xi32, #tpu.memory_space<vmem>>) target_semaphore(%arg17 : memref<!tpu.dma_semaphore, #tpu.memory_space<semaphore_mem>>)
      %dma_start3A_279 = arith.constant 0 : i32
      %dma_start3A_280 = tpu.memref_slice %arg4[%min3A_274, %dma_start3A_279] : memref<2560x128xi32, #tpu.memory_space<hbm>> -> memref<8x128xi32, #tpu.memory_space<hbm>>
      %dma_start3A_281 = arith.constant 0 : i32
      %dma_start3A_282 = tpu.memref_slice %arg4[%min3A_274, %dma_start3A_281] : memref<2560x128xi32, #tpu.memory_space<hbm>> -> memref<8x128xi32, #tpu.memory_space<hbm>>
      tpu.enqueue_dma source(%dma_start3A_282 : memref<8x128xi32, #tpu.memory_space<hbm>>) target(%arg8 : memref<8x128xi32, #tpu.memory_space<vmem>>) target_semaphore(%arg17 : memref<!tpu.dma_semaphore, #tpu.memory_space<semaphore_mem>>)
      %dma_wait3A_283 = arith.constant 6 : i32
      %dma_wait3A_284 = arith.constant 0 : i32
      %dma_wait3A_285 = tpu.memref_slice %arg8[%dma_wait3A_283, %dma_wait3A_284] : memref<8x128xi32, #tpu.memory_space<vmem>> -> memref<1x128xi32, #tpu.memory_space<vmem>>
      %dma_wait3A_286 = tpu.memref_squeeze %dma_wait3A_285 : memref<1x128xi32, #tpu.memory_space<vmem>> -> memref<128xi32, #tpu.memory_space<vmem>>
      %dma_wait3A_287 = arith.constant 0 : i32
      %dma_wait3A_288 = arith.constant 0 : i32
      %dma_wait3A_289 = tpu.memref_slice %arg13[%dma_wait3A_287, %dma_wait3A_288] : memref<10240x128xf32, #tpu.memory_space<vmem_shared>> -> memref<10240x128xf32, #tpu.memory_space<vmem_shared>>
      tpu.wait_indirect_dma semaphore(%arg15 : memref<!tpu.dma_semaphore, #tpu.memory_space<semaphore_mem>>) src(%arg11 : memref<128x128xf32, #tpu.memory_space<vmem>>) dst(%dma_wait3A_289 : memref<10240x128xf32, #tpu.memory_space<vmem_shared>>)
      %dma_start3A_290 = arith.constant 0 : i32
      %dma_start3A_291 = arith.constant 0 : i32
      %dma_start3A_292 = tpu.memref_slice %arg9[%dma_start3A_290, %dma_start3A_291] : memref<8x128xi32, #tpu.memory_space<vmem>> -> memref<1x128xi32, #tpu.memory_space<vmem>>
      %dma_start3A_293 = tpu.memref_squeeze %dma_start3A_292 : memref<1x128xi32, #tpu.memory_space<vmem>> -> memref<128xi32, #tpu.memory_space<vmem>>
      %dma_start3A_294 = arith.constant 0 : i32
      %dma_start3A_295 = arith.constant 0 : i32
      %dma_start3A_296 = tpu.memref_slice %arg2[%dma_start3A_294, %dma_start3A_295] : memref<10000x128xf32, #tpu.memory_space<hbm>> -> memref<10000x128xf32, #tpu.memory_space<hbm>>
      tpu.enqueue_indirect_dma source(%dma_start3A_296 : memref<10000x128xf32, #tpu.memory_space<hbm>>) target(%arg11 : memref<128x128xf32, #tpu.memory_space<vmem>>) offsets(%dma_start3A_293 : memref<128xi32, #tpu.memory_space<vmem>>) semaphore(%arg14 : memref<!tpu.dma_semaphore, #tpu.memory_space<semaphore_mem>>)
      %dma_wait3A_297 = arith.constant 0 : i32
      %dma_wait3A_298 = arith.constant 0 : i32
      %dma_wait3A_299 = tpu.memref_slice %arg9[%dma_wait3A_297, %dma_wait3A_298] : memref<8x128xi32, #tpu.memory_space<vmem>> -> memref<1x128xi32, #tpu.memory_space<vmem>>
      %dma_wait3A_300 = tpu.memref_squeeze %dma_wait3A_299 : memref<1x128xi32, #tpu.memory_space<vmem>> -> memref<128xi32, #tpu.memory_space<vmem>>
      %dma_wait3A_301 = arith.constant 0 : i32
      %dma_wait3A_302 = arith.constant 0 : i32
      %dma_wait3A_303 = tpu.memref_slice %arg2[%dma_wait3A_301, %dma_wait3A_302] : memref<10000x128xf32, #tpu.memory_space<hbm>> -> memref<10000x128xf32, #tpu.memory_space<hbm>>
      tpu.wait_indirect_dma semaphore(%arg14 : memref<!tpu.dma_semaphore, #tpu.memory_space<semaphore_mem>>) src(%dma_wait3A_303 : memref<10000x128xf32, #tpu.memory_space<hbm>>) dst(%arg11 : memref<128x128xf32, #tpu.memory_space<vmem>>)
      %dma_start3A_304 = arith.constant 0 : i32
      %dma_start3A_305 = arith.constant 0 : i32
      %dma_start3A_306 = tpu.memref_slice %arg10[%dma_start3A_304, %dma_start3A_305] : memref<8x128xi32, #tpu.memory_space<vmem>> -> memref<1x128xi32, #tpu.memory_space<vmem>>
      %dma_start3A_307 = tpu.memref_squeeze %dma_start3A_306 : memref<1x128xi32, #tpu.memory_space<vmem>> -> memref<128xi32, #tpu.memory_space<vmem>>
      %dma_start3A_308 = arith.constant 0 : i32
      %dma_start3A_309 = arith.constant 0 : i32
      %dma_start3A_310 = tpu.memref_slice %arg13[%dma_start3A_308, %dma_start3A_309] : memref<10240x128xf32, #tpu.memory_space<vmem_shared>> -> memref<10240x128xf32, #tpu.memory_space<vmem_shared>>
      tpu.enqueue_indirect_dma source(%arg11 : memref<128x128xf32, #tpu.memory_space<vmem>>) target(%dma_start3A_310 : memref<10240x128xf32, #tpu.memory_space<vmem_shared>>) offsets(%dma_start3A_307 : memref<128xi32, #tpu.memory_space<vmem>>) semaphore(%arg15 : memref<!tpu.dma_semaphore, #tpu.memory_space<semaphore_mem>>) {add = true}
      %dma_wait3A_311 = arith.constant 7 : i32
      %dma_wait3A_312 = arith.constant 0 : i32
      %dma_wait3A_313 = tpu.memref_slice %arg8[%dma_wait3A_311, %dma_wait3A_312] : memref<8x128xi32, #tpu.memory_space<vmem>> -> memref<1x128xi32, #tpu.memory_space<vmem>>
      %dma_wait3A_314 = tpu.memref_squeeze %dma_wait3A_313 : memref<1x128xi32, #tpu.memory_space<vmem>> -> memref<128xi32, #tpu.memory_space<vmem>>
      %dma_wait3A_315 = arith.constant 0 : i32
      %dma_wait3A_316 = arith.constant 0 : i32
      %dma_wait3A_317 = tpu.memref_slice %arg13[%dma_wait3A_315, %dma_wait3A_316] : memref<10240x128xf32, #tpu.memory_space<vmem_shared>> -> memref<10240x128xf32, #tpu.memory_space<vmem_shared>>
      tpu.wait_indirect_dma semaphore(%arg16 : memref<!tpu.dma_semaphore, #tpu.memory_space<semaphore_mem>>) src(%arg12 : memref<128x128xf32, #tpu.memory_space<vmem>>) dst(%dma_wait3A_317 : memref<10240x128xf32, #tpu.memory_space<vmem_shared>>)
      %dma_start3A_318 = arith.constant 1 : i32
      %dma_start3A_319 = arith.constant 0 : i32
      %dma_start3A_320 = tpu.memref_slice %arg9[%dma_start3A_318, %dma_start3A_319] : memref<8x128xi32, #tpu.memory_space<vmem>> -> memref<1x128xi32, #tpu.memory_space<vmem>>
      %dma_start3A_321 = tpu.memref_squeeze %dma_start3A_320 : memref<1x128xi32, #tpu.memory_space<vmem>> -> memref<128xi32, #tpu.memory_space<vmem>>
      %dma_start3A_322 = arith.constant 0 : i32
      %dma_start3A_323 = arith.constant 0 : i32
      %dma_start3A_324 = tpu.memref_slice %arg2[%dma_start3A_322, %dma_start3A_323] : memref<10000x128xf32, #tpu.memory_space<hbm>> -> memref<10000x128xf32, #tpu.memory_space<hbm>>
      tpu.enqueue_indirect_dma source(%dma_start3A_324 : memref<10000x128xf32, #tpu.memory_space<hbm>>) target(%arg12 : memref<128x128xf32, #tpu.memory_space<vmem>>) offsets(%dma_start3A_321 : memref<128xi32, #tpu.memory_space<vmem>>) semaphore(%arg14 : memref<!tpu.dma_semaphore, #tpu.memory_space<semaphore_mem>>)
      %dma_wait3A_325 = arith.constant 1 : i32
      %dma_wait3A_326 = arith.constant 0 : i32
      %dma_wait3A_327 = tpu.memref_slice %arg9[%dma_wait3A_325, %dma_wait3A_326] : memref<8x128xi32, #tpu.memory_space<vmem>> -> memref<1x128xi32, #tpu.memory_space<vmem>>
      %dma_wait3A_328 = tpu.memref_squeeze %dma_wait3A_327 : memref<1x128xi32, #tpu.memory_space<vmem>> -> memref<128xi32, #tpu.memory_space<vmem>>
      %dma_wait3A_329 = arith.constant 0 : i32
      %dma_wait3A_330 = arith.constant 0 : i32
      %dma_wait3A_331 = tpu.memref_slice %arg2[%dma_wait3A_329, %dma_wait3A_330] : memref<10000x128xf32, #tpu.memory_space<hbm>> -> memref<10000x128xf32, #tpu.memory_space<hbm>>
      tpu.wait_indirect_dma semaphore(%arg14 : memref<!tpu.dma_semaphore, #tpu.memory_space<semaphore_mem>>) src(%dma_wait3A_331 : memref<10000x128xf32, #tpu.memory_space<hbm>>) dst(%arg12 : memref<128x128xf32, #tpu.memory_space<vmem>>)
      %dma_start3A_332 = arith.constant 1 : i32
      %dma_start3A_333 = arith.constant 0 : i32
      %dma_start3A_334 = tpu.memref_slice %arg10[%dma_start3A_332, %dma_start3A_333] : memref<8x128xi32, #tpu.memory_space<vmem>> -> memref<1x128xi32, #tpu.memory_space<vmem>>
      %dma_start3A_335 = tpu.memref_squeeze %dma_start3A_334 : memref<1x128xi32, #tpu.memory_space<vmem>> -> memref<128xi32, #tpu.memory_space<vmem>>
      %dma_start3A_336 = arith.constant 0 : i32
      %dma_start3A_337 = arith.constant 0 : i32
      %dma_start3A_338 = tpu.memref_slice %arg13[%dma_start3A_336, %dma_start3A_337] : memref<10240x128xf32, #tpu.memory_space<vmem_shared>> -> memref<10240x128xf32, #tpu.memory_space<vmem_shared>>
      tpu.enqueue_indirect_dma source(%arg12 : memref<128x128xf32, #tpu.memory_space<vmem>>) target(%dma_start3A_338 : memref<10240x128xf32, #tpu.memory_space<vmem_shared>>) offsets(%dma_start3A_335 : memref<128xi32, #tpu.memory_space<vmem>>) semaphore(%arg16 : memref<!tpu.dma_semaphore, #tpu.memory_space<semaphore_mem>>) {add = true}
      %dma_wait3A_339 = arith.constant 0 : i32
      %dma_wait3A_340 = arith.constant 0 : i32
      %dma_wait3A_341 = tpu.memref_slice %arg10[%dma_wait3A_339, %dma_wait3A_340] : memref<8x128xi32, #tpu.memory_space<vmem>> -> memref<1x128xi32, #tpu.memory_space<vmem>>
      %dma_wait3A_342 = tpu.memref_squeeze %dma_wait3A_341 : memref<1x128xi32, #tpu.memory_space<vmem>> -> memref<128xi32, #tpu.memory_space<vmem>>
      %dma_wait3A_343 = arith.constant 0 : i32
      %dma_wait3A_344 = arith.constant 0 : i32
      %dma_wait3A_345 = tpu.memref_slice %arg13[%dma_wait3A_343, %dma_wait3A_344] : memref<10240x128xf32, #tpu.memory_space<vmem_shared>> -> memref<10240x128xf32, #tpu.memory_space<vmem_shared>>
      tpu.wait_indirect_dma semaphore(%arg15 : memref<!tpu.dma_semaphore, #tpu.memory_space<semaphore_mem>>) src(%arg11 : memref<128x128xf32, #tpu.memory_space<vmem>>) dst(%dma_wait3A_345 : memref<10240x128xf32, #tpu.memory_space<vmem_shared>>)
      %dma_start3A_346 = arith.constant 2 : i32
      %dma_start3A_347 = arith.constant 0 : i32
      %dma_start3A_348 = tpu.memref_slice %arg9[%dma_start3A_346, %dma_start3A_347] : memref<8x128xi32, #tpu.memory_space<vmem>> -> memref<1x128xi32, #tpu.memory_space<vmem>>
      %dma_start3A_349 = tpu.memref_squeeze %dma_start3A_348 : memref<1x128xi32, #tpu.memory_space<vmem>> -> memref<128xi32, #tpu.memory_space<vmem>>
      %dma_start3A_350 = arith.constant 0 : i32
      %dma_start3A_351 = arith.constant 0 : i32
      %dma_start3A_352 = tpu.memref_slice %arg2[%dma_start3A_350, %dma_start3A_351] : memref<10000x128xf32, #tpu.memory_space<hbm>> -> memref<10000x128xf32, #tpu.memory_space<hbm>>
      tpu.enqueue_indirect_dma source(%dma_start3A_352 : memref<10000x128xf32, #tpu.memory_space<hbm>>) target(%arg11 : memref<128x128xf32, #tpu.memory_space<vmem>>) offsets(%dma_start3A_349 : memref<128xi32, #tpu.memory_space<vmem>>) semaphore(%arg14 : memref<!tpu.dma_semaphore, #tpu.memory_space<semaphore_mem>>)
      %dma_wait3A_353 = arith.constant 2 : i32
      %dma_wait3A_354 = arith.constant 0 : i32
      %dma_wait3A_355 = tpu.memref_slice %arg9[%dma_wait3A_353, %dma_wait3A_354] : memref<8x128xi32, #tpu.memory_space<vmem>> -> memref<1x128xi32, #tpu.memory_space<vmem>>
      %dma_wait3A_356 = tpu.memref_squeeze %dma_wait3A_355 : memref<1x128xi32, #tpu.memory_space<vmem>> -> memref<128xi32, #tpu.memory_space<vmem>>
      %dma_wait3A_357 = arith.constant 0 : i32
      %dma_wait3A_358 = arith.constant 0 : i32
      %dma_wait3A_359 = tpu.memref_slice %arg2[%dma_wait3A_357, %dma_wait3A_358] : memref<10000x128xf32, #tpu.memory_space<hbm>> -> memref<10000x128xf32, #tpu.memory_space<hbm>>
      tpu.wait_indirect_dma semaphore(%arg14 : memref<!tpu.dma_semaphore, #tpu.memory_space<semaphore_mem>>) src(%dma_wait3A_359 : memref<10000x128xf32, #tpu.memory_space<hbm>>) dst(%arg11 : memref<128x128xf32, #tpu.memory_space<vmem>>)
      %dma_start3A_360 = arith.constant 2 : i32
      %dma_start3A_361 = arith.constant 0 : i32
      %dma_start3A_362 = tpu.memref_slice %arg10[%dma_start3A_360, %dma_start3A_361] : memref<8x128xi32, #tpu.memory_space<vmem>> -> memref<1x128xi32, #tpu.memory_space<vmem>>
      %dma_start3A_363 = tpu.memref_squeeze %dma_start3A_362 : memref<1x128xi32, #tpu.memory_space<vmem>> -> memref<128xi32, #tpu.memory_space<vmem>>
      %dma_start3A_364 = arith.constant 0 : i32
      %dma_start3A_365 = arith.constant 0 : i32
      %dma_start3A_366 = tpu.memref_slice %arg13[%dma_start3A_364, %dma_start3A_365] : memref<10240x128xf32, #tpu.memory_space<vmem_shared>> -> memref<10240x128xf32, #tpu.memory_space<vmem_shared>>
      tpu.enqueue_indirect_dma source(%arg11 : memref<128x128xf32, #tpu.memory_space<vmem>>) target(%dma_start3A_366 : memref<10240x128xf32, #tpu.memory_space<vmem_shared>>) offsets(%dma_start3A_363 : memref<128xi32, #tpu.memory_space<vmem>>) semaphore(%arg15 : memref<!tpu.dma_semaphore, #tpu.memory_space<semaphore_mem>>) {add = true}
      %dma_wait3A_367 = arith.constant 1 : i32
      %dma_wait3A_368 = arith.constant 0 : i32
      %dma_wait3A_369 = tpu.memref_slice %arg10[%dma_wait3A_367, %dma_wait3A_368] : memref<8x128xi32, #tpu.memory_space<vmem>> -> memref<1x128xi32, #tpu.memory_space<vmem>>
      %dma_wait3A_370 = tpu.memref_squeeze %dma_wait3A_369 : memref<1x128xi32, #tpu.memory_space<vmem>> -> memref<128xi32, #tpu.memory_space<vmem>>
      %dma_wait3A_371 = arith.constant 0 : i32
      %dma_wait3A_372 = arith.constant 0 : i32
      %dma_wait3A_373 = tpu.memref_slice %arg13[%dma_wait3A_371, %dma_wait3A_372] : memref<10240x128xf32, #tpu.memory_space<vmem_shared>> -> memref<10240x128xf32, #tpu.memory_space<vmem_shared>>
      tpu.wait_indirect_dma semaphore(%arg16 : memref<!tpu.dma_semaphore, #tpu.memory_space<semaphore_mem>>) src(%arg12 : memref<128x128xf32, #tpu.memory_space<vmem>>) dst(%dma_wait3A_373 : memref<10240x128xf32, #tpu.memory_space<vmem_shared>>)
      %dma_start3A_374 = arith.constant 3 : i32
      %dma_start3A_375 = arith.constant 0 : i32
      %dma_start3A_376 = tpu.memref_slice %arg9[%dma_start3A_374, %dma_start3A_375] : memref<8x128xi32, #tpu.memory_space<vmem>> -> memref<1x128xi32, #tpu.memory_space<vmem>>
      %dma_start3A_377 = tpu.memref_squeeze %dma_start3A_376 : memref<1x128xi32, #tpu.memory_space<vmem>> -> memref<128xi32, #tpu.memory_space<vmem>>
      %dma_start3A_378 = arith.constant 0 : i32
      %dma_start3A_379 = arith.constant 0 : i32
      %dma_start3A_380 = tpu.memref_slice %arg2[%dma_start3A_378, %dma_start3A_379] : memref<10000x128xf32, #tpu.memory_space<hbm>> -> memref<10000x128xf32, #tpu.memory_space<hbm>>
      tpu.enqueue_indirect_dma source(%dma_start3A_380 : memref<10000x128xf32, #tpu.memory_space<hbm>>) target(%arg12 : memref<128x128xf32, #tpu.memory_space<vmem>>) offsets(%dma_start3A_377 : memref<128xi32, #tpu.memory_space<vmem>>) semaphore(%arg14 : memref<!tpu.dma_semaphore, #tpu.memory_space<semaphore_mem>>)
      %dma_wait3A_381 = arith.constant 3 : i32
      %dma_wait3A_382 = arith.constant 0 : i32
      %dma_wait3A_383 = tpu.memref_slice %arg9[%dma_wait3A_381, %dma_wait3A_382] : memref<8x128xi32, #tpu.memory_space<vmem>> -> memref<1x128xi32, #tpu.memory_space<vmem>>
      %dma_wait3A_384 = tpu.memref_squeeze %dma_wait3A_383 : memref<1x128xi32, #tpu.memory_space<vmem>> -> memref<128xi32, #tpu.memory_space<vmem>>
      %dma_wait3A_385 = arith.constant 0 : i32
      %dma_wait3A_386 = arith.constant 0 : i32
      %dma_wait3A_387 = tpu.memref_slice %arg2[%dma_wait3A_385, %dma_wait3A_386] : memref<10000x128xf32, #tpu.memory_space<hbm>> -> memref<10000x128xf32, #tpu.memory_space<hbm>>
      tpu.wait_indirect_dma semaphore(%arg14 : memref<!tpu.dma_semaphore, #tpu.memory_space<semaphore_mem>>) src(%dma_wait3A_387 : memref<10000x128xf32, #tpu.memory_space<hbm>>) dst(%arg12 : memref<128x128xf32, #tpu.memory_space<vmem>>)
      %dma_start3A_388 = arith.constant 3 : i32
      %dma_start3A_389 = arith.constant 0 : i32
      %dma_start3A_390 = tpu.memref_slice %arg10[%dma_start3A_388, %dma_start3A_389] : memref<8x128xi32, #tpu.memory_space<vmem>> -> memref<1x128xi32, #tpu.memory_space<vmem>>
      %dma_start3A_391 = tpu.memref_squeeze %dma_start3A_390 : memref<1x128xi32, #tpu.memory_space<vmem>> -> memref<128xi32, #tpu.memory_space<vmem>>
      %dma_start3A_392 = arith.constant 0 : i32
      %dma_start3A_393 = arith.constant 0 : i32
      %dma_start3A_394 = tpu.memref_slice %arg13[%dma_start3A_392, %dma_start3A_393] : memref<10240x128xf32, #tpu.memory_space<vmem_shared>> -> memref<10240x128xf32, #tpu.memory_space<vmem_shared>>
      tpu.enqueue_indirect_dma source(%arg12 : memref<128x128xf32, #tpu.memory_space<vmem>>) target(%dma_start3A_394 : memref<10240x128xf32, #tpu.memory_space<vmem_shared>>) offsets(%dma_start3A_391 : memref<128xi32, #tpu.memory_space<vmem>>) semaphore(%arg16 : memref<!tpu.dma_semaphore, #tpu.memory_space<semaphore_mem>>) {add = true}
      %dma_wait3A_395 = arith.constant 2 : i32
      %dma_wait3A_396 = arith.constant 0 : i32
      %dma_wait3A_397 = tpu.memref_slice %arg10[%dma_wait3A_395, %dma_wait3A_396] : memref<8x128xi32, #tpu.memory_space<vmem>> -> memref<1x128xi32, #tpu.memory_space<vmem>>
      %dma_wait3A_398 = tpu.memref_squeeze %dma_wait3A_397 : memref<1x128xi32, #tpu.memory_space<vmem>> -> memref<128xi32, #tpu.memory_space<vmem>>
      %dma_wait3A_399 = arith.constant 0 : i32
      %dma_wait3A_400 = arith.constant 0 : i32
      %dma_wait3A_401 = tpu.memref_slice %arg13[%dma_wait3A_399, %dma_wait3A_400] : memref<10240x128xf32, #tpu.memory_space<vmem_shared>> -> memref<10240x128xf32, #tpu.memory_space<vmem_shared>>
      tpu.wait_indirect_dma semaphore(%arg15 : memref<!tpu.dma_semaphore, #tpu.memory_space<semaphore_mem>>) src(%arg11 : memref<128x128xf32, #tpu.memory_space<vmem>>) dst(%dma_wait3A_401 : memref<10240x128xf32, #tpu.memory_space<vmem_shared>>)
      %dma_start3A_402 = arith.constant 4 : i32
      %dma_start3A_403 = arith.constant 0 : i32
      %dma_start3A_404 = tpu.memref_slice %arg9[%dma_start3A_402, %dma_start3A_403] : memref<8x128xi32, #tpu.memory_space<vmem>> -> memref<1x128xi32, #tpu.memory_space<vmem>>
      %dma_start3A_405 = tpu.memref_squeeze %dma_start3A_404 : memref<1x128xi32, #tpu.memory_space<vmem>> -> memref<128xi32, #tpu.memory_space<vmem>>
      %dma_start3A_406 = arith.constant 0 : i32
      %dma_start3A_407 = arith.constant 0 : i32
      %dma_start3A_408 = tpu.memref_slice %arg2[%dma_start3A_406, %dma_start3A_407] : memref<10000x128xf32, #tpu.memory_space<hbm>> -> memref<10000x128xf32, #tpu.memory_space<hbm>>
      tpu.enqueue_indirect_dma source(%dma_start3A_408 : memref<10000x128xf32, #tpu.memory_space<hbm>>) target(%arg11 : memref<128x128xf32, #tpu.memory_space<vmem>>) offsets(%dma_start3A_405 : memref<128xi32, #tpu.memory_space<vmem>>) semaphore(%arg14 : memref<!tpu.dma_semaphore, #tpu.memory_space<semaphore_mem>>)
      %dma_wait3A_409 = arith.constant 4 : i32
      %dma_wait3A_410 = arith.constant 0 : i32
      %dma_wait3A_411 = tpu.memref_slice %arg9[%dma_wait3A_409, %dma_wait3A_410] : memref<8x128xi32, #tpu.memory_space<vmem>> -> memref<1x128xi32, #tpu.memory_space<vmem>>
      %dma_wait3A_412 = tpu.memref_squeeze %dma_wait3A_411 : memref<1x128xi32, #tpu.memory_space<vmem>> -> memref<128xi32, #tpu.memory_space<vmem>>
      %dma_wait3A_413 = arith.constant 0 : i32
      %dma_wait3A_414 = arith.constant 0 : i32
      %dma_wait3A_415 = tpu.memref_slice %arg2[%dma_wait3A_413, %dma_wait3A_414] : memref<10000x128xf32, #tpu.memory_space<hbm>> -> memref<10000x128xf32, #tpu.memory_space<hbm>>
      tpu.wait_indirect_dma semaphore(%arg14 : memref<!tpu.dma_semaphore, #tpu.memory_space<semaphore_mem>>) src(%dma_wait3A_415 : memref<10000x128xf32, #tpu.memory_space<hbm>>) dst(%arg11 : memref<128x128xf32, #tpu.memory_space<vmem>>)
      %dma_start3A_416 = arith.constant 4 : i32
      %dma_start3A_417 = arith.constant 0 : i32
      %dma_start3A_418 = tpu.memref_slice %arg10[%dma_start3A_416, %dma_start3A_417] : memref<8x128xi32, #tpu.memory_space<vmem>> -> memref<1x128xi32, #tpu.memory_space<vmem>>
      %dma_start3A_419 = tpu.memref_squeeze %dma_start3A_418 : memref<1x128xi32, #tpu.memory_space<vmem>> -> memref<128xi32, #tpu.memory_space<vmem>>
      %dma_start3A_420 = arith.constant 0 : i32
      %dma_start3A_421 = arith.constant 0 : i32
      %dma_start3A_422 = tpu.memref_slice %arg13[%dma_start3A_420, %dma_start3A_421] : memref<10240x128xf32, #tpu.memory_space<vmem_shared>> -> memref<10240x128xf32, #tpu.memory_space<vmem_shared>>
      tpu.enqueue_indirect_dma source(%arg11 : memref<128x128xf32, #tpu.memory_space<vmem>>) target(%dma_start3A_422 : memref<10240x128xf32, #tpu.memory_space<vmem_shared>>) offsets(%dma_start3A_419 : memref<128xi32, #tpu.memory_space<vmem>>) semaphore(%arg15 : memref<!tpu.dma_semaphore, #tpu.memory_space<semaphore_mem>>) {add = true}
      %dma_wait3A_423 = arith.constant 3 : i32
      %dma_wait3A_424 = arith.constant 0 : i32
      %dma_wait3A_425 = tpu.memref_slice %arg10[%dma_wait3A_423, %dma_wait3A_424] : memref<8x128xi32, #tpu.memory_space<vmem>> -> memref<1x128xi32, #tpu.memory_space<vmem>>
      %dma_wait3A_426 = tpu.memref_squeeze %dma_wait3A_425 : memref<1x128xi32, #tpu.memory_space<vmem>> -> memref<128xi32, #tpu.memory_space<vmem>>
      %dma_wait3A_427 = arith.constant 0 : i32
      %dma_wait3A_428 = arith.constant 0 : i32
      %dma_wait3A_429 = tpu.memref_slice %arg13[%dma_wait3A_427, %dma_wait3A_428] : memref<10240x128xf32, #tpu.memory_space<vmem_shared>> -> memref<10240x128xf32, #tpu.memory_space<vmem_shared>>
      tpu.wait_indirect_dma semaphore(%arg16 : memref<!tpu.dma_semaphore, #tpu.memory_space<semaphore_mem>>) src(%arg12 : memref<128x128xf32, #tpu.memory_space<vmem>>) dst(%dma_wait3A_429 : memref<10240x128xf32, #tpu.memory_space<vmem_shared>>)
      %dma_start3A_430 = arith.constant 5 : i32
      %dma_start3A_431 = arith.constant 0 : i32
      %dma_start3A_432 = tpu.memref_slice %arg9[%dma_start3A_430, %dma_start3A_431] : memref<8x128xi32, #tpu.memory_space<vmem>> -> memref<1x128xi32, #tpu.memory_space<vmem>>
      %dma_start3A_433 = tpu.memref_squeeze %dma_start3A_432 : memref<1x128xi32, #tpu.memory_space<vmem>> -> memref<128xi32, #tpu.memory_space<vmem>>
      %dma_start3A_434 = arith.constant 0 : i32
      %dma_start3A_435 = arith.constant 0 : i32
      %dma_start3A_436 = tpu.memref_slice %arg2[%dma_start3A_434, %dma_start3A_435] : memref<10000x128xf32, #tpu.memory_space<hbm>> -> memref<10000x128xf32, #tpu.memory_space<hbm>>
      tpu.enqueue_indirect_dma source(%dma_start3A_436 : memref<10000x128xf32, #tpu.memory_space<hbm>>) target(%arg12 : memref<128x128xf32, #tpu.memory_space<vmem>>) offsets(%dma_start3A_433 : memref<128xi32, #tpu.memory_space<vmem>>) semaphore(%arg14 : memref<!tpu.dma_semaphore, #tpu.memory_space<semaphore_mem>>)
      %dma_wait3A_437 = arith.constant 5 : i32
      %dma_wait3A_438 = arith.constant 0 : i32
      %dma_wait3A_439 = tpu.memref_slice %arg9[%dma_wait3A_437, %dma_wait3A_438] : memref<8x128xi32, #tpu.memory_space<vmem>> -> memref<1x128xi32, #tpu.memory_space<vmem>>
      %dma_wait3A_440 = tpu.memref_squeeze %dma_wait3A_439 : memref<1x128xi32, #tpu.memory_space<vmem>> -> memref<128xi32, #tpu.memory_space<vmem>>
      %dma_wait3A_441 = arith.constant 0 : i32
      %dma_wait3A_442 = arith.constant 0 : i32
      %dma_wait3A_443 = tpu.memref_slice %arg2[%dma_wait3A_441, %dma_wait3A_442] : memref<10000x128xf32, #tpu.memory_space<hbm>> -> memref<10000x128xf32, #tpu.memory_space<hbm>>
      tpu.wait_indirect_dma semaphore(%arg14 : memref<!tpu.dma_semaphore, #tpu.memory_space<semaphore_mem>>) src(%dma_wait3A_443 : memref<10000x128xf32, #tpu.memory_space<hbm>>) dst(%arg12 : memref<128x128xf32, #tpu.memory_space<vmem>>)
      %dma_start3A_444 = arith.constant 5 : i32
      %dma_start3A_445 = arith.constant 0 : i32
      %dma_start3A_446 = tpu.memref_slice %arg10[%dma_start3A_444, %dma_start3A_445] : memref<8x128xi32, #tpu.memory_space<vmem>> -> memref<1x128xi32, #tpu.memory_space<vmem>>
      %dma_start3A_447 = tpu.memref_squeeze %dma_start3A_446 : memref<1x128xi32, #tpu.memory_space<vmem>> -> memref<128xi32, #tpu.memory_space<vmem>>
      %dma_start3A_448 = arith.constant 0 : i32
      %dma_start3A_449 = arith.constant 0 : i32
      %dma_start3A_450 = tpu.memref_slice %arg13[%dma_start3A_448, %dma_start3A_449] : memref<10240x128xf32, #tpu.memory_space<vmem_shared>> -> memref<10240x128xf32, #tpu.memory_space<vmem_shared>>
      tpu.enqueue_indirect_dma source(%arg12 : memref<128x128xf32, #tpu.memory_space<vmem>>) target(%dma_start3A_450 : memref<10240x128xf32, #tpu.memory_space<vmem_shared>>) offsets(%dma_start3A_447 : memref<128xi32, #tpu.memory_space<vmem>>) semaphore(%arg16 : memref<!tpu.dma_semaphore, #tpu.memory_space<semaphore_mem>>) {add = true}
      %dma_wait3A_451 = arith.constant 4 : i32
      %dma_wait3A_452 = arith.constant 0 : i32
      %dma_wait3A_453 = tpu.memref_slice %arg10[%dma_wait3A_451, %dma_wait3A_452] : memref<8x128xi32, #tpu.memory_space<vmem>> -> memref<1x128xi32, #tpu.memory_space<vmem>>
      %dma_wait3A_454 = tpu.memref_squeeze %dma_wait3A_453 : memref<1x128xi32, #tpu.memory_space<vmem>> -> memref<128xi32, #tpu.memory_space<vmem>>
      %dma_wait3A_455 = arith.constant 0 : i32
      %dma_wait3A_456 = arith.constant 0 : i32
      %dma_wait3A_457 = tpu.memref_slice %arg13[%dma_wait3A_455, %dma_wait3A_456] : memref<10240x128xf32, #tpu.memory_space<vmem_shared>> -> memref<10240x128xf32, #tpu.memory_space<vmem_shared>>
      tpu.wait_indirect_dma semaphore(%arg15 : memref<!tpu.dma_semaphore, #tpu.memory_space<semaphore_mem>>) src(%arg11 : memref<128x128xf32, #tpu.memory_space<vmem>>) dst(%dma_wait3A_457 : memref<10240x128xf32, #tpu.memory_space<vmem_shared>>)
      %dma_start3A_458 = arith.constant 6 : i32
      %dma_start3A_459 = arith.constant 0 : i32
      %dma_start3A_460 = tpu.memref_slice %arg9[%dma_start3A_458, %dma_start3A_459] : memref<8x128xi32, #tpu.memory_space<vmem>> -> memref<1x128xi32, #tpu.memory_space<vmem>>
      %dma_start3A_461 = tpu.memref_squeeze %dma_start3A_460 : memref<1x128xi32, #tpu.memory_space<vmem>> -> memref<128xi32, #tpu.memory_space<vmem>>
      %dma_start3A_462 = arith.constant 0 : i32
      %dma_start3A_463 = arith.constant 0 : i32
      %dma_start3A_464 = tpu.memref_slice %arg2[%dma_start3A_462, %dma_start3A_463] : memref<10000x128xf32, #tpu.memory_space<hbm>> -> memref<10000x128xf32, #tpu.memory_space<hbm>>
      tpu.enqueue_indirect_dma source(%dma_start3A_464 : memref<10000x128xf32, #tpu.memory_space<hbm>>) target(%arg11 : memref<128x128xf32, #tpu.memory_space<vmem>>) offsets(%dma_start3A_461 : memref<128xi32, #tpu.memory_space<vmem>>) semaphore(%arg14 : memref<!tpu.dma_semaphore, #tpu.memory_space<semaphore_mem>>)
      %dma_wait3A_465 = arith.constant 6 : i32
      %dma_wait3A_466 = arith.constant 0 : i32
      %dma_wait3A_467 = tpu.memref_slice %arg9[%dma_wait3A_465, %dma_wait3A_466] : memref<8x128xi32, #tpu.memory_space<vmem>> -> memref<1x128xi32, #tpu.memory_space<vmem>>
      %dma_wait3A_468 = tpu.memref_squeeze %dma_wait3A_467 : memref<1x128xi32, #tpu.memory_space<vmem>> -> memref<128xi32, #tpu.memory_space<vmem>>
      %dma_wait3A_469 = arith.constant 0 : i32
      %dma_wait3A_470 = arith.constant 0 : i32
      %dma_wait3A_471 = tpu.memref_slice %arg2[%dma_wait3A_469, %dma_wait3A_470] : memref<10000x128xf32, #tpu.memory_space<hbm>> -> memref<10000x128xf32, #tpu.memory_space<hbm>>
      tpu.wait_indirect_dma semaphore(%arg14 : memref<!tpu.dma_semaphore, #tpu.memory_space<semaphore_mem>>) src(%dma_wait3A_471 : memref<10000x128xf32, #tpu.memory_space<hbm>>) dst(%arg11 : memref<128x128xf32, #tpu.memory_space<vmem>>)
      %dma_start3A_472 = arith.constant 6 : i32
      %dma_start3A_473 = arith.constant 0 : i32
      %dma_start3A_474 = tpu.memref_slice %arg10[%dma_start3A_472, %dma_start3A_473] : memref<8x128xi32, #tpu.memory_space<vmem>> -> memref<1x128xi32, #tpu.memory_space<vmem>>
      %dma_start3A_475 = tpu.memref_squeeze %dma_start3A_474 : memref<1x128xi32, #tpu.memory_space<vmem>> -> memref<128xi32, #tpu.memory_space<vmem>>
      %dma_start3A_476 = arith.constant 0 : i32
      %dma_start3A_477 = arith.constant 0 : i32
      %dma_start3A_478 = tpu.memref_slice %arg13[%dma_start3A_476, %dma_start3A_477] : memref<10240x128xf32, #tpu.memory_space<vmem_shared>> -> memref<10240x128xf32, #tpu.memory_space<vmem_shared>>
      tpu.enqueue_indirect_dma source(%arg11 : memref<128x128xf32, #tpu.memory_space<vmem>>) target(%dma_start3A_478 : memref<10240x128xf32, #tpu.memory_space<vmem_shared>>) offsets(%dma_start3A_475 : memref<128xi32, #tpu.memory_space<vmem>>) semaphore(%arg15 : memref<!tpu.dma_semaphore, #tpu.memory_space<semaphore_mem>>) {add = true}
      %dma_wait3A_479 = arith.constant 5 : i32
      %dma_wait3A_480 = arith.constant 0 : i32
      %dma_wait3A_481 = tpu.memref_slice %arg10[%dma_wait3A_479, %dma_wait3A_480] : memref<8x128xi32, #tpu.memory_space<vmem>> -> memref<1x128xi32, #tpu.memory_space<vmem>>
      %dma_wait3A_482 = tpu.memref_squeeze %dma_wait3A_481 : memref<1x128xi32, #tpu.memory_space<vmem>> -> memref<128xi32, #tpu.memory_space<vmem>>
      %dma_wait3A_483 = arith.constant 0 : i32
      %dma_wait3A_484 = arith.constant 0 : i32
      %dma_wait3A_485 = tpu.memref_slice %arg13[%dma_wait3A_483, %dma_wait3A_484] : memref<10240x128xf32, #tpu.memory_space<vmem_shared>> -> memref<10240x128xf32, #tpu.memory_space<vmem_shared>>
      tpu.wait_indirect_dma semaphore(%arg16 : memref<!tpu.dma_semaphore, #tpu.memory_space<semaphore_mem>>) src(%arg12 : memref<128x128xf32, #tpu.memory_space<vmem>>) dst(%dma_wait3A_485 : memref<10240x128xf32, #tpu.memory_space<vmem_shared>>)
      %dma_start3A_486 = arith.constant 7 : i32
      %dma_start3A_487 = arith.constant 0 : i32
      %dma_start3A_488 = tpu.memref_slice %arg9[%dma_start3A_486, %dma_start3A_487] : memref<8x128xi32, #tpu.memory_space<vmem>> -> memref<1x128xi32, #tpu.memory_space<vmem>>
      %dma_start3A_489 = tpu.memref_squeeze %dma_start3A_488 : memref<1x128xi32, #tpu.memory_space<vmem>> -> memref<128xi32, #tpu.memory_space<vmem>>
      %dma_start3A_490 = arith.constant 0 : i32
      %dma_start3A_491 = arith.constant 0 : i32
      %dma_start3A_492 = tpu.memref_slice %arg2[%dma_start3A_490, %dma_start3A_491] : memref<10000x128xf32, #tpu.memory_space<hbm>> -> memref<10000x128xf32, #tpu.memory_space<hbm>>
      tpu.enqueue_indirect_dma source(%dma_start3A_492 : memref<10000x128xf32, #tpu.memory_space<hbm>>) target(%arg12 : memref<128x128xf32, #tpu.memory_space<vmem>>) offsets(%dma_start3A_489 : memref<128xi32, #tpu.memory_space<vmem>>) semaphore(%arg14 : memref<!tpu.dma_semaphore, #tpu.memory_space<semaphore_mem>>)
      %dma_wait3A_493 = arith.constant 7 : i32
      %dma_wait3A_494 = arith.constant 0 : i32
      %dma_wait3A_495 = tpu.memref_slice %arg9[%dma_wait3A_493, %dma_wait3A_494] : memref<8x128xi32, #tpu.memory_space<vmem>> -> memref<1x128xi32, #tpu.memory_space<vmem>>
      %dma_wait3A_496 = tpu.memref_squeeze %dma_wait3A_495 : memref<1x128xi32, #tpu.memory_space<vmem>> -> memref<128xi32, #tpu.memory_space<vmem>>
      %dma_wait3A_497 = arith.constant 0 : i32
      %dma_wait3A_498 = arith.constant 0 : i32
      %dma_wait3A_499 = tpu.memref_slice %arg2[%dma_wait3A_497, %dma_wait3A_498] : memref<10000x128xf32, #tpu.memory_space<hbm>> -> memref<10000x128xf32, #tpu.memory_space<hbm>>
      tpu.wait_indirect_dma semaphore(%arg14 : memref<!tpu.dma_semaphore, #tpu.memory_space<semaphore_mem>>) src(%dma_wait3A_499 : memref<10000x128xf32, #tpu.memory_space<hbm>>) dst(%arg12 : memref<128x128xf32, #tpu.memory_space<vmem>>)
      %dma_start3A_500 = arith.constant 7 : i32
      %dma_start3A_501 = arith.constant 0 : i32
      %dma_start3A_502 = tpu.memref_slice %arg10[%dma_start3A_500, %dma_start3A_501] : memref<8x128xi32, #tpu.memory_space<vmem>> -> memref<1x128xi32, #tpu.memory_space<vmem>>
      %dma_start3A_503 = tpu.memref_squeeze %dma_start3A_502 : memref<1x128xi32, #tpu.memory_space<vmem>> -> memref<128xi32, #tpu.memory_space<vmem>>
      %dma_start3A_504 = arith.constant 0 : i32
      %dma_start3A_505 = arith.constant 0 : i32
      %dma_start3A_506 = tpu.memref_slice %arg13[%dma_start3A_504, %dma_start3A_505] : memref<10240x128xf32, #tpu.memory_space<vmem_shared>> -> memref<10240x128xf32, #tpu.memory_space<vmem_shared>>
      tpu.enqueue_indirect_dma source(%arg12 : memref<128x128xf32, #tpu.memory_space<vmem>>) target(%dma_start3A_506 : memref<10240x128xf32, #tpu.memory_space<vmem_shared>>) offsets(%dma_start3A_503 : memref<128xi32, #tpu.memory_space<vmem>>) semaphore(%arg16 : memref<!tpu.dma_semaphore, #tpu.memory_space<semaphore_mem>>) {add = true}
      %dma_wait3A_507 = arith.constant 6 : i32
      %dma_wait3A_508 = arith.constant 0 : i32
      %dma_wait3A_509 = tpu.memref_slice %arg10[%dma_wait3A_507, %dma_wait3A_508] : memref<8x128xi32, #tpu.memory_space<vmem>> -> memref<1x128xi32, #tpu.memory_space<vmem>>
      %dma_wait3A_510 = tpu.memref_squeeze %dma_wait3A_509 : memref<1x128xi32, #tpu.memory_space<vmem>> -> memref<128xi32, #tpu.memory_space<vmem>>
      %dma_wait3A_511 = arith.constant 0 : i32
      %dma_wait3A_512 = arith.constant 0 : i32
      %dma_wait3A_513 = tpu.memref_slice %arg13[%dma_wait3A_511, %dma_wait3A_512] : memref<10240x128xf32, #tpu.memory_space<vmem_shared>> -> memref<10240x128xf32, #tpu.memory_space<vmem_shared>>
      tpu.wait_indirect_dma semaphore(%arg15 : memref<!tpu.dma_semaphore, #tpu.memory_space<semaphore_mem>>) src(%arg11 : memref<128x128xf32, #tpu.memory_space<vmem>>) dst(%dma_wait3A_513 : memref<10240x128xf32, #tpu.memory_space<vmem_shared>>)
      %dma_wait3A_514 = arith.constant 7 : i32
      %dma_wait3A_515 = arith.constant 0 : i32
      %dma_wait3A_516 = tpu.memref_slice %arg10[%dma_wait3A_514, %dma_wait3A_515] : memref<8x128xi32, #tpu.memory_space<vmem>> -> memref<1x128xi32, #tpu.memory_space<vmem>>
      %dma_wait3A_517 = tpu.memref_squeeze %dma_wait3A_516 : memref<1x128xi32, #tpu.memory_space<vmem>> -> memref<128xi32, #tpu.memory_space<vmem>>
      %dma_wait3A_518 = arith.constant 0 : i32
      %dma_wait3A_519 = arith.constant 0 : i32
      %dma_wait3A_520 = tpu.memref_slice %arg13[%dma_wait3A_518, %dma_wait3A_519] : memref<10240x128xf32, #tpu.memory_space<vmem_shared>> -> memref<10240x128xf32, #tpu.memory_space<vmem_shared>>
      tpu.wait_indirect_dma semaphore(%arg16 : memref<!tpu.dma_semaphore, #tpu.memory_space<semaphore_mem>>) src(%arg12 : memref<128x128xf32, #tpu.memory_space<vmem>>) dst(%dma_wait3A_520 : memref<10240x128xf32, #tpu.memory_space<vmem_shared>>)
      %dma_wait3A_521 = arith.constant 0 : i32
      %dma_wait3A_522 = tpu.memref_slice %arg3[%min3A_274, %dma_wait3A_521] : memref<2560x128xi32, #tpu.memory_space<hbm>> -> memref<8x128xi32, #tpu.memory_space<hbm>>
      %dma_wait3A_523 = arith.constant 0 : i32
      %dma_wait3A_524 = tpu.memref_slice %arg3[%min3A_274, %dma_wait3A_523] : memref<2560x128xi32, #tpu.memory_space<hbm>> -> memref<8x128xi32, #tpu.memory_space<hbm>>
      tpu.wait_dma2 semaphore(%arg17 : memref<!tpu.dma_semaphore, #tpu.memory_space<semaphore_mem>>) src(%dma_wait3A_524 : memref<8x128xi32, #tpu.memory_space<hbm>>) dst(%arg7 : memref<8x128xi32, #tpu.memory_space<vmem>>)
      %dma_wait3A_525 = arith.constant 0 : i32
      %dma_wait3A_526 = tpu.memref_slice %arg4[%min3A_274, %dma_wait3A_525] : memref<2560x128xi32, #tpu.memory_space<hbm>> -> memref<8x128xi32, #tpu.memory_space<hbm>>
      %dma_wait3A_527 = arith.constant 0 : i32
      %dma_wait3A_528 = tpu.memref_slice %arg4[%min3A_274, %dma_wait3A_527] : memref<2560x128xi32, #tpu.memory_space<hbm>> -> memref<8x128xi32, #tpu.memory_space<hbm>>
      tpu.wait_dma2 semaphore(%arg17 : memref<!tpu.dma_semaphore, #tpu.memory_space<semaphore_mem>>) src(%dma_wait3A_528 : memref<8x128xi32, #tpu.memory_space<hbm>>) dst(%arg8 : memref<8x128xi32, #tpu.memory_space<vmem>>)
    }
    %scan3A_32 = arith.constant 5 : i32
    %barrier3A_33 = arith.constant 0 : index
    tpu.barrier barrier_id(%barrier3A_33)
    "tpu.region"() ({
      %run_scoped3A = tpu.sem_alloc : memref<!tpu.dma_semaphore, #tpu.memory_space<semaphore_mem>>
      %dma_start3A_34 = arith.constant 0 : i32
      %dma_start3A_35 = tpu.memref_slice %arg6[%arg0, %mul3A_2, %dma_start3A_34] : memref<2x10240x128xf32, #tpu.memory_space<hbm>> -> memref<1x640x128xf32, #tpu.memory_space<hbm>>
      %dma_start3A_36 = tpu.memref_squeeze %dma_start3A_35 : memref<1x640x128xf32, #tpu.memory_space<hbm>> -> memref<640x128xf32, #tpu.memory_space<hbm>>
      %dma_start3A_37 = arith.constant 0 : i32
      %dma_start3A_38 = tpu.memref_slice %arg13[%mul3A_2, %dma_start3A_37] : memref<10240x128xf32, #tpu.memory_space<vmem_shared>> -> memref<640x128xf32, #tpu.memory_space<vmem_shared>>
      tpu.enqueue_dma source(%dma_start3A_38 : memref<640x128xf32, #tpu.memory_space<vmem_shared>>) target(%dma_start3A_36 : memref<640x128xf32, #tpu.memory_space<hbm>>) target_semaphore(%run_scoped3A : memref<!tpu.dma_semaphore, #tpu.memory_space<semaphore_mem>>)
      %dma_wait3A_39 = arith.constant 0 : i32
      %dma_wait3A_40 = tpu.memref_slice %arg6[%arg0, %mul3A_2, %dma_wait3A_39] : memref<2x10240x128xf32, #tpu.memory_space<hbm>> -> memref<1x640x128xf32, #tpu.memory_space<hbm>>
      %dma_wait3A_41 = tpu.memref_squeeze %dma_wait3A_40 : memref<1x640x128xf32, #tpu.memory_space<hbm>> -> memref<640x128xf32, #tpu.memory_space<hbm>>
      %dma_wait3A_42 = arith.constant 0 : i32
      %dma_wait3A_43 = tpu.memref_slice %arg13[%mul3A_2, %dma_wait3A_42] : memref<10240x128xf32, #tpu.memory_space<vmem_shared>> -> memref<640x128xf32, #tpu.memory_space<vmem_shared>>
      tpu.wait_dma2 semaphore(%run_scoped3A : memref<!tpu.dma_semaphore, #tpu.memory_space<semaphore_mem>>) src(%dma_wait3A_43 : memref<640x128xf32, #tpu.memory_space<vmem_shared>>) dst(%dma_wait3A_41 : memref<640x128xf32, #tpu.memory_space<hbm>>)
      tpu.yield
    }) : () -> ()
    return
  }
}

#map = affine_map<(d0, d1) -> (0, 0)>
#map1 = affine_map<(d0, d1) -> (0, 0, 0)>
module attributes {stable_mosaic.version = 14 : i64} {
  func.func @_sc_segment_sum(%arg0: i32, %arg1: i32, %arg2: memref<10000x128xf32, #tpu.memory_space<hbm>>, %arg3: memref<2560x128xi32, #tpu.memory_space<hbm>>, %arg4: memref<2560x128xi32, #tpu.memory_space<hbm>>, %arg5: memref<128x128xf32, #tpu.memory_space<hbm>>, %arg6: memref<2x10240x128xf32, #tpu.memory_space<hbm>>, %arg7: memref<8x128xi32, #tpu.memory_space<vmem>>, %arg8: memref<8x128xi32, #tpu.memory_space<vmem>>, %arg9: memref<8x128xi32, #tpu.memory_space<vmem>>, %arg10: memref<8x128xi32, #tpu.memory_space<vmem>>, %arg11: memref<128x128xf32, #tpu.memory_space<vmem>>, %arg12: memref<128x128xf32, #tpu.memory_space<vmem>>, %arg13: memref<10240x128xf32, #tpu.memory_space<vmem_shared>>, %arg14: memref<!tpu.dma_semaphore, #tpu.memory_space<semaphore_mem>>, %arg15: memref<!tpu.dma_semaphore, #tpu.memory_space<semaphore_mem>>, %arg16: memref<!tpu.dma_semaphore, #tpu.memory_space<semaphore_mem>>, %arg17: memref<!tpu.dma_semaphore, #tpu.memory_space<semaphore_mem>>) attributes {dimension_semantics = [#tpu.dimension_semantics<core_parallel>, #tpu.dimension_semantics<subcore_parallel>], iteration_bounds = array<i64: 2, 16>, scalar_prefetch = 0 : i64, scratch_operands = 11 : i64, tpu.core_type = #tpu.core_type<sc_vector_subcore>, window_params = [{transform_indices = #map}, {transform_indices = #map}, {transform_indices = #map}, {transform_indices = #map}, {transform_indices = #map1}]} {
    %mul3A = arith.constant 2 : i32
    %mul3A_0 = arith.muli %arg1, %mul3A : i32
    %add3A = arith.addi %mul3A_0, %arg0 : i32
    %mul3A_1 = arith.constant 640 : i32
    %mul3A_2 = arith.muli %arg1, %mul3A_1 : i32
    %mul3A_3 = arith.constant 80 : i32
    %mul3A_4 = arith.muli %add3A, %mul3A_3 : i32
    %dma_start3A = arith.constant 0 : i32
    %dma_start3A_5 = tpu.memref_slice %arg3[%mul3A_4, %dma_start3A] : memref<2560x128xi32, #tpu.memory_space<hbm>> -> memref<8x128xi32, #tpu.memory_space<hbm>>
    %dma_start3A_6 = arith.constant 0 : i32
    %dma_start3A_7 = tpu.memref_slice %arg3[%mul3A_4, %dma_start3A_6] : memref<2560x128xi32, #tpu.memory_space<hbm>> -> memref<8x128xi32, #tpu.memory_space<hbm>>
    tpu.enqueue_dma source(%dma_start3A_7 : memref<8x128xi32, #tpu.memory_space<hbm>>) target(%arg7 : memref<8x128xi32, #tpu.memory_space<vmem>>) target_semaphore(%arg17 : memref<!tpu.dma_semaphore, #tpu.memory_space<semaphore_mem>>)
    %dma_start3A_8 = arith.constant 0 : i32
    %dma_start3A_9 = tpu.memref_slice %arg4[%mul3A_4, %dma_start3A_8] : memref<2560x128xi32, #tpu.memory_space<hbm>> -> memref<8x128xi32, #tpu.memory_space<hbm>>
    %dma_start3A_10 = arith.constant 0 : i32
    %dma_start3A_11 = tpu.memref_slice %arg4[%mul3A_4, %dma_start3A_10] : memref<2560x128xi32, #tpu.memory_space<hbm>> -> memref<8x128xi32, #tpu.memory_space<hbm>>
    tpu.enqueue_dma source(%dma_start3A_11 : memref<8x128xi32, #tpu.memory_space<hbm>>) target(%arg8 : memref<8x128xi32, #tpu.memory_space<vmem>>) target_semaphore(%arg17 : memref<!tpu.dma_semaphore, #tpu.memory_space<semaphore_mem>>)
    "tpu.region"() ({
      %run_scoped3A = tpu.sem_alloc : memref<!tpu.dma_semaphore, #tpu.memory_space<semaphore_mem>>
      tpu.enqueue_dma source(%arg5 : memref<128x128xf32, #tpu.memory_space<hbm>>) target(%arg11 : memref<128x128xf32, #tpu.memory_space<vmem>>) target_semaphore(%run_scoped3A : memref<!tpu.dma_semaphore, #tpu.memory_space<semaphore_mem>>)
      tpu.wait_dma2 semaphore(%run_scoped3A : memref<!tpu.dma_semaphore, #tpu.memory_space<semaphore_mem>>) src(%arg5 : memref<128x128xf32, #tpu.memory_space<hbm>>) dst(%arg11 : memref<128x128xf32, #tpu.memory_space<vmem>>)
      tpu.yield
    }) : () -> ()
    %add3A_12 = arith.constant 0 : i32
    %add3A_13 = arith.addi %mul3A_2, %add3A_12 : i32
    "tpu.region"() ({
      %run_scoped3A = tpu.sem_alloc : memref<!tpu.dma_semaphore, #tpu.memory_space<semaphore_mem>>
      %dma_start3A_34 = arith.constant 0 : i32
      %dma_start3A_35 = tpu.memref_slice %arg13[%add3A_13, %dma_start3A_34] : memref<10240x128xf32, #tpu.memory_space<vmem_shared>> -> memref<128x128xf32, #tpu.memory_space<vmem_shared>>
      %dma_start3A_36 = arith.constant 0 : i32
      %dma_start3A_37 = tpu.memref_slice %arg13[%add3A_13, %dma_start3A_36] : memref<10240x128xf32, #tpu.memory_space<vmem_shared>> -> memref<128x128xf32, #tpu.memory_space<vmem_shared>>
      tpu.enqueue_dma source(%arg11 : memref<128x128xf32, #tpu.memory_space<vmem>>) target(%dma_start3A_37 : memref<128x128xf32, #tpu.memory_space<vmem_shared>>) target_semaphore(%run_scoped3A : memref<!tpu.dma_semaphore, #tpu.memory_space<semaphore_mem>>)
      %dma_wait3A_38 = arith.constant 0 : i32
      %dma_wait3A_39 = tpu.memref_slice %arg13[%add3A_13, %dma_wait3A_38] : memref<10240x128xf32, #tpu.memory_space<vmem_shared>> -> memref<128x128xf32, #tpu.memory_space<vmem_shared>>
      %dma_wait3A_40 = arith.constant 0 : i32
      %dma_wait3A_41 = tpu.memref_slice %arg13[%add3A_13, %dma_wait3A_40] : memref<10240x128xf32, #tpu.memory_space<vmem_shared>> -> memref<128x128xf32, #tpu.memory_space<vmem_shared>>
      tpu.wait_dma2 semaphore(%run_scoped3A : memref<!tpu.dma_semaphore, #tpu.memory_space<semaphore_mem>>) src(%arg11 : memref<128x128xf32, #tpu.memory_space<vmem>>) dst(%dma_wait3A_41 : memref<128x128xf32, #tpu.memory_space<vmem_shared>>)
      tpu.yield
    }) : () -> ()
    %add3A_14 = arith.constant 128 : i32
    %add3A_15 = arith.addi %mul3A_2, %add3A_14 : i32
    "tpu.region"() ({
      %run_scoped3A = tpu.sem_alloc : memref<!tpu.dma_semaphore, #tpu.memory_space<semaphore_mem>>
      %dma_start3A_34 = arith.constant 0 : i32
      %dma_start3A_35 = tpu.memref_slice %arg13[%add3A_15, %dma_start3A_34] : memref<10240x128xf32, #tpu.memory_space<vmem_shared>> -> memref<128x128xf32, #tpu.memory_space<vmem_shared>>
      %dma_start3A_36 = arith.constant 0 : i32
      %dma_start3A_37 = tpu.memref_slice %arg13[%add3A_15, %dma_start3A_36] : memref<10240x128xf32, #tpu.memory_space<vmem_shared>> -> memref<128x128xf32, #tpu.memory_space<vmem_shared>>
      tpu.enqueue_dma source(%arg11 : memref<128x128xf32, #tpu.memory_space<vmem>>) target(%dma_start3A_37 : memref<128x128xf32, #tpu.memory_space<vmem_shared>>) target_semaphore(%run_scoped3A : memref<!tpu.dma_semaphore, #tpu.memory_space<semaphore_mem>>)
      %dma_wait3A_38 = arith.constant 0 : i32
      %dma_wait3A_39 = tpu.memref_slice %arg13[%add3A_15, %dma_wait3A_38] : memref<10240x128xf32, #tpu.memory_space<vmem_shared>> -> memref<128x128xf32, #tpu.memory_space<vmem_shared>>
      %dma_wait3A_40 = arith.constant 0 : i32
      %dma_wait3A_41 = tpu.memref_slice %arg13[%add3A_15, %dma_wait3A_40] : memref<10240x128xf32, #tpu.memory_space<vmem_shared>> -> memref<128x128xf32, #tpu.memory_space<vmem_shared>>
      tpu.wait_dma2 semaphore(%run_scoped3A : memref<!tpu.dma_semaphore, #tpu.memory_space<semaphore_mem>>) src(%arg11 : memref<128x128xf32, #tpu.memory_space<vmem>>) dst(%dma_wait3A_41 : memref<128x128xf32, #tpu.memory_space<vmem_shared>>)
      tpu.yield
    }) : () -> ()
    %add3A_16 = arith.constant 256 : i32
    %add3A_17 = arith.addi %mul3A_2, %add3A_16 : i32
    "tpu.region"() ({
      %run_scoped3A = tpu.sem_alloc : memref<!tpu.dma_semaphore, #tpu.memory_space<semaphore_mem>>
      %dma_start3A_34 = arith.constant 0 : i32
      %dma_start3A_35 = tpu.memref_slice %arg13[%add3A_17, %dma_start3A_34] : memref<10240x128xf32, #tpu.memory_space<vmem_shared>> -> memref<128x128xf32, #tpu.memory_space<vmem_shared>>
      %dma_start3A_36 = arith.constant 0 : i32
      %dma_start3A_37 = tpu.memref_slice %arg13[%add3A_17, %dma_start3A_36] : memref<10240x128xf32, #tpu.memory_space<vmem_shared>> -> memref<128x128xf32, #tpu.memory_space<vmem_shared>>
      tpu.enqueue_dma source(%arg11 : memref<128x128xf32, #tpu.memory_space<vmem>>) target(%dma_start3A_37 : memref<128x128xf32, #tpu.memory_space<vmem_shared>>) target_semaphore(%run_scoped3A : memref<!tpu.dma_semaphore, #tpu.memory_space<semaphore_mem>>)
      %dma_wait3A_38 = arith.constant 0 : i32
      %dma_wait3A_39 = tpu.memref_slice %arg13[%add3A_17, %dma_wait3A_38] : memref<10240x128xf32, #tpu.memory_space<vmem_shared>> -> memref<128x128xf32, #tpu.memory_space<vmem_shared>>
      %dma_wait3A_40 = arith.constant 0 : i32
      %dma_wait3A_41 = tpu.memref_slice %arg13[%add3A_17, %dma_wait3A_40] : memref<10240x128xf32, #tpu.memory_space<vmem_shared>> -> memref<128x128xf32, #tpu.memory_space<vmem_shared>>
      tpu.wait_dma2 semaphore(%run_scoped3A : memref<!tpu.dma_semaphore, #tpu.memory_space<semaphore_mem>>) src(%arg11 : memref<128x128xf32, #tpu.memory_space<vmem>>) dst(%dma_wait3A_41 : memref<128x128xf32, #tpu.memory_space<vmem_shared>>)
      tpu.yield
    }) : () -> ()
    %add3A_18 = arith.constant 384 : i32
    %add3A_19 = arith.addi %mul3A_2, %add3A_18 : i32
    "tpu.region"() ({
      %run_scoped3A = tpu.sem_alloc : memref<!tpu.dma_semaphore, #tpu.memory_space<semaphore_mem>>
      %dma_start3A_34 = arith.constant 0 : i32
      %dma_start3A_35 = tpu.memref_slice %arg13[%add3A_19, %dma_start3A_34] : memref<10240x128xf32, #tpu.memory_space<vmem_shared>> -> memref<128x128xf32, #tpu.memory_space<vmem_shared>>
      %dma_start3A_36 = arith.constant 0 : i32
      %dma_start3A_37 = tpu.memref_slice %arg13[%add3A_19, %dma_start3A_36] : memref<10240x128xf32, #tpu.memory_space<vmem_shared>> -> memref<128x128xf32, #tpu.memory_space<vmem_shared>>
      tpu.enqueue_dma source(%arg11 : memref<128x128xf32, #tpu.memory_space<vmem>>) target(%dma_start3A_37 : memref<128x128xf32, #tpu.memory_space<vmem_shared>>) target_semaphore(%run_scoped3A : memref<!tpu.dma_semaphore, #tpu.memory_space<semaphore_mem>>)
      %dma_wait3A_38 = arith.constant 0 : i32
      %dma_wait3A_39 = tpu.memref_slice %arg13[%add3A_19, %dma_wait3A_38] : memref<10240x128xf32, #tpu.memory_space<vmem_shared>> -> memref<128x128xf32, #tpu.memory_space<vmem_shared>>
      %dma_wait3A_40 = arith.constant 0 : i32
      %dma_wait3A_41 = tpu.memref_slice %arg13[%add3A_19, %dma_wait3A_40] : memref<10240x128xf32, #tpu.memory_space<vmem_shared>> -> memref<128x128xf32, #tpu.memory_space<vmem_shared>>
      tpu.wait_dma2 semaphore(%run_scoped3A : memref<!tpu.dma_semaphore, #tpu.memory_space<semaphore_mem>>) src(%arg11 : memref<128x128xf32, #tpu.memory_space<vmem>>) dst(%dma_wait3A_41 : memref<128x128xf32, #tpu.memory_space<vmem_shared>>)
      tpu.yield
    }) : () -> ()
    %add3A_20 = arith.constant 512 : i32
    %add3A_21 = arith.addi %mul3A_2, %add3A_20 : i32
    "tpu.region"() ({
      %run_scoped3A = tpu.sem_alloc : memref<!tpu.dma_semaphore, #tpu.memory_space<semaphore_mem>>
      %dma_start3A_34 = arith.constant 0 : i32
      %dma_start3A_35 = tpu.memref_slice %arg13[%add3A_21, %dma_start3A_34] : memref<10240x128xf32, #tpu.memory_space<vmem_shared>> -> memref<128x128xf32, #tpu.memory_space<vmem_shared>>
      %dma_start3A_36 = arith.constant 0 : i32
      %dma_start3A_37 = tpu.memref_slice %arg13[%add3A_21, %dma_start3A_36] : memref<10240x128xf32, #tpu.memory_space<vmem_shared>> -> memref<128x128xf32, #tpu.memory_space<vmem_shared>>
      tpu.enqueue_dma source(%arg11 : memref<128x128xf32, #tpu.memory_space<vmem>>) target(%dma_start3A_37 : memref<128x128xf32, #tpu.memory_space<vmem_shared>>) target_semaphore(%run_scoped3A : memref<!tpu.dma_semaphore, #tpu.memory_space<semaphore_mem>>)
      %dma_wait3A_38 = arith.constant 0 : i32
      %dma_wait3A_39 = tpu.memref_slice %arg13[%add3A_21, %dma_wait3A_38] : memref<10240x128xf32, #tpu.memory_space<vmem_shared>> -> memref<128x128xf32, #tpu.memory_space<vmem_shared>>
      %dma_wait3A_40 = arith.constant 0 : i32
      %dma_wait3A_41 = tpu.memref_slice %arg13[%add3A_21, %dma_wait3A_40] : memref<10240x128xf32, #tpu.memory_space<vmem_shared>> -> memref<128x128xf32, #tpu.memory_space<vmem_shared>>
      tpu.wait_dma2 semaphore(%run_scoped3A : memref<!tpu.dma_semaphore, #tpu.memory_space<semaphore_mem>>) src(%arg11 : memref<128x128xf32, #tpu.memory_space<vmem>>) dst(%dma_wait3A_41 : memref<128x128xf32, #tpu.memory_space<vmem_shared>>)
      tpu.yield
    }) : () -> ()
    %barrier3A = arith.constant 0 : index
    tpu.barrier barrier_id(%barrier3A)
    %dma_wait3A = arith.constant 0 : i32
    %dma_wait3A_22 = tpu.memref_slice %arg3[%mul3A_4, %dma_wait3A] : memref<2560x128xi32, #tpu.memory_space<hbm>> -> memref<8x128xi32, #tpu.memory_space<hbm>>
    %dma_wait3A_23 = arith.constant 0 : i32
    %dma_wait3A_24 = tpu.memref_slice %arg3[%mul3A_4, %dma_wait3A_23] : memref<2560x128xi32, #tpu.memory_space<hbm>> -> memref<8x128xi32, #tpu.memory_space<hbm>>
    tpu.wait_dma2 semaphore(%arg17 : memref<!tpu.dma_semaphore, #tpu.memory_space<semaphore_mem>>) src(%dma_wait3A_24 : memref<8x128xi32, #tpu.memory_space<hbm>>) dst(%arg7 : memref<8x128xi32, #tpu.memory_space<vmem>>)
    %dma_wait3A_25 = arith.constant 0 : i32
    %dma_wait3A_26 = tpu.memref_slice %arg4[%mul3A_4, %dma_wait3A_25] : memref<2560x128xi32, #tpu.memory_space<hbm>> -> memref<8x128xi32, #tpu.memory_space<hbm>>
    %dma_wait3A_27 = arith.constant 0 : i32
    %dma_wait3A_28 = tpu.memref_slice %arg4[%mul3A_4, %dma_wait3A_27] : memref<2560x128xi32, #tpu.memory_space<hbm>> -> memref<8x128xi32, #tpu.memory_space<hbm>>
    tpu.wait_dma2 semaphore(%arg17 : memref<!tpu.dma_semaphore, #tpu.memory_space<semaphore_mem>>) src(%dma_wait3A_28 : memref<8x128xi32, #tpu.memory_space<hbm>>) dst(%arg8 : memref<8x128xi32, #tpu.memory_space<vmem>>)
    %scan3A = arith.constant 0 : i32
    %scan3A_29 = arith.constant 5 : i32
    %scan3A_30 = arith.addi %scan3A, %scan3A_29 : i32
    %scan3A_31 = arith.constant 1 : i32
    scf.for %scan3A_34 = %scan3A to %scan3A_30 step %scan3A_31  : i32 {
      %mul3A_35 = arith.constant 16 : i32
      %mul3A_36 = arith.muli %scan3A_34, %mul3A_35 : i32
      %add3A_37 = arith.constant 0 : i32
      %add3A_38 = arith.addi %add3A_37, %mul3A_36 : i32
      %add3A_39 = arith.addi %mul3A_4, %add3A_38 : i32
      %add3A_40 = arith.constant 8 : i32
      %add3A_41 = arith.addi %add3A_39, %add3A_40 : i32
      %dma_start3A_42 = arith.constant 0 : i32
      %dma_start3A_43 = tpu.memref_slice %arg3[%add3A_41, %dma_start3A_42] : memref<2560x128xi32, #tpu.memory_space<hbm>> -> memref<8x128xi32, #tpu.memory_space<hbm>>
      %dma_start3A_44 = arith.constant 0 : i32
      %dma_start3A_45 = tpu.memref_slice %arg3[%add3A_41, %dma_start3A_44] : memref<2560x128xi32, #tpu.memory_space<hbm>> -> memref<8x128xi32, #tpu.memory_space<hbm>>
      tpu.enqueue_dma source(%dma_start3A_45 : memref<8x128xi32, #tpu.memory_space<hbm>>) target(%arg9 : memref<8x128xi32, #tpu.memory_space<vmem>>) target_semaphore(%arg17 : memref<!tpu.dma_semaphore, #tpu.memory_space<semaphore_mem>>)
      %add3A_46 = arith.addi %mul3A_4, %add3A_38 : i32
      %add3A_47 = arith.constant 8 : i32
      %add3A_48 = arith.addi %add3A_46, %add3A_47 : i32
      %dma_start3A_49 = arith.constant 0 : i32
      %dma_start3A_50 = tpu.memref_slice %arg4[%add3A_48, %dma_start3A_49] : memref<2560x128xi32, #tpu.memory_space<hbm>> -> memref<8x128xi32, #tpu.memory_space<hbm>>
      %dma_start3A_51 = arith.constant 0 : i32
      %dma_start3A_52 = tpu.memref_slice %arg4[%add3A_48, %dma_start3A_51] : memref<2560x128xi32, #tpu.memory_space<hbm>> -> memref<8x128xi32, #tpu.memory_space<hbm>>
      tpu.enqueue_dma source(%dma_start3A_52 : memref<8x128xi32, #tpu.memory_space<hbm>>) target(%arg10 : memref<8x128xi32, #tpu.memory_space<vmem>>) target_semaphore(%arg17 : memref<!tpu.dma_semaphore, #tpu.memory_space<semaphore_mem>>)
      %dma_start3A_53 = arith.constant 0 : i32
      %dma_start3A_54 = arith.constant 0 : i32
      %dma_start3A_55 = tpu.memref_slice %arg7[%dma_start3A_53, %dma_start3A_54] : memref<8x128xi32, #tpu.memory_space<vmem>> -> memref<1x128xi32, #tpu.memory_space<vmem>>
      %dma_start3A_56 = tpu.memref_squeeze %dma_start3A_55 : memref<1x128xi32, #tpu.memory_space<vmem>> -> memref<128xi32, #tpu.memory_space<vmem>>
      %dma_start3A_57 = arith.constant 0 : i32
      %dma_start3A_58 = arith.constant 0 : i32
      %dma_start3A_59 = tpu.memref_slice %arg2[%dma_start3A_57, %dma_start3A_58] : memref<10000x128xf32, #tpu.memory_space<hbm>> -> memref<10000x128xf32, #tpu.memory_space<hbm>>
      tpu.enqueue_indirect_dma source(%dma_start3A_59 : memref<10000x128xf32, #tpu.memory_space<hbm>>) target(%arg11 : memref<128x128xf32, #tpu.memory_space<vmem>>) offsets(%dma_start3A_56 : memref<128xi32, #tpu.memory_space<vmem>>) semaphore(%arg14 : memref<!tpu.dma_semaphore, #tpu.memory_space<semaphore_mem>>)
      %dma_wait3A_60 = arith.constant 0 : i32
      %dma_wait3A_61 = arith.constant 0 : i32
      %dma_wait3A_62 = tpu.memref_slice %arg7[%dma_wait3A_60, %dma_wait3A_61] : memref<8x128xi32, #tpu.memory_space<vmem>> -> memref<1x128xi32, #tpu.memory_space<vmem>>
      %dma_wait3A_63 = tpu.memref_squeeze %dma_wait3A_62 : memref<1x128xi32, #tpu.memory_space<vmem>> -> memref<128xi32, #tpu.memory_space<vmem>>
      %dma_wait3A_64 = arith.constant 0 : i32
      %dma_wait3A_65 = arith.constant 0 : i32
      %dma_wait3A_66 = tpu.memref_slice %arg2[%dma_wait3A_64, %dma_wait3A_65] : memref<10000x128xf32, #tpu.memory_space<hbm>> -> memref<10000x128xf32, #tpu.memory_space<hbm>>
      tpu.wait_indirect_dma semaphore(%arg14 : memref<!tpu.dma_semaphore, #tpu.memory_space<semaphore_mem>>) src(%dma_wait3A_66 : memref<10000x128xf32, #tpu.memory_space<hbm>>) dst(%arg11 : memref<128x128xf32, #tpu.memory_space<vmem>>)
      %dma_start3A_67 = arith.constant 0 : i32
      %dma_start3A_68 = arith.constant 0 : i32
      %dma_start3A_69 = tpu.memref_slice %arg8[%dma_start3A_67, %dma_start3A_68] : memref<8x128xi32, #tpu.memory_space<vmem>> -> memref<1x128xi32, #tpu.memory_space<vmem>>
      %dma_start3A_70 = tpu.memref_squeeze %dma_start3A_69 : memref<1x128xi32, #tpu.memory_space<vmem>> -> memref<128xi32, #tpu.memory_space<vmem>>
      %dma_start3A_71 = arith.constant 0 : i32
      %dma_start3A_72 = arith.constant 0 : i32
      %dma_start3A_73 = tpu.memref_slice %arg13[%dma_start3A_71, %dma_start3A_72] : memref<10240x128xf32, #tpu.memory_space<vmem_shared>> -> memref<10240x128xf32, #tpu.memory_space<vmem_shared>>
      tpu.enqueue_indirect_dma source(%arg11 : memref<128x128xf32, #tpu.memory_space<vmem>>) target(%dma_start3A_73 : memref<10240x128xf32, #tpu.memory_space<vmem_shared>>) offsets(%dma_start3A_70 : memref<128xi32, #tpu.memory_space<vmem>>) semaphore(%arg15 : memref<!tpu.dma_semaphore, #tpu.memory_space<semaphore_mem>>) {add = true}
      %dma_start3A_74 = arith.constant 1 : i32
      %dma_start3A_75 = arith.constant 0 : i32
      %dma_start3A_76 = tpu.memref_slice %arg7[%dma_start3A_74, %dma_start3A_75] : memref<8x128xi32, #tpu.memory_space<vmem>> -> memref<1x128xi32, #tpu.memory_space<vmem>>
      %dma_start3A_77 = tpu.memref_squeeze %dma_start3A_76 : memref<1x128xi32, #tpu.memory_space<vmem>> -> memref<128xi32, #tpu.memory_space<vmem>>
      %dma_start3A_78 = arith.constant 0 : i32
      %dma_start3A_79 = arith.constant 0 : i32
      %dma_start3A_80 = tpu.memref_slice %arg2[%dma_start3A_78, %dma_start3A_79] : memref<10000x128xf32, #tpu.memory_space<hbm>> -> memref<10000x128xf32, #tpu.memory_space<hbm>>
      tpu.enqueue_indirect_dma source(%dma_start3A_80 : memref<10000x128xf32, #tpu.memory_space<hbm>>) target(%arg12 : memref<128x128xf32, #tpu.memory_space<vmem>>) offsets(%dma_start3A_77 : memref<128xi32, #tpu.memory_space<vmem>>) semaphore(%arg14 : memref<!tpu.dma_semaphore, #tpu.memory_space<semaphore_mem>>)
      %dma_wait3A_81 = arith.constant 1 : i32
      %dma_wait3A_82 = arith.constant 0 : i32
      %dma_wait3A_83 = tpu.memref_slice %arg7[%dma_wait3A_81, %dma_wait3A_82] : memref<8x128xi32, #tpu.memory_space<vmem>> -> memref<1x128xi32, #tpu.memory_space<vmem>>
      %dma_wait3A_84 = tpu.memref_squeeze %dma_wait3A_83 : memref<1x128xi32, #tpu.memory_space<vmem>> -> memref<128xi32, #tpu.memory_space<vmem>>
      %dma_wait3A_85 = arith.constant 0 : i32
      %dma_wait3A_86 = arith.constant 0 : i32
      %dma_wait3A_87 = tpu.memref_slice %arg2[%dma_wait3A_85, %dma_wait3A_86] : memref<10000x128xf32, #tpu.memory_space<hbm>> -> memref<10000x128xf32, #tpu.memory_space<hbm>>
      tpu.wait_indirect_dma semaphore(%arg14 : memref<!tpu.dma_semaphore, #tpu.memory_space<semaphore_mem>>) src(%dma_wait3A_87 : memref<10000x128xf32, #tpu.memory_space<hbm>>) dst(%arg12 : memref<128x128xf32, #tpu.memory_space<vmem>>)
      %dma_start3A_88 = arith.constant 1 : i32
      %dma_start3A_89 = arith.constant 0 : i32
      %dma_start3A_90 = tpu.memref_slice %arg8[%dma_start3A_88, %dma_start3A_89] : memref<8x128xi32, #tpu.memory_space<vmem>> -> memref<1x128xi32, #tpu.memory_space<vmem>>
      %dma_start3A_91 = tpu.memref_squeeze %dma_start3A_90 : memref<1x128xi32, #tpu.memory_space<vmem>> -> memref<128xi32, #tpu.memory_space<vmem>>
      %dma_start3A_92 = arith.constant 0 : i32
      %dma_start3A_93 = arith.constant 0 : i32
      %dma_start3A_94 = tpu.memref_slice %arg13[%dma_start3A_92, %dma_start3A_93] : memref<10240x128xf32, #tpu.memory_space<vmem_shared>> -> memref<10240x128xf32, #tpu.memory_space<vmem_shared>>
      tpu.enqueue_indirect_dma source(%arg12 : memref<128x128xf32, #tpu.memory_space<vmem>>) target(%dma_start3A_94 : memref<10240x128xf32, #tpu.memory_space<vmem_shared>>) offsets(%dma_start3A_91 : memref<128xi32, #tpu.memory_space<vmem>>) semaphore(%arg16 : memref<!tpu.dma_semaphore, #tpu.memory_space<semaphore_mem>>) {add = true}
      %dma_wait3A_95 = arith.constant 0 : i32
      %dma_wait3A_96 = arith.constant 0 : i32
      %dma_wait3A_97 = tpu.memref_slice %arg8[%dma_wait3A_95, %dma_wait3A_96] : memref<8x128xi32, #tpu.memory_space<vmem>> -> memref<1x128xi32, #tpu.memory_space<vmem>>
      %dma_wait3A_98 = tpu.memref_squeeze %dma_wait3A_97 : memref<1x128xi32, #tpu.memory_space<vmem>> -> memref<128xi32, #tpu.memory_space<vmem>>
      %dma_wait3A_99 = arith.constant 0 : i32
      %dma_wait3A_100 = arith.constant 0 : i32
      %dma_wait3A_101 = tpu.memref_slice %arg13[%dma_wait3A_99, %dma_wait3A_100] : memref<10240x128xf32, #tpu.memory_space<vmem_shared>> -> memref<10240x128xf32, #tpu.memory_space<vmem_shared>>
      tpu.wait_indirect_dma semaphore(%arg15 : memref<!tpu.dma_semaphore, #tpu.memory_space<semaphore_mem>>) src(%arg11 : memref<128x128xf32, #tpu.memory_space<vmem>>) dst(%dma_wait3A_101 : memref<10240x128xf32, #tpu.memory_space<vmem_shared>>)
      %dma_start3A_102 = arith.constant 2 : i32
      %dma_start3A_103 = arith.constant 0 : i32
      %dma_start3A_104 = tpu.memref_slice %arg7[%dma_start3A_102, %dma_start3A_103] : memref<8x128xi32, #tpu.memory_space<vmem>> -> memref<1x128xi32, #tpu.memory_space<vmem>>
      %dma_start3A_105 = tpu.memref_squeeze %dma_start3A_104 : memref<1x128xi32, #tpu.memory_space<vmem>> -> memref<128xi32, #tpu.memory_space<vmem>>
      %dma_start3A_106 = arith.constant 0 : i32
      %dma_start3A_107 = arith.constant 0 : i32
      %dma_start3A_108 = tpu.memref_slice %arg2[%dma_start3A_106, %dma_start3A_107] : memref<10000x128xf32, #tpu.memory_space<hbm>> -> memref<10000x128xf32, #tpu.memory_space<hbm>>
      tpu.enqueue_indirect_dma source(%dma_start3A_108 : memref<10000x128xf32, #tpu.memory_space<hbm>>) target(%arg11 : memref<128x128xf32, #tpu.memory_space<vmem>>) offsets(%dma_start3A_105 : memref<128xi32, #tpu.memory_space<vmem>>) semaphore(%arg14 : memref<!tpu.dma_semaphore, #tpu.memory_space<semaphore_mem>>)
      %dma_wait3A_109 = arith.constant 2 : i32
      %dma_wait3A_110 = arith.constant 0 : i32
      %dma_wait3A_111 = tpu.memref_slice %arg7[%dma_wait3A_109, %dma_wait3A_110] : memref<8x128xi32, #tpu.memory_space<vmem>> -> memref<1x128xi32, #tpu.memory_space<vmem>>
      %dma_wait3A_112 = tpu.memref_squeeze %dma_wait3A_111 : memref<1x128xi32, #tpu.memory_space<vmem>> -> memref<128xi32, #tpu.memory_space<vmem>>
      %dma_wait3A_113 = arith.constant 0 : i32
      %dma_wait3A_114 = arith.constant 0 : i32
      %dma_wait3A_115 = tpu.memref_slice %arg2[%dma_wait3A_113, %dma_wait3A_114] : memref<10000x128xf32, #tpu.memory_space<hbm>> -> memref<10000x128xf32, #tpu.memory_space<hbm>>
      tpu.wait_indirect_dma semaphore(%arg14 : memref<!tpu.dma_semaphore, #tpu.memory_space<semaphore_mem>>) src(%dma_wait3A_115 : memref<10000x128xf32, #tpu.memory_space<hbm>>) dst(%arg11 : memref<128x128xf32, #tpu.memory_space<vmem>>)
      %dma_start3A_116 = arith.constant 2 : i32
      %dma_start3A_117 = arith.constant 0 : i32
      %dma_start3A_118 = tpu.memref_slice %arg8[%dma_start3A_116, %dma_start3A_117] : memref<8x128xi32, #tpu.memory_space<vmem>> -> memref<1x128xi32, #tpu.memory_space<vmem>>
      %dma_start3A_119 = tpu.memref_squeeze %dma_start3A_118 : memref<1x128xi32, #tpu.memory_space<vmem>> -> memref<128xi32, #tpu.memory_space<vmem>>
      %dma_start3A_120 = arith.constant 0 : i32
      %dma_start3A_121 = arith.constant 0 : i32
      %dma_start3A_122 = tpu.memref_slice %arg13[%dma_start3A_120, %dma_start3A_121] : memref<10240x128xf32, #tpu.memory_space<vmem_shared>> -> memref<10240x128xf32, #tpu.memory_space<vmem_shared>>
      tpu.enqueue_indirect_dma source(%arg11 : memref<128x128xf32, #tpu.memory_space<vmem>>) target(%dma_start3A_122 : memref<10240x128xf32, #tpu.memory_space<vmem_shared>>) offsets(%dma_start3A_119 : memref<128xi32, #tpu.memory_space<vmem>>) semaphore(%arg15 : memref<!tpu.dma_semaphore, #tpu.memory_space<semaphore_mem>>) {add = true}
      %dma_wait3A_123 = arith.constant 1 : i32
      %dma_wait3A_124 = arith.constant 0 : i32
      %dma_wait3A_125 = tpu.memref_slice %arg8[%dma_wait3A_123, %dma_wait3A_124] : memref<8x128xi32, #tpu.memory_space<vmem>> -> memref<1x128xi32, #tpu.memory_space<vmem>>
      %dma_wait3A_126 = tpu.memref_squeeze %dma_wait3A_125 : memref<1x128xi32, #tpu.memory_space<vmem>> -> memref<128xi32, #tpu.memory_space<vmem>>
      %dma_wait3A_127 = arith.constant 0 : i32
      %dma_wait3A_128 = arith.constant 0 : i32
      %dma_wait3A_129 = tpu.memref_slice %arg13[%dma_wait3A_127, %dma_wait3A_128] : memref<10240x128xf32, #tpu.memory_space<vmem_shared>> -> memref<10240x128xf32, #tpu.memory_space<vmem_shared>>
      tpu.wait_indirect_dma semaphore(%arg16 : memref<!tpu.dma_semaphore, #tpu.memory_space<semaphore_mem>>) src(%arg12 : memref<128x128xf32, #tpu.memory_space<vmem>>) dst(%dma_wait3A_129 : memref<10240x128xf32, #tpu.memory_space<vmem_shared>>)
      %dma_start3A_130 = arith.constant 3 : i32
      %dma_start3A_131 = arith.constant 0 : i32
      %dma_start3A_132 = tpu.memref_slice %arg7[%dma_start3A_130, %dma_start3A_131] : memref<8x128xi32, #tpu.memory_space<vmem>> -> memref<1x128xi32, #tpu.memory_space<vmem>>
      %dma_start3A_133 = tpu.memref_squeeze %dma_start3A_132 : memref<1x128xi32, #tpu.memory_space<vmem>> -> memref<128xi32, #tpu.memory_space<vmem>>
      %dma_start3A_134 = arith.constant 0 : i32
      %dma_start3A_135 = arith.constant 0 : i32
      %dma_start3A_136 = tpu.memref_slice %arg2[%dma_start3A_134, %dma_start3A_135] : memref<10000x128xf32, #tpu.memory_space<hbm>> -> memref<10000x128xf32, #tpu.memory_space<hbm>>
      tpu.enqueue_indirect_dma source(%dma_start3A_136 : memref<10000x128xf32, #tpu.memory_space<hbm>>) target(%arg12 : memref<128x128xf32, #tpu.memory_space<vmem>>) offsets(%dma_start3A_133 : memref<128xi32, #tpu.memory_space<vmem>>) semaphore(%arg14 : memref<!tpu.dma_semaphore, #tpu.memory_space<semaphore_mem>>)
      %dma_wait3A_137 = arith.constant 3 : i32
      %dma_wait3A_138 = arith.constant 0 : i32
      %dma_wait3A_139 = tpu.memref_slice %arg7[%dma_wait3A_137, %dma_wait3A_138] : memref<8x128xi32, #tpu.memory_space<vmem>> -> memref<1x128xi32, #tpu.memory_space<vmem>>
      %dma_wait3A_140 = tpu.memref_squeeze %dma_wait3A_139 : memref<1x128xi32, #tpu.memory_space<vmem>> -> memref<128xi32, #tpu.memory_space<vmem>>
      %dma_wait3A_141 = arith.constant 0 : i32
      %dma_wait3A_142 = arith.constant 0 : i32
      %dma_wait3A_143 = tpu.memref_slice %arg2[%dma_wait3A_141, %dma_wait3A_142] : memref<10000x128xf32, #tpu.memory_space<hbm>> -> memref<10000x128xf32, #tpu.memory_space<hbm>>
      tpu.wait_indirect_dma semaphore(%arg14 : memref<!tpu.dma_semaphore, #tpu.memory_space<semaphore_mem>>) src(%dma_wait3A_143 : memref<10000x128xf32, #tpu.memory_space<hbm>>) dst(%arg12 : memref<128x128xf32, #tpu.memory_space<vmem>>)
      %dma_start3A_144 = arith.constant 3 : i32
      %dma_start3A_145 = arith.constant 0 : i32
      %dma_start3A_146 = tpu.memref_slice %arg8[%dma_start3A_144, %dma_start3A_145] : memref<8x128xi32, #tpu.memory_space<vmem>> -> memref<1x128xi32, #tpu.memory_space<vmem>>
      %dma_start3A_147 = tpu.memref_squeeze %dma_start3A_146 : memref<1x128xi32, #tpu.memory_space<vmem>> -> memref<128xi32, #tpu.memory_space<vmem>>
      %dma_start3A_148 = arith.constant 0 : i32
      %dma_start3A_149 = arith.constant 0 : i32
      %dma_start3A_150 = tpu.memref_slice %arg13[%dma_start3A_148, %dma_start3A_149] : memref<10240x128xf32, #tpu.memory_space<vmem_shared>> -> memref<10240x128xf32, #tpu.memory_space<vmem_shared>>
      tpu.enqueue_indirect_dma source(%arg12 : memref<128x128xf32, #tpu.memory_space<vmem>>) target(%dma_start3A_150 : memref<10240x128xf32, #tpu.memory_space<vmem_shared>>) offsets(%dma_start3A_147 : memref<128xi32, #tpu.memory_space<vmem>>) semaphore(%arg16 : memref<!tpu.dma_semaphore, #tpu.memory_space<semaphore_mem>>) {add = true}
      %dma_wait3A_151 = arith.constant 2 : i32
      %dma_wait3A_152 = arith.constant 0 : i32
      %dma_wait3A_153 = tpu.memref_slice %arg8[%dma_wait3A_151, %dma_wait3A_152] : memref<8x128xi32, #tpu.memory_space<vmem>> -> memref<1x128xi32, #tpu.memory_space<vmem>>
      %dma_wait3A_154 = tpu.memref_squeeze %dma_wait3A_153 : memref<1x128xi32, #tpu.memory_space<vmem>> -> memref<128xi32, #tpu.memory_space<vmem>>
      %dma_wait3A_155 = arith.constant 0 : i32
      %dma_wait3A_156 = arith.constant 0 : i32
      %dma_wait3A_157 = tpu.memref_slice %arg13[%dma_wait3A_155, %dma_wait3A_156] : memref<10240x128xf32, #tpu.memory_space<vmem_shared>> -> memref<10240x128xf32, #tpu.memory_space<vmem_shared>>
      tpu.wait_indirect_dma semaphore(%arg15 : memref<!tpu.dma_semaphore, #tpu.memory_space<semaphore_mem>>) src(%arg11 : memref<128x128xf32, #tpu.memory_space<vmem>>) dst(%dma_wait3A_157 : memref<10240x128xf32, #tpu.memory_space<vmem_shared>>)
      %dma_start3A_158 = arith.constant 4 : i32
      %dma_start3A_159 = arith.constant 0 : i32
      %dma_start3A_160 = tpu.memref_slice %arg7[%dma_start3A_158, %dma_start3A_159] : memref<8x128xi32, #tpu.memory_space<vmem>> -> memref<1x128xi32, #tpu.memory_space<vmem>>
      %dma_start3A_161 = tpu.memref_squeeze %dma_start3A_160 : memref<1x128xi32, #tpu.memory_space<vmem>> -> memref<128xi32, #tpu.memory_space<vmem>>
      %dma_start3A_162 = arith.constant 0 : i32
      %dma_start3A_163 = arith.constant 0 : i32
      %dma_start3A_164 = tpu.memref_slice %arg2[%dma_start3A_162, %dma_start3A_163] : memref<10000x128xf32, #tpu.memory_space<hbm>> -> memref<10000x128xf32, #tpu.memory_space<hbm>>
      tpu.enqueue_indirect_dma source(%dma_start3A_164 : memref<10000x128xf32, #tpu.memory_space<hbm>>) target(%arg11 : memref<128x128xf32, #tpu.memory_space<vmem>>) offsets(%dma_start3A_161 : memref<128xi32, #tpu.memory_space<vmem>>) semaphore(%arg14 : memref<!tpu.dma_semaphore, #tpu.memory_space<semaphore_mem>>)
      %dma_wait3A_165 = arith.constant 4 : i32
      %dma_wait3A_166 = arith.constant 0 : i32
      %dma_wait3A_167 = tpu.memref_slice %arg7[%dma_wait3A_165, %dma_wait3A_166] : memref<8x128xi32, #tpu.memory_space<vmem>> -> memref<1x128xi32, #tpu.memory_space<vmem>>
      %dma_wait3A_168 = tpu.memref_squeeze %dma_wait3A_167 : memref<1x128xi32, #tpu.memory_space<vmem>> -> memref<128xi32, #tpu.memory_space<vmem>>
      %dma_wait3A_169 = arith.constant 0 : i32
      %dma_wait3A_170 = arith.constant 0 : i32
      %dma_wait3A_171 = tpu.memref_slice %arg2[%dma_wait3A_169, %dma_wait3A_170] : memref<10000x128xf32, #tpu.memory_space<hbm>> -> memref<10000x128xf32, #tpu.memory_space<hbm>>
      tpu.wait_indirect_dma semaphore(%arg14 : memref<!tpu.dma_semaphore, #tpu.memory_space<semaphore_mem>>) src(%dma_wait3A_171 : memref<10000x128xf32, #tpu.memory_space<hbm>>) dst(%arg11 : memref<128x128xf32, #tpu.memory_space<vmem>>)
      %dma_start3A_172 = arith.constant 4 : i32
      %dma_start3A_173 = arith.constant 0 : i32
      %dma_start3A_174 = tpu.memref_slice %arg8[%dma_start3A_172, %dma_start3A_173] : memref<8x128xi32, #tpu.memory_space<vmem>> -> memref<1x128xi32, #tpu.memory_space<vmem>>
      %dma_start3A_175 = tpu.memref_squeeze %dma_start3A_174 : memref<1x128xi32, #tpu.memory_space<vmem>> -> memref<128xi32, #tpu.memory_space<vmem>>
      %dma_start3A_176 = arith.constant 0 : i32
      %dma_start3A_177 = arith.constant 0 : i32
      %dma_start3A_178 = tpu.memref_slice %arg13[%dma_start3A_176, %dma_start3A_177] : memref<10240x128xf32, #tpu.memory_space<vmem_shared>> -> memref<10240x128xf32, #tpu.memory_space<vmem_shared>>
      tpu.enqueue_indirect_dma source(%arg11 : memref<128x128xf32, #tpu.memory_space<vmem>>) target(%dma_start3A_178 : memref<10240x128xf32, #tpu.memory_space<vmem_shared>>) offsets(%dma_start3A_175 : memref<128xi32, #tpu.memory_space<vmem>>) semaphore(%arg15 : memref<!tpu.dma_semaphore, #tpu.memory_space<semaphore_mem>>) {add = true}
      %dma_wait3A_179 = arith.constant 3 : i32
      %dma_wait3A_180 = arith.constant 0 : i32
      %dma_wait3A_181 = tpu.memref_slice %arg8[%dma_wait3A_179, %dma_wait3A_180] : memref<8x128xi32, #tpu.memory_space<vmem>> -> memref<1x128xi32, #tpu.memory_space<vmem>>
      %dma_wait3A_182 = tpu.memref_squeeze %dma_wait3A_181 : memref<1x128xi32, #tpu.memory_space<vmem>> -> memref<128xi32, #tpu.memory_space<vmem>>
      %dma_wait3A_183 = arith.constant 0 : i32
      %dma_wait3A_184 = arith.constant 0 : i32
      %dma_wait3A_185 = tpu.memref_slice %arg13[%dma_wait3A_183, %dma_wait3A_184] : memref<10240x128xf32, #tpu.memory_space<vmem_shared>> -> memref<10240x128xf32, #tpu.memory_space<vmem_shared>>
      tpu.wait_indirect_dma semaphore(%arg16 : memref<!tpu.dma_semaphore, #tpu.memory_space<semaphore_mem>>) src(%arg12 : memref<128x128xf32, #tpu.memory_space<vmem>>) dst(%dma_wait3A_185 : memref<10240x128xf32, #tpu.memory_space<vmem_shared>>)
      %dma_start3A_186 = arith.constant 5 : i32
      %dma_start3A_187 = arith.constant 0 : i32
      %dma_start3A_188 = tpu.memref_slice %arg7[%dma_start3A_186, %dma_start3A_187] : memref<8x128xi32, #tpu.memory_space<vmem>> -> memref<1x128xi32, #tpu.memory_space<vmem>>
      %dma_start3A_189 = tpu.memref_squeeze %dma_start3A_188 : memref<1x128xi32, #tpu.memory_space<vmem>> -> memref<128xi32, #tpu.memory_space<vmem>>
      %dma_start3A_190 = arith.constant 0 : i32
      %dma_start3A_191 = arith.constant 0 : i32
      %dma_start3A_192 = tpu.memref_slice %arg2[%dma_start3A_190, %dma_start3A_191] : memref<10000x128xf32, #tpu.memory_space<hbm>> -> memref<10000x128xf32, #tpu.memory_space<hbm>>
      tpu.enqueue_indirect_dma source(%dma_start3A_192 : memref<10000x128xf32, #tpu.memory_space<hbm>>) target(%arg12 : memref<128x128xf32, #tpu.memory_space<vmem>>) offsets(%dma_start3A_189 : memref<128xi32, #tpu.memory_space<vmem>>) semaphore(%arg14 : memref<!tpu.dma_semaphore, #tpu.memory_space<semaphore_mem>>)
      %dma_wait3A_193 = arith.constant 5 : i32
      %dma_wait3A_194 = arith.constant 0 : i32
      %dma_wait3A_195 = tpu.memref_slice %arg7[%dma_wait3A_193, %dma_wait3A_194] : memref<8x128xi32, #tpu.memory_space<vmem>> -> memref<1x128xi32, #tpu.memory_space<vmem>>
      %dma_wait3A_196 = tpu.memref_squeeze %dma_wait3A_195 : memref<1x128xi32, #tpu.memory_space<vmem>> -> memref<128xi32, #tpu.memory_space<vmem>>
      %dma_wait3A_197 = arith.constant 0 : i32
      %dma_wait3A_198 = arith.constant 0 : i32
      %dma_wait3A_199 = tpu.memref_slice %arg2[%dma_wait3A_197, %dma_wait3A_198] : memref<10000x128xf32, #tpu.memory_space<hbm>> -> memref<10000x128xf32, #tpu.memory_space<hbm>>
      tpu.wait_indirect_dma semaphore(%arg14 : memref<!tpu.dma_semaphore, #tpu.memory_space<semaphore_mem>>) src(%dma_wait3A_199 : memref<10000x128xf32, #tpu.memory_space<hbm>>) dst(%arg12 : memref<128x128xf32, #tpu.memory_space<vmem>>)
      %dma_start3A_200 = arith.constant 5 : i32
      %dma_start3A_201 = arith.constant 0 : i32
      %dma_start3A_202 = tpu.memref_slice %arg8[%dma_start3A_200, %dma_start3A_201] : memref<8x128xi32, #tpu.memory_space<vmem>> -> memref<1x128xi32, #tpu.memory_space<vmem>>
      %dma_start3A_203 = tpu.memref_squeeze %dma_start3A_202 : memref<1x128xi32, #tpu.memory_space<vmem>> -> memref<128xi32, #tpu.memory_space<vmem>>
      %dma_start3A_204 = arith.constant 0 : i32
      %dma_start3A_205 = arith.constant 0 : i32
      %dma_start3A_206 = tpu.memref_slice %arg13[%dma_start3A_204, %dma_start3A_205] : memref<10240x128xf32, #tpu.memory_space<vmem_shared>> -> memref<10240x128xf32, #tpu.memory_space<vmem_shared>>
      tpu.enqueue_indirect_dma source(%arg12 : memref<128x128xf32, #tpu.memory_space<vmem>>) target(%dma_start3A_206 : memref<10240x128xf32, #tpu.memory_space<vmem_shared>>) offsets(%dma_start3A_203 : memref<128xi32, #tpu.memory_space<vmem>>) semaphore(%arg16 : memref<!tpu.dma_semaphore, #tpu.memory_space<semaphore_mem>>) {add = true}
      %dma_wait3A_207 = arith.constant 4 : i32
      %dma_wait3A_208 = arith.constant 0 : i32
      %dma_wait3A_209 = tpu.memref_slice %arg8[%dma_wait3A_207, %dma_wait3A_208] : memref<8x128xi32, #tpu.memory_space<vmem>> -> memref<1x128xi32, #tpu.memory_space<vmem>>
      %dma_wait3A_210 = tpu.memref_squeeze %dma_wait3A_209 : memref<1x128xi32, #tpu.memory_space<vmem>> -> memref<128xi32, #tpu.memory_space<vmem>>
      %dma_wait3A_211 = arith.constant 0 : i32
      %dma_wait3A_212 = arith.constant 0 : i32
      %dma_wait3A_213 = tpu.memref_slice %arg13[%dma_wait3A_211, %dma_wait3A_212] : memref<10240x128xf32, #tpu.memory_space<vmem_shared>> -> memref<10240x128xf32, #tpu.memory_space<vmem_shared>>
      tpu.wait_indirect_dma semaphore(%arg15 : memref<!tpu.dma_semaphore, #tpu.memory_space<semaphore_mem>>) src(%arg11 : memref<128x128xf32, #tpu.memory_space<vmem>>) dst(%dma_wait3A_213 : memref<10240x128xf32, #tpu.memory_space<vmem_shared>>)
      %dma_start3A_214 = arith.constant 6 : i32
      %dma_start3A_215 = arith.constant 0 : i32
      %dma_start3A_216 = tpu.memref_slice %arg7[%dma_start3A_214, %dma_start3A_215] : memref<8x128xi32, #tpu.memory_space<vmem>> -> memref<1x128xi32, #tpu.memory_space<vmem>>
      %dma_start3A_217 = tpu.memref_squeeze %dma_start3A_216 : memref<1x128xi32, #tpu.memory_space<vmem>> -> memref<128xi32, #tpu.memory_space<vmem>>
      %dma_start3A_218 = arith.constant 0 : i32
      %dma_start3A_219 = arith.constant 0 : i32
      %dma_start3A_220 = tpu.memref_slice %arg2[%dma_start3A_218, %dma_start3A_219] : memref<10000x128xf32, #tpu.memory_space<hbm>> -> memref<10000x128xf32, #tpu.memory_space<hbm>>
      tpu.enqueue_indirect_dma source(%dma_start3A_220 : memref<10000x128xf32, #tpu.memory_space<hbm>>) target(%arg11 : memref<128x128xf32, #tpu.memory_space<vmem>>) offsets(%dma_start3A_217 : memref<128xi32, #tpu.memory_space<vmem>>) semaphore(%arg14 : memref<!tpu.dma_semaphore, #tpu.memory_space<semaphore_mem>>)
      %dma_wait3A_221 = arith.constant 6 : i32
      %dma_wait3A_222 = arith.constant 0 : i32
      %dma_wait3A_223 = tpu.memref_slice %arg7[%dma_wait3A_221, %dma_wait3A_222] : memref<8x128xi32, #tpu.memory_space<vmem>> -> memref<1x128xi32, #tpu.memory_space<vmem>>
      %dma_wait3A_224 = tpu.memref_squeeze %dma_wait3A_223 : memref<1x128xi32, #tpu.memory_space<vmem>> -> memref<128xi32, #tpu.memory_space<vmem>>
      %dma_wait3A_225 = arith.constant 0 : i32
      %dma_wait3A_226 = arith.constant 0 : i32
      %dma_wait3A_227 = tpu.memref_slice %arg2[%dma_wait3A_225, %dma_wait3A_226] : memref<10000x128xf32, #tpu.memory_space<hbm>> -> memref<10000x128xf32, #tpu.memory_space<hbm>>
      tpu.wait_indirect_dma semaphore(%arg14 : memref<!tpu.dma_semaphore, #tpu.memory_space<semaphore_mem>>) src(%dma_wait3A_227 : memref<10000x128xf32, #tpu.memory_space<hbm>>) dst(%arg11 : memref<128x128xf32, #tpu.memory_space<vmem>>)
      %dma_start3A_228 = arith.constant 6 : i32
      %dma_start3A_229 = arith.constant 0 : i32
      %dma_start3A_230 = tpu.memref_slice %arg8[%dma_start3A_228, %dma_start3A_229] : memref<8x128xi32, #tpu.memory_space<vmem>> -> memref<1x128xi32, #tpu.memory_space<vmem>>
      %dma_start3A_231 = tpu.memref_squeeze %dma_start3A_230 : memref<1x128xi32, #tpu.memory_space<vmem>> -> memref<128xi32, #tpu.memory_space<vmem>>
      %dma_start3A_232 = arith.constant 0 : i32
      %dma_start3A_233 = arith.constant 0 : i32
      %dma_start3A_234 = tpu.memref_slice %arg13[%dma_start3A_232, %dma_start3A_233] : memref<10240x128xf32, #tpu.memory_space<vmem_shared>> -> memref<10240x128xf32, #tpu.memory_space<vmem_shared>>
      tpu.enqueue_indirect_dma source(%arg11 : memref<128x128xf32, #tpu.memory_space<vmem>>) target(%dma_start3A_234 : memref<10240x128xf32, #tpu.memory_space<vmem_shared>>) offsets(%dma_start3A_231 : memref<128xi32, #tpu.memory_space<vmem>>) semaphore(%arg15 : memref<!tpu.dma_semaphore, #tpu.memory_space<semaphore_mem>>) {add = true}
      %dma_wait3A_235 = arith.constant 5 : i32
      %dma_wait3A_236 = arith.constant 0 : i32
      %dma_wait3A_237 = tpu.memref_slice %arg8[%dma_wait3A_235, %dma_wait3A_236] : memref<8x128xi32, #tpu.memory_space<vmem>> -> memref<1x128xi32, #tpu.memory_space<vmem>>
      %dma_wait3A_238 = tpu.memref_squeeze %dma_wait3A_237 : memref<1x128xi32, #tpu.memory_space<vmem>> -> memref<128xi32, #tpu.memory_space<vmem>>
      %dma_wait3A_239 = arith.constant 0 : i32
      %dma_wait3A_240 = arith.constant 0 : i32
      %dma_wait3A_241 = tpu.memref_slice %arg13[%dma_wait3A_239, %dma_wait3A_240] : memref<10240x128xf32, #tpu.memory_space<vmem_shared>> -> memref<10240x128xf32, #tpu.memory_space<vmem_shared>>
      tpu.wait_indirect_dma semaphore(%arg16 : memref<!tpu.dma_semaphore, #tpu.memory_space<semaphore_mem>>) src(%arg12 : memref<128x128xf32, #tpu.memory_space<vmem>>) dst(%dma_wait3A_241 : memref<10240x128xf32, #tpu.memory_space<vmem_shared>>)
      %dma_start3A_242 = arith.constant 7 : i32
      %dma_start3A_243 = arith.constant 0 : i32
      %dma_start3A_244 = tpu.memref_slice %arg7[%dma_start3A_242, %dma_start3A_243] : memref<8x128xi32, #tpu.memory_space<vmem>> -> memref<1x128xi32, #tpu.memory_space<vmem>>
      %dma_start3A_245 = tpu.memref_squeeze %dma_start3A_244 : memref<1x128xi32, #tpu.memory_space<vmem>> -> memref<128xi32, #tpu.memory_space<vmem>>
      %dma_start3A_246 = arith.constant 0 : i32
      %dma_start3A_247 = arith.constant 0 : i32
      %dma_start3A_248 = tpu.memref_slice %arg2[%dma_start3A_246, %dma_start3A_247] : memref<10000x128xf32, #tpu.memory_space<hbm>> -> memref<10000x128xf32, #tpu.memory_space<hbm>>
      tpu.enqueue_indirect_dma source(%dma_start3A_248 : memref<10000x128xf32, #tpu.memory_space<hbm>>) target(%arg12 : memref<128x128xf32, #tpu.memory_space<vmem>>) offsets(%dma_start3A_245 : memref<128xi32, #tpu.memory_space<vmem>>) semaphore(%arg14 : memref<!tpu.dma_semaphore, #tpu.memory_space<semaphore_mem>>)
      %dma_wait3A_249 = arith.constant 7 : i32
      %dma_wait3A_250 = arith.constant 0 : i32
      %dma_wait3A_251 = tpu.memref_slice %arg7[%dma_wait3A_249, %dma_wait3A_250] : memref<8x128xi32, #tpu.memory_space<vmem>> -> memref<1x128xi32, #tpu.memory_space<vmem>>
      %dma_wait3A_252 = tpu.memref_squeeze %dma_wait3A_251 : memref<1x128xi32, #tpu.memory_space<vmem>> -> memref<128xi32, #tpu.memory_space<vmem>>
      %dma_wait3A_253 = arith.constant 0 : i32
      %dma_wait3A_254 = arith.constant 0 : i32
      %dma_wait3A_255 = tpu.memref_slice %arg2[%dma_wait3A_253, %dma_wait3A_254] : memref<10000x128xf32, #tpu.memory_space<hbm>> -> memref<10000x128xf32, #tpu.memory_space<hbm>>
      tpu.wait_indirect_dma semaphore(%arg14 : memref<!tpu.dma_semaphore, #tpu.memory_space<semaphore_mem>>) src(%dma_wait3A_255 : memref<10000x128xf32, #tpu.memory_space<hbm>>) dst(%arg12 : memref<128x128xf32, #tpu.memory_space<vmem>>)
      %dma_start3A_256 = arith.constant 7 : i32
      %dma_start3A_257 = arith.constant 0 : i32
      %dma_start3A_258 = tpu.memref_slice %arg8[%dma_start3A_256, %dma_start3A_257] : memref<8x128xi32, #tpu.memory_space<vmem>> -> memref<1x128xi32, #tpu.memory_space<vmem>>
      %dma_start3A_259 = tpu.memref_squeeze %dma_start3A_258 : memref<1x128xi32, #tpu.memory_space<vmem>> -> memref<128xi32, #tpu.memory_space<vmem>>
      %dma_start3A_260 = arith.constant 0 : i32
      %dma_start3A_261 = arith.constant 0 : i32
      %dma_start3A_262 = tpu.memref_slice %arg13[%dma_start3A_260, %dma_start3A_261] : memref<10240x128xf32, #tpu.memory_space<vmem_shared>> -> memref<10240x128xf32, #tpu.memory_space<vmem_shared>>
      tpu.enqueue_indirect_dma source(%arg12 : memref<128x128xf32, #tpu.memory_space<vmem>>) target(%dma_start3A_262 : memref<10240x128xf32, #tpu.memory_space<vmem_shared>>) offsets(%dma_start3A_259 : memref<128xi32, #tpu.memory_space<vmem>>) semaphore(%arg16 : memref<!tpu.dma_semaphore, #tpu.memory_space<semaphore_mem>>) {add = true}
      %dma_wait3A_263 = arith.constant 0 : i32
      %dma_wait3A_264 = tpu.memref_slice %arg3[%add3A_41, %dma_wait3A_263] : memref<2560x128xi32, #tpu.memory_space<hbm>> -> memref<8x128xi32, #tpu.memory_space<hbm>>
      %dma_wait3A_265 = arith.constant 0 : i32
      %dma_wait3A_266 = tpu.memref_slice %arg3[%add3A_41, %dma_wait3A_265] : memref<2560x128xi32, #tpu.memory_space<hbm>> -> memref<8x128xi32, #tpu.memory_space<hbm>>
      tpu.wait_dma2 semaphore(%arg17 : memref<!tpu.dma_semaphore, #tpu.memory_space<semaphore_mem>>) src(%dma_wait3A_266 : memref<8x128xi32, #tpu.memory_space<hbm>>) dst(%arg9 : memref<8x128xi32, #tpu.memory_space<vmem>>)
      %dma_wait3A_267 = arith.constant 0 : i32
      %dma_wait3A_268 = tpu.memref_slice %arg4[%add3A_48, %dma_wait3A_267] : memref<2560x128xi32, #tpu.memory_space<hbm>> -> memref<8x128xi32, #tpu.memory_space<hbm>>
      %dma_wait3A_269 = arith.constant 0 : i32
      %dma_wait3A_270 = tpu.memref_slice %arg4[%add3A_48, %dma_wait3A_269] : memref<2560x128xi32, #tpu.memory_space<hbm>> -> memref<8x128xi32, #tpu.memory_space<hbm>>
      tpu.wait_dma2 semaphore(%arg17 : memref<!tpu.dma_semaphore, #tpu.memory_space<semaphore_mem>>) src(%dma_wait3A_270 : memref<8x128xi32, #tpu.memory_space<hbm>>) dst(%arg10 : memref<8x128xi32, #tpu.memory_space<vmem>>)
      %add3A_271 = arith.addi %mul3A_4, %add3A_38 : i32
      %add3A_272 = arith.constant 16 : i32
      %add3A_273 = arith.addi %add3A_271, %add3A_272 : i32
      %min3A = arith.constant 2552 : i32
      %min3A_274 = arith.minsi %add3A_273, %min3A : i32
      %dma_start3A_275 = arith.constant 0 : i32
      %dma_start3A_276 = tpu.memref_slice %arg3[%min3A_274, %dma_start3A_275] : memref<2560x128xi32, #tpu.memory_space<hbm>> -> memref<8x128xi32, #tpu.memory_space<hbm>>
      %dma_start3A_277 = arith.constant 0 : i32
      %dma_start3A_278 = tpu.memref_slice %arg3[%min3A_274, %dma_start3A_277] : memref<2560x128xi32, #tpu.memory_space<hbm>> -> memref<8x128xi32, #tpu.memory_space<hbm>>
      tpu.enqueue_dma source(%dma_start3A_278 : memref<8x128xi32, #tpu.memory_space<hbm>>) target(%arg7 : memref<8x128xi32, #tpu.memory_space<vmem>>) target_semaphore(%arg17 : memref<!tpu.dma_semaphore, #tpu.memory_space<semaphore_mem>>)
      %dma_start3A_279 = arith.constant 0 : i32
      %dma_start3A_280 = tpu.memref_slice %arg4[%min3A_274, %dma_start3A_279] : memref<2560x128xi32, #tpu.memory_space<hbm>> -> memref<8x128xi32, #tpu.memory_space<hbm>>
      %dma_start3A_281 = arith.constant 0 : i32
      %dma_start3A_282 = tpu.memref_slice %arg4[%min3A_274, %dma_start3A_281] : memref<2560x128xi32, #tpu.memory_space<hbm>> -> memref<8x128xi32, #tpu.memory_space<hbm>>
      tpu.enqueue_dma source(%dma_start3A_282 : memref<8x128xi32, #tpu.memory_space<hbm>>) target(%arg8 : memref<8x128xi32, #tpu.memory_space<vmem>>) target_semaphore(%arg17 : memref<!tpu.dma_semaphore, #tpu.memory_space<semaphore_mem>>)
      %dma_wait3A_283 = arith.constant 6 : i32
      %dma_wait3A_284 = arith.constant 0 : i32
      %dma_wait3A_285 = tpu.memref_slice %arg8[%dma_wait3A_283, %dma_wait3A_284] : memref<8x128xi32, #tpu.memory_space<vmem>> -> memref<1x128xi32, #tpu.memory_space<vmem>>
      %dma_wait3A_286 = tpu.memref_squeeze %dma_wait3A_285 : memref<1x128xi32, #tpu.memory_space<vmem>> -> memref<128xi32, #tpu.memory_space<vmem>>
      %dma_wait3A_287 = arith.constant 0 : i32
      %dma_wait3A_288 = arith.constant 0 : i32
      %dma_wait3A_289 = tpu.memref_slice %arg13[%dma_wait3A_287, %dma_wait3A_288] : memref<10240x128xf32, #tpu.memory_space<vmem_shared>> -> memref<10240x128xf32, #tpu.memory_space<vmem_shared>>
      tpu.wait_indirect_dma semaphore(%arg15 : memref<!tpu.dma_semaphore, #tpu.memory_space<semaphore_mem>>) src(%arg11 : memref<128x128xf32, #tpu.memory_space<vmem>>) dst(%dma_wait3A_289 : memref<10240x128xf32, #tpu.memory_space<vmem_shared>>)
      %dma_start3A_290 = arith.constant 0 : i32
      %dma_start3A_291 = arith.constant 0 : i32
      %dma_start3A_292 = tpu.memref_slice %arg9[%dma_start3A_290, %dma_start3A_291] : memref<8x128xi32, #tpu.memory_space<vmem>> -> memref<1x128xi32, #tpu.memory_space<vmem>>
      %dma_start3A_293 = tpu.memref_squeeze %dma_start3A_292 : memref<1x128xi32, #tpu.memory_space<vmem>> -> memref<128xi32, #tpu.memory_space<vmem>>
      %dma_start3A_294 = arith.constant 0 : i32
      %dma_start3A_295 = arith.constant 0 : i32
      %dma_start3A_296 = tpu.memref_slice %arg2[%dma_start3A_294, %dma_start3A_295] : memref<10000x128xf32, #tpu.memory_space<hbm>> -> memref<10000x128xf32, #tpu.memory_space<hbm>>
      tpu.enqueue_indirect_dma source(%dma_start3A_296 : memref<10000x128xf32, #tpu.memory_space<hbm>>) target(%arg11 : memref<128x128xf32, #tpu.memory_space<vmem>>) offsets(%dma_start3A_293 : memref<128xi32, #tpu.memory_space<vmem>>) semaphore(%arg14 : memref<!tpu.dma_semaphore, #tpu.memory_space<semaphore_mem>>)
      %dma_wait3A_297 = arith.constant 0 : i32
      %dma_wait3A_298 = arith.constant 0 : i32
      %dma_wait3A_299 = tpu.memref_slice %arg9[%dma_wait3A_297, %dma_wait3A_298] : memref<8x128xi32, #tpu.memory_space<vmem>> -> memref<1x128xi32, #tpu.memory_space<vmem>>
      %dma_wait3A_300 = tpu.memref_squeeze %dma_wait3A_299 : memref<1x128xi32, #tpu.memory_space<vmem>> -> memref<128xi32, #tpu.memory_space<vmem>>
      %dma_wait3A_301 = arith.constant 0 : i32
      %dma_wait3A_302 = arith.constant 0 : i32
      %dma_wait3A_303 = tpu.memref_slice %arg2[%dma_wait3A_301, %dma_wait3A_302] : memref<10000x128xf32, #tpu.memory_space<hbm>> -> memref<10000x128xf32, #tpu.memory_space<hbm>>
      tpu.wait_indirect_dma semaphore(%arg14 : memref<!tpu.dma_semaphore, #tpu.memory_space<semaphore_mem>>) src(%dma_wait3A_303 : memref<10000x128xf32, #tpu.memory_space<hbm>>) dst(%arg11 : memref<128x128xf32, #tpu.memory_space<vmem>>)
      %dma_start3A_304 = arith.constant 0 : i32
      %dma_start3A_305 = arith.constant 0 : i32
      %dma_start3A_306 = tpu.memref_slice %arg10[%dma_start3A_304, %dma_start3A_305] : memref<8x128xi32, #tpu.memory_space<vmem>> -> memref<1x128xi32, #tpu.memory_space<vmem>>
      %dma_start3A_307 = tpu.memref_squeeze %dma_start3A_306 : memref<1x128xi32, #tpu.memory_space<vmem>> -> memref<128xi32, #tpu.memory_space<vmem>>
      %dma_start3A_308 = arith.constant 0 : i32
      %dma_start3A_309 = arith.constant 0 : i32
      %dma_start3A_310 = tpu.memref_slice %arg13[%dma_start3A_308, %dma_start3A_309] : memref<10240x128xf32, #tpu.memory_space<vmem_shared>> -> memref<10240x128xf32, #tpu.memory_space<vmem_shared>>
      tpu.enqueue_indirect_dma source(%arg11 : memref<128x128xf32, #tpu.memory_space<vmem>>) target(%dma_start3A_310 : memref<10240x128xf32, #tpu.memory_space<vmem_shared>>) offsets(%dma_start3A_307 : memref<128xi32, #tpu.memory_space<vmem>>) semaphore(%arg15 : memref<!tpu.dma_semaphore, #tpu.memory_space<semaphore_mem>>) {add = true}
      %dma_wait3A_311 = arith.constant 7 : i32
      %dma_wait3A_312 = arith.constant 0 : i32
      %dma_wait3A_313 = tpu.memref_slice %arg8[%dma_wait3A_311, %dma_wait3A_312] : memref<8x128xi32, #tpu.memory_space<vmem>> -> memref<1x128xi32, #tpu.memory_space<vmem>>
      %dma_wait3A_314 = tpu.memref_squeeze %dma_wait3A_313 : memref<1x128xi32, #tpu.memory_space<vmem>> -> memref<128xi32, #tpu.memory_space<vmem>>
      %dma_wait3A_315 = arith.constant 0 : i32
      %dma_wait3A_316 = arith.constant 0 : i32
      %dma_wait3A_317 = tpu.memref_slice %arg13[%dma_wait3A_315, %dma_wait3A_316] : memref<10240x128xf32, #tpu.memory_space<vmem_shared>> -> memref<10240x128xf32, #tpu.memory_space<vmem_shared>>
      tpu.wait_indirect_dma semaphore(%arg16 : memref<!tpu.dma_semaphore, #tpu.memory_space<semaphore_mem>>) src(%arg12 : memref<128x128xf32, #tpu.memory_space<vmem>>) dst(%dma_wait3A_317 : memref<10240x128xf32, #tpu.memory_space<vmem_shared>>)
      %dma_start3A_318 = arith.constant 1 : i32
      %dma_start3A_319 = arith.constant 0 : i32
      %dma_start3A_320 = tpu.memref_slice %arg9[%dma_start3A_318, %dma_start3A_319] : memref<8x128xi32, #tpu.memory_space<vmem>> -> memref<1x128xi32, #tpu.memory_space<vmem>>
      %dma_start3A_321 = tpu.memref_squeeze %dma_start3A_320 : memref<1x128xi32, #tpu.memory_space<vmem>> -> memref<128xi32, #tpu.memory_space<vmem>>
      %dma_start3A_322 = arith.constant 0 : i32
      %dma_start3A_323 = arith.constant 0 : i32
      %dma_start3A_324 = tpu.memref_slice %arg2[%dma_start3A_322, %dma_start3A_323] : memref<10000x128xf32, #tpu.memory_space<hbm>> -> memref<10000x128xf32, #tpu.memory_space<hbm>>
      tpu.enqueue_indirect_dma source(%dma_start3A_324 : memref<10000x128xf32, #tpu.memory_space<hbm>>) target(%arg12 : memref<128x128xf32, #tpu.memory_space<vmem>>) offsets(%dma_start3A_321 : memref<128xi32, #tpu.memory_space<vmem>>) semaphore(%arg14 : memref<!tpu.dma_semaphore, #tpu.memory_space<semaphore_mem>>)
      %dma_wait3A_325 = arith.constant 1 : i32
      %dma_wait3A_326 = arith.constant 0 : i32
      %dma_wait3A_327 = tpu.memref_slice %arg9[%dma_wait3A_325, %dma_wait3A_326] : memref<8x128xi32, #tpu.memory_space<vmem>> -> memref<1x128xi32, #tpu.memory_space<vmem>>
      %dma_wait3A_328 = tpu.memref_squeeze %dma_wait3A_327 : memref<1x128xi32, #tpu.memory_space<vmem>> -> memref<128xi32, #tpu.memory_space<vmem>>
      %dma_wait3A_329 = arith.constant 0 : i32
      %dma_wait3A_330 = arith.constant 0 : i32
      %dma_wait3A_331 = tpu.memref_slice %arg2[%dma_wait3A_329, %dma_wait3A_330] : memref<10000x128xf32, #tpu.memory_space<hbm>> -> memref<10000x128xf32, #tpu.memory_space<hbm>>
      tpu.wait_indirect_dma semaphore(%arg14 : memref<!tpu.dma_semaphore, #tpu.memory_space<semaphore_mem>>) src(%dma_wait3A_331 : memref<10000x128xf32, #tpu.memory_space<hbm>>) dst(%arg12 : memref<128x128xf32, #tpu.memory_space<vmem>>)
      %dma_start3A_332 = arith.constant 1 : i32
      %dma_start3A_333 = arith.constant 0 : i32
      %dma_start3A_334 = tpu.memref_slice %arg10[%dma_start3A_332, %dma_start3A_333] : memref<8x128xi32, #tpu.memory_space<vmem>> -> memref<1x128xi32, #tpu.memory_space<vmem>>
      %dma_start3A_335 = tpu.memref_squeeze %dma_start3A_334 : memref<1x128xi32, #tpu.memory_space<vmem>> -> memref<128xi32, #tpu.memory_space<vmem>>
      %dma_start3A_336 = arith.constant 0 : i32
      %dma_start3A_337 = arith.constant 0 : i32
      %dma_start3A_338 = tpu.memref_slice %arg13[%dma_start3A_336, %dma_start3A_337] : memref<10240x128xf32, #tpu.memory_space<vmem_shared>> -> memref<10240x128xf32, #tpu.memory_space<vmem_shared>>
      tpu.enqueue_indirect_dma source(%arg12 : memref<128x128xf32, #tpu.memory_space<vmem>>) target(%dma_start3A_338 : memref<10240x128xf32, #tpu.memory_space<vmem_shared>>) offsets(%dma_start3A_335 : memref<128xi32, #tpu.memory_space<vmem>>) semaphore(%arg16 : memref<!tpu.dma_semaphore, #tpu.memory_space<semaphore_mem>>) {add = true}
      %dma_wait3A_339 = arith.constant 0 : i32
      %dma_wait3A_340 = arith.constant 0 : i32
      %dma_wait3A_341 = tpu.memref_slice %arg10[%dma_wait3A_339, %dma_wait3A_340] : memref<8x128xi32, #tpu.memory_space<vmem>> -> memref<1x128xi32, #tpu.memory_space<vmem>>
      %dma_wait3A_342 = tpu.memref_squeeze %dma_wait3A_341 : memref<1x128xi32, #tpu.memory_space<vmem>> -> memref<128xi32, #tpu.memory_space<vmem>>
      %dma_wait3A_343 = arith.constant 0 : i32
      %dma_wait3A_344 = arith.constant 0 : i32
      %dma_wait3A_345 = tpu.memref_slice %arg13[%dma_wait3A_343, %dma_wait3A_344] : memref<10240x128xf32, #tpu.memory_space<vmem_shared>> -> memref<10240x128xf32, #tpu.memory_space<vmem_shared>>
      tpu.wait_indirect_dma semaphore(%arg15 : memref<!tpu.dma_semaphore, #tpu.memory_space<semaphore_mem>>) src(%arg11 : memref<128x128xf32, #tpu.memory_space<vmem>>) dst(%dma_wait3A_345 : memref<10240x128xf32, #tpu.memory_space<vmem_shared>>)
      %dma_start3A_346 = arith.constant 2 : i32
      %dma_start3A_347 = arith.constant 0 : i32
      %dma_start3A_348 = tpu.memref_slice %arg9[%dma_start3A_346, %dma_start3A_347] : memref<8x128xi32, #tpu.memory_space<vmem>> -> memref<1x128xi32, #tpu.memory_space<vmem>>
      %dma_start3A_349 = tpu.memref_squeeze %dma_start3A_348 : memref<1x128xi32, #tpu.memory_space<vmem>> -> memref<128xi32, #tpu.memory_space<vmem>>
      %dma_start3A_350 = arith.constant 0 : i32
      %dma_start3A_351 = arith.constant 0 : i32
      %dma_start3A_352 = tpu.memref_slice %arg2[%dma_start3A_350, %dma_start3A_351] : memref<10000x128xf32, #tpu.memory_space<hbm>> -> memref<10000x128xf32, #tpu.memory_space<hbm>>
      tpu.enqueue_indirect_dma source(%dma_start3A_352 : memref<10000x128xf32, #tpu.memory_space<hbm>>) target(%arg11 : memref<128x128xf32, #tpu.memory_space<vmem>>) offsets(%dma_start3A_349 : memref<128xi32, #tpu.memory_space<vmem>>) semaphore(%arg14 : memref<!tpu.dma_semaphore, #tpu.memory_space<semaphore_mem>>)
      %dma_wait3A_353 = arith.constant 2 : i32
      %dma_wait3A_354 = arith.constant 0 : i32
      %dma_wait3A_355 = tpu.memref_slice %arg9[%dma_wait3A_353, %dma_wait3A_354] : memref<8x128xi32, #tpu.memory_space<vmem>> -> memref<1x128xi32, #tpu.memory_space<vmem>>
      %dma_wait3A_356 = tpu.memref_squeeze %dma_wait3A_355 : memref<1x128xi32, #tpu.memory_space<vmem>> -> memref<128xi32, #tpu.memory_space<vmem>>
      %dma_wait3A_357 = arith.constant 0 : i32
      %dma_wait3A_358 = arith.constant 0 : i32
      %dma_wait3A_359 = tpu.memref_slice %arg2[%dma_wait3A_357, %dma_wait3A_358] : memref<10000x128xf32, #tpu.memory_space<hbm>> -> memref<10000x128xf32, #tpu.memory_space<hbm>>
      tpu.wait_indirect_dma semaphore(%arg14 : memref<!tpu.dma_semaphore, #tpu.memory_space<semaphore_mem>>) src(%dma_wait3A_359 : memref<10000x128xf32, #tpu.memory_space<hbm>>) dst(%arg11 : memref<128x128xf32, #tpu.memory_space<vmem>>)
      %dma_start3A_360 = arith.constant 2 : i32
      %dma_start3A_361 = arith.constant 0 : i32
      %dma_start3A_362 = tpu.memref_slice %arg10[%dma_start3A_360, %dma_start3A_361] : memref<8x128xi32, #tpu.memory_space<vmem>> -> memref<1x128xi32, #tpu.memory_space<vmem>>
      %dma_start3A_363 = tpu.memref_squeeze %dma_start3A_362 : memref<1x128xi32, #tpu.memory_space<vmem>> -> memref<128xi32, #tpu.memory_space<vmem>>
      %dma_start3A_364 = arith.constant 0 : i32
      %dma_start3A_365 = arith.constant 0 : i32
      %dma_start3A_366 = tpu.memref_slice %arg13[%dma_start3A_364, %dma_start3A_365] : memref<10240x128xf32, #tpu.memory_space<vmem_shared>> -> memref<10240x128xf32, #tpu.memory_space<vmem_shared>>
      tpu.enqueue_indirect_dma source(%arg11 : memref<128x128xf32, #tpu.memory_space<vmem>>) target(%dma_start3A_366 : memref<10240x128xf32, #tpu.memory_space<vmem_shared>>) offsets(%dma_start3A_363 : memref<128xi32, #tpu.memory_space<vmem>>) semaphore(%arg15 : memref<!tpu.dma_semaphore, #tpu.memory_space<semaphore_mem>>) {add = true}
      %dma_wait3A_367 = arith.constant 1 : i32
      %dma_wait3A_368 = arith.constant 0 : i32
      %dma_wait3A_369 = tpu.memref_slice %arg10[%dma_wait3A_367, %dma_wait3A_368] : memref<8x128xi32, #tpu.memory_space<vmem>> -> memref<1x128xi32, #tpu.memory_space<vmem>>
      %dma_wait3A_370 = tpu.memref_squeeze %dma_wait3A_369 : memref<1x128xi32, #tpu.memory_space<vmem>> -> memref<128xi32, #tpu.memory_space<vmem>>
      %dma_wait3A_371 = arith.constant 0 : i32
      %dma_wait3A_372 = arith.constant 0 : i32
      %dma_wait3A_373 = tpu.memref_slice %arg13[%dma_wait3A_371, %dma_wait3A_372] : memref<10240x128xf32, #tpu.memory_space<vmem_shared>> -> memref<10240x128xf32, #tpu.memory_space<vmem_shared>>
      tpu.wait_indirect_dma semaphore(%arg16 : memref<!tpu.dma_semaphore, #tpu.memory_space<semaphore_mem>>) src(%arg12 : memref<128x128xf32, #tpu.memory_space<vmem>>) dst(%dma_wait3A_373 : memref<10240x128xf32, #tpu.memory_space<vmem_shared>>)
      %dma_start3A_374 = arith.constant 3 : i32
      %dma_start3A_375 = arith.constant 0 : i32
      %dma_start3A_376 = tpu.memref_slice %arg9[%dma_start3A_374, %dma_start3A_375] : memref<8x128xi32, #tpu.memory_space<vmem>> -> memref<1x128xi32, #tpu.memory_space<vmem>>
      %dma_start3A_377 = tpu.memref_squeeze %dma_start3A_376 : memref<1x128xi32, #tpu.memory_space<vmem>> -> memref<128xi32, #tpu.memory_space<vmem>>
      %dma_start3A_378 = arith.constant 0 : i32
      %dma_start3A_379 = arith.constant 0 : i32
      %dma_start3A_380 = tpu.memref_slice %arg2[%dma_start3A_378, %dma_start3A_379] : memref<10000x128xf32, #tpu.memory_space<hbm>> -> memref<10000x128xf32, #tpu.memory_space<hbm>>
      tpu.enqueue_indirect_dma source(%dma_start3A_380 : memref<10000x128xf32, #tpu.memory_space<hbm>>) target(%arg12 : memref<128x128xf32, #tpu.memory_space<vmem>>) offsets(%dma_start3A_377 : memref<128xi32, #tpu.memory_space<vmem>>) semaphore(%arg14 : memref<!tpu.dma_semaphore, #tpu.memory_space<semaphore_mem>>)
      %dma_wait3A_381 = arith.constant 3 : i32
      %dma_wait3A_382 = arith.constant 0 : i32
      %dma_wait3A_383 = tpu.memref_slice %arg9[%dma_wait3A_381, %dma_wait3A_382] : memref<8x128xi32, #tpu.memory_space<vmem>> -> memref<1x128xi32, #tpu.memory_space<vmem>>
      %dma_wait3A_384 = tpu.memref_squeeze %dma_wait3A_383 : memref<1x128xi32, #tpu.memory_space<vmem>> -> memref<128xi32, #tpu.memory_space<vmem>>
      %dma_wait3A_385 = arith.constant 0 : i32
      %dma_wait3A_386 = arith.constant 0 : i32
      %dma_wait3A_387 = tpu.memref_slice %arg2[%dma_wait3A_385, %dma_wait3A_386] : memref<10000x128xf32, #tpu.memory_space<hbm>> -> memref<10000x128xf32, #tpu.memory_space<hbm>>
      tpu.wait_indirect_dma semaphore(%arg14 : memref<!tpu.dma_semaphore, #tpu.memory_space<semaphore_mem>>) src(%dma_wait3A_387 : memref<10000x128xf32, #tpu.memory_space<hbm>>) dst(%arg12 : memref<128x128xf32, #tpu.memory_space<vmem>>)
      %dma_start3A_388 = arith.constant 3 : i32
      %dma_start3A_389 = arith.constant 0 : i32
      %dma_start3A_390 = tpu.memref_slice %arg10[%dma_start3A_388, %dma_start3A_389] : memref<8x128xi32, #tpu.memory_space<vmem>> -> memref<1x128xi32, #tpu.memory_space<vmem>>
      %dma_start3A_391 = tpu.memref_squeeze %dma_start3A_390 : memref<1x128xi32, #tpu.memory_space<vmem>> -> memref<128xi32, #tpu.memory_space<vmem>>
      %dma_start3A_392 = arith.constant 0 : i32
      %dma_start3A_393 = arith.constant 0 : i32
      %dma_start3A_394 = tpu.memref_slice %arg13[%dma_start3A_392, %dma_start3A_393] : memref<10240x128xf32, #tpu.memory_space<vmem_shared>> -> memref<10240x128xf32, #tpu.memory_space<vmem_shared>>
      tpu.enqueue_indirect_dma source(%arg12 : memref<128x128xf32, #tpu.memory_space<vmem>>) target(%dma_start3A_394 : memref<10240x128xf32, #tpu.memory_space<vmem_shared>>) offsets(%dma_start3A_391 : memref<128xi32, #tpu.memory_space<vmem>>) semaphore(%arg16 : memref<!tpu.dma_semaphore, #tpu.memory_space<semaphore_mem>>) {add = true}
      %dma_wait3A_395 = arith.constant 2 : i32
      %dma_wait3A_396 = arith.constant 0 : i32
      %dma_wait3A_397 = tpu.memref_slice %arg10[%dma_wait3A_395, %dma_wait3A_396] : memref<8x128xi32, #tpu.memory_space<vmem>> -> memref<1x128xi32, #tpu.memory_space<vmem>>
      %dma_wait3A_398 = tpu.memref_squeeze %dma_wait3A_397 : memref<1x128xi32, #tpu.memory_space<vmem>> -> memref<128xi32, #tpu.memory_space<vmem>>
      %dma_wait3A_399 = arith.constant 0 : i32
      %dma_wait3A_400 = arith.constant 0 : i32
      %dma_wait3A_401 = tpu.memref_slice %arg13[%dma_wait3A_399, %dma_wait3A_400] : memref<10240x128xf32, #tpu.memory_space<vmem_shared>> -> memref<10240x128xf32, #tpu.memory_space<vmem_shared>>
      tpu.wait_indirect_dma semaphore(%arg15 : memref<!tpu.dma_semaphore, #tpu.memory_space<semaphore_mem>>) src(%arg11 : memref<128x128xf32, #tpu.memory_space<vmem>>) dst(%dma_wait3A_401 : memref<10240x128xf32, #tpu.memory_space<vmem_shared>>)
      %dma_start3A_402 = arith.constant 4 : i32
      %dma_start3A_403 = arith.constant 0 : i32
      %dma_start3A_404 = tpu.memref_slice %arg9[%dma_start3A_402, %dma_start3A_403] : memref<8x128xi32, #tpu.memory_space<vmem>> -> memref<1x128xi32, #tpu.memory_space<vmem>>
      %dma_start3A_405 = tpu.memref_squeeze %dma_start3A_404 : memref<1x128xi32, #tpu.memory_space<vmem>> -> memref<128xi32, #tpu.memory_space<vmem>>
      %dma_start3A_406 = arith.constant 0 : i32
      %dma_start3A_407 = arith.constant 0 : i32
      %dma_start3A_408 = tpu.memref_slice %arg2[%dma_start3A_406, %dma_start3A_407] : memref<10000x128xf32, #tpu.memory_space<hbm>> -> memref<10000x128xf32, #tpu.memory_space<hbm>>
      tpu.enqueue_indirect_dma source(%dma_start3A_408 : memref<10000x128xf32, #tpu.memory_space<hbm>>) target(%arg11 : memref<128x128xf32, #tpu.memory_space<vmem>>) offsets(%dma_start3A_405 : memref<128xi32, #tpu.memory_space<vmem>>) semaphore(%arg14 : memref<!tpu.dma_semaphore, #tpu.memory_space<semaphore_mem>>)
      %dma_wait3A_409 = arith.constant 4 : i32
      %dma_wait3A_410 = arith.constant 0 : i32
      %dma_wait3A_411 = tpu.memref_slice %arg9[%dma_wait3A_409, %dma_wait3A_410] : memref<8x128xi32, #tpu.memory_space<vmem>> -> memref<1x128xi32, #tpu.memory_space<vmem>>
      %dma_wait3A_412 = tpu.memref_squeeze %dma_wait3A_411 : memref<1x128xi32, #tpu.memory_space<vmem>> -> memref<128xi32, #tpu.memory_space<vmem>>
      %dma_wait3A_413 = arith.constant 0 : i32
      %dma_wait3A_414 = arith.constant 0 : i32
      %dma_wait3A_415 = tpu.memref_slice %arg2[%dma_wait3A_413, %dma_wait3A_414] : memref<10000x128xf32, #tpu.memory_space<hbm>> -> memref<10000x128xf32, #tpu.memory_space<hbm>>
      tpu.wait_indirect_dma semaphore(%arg14 : memref<!tpu.dma_semaphore, #tpu.memory_space<semaphore_mem>>) src(%dma_wait3A_415 : memref<10000x128xf32, #tpu.memory_space<hbm>>) dst(%arg11 : memref<128x128xf32, #tpu.memory_space<vmem>>)
      %dma_start3A_416 = arith.constant 4 : i32
      %dma_start3A_417 = arith.constant 0 : i32
      %dma_start3A_418 = tpu.memref_slice %arg10[%dma_start3A_416, %dma_start3A_417] : memref<8x128xi32, #tpu.memory_space<vmem>> -> memref<1x128xi32, #tpu.memory_space<vmem>>
      %dma_start3A_419 = tpu.memref_squeeze %dma_start3A_418 : memref<1x128xi32, #tpu.memory_space<vmem>> -> memref<128xi32, #tpu.memory_space<vmem>>
      %dma_start3A_420 = arith.constant 0 : i32
      %dma_start3A_421 = arith.constant 0 : i32
      %dma_start3A_422 = tpu.memref_slice %arg13[%dma_start3A_420, %dma_start3A_421] : memref<10240x128xf32, #tpu.memory_space<vmem_shared>> -> memref<10240x128xf32, #tpu.memory_space<vmem_shared>>
      tpu.enqueue_indirect_dma source(%arg11 : memref<128x128xf32, #tpu.memory_space<vmem>>) target(%dma_start3A_422 : memref<10240x128xf32, #tpu.memory_space<vmem_shared>>) offsets(%dma_start3A_419 : memref<128xi32, #tpu.memory_space<vmem>>) semaphore(%arg15 : memref<!tpu.dma_semaphore, #tpu.memory_space<semaphore_mem>>) {add = true}
      %dma_wait3A_423 = arith.constant 3 : i32
      %dma_wait3A_424 = arith.constant 0 : i32
      %dma_wait3A_425 = tpu.memref_slice %arg10[%dma_wait3A_423, %dma_wait3A_424] : memref<8x128xi32, #tpu.memory_space<vmem>> -> memref<1x128xi32, #tpu.memory_space<vmem>>
      %dma_wait3A_426 = tpu.memref_squeeze %dma_wait3A_425 : memref<1x128xi32, #tpu.memory_space<vmem>> -> memref<128xi32, #tpu.memory_space<vmem>>
      %dma_wait3A_427 = arith.constant 0 : i32
      %dma_wait3A_428 = arith.constant 0 : i32
      %dma_wait3A_429 = tpu.memref_slice %arg13[%dma_wait3A_427, %dma_wait3A_428] : memref<10240x128xf32, #tpu.memory_space<vmem_shared>> -> memref<10240x128xf32, #tpu.memory_space<vmem_shared>>
      tpu.wait_indirect_dma semaphore(%arg16 : memref<!tpu.dma_semaphore, #tpu.memory_space<semaphore_mem>>) src(%arg12 : memref<128x128xf32, #tpu.memory_space<vmem>>) dst(%dma_wait3A_429 : memref<10240x128xf32, #tpu.memory_space<vmem_shared>>)
      %dma_start3A_430 = arith.constant 5 : i32
      %dma_start3A_431 = arith.constant 0 : i32
      %dma_start3A_432 = tpu.memref_slice %arg9[%dma_start3A_430, %dma_start3A_431] : memref<8x128xi32, #tpu.memory_space<vmem>> -> memref<1x128xi32, #tpu.memory_space<vmem>>
      %dma_start3A_433 = tpu.memref_squeeze %dma_start3A_432 : memref<1x128xi32, #tpu.memory_space<vmem>> -> memref<128xi32, #tpu.memory_space<vmem>>
      %dma_start3A_434 = arith.constant 0 : i32
      %dma_start3A_435 = arith.constant 0 : i32
      %dma_start3A_436 = tpu.memref_slice %arg2[%dma_start3A_434, %dma_start3A_435] : memref<10000x128xf32, #tpu.memory_space<hbm>> -> memref<10000x128xf32, #tpu.memory_space<hbm>>
      tpu.enqueue_indirect_dma source(%dma_start3A_436 : memref<10000x128xf32, #tpu.memory_space<hbm>>) target(%arg12 : memref<128x128xf32, #tpu.memory_space<vmem>>) offsets(%dma_start3A_433 : memref<128xi32, #tpu.memory_space<vmem>>) semaphore(%arg14 : memref<!tpu.dma_semaphore, #tpu.memory_space<semaphore_mem>>)
      %dma_wait3A_437 = arith.constant 5 : i32
      %dma_wait3A_438 = arith.constant 0 : i32
      %dma_wait3A_439 = tpu.memref_slice %arg9[%dma_wait3A_437, %dma_wait3A_438] : memref<8x128xi32, #tpu.memory_space<vmem>> -> memref<1x128xi32, #tpu.memory_space<vmem>>
      %dma_wait3A_440 = tpu.memref_squeeze %dma_wait3A_439 : memref<1x128xi32, #tpu.memory_space<vmem>> -> memref<128xi32, #tpu.memory_space<vmem>>
      %dma_wait3A_441 = arith.constant 0 : i32
      %dma_wait3A_442 = arith.constant 0 : i32
      %dma_wait3A_443 = tpu.memref_slice %arg2[%dma_wait3A_441, %dma_wait3A_442] : memref<10000x128xf32, #tpu.memory_space<hbm>> -> memref<10000x128xf32, #tpu.memory_space<hbm>>
      tpu.wait_indirect_dma semaphore(%arg14 : memref<!tpu.dma_semaphore, #tpu.memory_space<semaphore_mem>>) src(%dma_wait3A_443 : memref<10000x128xf32, #tpu.memory_space<hbm>>) dst(%arg12 : memref<128x128xf32, #tpu.memory_space<vmem>>)
      %dma_start3A_444 = arith.constant 5 : i32
      %dma_start3A_445 = arith.constant 0 : i32
      %dma_start3A_446 = tpu.memref_slice %arg10[%dma_start3A_444, %dma_start3A_445] : memref<8x128xi32, #tpu.memory_space<vmem>> -> memref<1x128xi32, #tpu.memory_space<vmem>>
      %dma_start3A_447 = tpu.memref_squeeze %dma_start3A_446 : memref<1x128xi32, #tpu.memory_space<vmem>> -> memref<128xi32, #tpu.memory_space<vmem>>
      %dma_start3A_448 = arith.constant 0 : i32
      %dma_start3A_449 = arith.constant 0 : i32
      %dma_start3A_450 = tpu.memref_slice %arg13[%dma_start3A_448, %dma_start3A_449] : memref<10240x128xf32, #tpu.memory_space<vmem_shared>> -> memref<10240x128xf32, #tpu.memory_space<vmem_shared>>
      tpu.enqueue_indirect_dma source(%arg12 : memref<128x128xf32, #tpu.memory_space<vmem>>) target(%dma_start3A_450 : memref<10240x128xf32, #tpu.memory_space<vmem_shared>>) offsets(%dma_start3A_447 : memref<128xi32, #tpu.memory_space<vmem>>) semaphore(%arg16 : memref<!tpu.dma_semaphore, #tpu.memory_space<semaphore_mem>>) {add = true}
      %dma_wait3A_451 = arith.constant 4 : i32
      %dma_wait3A_452 = arith.constant 0 : i32
      %dma_wait3A_453 = tpu.memref_slice %arg10[%dma_wait3A_451, %dma_wait3A_452] : memref<8x128xi32, #tpu.memory_space<vmem>> -> memref<1x128xi32, #tpu.memory_space<vmem>>
      %dma_wait3A_454 = tpu.memref_squeeze %dma_wait3A_453 : memref<1x128xi32, #tpu.memory_space<vmem>> -> memref<128xi32, #tpu.memory_space<vmem>>
      %dma_wait3A_455 = arith.constant 0 : i32
      %dma_wait3A_456 = arith.constant 0 : i32
      %dma_wait3A_457 = tpu.memref_slice %arg13[%dma_wait3A_455, %dma_wait3A_456] : memref<10240x128xf32, #tpu.memory_space<vmem_shared>> -> memref<10240x128xf32, #tpu.memory_space<vmem_shared>>
      tpu.wait_indirect_dma semaphore(%arg15 : memref<!tpu.dma_semaphore, #tpu.memory_space<semaphore_mem>>) src(%arg11 : memref<128x128xf32, #tpu.memory_space<vmem>>) dst(%dma_wait3A_457 : memref<10240x128xf32, #tpu.memory_space<vmem_shared>>)
      %dma_start3A_458 = arith.constant 6 : i32
      %dma_start3A_459 = arith.constant 0 : i32
      %dma_start3A_460 = tpu.memref_slice %arg9[%dma_start3A_458, %dma_start3A_459] : memref<8x128xi32, #tpu.memory_space<vmem>> -> memref<1x128xi32, #tpu.memory_space<vmem>>
      %dma_start3A_461 = tpu.memref_squeeze %dma_start3A_460 : memref<1x128xi32, #tpu.memory_space<vmem>> -> memref<128xi32, #tpu.memory_space<vmem>>
      %dma_start3A_462 = arith.constant 0 : i32
      %dma_start3A_463 = arith.constant 0 : i32
      %dma_start3A_464 = tpu.memref_slice %arg2[%dma_start3A_462, %dma_start3A_463] : memref<10000x128xf32, #tpu.memory_space<hbm>> -> memref<10000x128xf32, #tpu.memory_space<hbm>>
      tpu.enqueue_indirect_dma source(%dma_start3A_464 : memref<10000x128xf32, #tpu.memory_space<hbm>>) target(%arg11 : memref<128x128xf32, #tpu.memory_space<vmem>>) offsets(%dma_start3A_461 : memref<128xi32, #tpu.memory_space<vmem>>) semaphore(%arg14 : memref<!tpu.dma_semaphore, #tpu.memory_space<semaphore_mem>>)
      %dma_wait3A_465 = arith.constant 6 : i32
      %dma_wait3A_466 = arith.constant 0 : i32
      %dma_wait3A_467 = tpu.memref_slice %arg9[%dma_wait3A_465, %dma_wait3A_466] : memref<8x128xi32, #tpu.memory_space<vmem>> -> memref<1x128xi32, #tpu.memory_space<vmem>>
      %dma_wait3A_468 = tpu.memref_squeeze %dma_wait3A_467 : memref<1x128xi32, #tpu.memory_space<vmem>> -> memref<128xi32, #tpu.memory_space<vmem>>
      %dma_wait3A_469 = arith.constant 0 : i32
      %dma_wait3A_470 = arith.constant 0 : i32
      %dma_wait3A_471 = tpu.memref_slice %arg2[%dma_wait3A_469, %dma_wait3A_470] : memref<10000x128xf32, #tpu.memory_space<hbm>> -> memref<10000x128xf32, #tpu.memory_space<hbm>>
      tpu.wait_indirect_dma semaphore(%arg14 : memref<!tpu.dma_semaphore, #tpu.memory_space<semaphore_mem>>) src(%dma_wait3A_471 : memref<10000x128xf32, #tpu.memory_space<hbm>>) dst(%arg11 : memref<128x128xf32, #tpu.memory_space<vmem>>)
      %dma_start3A_472 = arith.constant 6 : i32
      %dma_start3A_473 = arith.constant 0 : i32
      %dma_start3A_474 = tpu.memref_slice %arg10[%dma_start3A_472, %dma_start3A_473] : memref<8x128xi32, #tpu.memory_space<vmem>> -> memref<1x128xi32, #tpu.memory_space<vmem>>
      %dma_start3A_475 = tpu.memref_squeeze %dma_start3A_474 : memref<1x128xi32, #tpu.memory_space<vmem>> -> memref<128xi32, #tpu.memory_space<vmem>>
      %dma_start3A_476 = arith.constant 0 : i32
      %dma_start3A_477 = arith.constant 0 : i32
      %dma_start3A_478 = tpu.memref_slice %arg13[%dma_start3A_476, %dma_start3A_477] : memref<10240x128xf32, #tpu.memory_space<vmem_shared>> -> memref<10240x128xf32, #tpu.memory_space<vmem_shared>>
      tpu.enqueue_indirect_dma source(%arg11 : memref<128x128xf32, #tpu.memory_space<vmem>>) target(%dma_start3A_478 : memref<10240x128xf32, #tpu.memory_space<vmem_shared>>) offsets(%dma_start3A_475 : memref<128xi32, #tpu.memory_space<vmem>>) semaphore(%arg15 : memref<!tpu.dma_semaphore, #tpu.memory_space<semaphore_mem>>) {add = true}
      %dma_wait3A_479 = arith.constant 5 : i32
      %dma_wait3A_480 = arith.constant 0 : i32
      %dma_wait3A_481 = tpu.memref_slice %arg10[%dma_wait3A_479, %dma_wait3A_480] : memref<8x128xi32, #tpu.memory_space<vmem>> -> memref<1x128xi32, #tpu.memory_space<vmem>>
      %dma_wait3A_482 = tpu.memref_squeeze %dma_wait3A_481 : memref<1x128xi32, #tpu.memory_space<vmem>> -> memref<128xi32, #tpu.memory_space<vmem>>
      %dma_wait3A_483 = arith.constant 0 : i32
      %dma_wait3A_484 = arith.constant 0 : i32
      %dma_wait3A_485 = tpu.memref_slice %arg13[%dma_wait3A_483, %dma_wait3A_484] : memref<10240x128xf32, #tpu.memory_space<vmem_shared>> -> memref<10240x128xf32, #tpu.memory_space<vmem_shared>>
      tpu.wait_indirect_dma semaphore(%arg16 : memref<!tpu.dma_semaphore, #tpu.memory_space<semaphore_mem>>) src(%arg12 : memref<128x128xf32, #tpu.memory_space<vmem>>) dst(%dma_wait3A_485 : memref<10240x128xf32, #tpu.memory_space<vmem_shared>>)
      %dma_start3A_486 = arith.constant 7 : i32
      %dma_start3A_487 = arith.constant 0 : i32
      %dma_start3A_488 = tpu.memref_slice %arg9[%dma_start3A_486, %dma_start3A_487] : memref<8x128xi32, #tpu.memory_space<vmem>> -> memref<1x128xi32, #tpu.memory_space<vmem>>
      %dma_start3A_489 = tpu.memref_squeeze %dma_start3A_488 : memref<1x128xi32, #tpu.memory_space<vmem>> -> memref<128xi32, #tpu.memory_space<vmem>>
      %dma_start3A_490 = arith.constant 0 : i32
      %dma_start3A_491 = arith.constant 0 : i32
      %dma_start3A_492 = tpu.memref_slice %arg2[%dma_start3A_490, %dma_start3A_491] : memref<10000x128xf32, #tpu.memory_space<hbm>> -> memref<10000x128xf32, #tpu.memory_space<hbm>>
      tpu.enqueue_indirect_dma source(%dma_start3A_492 : memref<10000x128xf32, #tpu.memory_space<hbm>>) target(%arg12 : memref<128x128xf32, #tpu.memory_space<vmem>>) offsets(%dma_start3A_489 : memref<128xi32, #tpu.memory_space<vmem>>) semaphore(%arg14 : memref<!tpu.dma_semaphore, #tpu.memory_space<semaphore_mem>>)
      %dma_wait3A_493 = arith.constant 7 : i32
      %dma_wait3A_494 = arith.constant 0 : i32
      %dma_wait3A_495 = tpu.memref_slice %arg9[%dma_wait3A_493, %dma_wait3A_494] : memref<8x128xi32, #tpu.memory_space<vmem>> -> memref<1x128xi32, #tpu.memory_space<vmem>>
      %dma_wait3A_496 = tpu.memref_squeeze %dma_wait3A_495 : memref<1x128xi32, #tpu.memory_space<vmem>> -> memref<128xi32, #tpu.memory_space<vmem>>
      %dma_wait3A_497 = arith.constant 0 : i32
      %dma_wait3A_498 = arith.constant 0 : i32
      %dma_wait3A_499 = tpu.memref_slice %arg2[%dma_wait3A_497, %dma_wait3A_498] : memref<10000x128xf32, #tpu.memory_space<hbm>> -> memref<10000x128xf32, #tpu.memory_space<hbm>>
      tpu.wait_indirect_dma semaphore(%arg14 : memref<!tpu.dma_semaphore, #tpu.memory_space<semaphore_mem>>) src(%dma_wait3A_499 : memref<10000x128xf32, #tpu.memory_space<hbm>>) dst(%arg12 : memref<128x128xf32, #tpu.memory_space<vmem>>)
      %dma_start3A_500 = arith.constant 7 : i32
      %dma_start3A_501 = arith.constant 0 : i32
      %dma_start3A_502 = tpu.memref_slice %arg10[%dma_start3A_500, %dma_start3A_501] : memref<8x128xi32, #tpu.memory_space<vmem>> -> memref<1x128xi32, #tpu.memory_space<vmem>>
      %dma_start3A_503 = tpu.memref_squeeze %dma_start3A_502 : memref<1x128xi32, #tpu.memory_space<vmem>> -> memref<128xi32, #tpu.memory_space<vmem>>
      %dma_start3A_504 = arith.constant 0 : i32
      %dma_start3A_505 = arith.constant 0 : i32
      %dma_start3A_506 = tpu.memref_slice %arg13[%dma_start3A_504, %dma_start3A_505] : memref<10240x128xf32, #tpu.memory_space<vmem_shared>> -> memref<10240x128xf32, #tpu.memory_space<vmem_shared>>
      tpu.enqueue_indirect_dma source(%arg12 : memref<128x128xf32, #tpu.memory_space<vmem>>) target(%dma_start3A_506 : memref<10240x128xf32, #tpu.memory_space<vmem_shared>>) offsets(%dma_start3A_503 : memref<128xi32, #tpu.memory_space<vmem>>) semaphore(%arg16 : memref<!tpu.dma_semaphore, #tpu.memory_space<semaphore_mem>>) {add = true}
      %dma_wait3A_507 = arith.constant 6 : i32
      %dma_wait3A_508 = arith.constant 0 : i32
      %dma_wait3A_509 = tpu.memref_slice %arg10[%dma_wait3A_507, %dma_wait3A_508] : memref<8x128xi32, #tpu.memory_space<vmem>> -> memref<1x128xi32, #tpu.memory_space<vmem>>
      %dma_wait3A_510 = tpu.memref_squeeze %dma_wait3A_509 : memref<1x128xi32, #tpu.memory_space<vmem>> -> memref<128xi32, #tpu.memory_space<vmem>>
      %dma_wait3A_511 = arith.constant 0 : i32
      %dma_wait3A_512 = arith.constant 0 : i32
      %dma_wait3A_513 = tpu.memref_slice %arg13[%dma_wait3A_511, %dma_wait3A_512] : memref<10240x128xf32, #tpu.memory_space<vmem_shared>> -> memref<10240x128xf32, #tpu.memory_space<vmem_shared>>
      tpu.wait_indirect_dma semaphore(%arg15 : memref<!tpu.dma_semaphore, #tpu.memory_space<semaphore_mem>>) src(%arg11 : memref<128x128xf32, #tpu.memory_space<vmem>>) dst(%dma_wait3A_513 : memref<10240x128xf32, #tpu.memory_space<vmem_shared>>)
      %dma_wait3A_514 = arith.constant 7 : i32
      %dma_wait3A_515 = arith.constant 0 : i32
      %dma_wait3A_516 = tpu.memref_slice %arg10[%dma_wait3A_514, %dma_wait3A_515] : memref<8x128xi32, #tpu.memory_space<vmem>> -> memref<1x128xi32, #tpu.memory_space<vmem>>
      %dma_wait3A_517 = tpu.memref_squeeze %dma_wait3A_516 : memref<1x128xi32, #tpu.memory_space<vmem>> -> memref<128xi32, #tpu.memory_space<vmem>>
      %dma_wait3A_518 = arith.constant 0 : i32
      %dma_wait3A_519 = arith.constant 0 : i32
      %dma_wait3A_520 = tpu.memref_slice %arg13[%dma_wait3A_518, %dma_wait3A_519] : memref<10240x128xf32, #tpu.memory_space<vmem_shared>> -> memref<10240x128xf32, #tpu.memory_space<vmem_shared>>
      tpu.wait_indirect_dma semaphore(%arg16 : memref<!tpu.dma_semaphore, #tpu.memory_space<semaphore_mem>>) src(%arg12 : memref<128x128xf32, #tpu.memory_space<vmem>>) dst(%dma_wait3A_520 : memref<10240x128xf32, #tpu.memory_space<vmem_shared>>)
      %dma_wait3A_521 = arith.constant 0 : i32
      %dma_wait3A_522 = tpu.memref_slice %arg3[%min3A_274, %dma_wait3A_521] : memref<2560x128xi32, #tpu.memory_space<hbm>> -> memref<8x128xi32, #tpu.memory_space<hbm>>
      %dma_wait3A_523 = arith.constant 0 : i32
      %dma_wait3A_524 = tpu.memref_slice %arg3[%min3A_274, %dma_wait3A_523] : memref<2560x128xi32, #tpu.memory_space<hbm>> -> memref<8x128xi32, #tpu.memory_space<hbm>>
      tpu.wait_dma2 semaphore(%arg17 : memref<!tpu.dma_semaphore, #tpu.memory_space<semaphore_mem>>) src(%dma_wait3A_524 : memref<8x128xi32, #tpu.memory_space<hbm>>) dst(%arg7 : memref<8x128xi32, #tpu.memory_space<vmem>>)
      %dma_wait3A_525 = arith.constant 0 : i32
      %dma_wait3A_526 = tpu.memref_slice %arg4[%min3A_274, %dma_wait3A_525] : memref<2560x128xi32, #tpu.memory_space<hbm>> -> memref<8x128xi32, #tpu.memory_space<hbm>>
      %dma_wait3A_527 = arith.constant 0 : i32
      %dma_wait3A_528 = tpu.memref_slice %arg4[%min3A_274, %dma_wait3A_527] : memref<2560x128xi32, #tpu.memory_space<hbm>> -> memref<8x128xi32, #tpu.memory_space<hbm>>
      tpu.wait_dma2 semaphore(%arg17 : memref<!tpu.dma_semaphore, #tpu.memory_space<semaphore_mem>>) src(%dma_wait3A_528 : memref<8x128xi32, #tpu.memory_space<hbm>>) dst(%arg8 : memref<8x128xi32, #tpu.memory_space<vmem>>)
    }
    %scan3A_32 = arith.constant 5 : i32
    %barrier3A_33 = arith.constant 0 : index
    tpu.barrier barrier_id(%barrier3A_33)
    "tpu.region"() ({
      %run_scoped3A = tpu.sem_alloc : memref<!tpu.dma_semaphore, #tpu.memory_space<semaphore_mem>>
      %dma_start3A_34 = arith.constant 0 : i32
      %dma_start3A_35 = tpu.memref_slice %arg6[%arg0, %mul3A_2, %dma_start3A_34] : memref<2x10240x128xf32, #tpu.memory_space<hbm>> -> memref<1x640x128xf32, #tpu.memory_space<hbm>>
      %dma_start3A_36 = tpu.memref_squeeze %dma_start3A_35 : memref<1x640x128xf32, #tpu.memory_space<hbm>> -> memref<640x128xf32, #tpu.memory_space<hbm>>
      %dma_start3A_37 = arith.constant 0 : i32
      %dma_start3A_38 = tpu.memref_slice %arg13[%mul3A_2, %dma_start3A_37] : memref<10240x128xf32, #tpu.memory_space<vmem_shared>> -> memref<640x128xf32, #tpu.memory_space<vmem_shared>>
      tpu.enqueue_dma source(%dma_start3A_38 : memref<640x128xf32, #tpu.memory_space<vmem_shared>>) target(%dma_start3A_36 : memref<640x128xf32, #tpu.memory_space<hbm>>) target_semaphore(%run_scoped3A : memref<!tpu.dma_semaphore, #tpu.memory_space<semaphore_mem>>)
      %dma_wait3A_39 = arith.constant 0 : i32
      %dma_wait3A_40 = tpu.memref_slice %arg6[%arg0, %mul3A_2, %dma_wait3A_39] : memref<2x10240x128xf32, #tpu.memory_space<hbm>> -> memref<1x640x128xf32, #tpu.memory_space<hbm>>
      %dma_wait3A_41 = tpu.memref_squeeze %dma_wait3A_40 : memref<1x640x128xf32, #tpu.memory_space<hbm>> -> memref<640x128xf32, #tpu.memory_space<hbm>>
      %dma_wait3A_42 = arith.constant 0 : i32
      %dma_wait3A_43 = tpu.memref_slice %arg13[%mul3A_2, %dma_wait3A_42] : memref<10240x128xf32, #tpu.memory_space<vmem_shared>> -> memref<640x128xf32, #tpu.memory_space<vmem_shared>>
      tpu.wait_dma2 semaphore(%run_scoped3A : memref<!tpu.dma_semaphore, #tpu.memory_space<semaphore_mem>>) src(%dma_wait3A_43 : memref<640x128xf32, #tpu.memory_space<vmem_shared>>) dst(%dma_wait3A_41 : memref<640x128xf32, #tpu.memory_space<hbm>>)
      tpu.yield
    }) : () -> ()
    return
  }
}

module attributes {stable_mosaic.version = 14 : i64} {
  func.func @_linear_body(%arg0: i32, %arg1: memref<2000x128xf32, #tpu.memory_space<vmem>>, %arg2: memref<128x128xf32, #tpu.memory_space<vmem>>, %arg3: memref<1x128xf32, #tpu.memory_space<vmem>>, %arg4: memref<2000x128xf32, #tpu.memory_space<vmem>>) attributes {dimension_semantics = [#tpu.dimension_semantics<arbitrary>], iteration_bounds = array<i64: 5>, scalar_prefetch = 0 : i64, scratch_operands = 0 : i64, tpu.core_type = #tpu.core_type<tc>, window_params = [{transform_indices = @transform_0, window_bounds = array<i64: 2000, 128>}, {pipeline_mode = #tpu.pipeline_mode<synchronous>, transform_indices = @transform_1, window_bounds = array<i64: 128, 128>}, {pipeline_mode = #tpu.pipeline_mode<synchronous>, transform_indices = @transform_2, window_bounds = array<i64: 1, 128>}, {transform_indices = @transform_3, window_bounds = array<i64: 2000, 128>}]} {
    %get3A = arith.constant 0 : index
    %get3A_0 = arith.constant 0 : index
    %get3A_1 = vector.load %arg1[%get3A, %get3A_0] : memref<2000x128xf32, #tpu.memory_space<vmem>>, vector<2000x128xf32>
    %get3A_2 = arith.constant 0 : index
    %get3A_3 = arith.constant 0 : index
    %get3A_4 = vector.load %arg2[%get3A_2, %get3A_3] : memref<128x128xf32, #tpu.memory_space<vmem>>, vector<128x128xf32>
    %dot_general3A = arith.constant dense<0.000000e+00> : vector<2000x128xf32>
    %dot_general3A_5 = tpu.matmul %get3A_1, %get3A_4, %dot_general3A {dimension_numbers = #tpu.dot_dimension_numbers<[1], [0], [0], [1], [0, 0, 1, 1], [], []>, transpose_lhs_hint = false} : vector<2000x128xf32>, vector<128x128xf32>, vector<2000x128xf32> -> vector<2000x128xf32>
    %get3A_6 = arith.constant 0 : index
    %get3A_7 = arith.constant 0 : index
    %get3A_8 = vector.load %arg3[%get3A_6, %get3A_7] : memref<1x128xf32, #tpu.memory_space<vmem>>, vector<1x128xf32>
    %add3A = vector.broadcast %get3A_8 : vector<1x128xf32> to vector<2000x128xf32>
    %add3A_9 = arith.addf %dot_general3A_5, %add3A : vector<2000x128xf32>
    %swap3A = arith.constant 0 : index
    %swap3A_10 = arith.constant 0 : index
    %swap3A_11 = vector.load %arg4[%swap3A, %swap3A_10] : memref<2000x128xf32, #tpu.memory_space<vmem>>, vector<2000x128xf32>
    tpu.vector_store %arg4[%swap3A, %swap3A_10], %add3A_9 {strides = array<i32>} : memref<2000x128xf32, #tpu.memory_space<vmem>>, vector<2000x128xf32>,
    return
  }
  func.func @transform_0(%arg0: i32) -> (i32, i32) {
    %c0_i32 = arith.constant 0 : i32
    %c0_i32_0 = arith.constant 0 : i32
    return %arg0, %c0_i32 : i32, i32
  }
  func.func @transform_1(%arg0: i32) -> (i32, i32) {
    %c0_i32 = arith.constant 0 : i32
    %c0_i32_0 = arith.constant 0 : i32
    %c0_i32_1 = arith.constant 0 : i32
    return %c0_i32, %c0_i32_0 : i32, i32
  }
  func.func @transform_2(%arg0: i32) -> (i32, i32) {
    %c0_i32 = arith.constant 0 : i32
    %c0_i32_0 = arith.constant 0 : i32
    %c0_i32_1 = arith.constant 0 : i32
    return %c0_i32, %c0_i32_0 : i32, i32
  }
  func.func @transform_3(%arg0: i32) -> (i32, i32) {
    %c0_i32 = arith.constant 0 : i32
    %c0_i32_0 = arith.constant 0 : i32
    return %arg0, %c0_i32 : i32, i32
  }
}

module attributes {stable_mosaic.version = 14 : i64} {
  func.func @_gru_body(%arg0: i32, %arg1: memref<2000x128xf32, #tpu.memory_space<vmem>>, %arg2: memref<2x2000x128xf32, #tpu.memory_space<vmem>>, %arg3: memref<128x128xf32, #tpu.memory_space<vmem>>, %arg4: memref<128x128xf32, #tpu.memory_space<vmem>>, %arg5: memref<1x128xf32, #tpu.memory_space<vmem>>, %arg6: memref<128x128xf32, #tpu.memory_space<vmem>>, %arg7: memref<128x128xf32, #tpu.memory_space<vmem>>, %arg8: memref<1x128xf32, #tpu.memory_space<vmem>>, %arg9: memref<128x128xf32, #tpu.memory_space<vmem>>, %arg10: memref<128x128xf32, #tpu.memory_space<vmem>>, %arg11: memref<1x128xf32, #tpu.memory_space<vmem>>, %arg12: memref<128x128xf32, #tpu.memory_space<vmem>>, %arg13: memref<1x128xf32, #tpu.memory_space<vmem>>, %arg14: memref<2000x128xf32, #tpu.memory_space<vmem>>, %arg15: memref<2000x128xf32, #tpu.memory_space<vmem>>) attributes {dimension_semantics = [#tpu.dimension_semantics<arbitrary>], iteration_bounds = array<i64: 5>, scalar_prefetch = 0 : i64, scratch_operands = 0 : i64, tpu.core_type = #tpu.core_type<tc>, window_params = [{transform_indices = @transform_0, window_bounds = array<i64: 2000, 128>}, {transform_indices = @transform_1, window_bounds = array<i64: 2, 2000, 128>}, {pipeline_mode = #tpu.pipeline_mode<synchronous>, transform_indices = @transform_2, window_bounds = array<i64: 128, 128>}, {pipeline_mode = #tpu.pipeline_mode<synchronous>, transform_indices = @transform_3, window_bounds = array<i64: 128, 128>}, {pipeline_mode = #tpu.pipeline_mode<synchronous>, transform_indices = @transform_4, window_bounds = array<i64: 1, 128>}, {pipeline_mode = #tpu.pipeline_mode<synchronous>, transform_indices = @transform_5, window_bounds = array<i64: 128, 128>}, {pipeline_mode = #tpu.pipeline_mode<synchronous>, transform_indices = @transform_6, window_bounds = array<i64: 128, 128>}, {pipeline_mode = #tpu.pipeline_mode<synchronous>, transform_indices = @transform_7, window_bounds = array<i64: 1, 128>}, {pipeline_mode = #tpu.pipeline_mode<synchronous>, transform_indices = @transform_8, window_bounds = array<i64: 128, 128>}, {pipeline_mode = #tpu.pipeline_mode<synchronous>, transform_indices = @transform_9, window_bounds = array<i64: 128, 128>}, {pipeline_mode = #tpu.pipeline_mode<synchronous>, transform_indices = @transform_10, window_bounds = array<i64: 1, 128>}, {pipeline_mode = #tpu.pipeline_mode<synchronous>, transform_indices = @transform_11, window_bounds = array<i64: 128, 128>}, {pipeline_mode = #tpu.pipeline_mode<synchronous>, transform_indices = @transform_12, window_bounds = array<i64: 1, 128>}, {transform_indices = @transform_13, window_bounds = array<i64: 2000, 128>}, {transform_indices = @transform_14, window_bounds = array<i64: 2000, 128>}]} {
    %get3A = arith.constant 0 : index
    %get3A_0 = arith.constant 0 : index
    %get3A_1 = arith.constant 0 : index
    %get3A_2 = vector.load %arg2[%get3A, %get3A_0, %get3A_1] : memref<2x2000x128xf32, #tpu.memory_space<vmem>>, vector<1x2000x128xf32>
    %get3A_3 = vector.shape_cast %get3A_2 : vector<1x2000x128xf32> to vector<2000x128xf32>
    %get3A_4 = arith.constant 1 : index
    %get3A_5 = arith.constant 0 : index
    %get3A_6 = arith.constant 0 : index
    %get3A_7 = vector.load %arg2[%get3A_4, %get3A_5, %get3A_6] : memref<2x2000x128xf32, #tpu.memory_space<vmem>>, vector<1x2000x128xf32>
    %get3A_8 = vector.shape_cast %get3A_7 : vector<1x2000x128xf32> to vector<2000x128xf32>
    %add3A = arith.addf %get3A_3, %get3A_8 : vector<2000x128xf32>
    %get3A_9 = arith.constant 0 : index
    %get3A_10 = arith.constant 0 : index
    %get3A_11 = vector.load %arg1[%get3A_9, %get3A_10] : memref<2000x128xf32, #tpu.memory_space<vmem>>, vector<2000x128xf32>
    %get3A_12 = arith.constant 0 : index
    %get3A_13 = arith.constant 0 : index
    %get3A_14 = vector.load %arg3[%get3A_12, %get3A_13] : memref<128x128xf32, #tpu.memory_space<vmem>>, vector<128x128xf32>
    %dot_general3A = arith.constant dense<0.000000e+00> : vector<2000x128xf32>
    %dot_general3A_15 = tpu.matmul %add3A, %get3A_14, %dot_general3A {dimension_numbers = #tpu.dot_dimension_numbers<[1], [0], [0], [1], [0, 0, 1, 1], [], []>, transpose_lhs_hint = false} : vector<2000x128xf32>, vector<128x128xf32>, vector<2000x128xf32> -> vector<2000x128xf32>
    %get3A_16 = arith.constant 0 : index
    %get3A_17 = arith.constant 0 : index
    %get3A_18 = vector.load %arg4[%get3A_16, %get3A_17] : memref<128x128xf32, #tpu.memory_space<vmem>>, vector<128x128xf32>
    %dot_general3A_19 = arith.constant dense<0.000000e+00> : vector<2000x128xf32>
    %dot_general3A_20 = tpu.matmul %get3A_11, %get3A_18, %dot_general3A_19 {dimension_numbers = #tpu.dot_dimension_numbers<[1], [0], [0], [1], [0, 0, 1, 1], [], []>, transpose_lhs_hint = false} : vector<2000x128xf32>, vector<128x128xf32>, vector<2000x128xf32> -> vector<2000x128xf32>
    %add3A_21 = arith.addf %dot_general3A_15, %dot_general3A_20 : vector<2000x128xf32>
    %get3A_22 = arith.constant 0 : index
    %get3A_23 = arith.constant 0 : index
    %get3A_24 = vector.load %arg5[%get3A_22, %get3A_23] : memref<1x128xf32, #tpu.memory_space<vmem>>, vector<1x128xf32>
    %add3A_25 = vector.broadcast %get3A_24 : vector<1x128xf32> to vector<2000x128xf32>
    %add3A_26 = arith.addf %add3A_21, %add3A_25 : vector<2000x128xf32>
    %logistic3A = arith.negf %add3A_26 : vector<2000x128xf32>
    %logistic3A_27 = math.exp %logistic3A : vector<2000x128xf32>
    %logistic3A_28 = arith.constant 1.000000e+00 : f32
    %logistic3A_29 = vector.broadcast %logistic3A_28 : f32 to vector<2000x128xf32>
    %logistic3A_30 = arith.addf %logistic3A_29, %logistic3A_27 : vector<2000x128xf32>
    %logistic3A_31 = arith.divf %logistic3A_29, %logistic3A_30 : vector<2000x128xf32>
    %get3A_32 = arith.constant 0 : index
    %get3A_33 = arith.constant 0 : index
    %get3A_34 = vector.load %arg6[%get3A_32, %get3A_33] : memref<128x128xf32, #tpu.memory_space<vmem>>, vector<128x128xf32>
    %dot_general3A_35 = arith.constant dense<0.000000e+00> : vector<2000x128xf32>
    %dot_general3A_36 = tpu.matmul %add3A, %get3A_34, %dot_general3A_35 {dimension_numbers = #tpu.dot_dimension_numbers<[1], [0], [0], [1], [0, 0, 1, 1], [], []>, transpose_lhs_hint = false} : vector<2000x128xf32>, vector<128x128xf32>, vector<2000x128xf32> -> vector<2000x128xf32>
    %get3A_37 = arith.constant 0 : index
    %get3A_38 = arith.constant 0 : index
    %get3A_39 = vector.load %arg7[%get3A_37, %get3A_38] : memref<128x128xf32, #tpu.memory_space<vmem>>, vector<128x128xf32>
    %dot_general3A_40 = arith.constant dense<0.000000e+00> : vector<2000x128xf32>
    %dot_general3A_41 = tpu.matmul %get3A_11, %get3A_39, %dot_general3A_40 {dimension_numbers = #tpu.dot_dimension_numbers<[1], [0], [0], [1], [0, 0, 1, 1], [], []>, transpose_lhs_hint = false} : vector<2000x128xf32>, vector<128x128xf32>, vector<2000x128xf32> -> vector<2000x128xf32>
    %add3A_42 = arith.addf %dot_general3A_36, %dot_general3A_41 : vector<2000x128xf32>
    %get3A_43 = arith.constant 0 : index
    %get3A_44 = arith.constant 0 : index
    %get3A_45 = vector.load %arg8[%get3A_43, %get3A_44] : memref<1x128xf32, #tpu.memory_space<vmem>>, vector<1x128xf32>
    %add3A_46 = vector.broadcast %get3A_45 : vector<1x128xf32> to vector<2000x128xf32>
    %add3A_47 = arith.addf %add3A_42, %add3A_46 : vector<2000x128xf32>
    %logistic3A_48 = arith.negf %add3A_47 : vector<2000x128xf32>
    %logistic3A_49 = math.exp %logistic3A_48 : vector<2000x128xf32>
    %logistic3A_50 = arith.constant 1.000000e+00 : f32
    %logistic3A_51 = vector.broadcast %logistic3A_50 : f32 to vector<2000x128xf32>
    %logistic3A_52 = arith.addf %logistic3A_51, %logistic3A_49 : vector<2000x128xf32>
    %logistic3A_53 = arith.divf %logistic3A_51, %logistic3A_52 : vector<2000x128xf32>
    %get3A_54 = arith.constant 0 : index
    %get3A_55 = arith.constant 0 : index
    %get3A_56 = vector.load %arg9[%get3A_54, %get3A_55] : memref<128x128xf32, #tpu.memory_space<vmem>>, vector<128x128xf32>
    %dot_general3A_57 = arith.constant dense<0.000000e+00> : vector<2000x128xf32>
    %dot_general3A_58 = tpu.matmul %add3A, %get3A_56, %dot_general3A_57 {dimension_numbers = #tpu.dot_dimension_numbers<[1], [0], [0], [1], [0, 0, 1, 1], [], []>, transpose_lhs_hint = false} : vector<2000x128xf32>, vector<128x128xf32>, vector<2000x128xf32> -> vector<2000x128xf32>
    %mul3A = arith.mulf %logistic3A_53, %get3A_11 : vector<2000x128xf32>
    %get3A_59 = arith.constant 0 : index
    %get3A_60 = arith.constant 0 : index
    %get3A_61 = vector.load %arg10[%get3A_59, %get3A_60] : memref<128x128xf32, #tpu.memory_space<vmem>>, vector<128x128xf32>
    %dot_general3A_62 = arith.constant dense<0.000000e+00> : vector<2000x128xf32>
    %dot_general3A_63 = tpu.matmul %mul3A, %get3A_61, %dot_general3A_62 {dimension_numbers = #tpu.dot_dimension_numbers<[1], [0], [0], [1], [0, 0, 1, 1], [], []>, transpose_lhs_hint = false} : vector<2000x128xf32>, vector<128x128xf32>, vector<2000x128xf32> -> vector<2000x128xf32>
    %add3A_64 = arith.addf %dot_general3A_58, %dot_general3A_63 : vector<2000x128xf32>
    %get3A_65 = arith.constant 0 : index
    %get3A_66 = arith.constant 0 : index
    %get3A_67 = vector.load %arg11[%get3A_65, %get3A_66] : memref<1x128xf32, #tpu.memory_space<vmem>>, vector<1x128xf32>
    %add3A_68 = vector.broadcast %get3A_67 : vector<1x128xf32> to vector<2000x128xf32>
    %add3A_69 = arith.addf %add3A_64, %add3A_68 : vector<2000x128xf32>
    %tanh3A = math.tanh %add3A_69 : vector<2000x128xf32>
    %sub3A = arith.constant 1.000000e+00 : f32
    %sub3A_70 = vector.broadcast %sub3A : f32 to vector<2000x128xf32>
    %sub3A_71 = arith.subf %sub3A_70, %logistic3A_31 : vector<2000x128xf32>
    %mul3A_72 = arith.mulf %sub3A_71, %get3A_11 : vector<2000x128xf32>
    %mul3A_73 = arith.mulf %logistic3A_31, %tanh3A : vector<2000x128xf32>
    %add3A_74 = arith.addf %mul3A_72, %mul3A_73 : vector<2000x128xf32>
    %swap3A = arith.constant 0 : index
    %swap3A_75 = arith.constant 0 : index
    %swap3A_76 = vector.load %arg14[%swap3A, %swap3A_75] : memref<2000x128xf32, #tpu.memory_space<vmem>>, vector<2000x128xf32>
    tpu.vector_store %arg14[%swap3A, %swap3A_75], %add3A_74 {strides = array<i32>} : memref<2000x128xf32, #tpu.memory_space<vmem>>, vector<2000x128xf32>,
    %get3A_77 = arith.constant 0 : index
    %get3A_78 = arith.constant 0 : index
    %get3A_79 = vector.load %arg12[%get3A_77, %get3A_78] : memref<128x128xf32, #tpu.memory_space<vmem>>, vector<128x128xf32>
    %dot_general3A_80 = arith.constant dense<0.000000e+00> : vector<2000x128xf32>
    %dot_general3A_81 = tpu.matmul %add3A_74, %get3A_79, %dot_general3A_80 {dimension_numbers = #tpu.dot_dimension_numbers<[1], [0], [0], [1], [0, 0, 1, 1], [], []>, transpose_lhs_hint = false} : vector<2000x128xf32>, vector<128x128xf32>, vector<2000x128xf32> -> vector<2000x128xf32>
    %get3A_82 = arith.constant 0 : index
    %get3A_83 = arith.constant 0 : index
    %get3A_84 = vector.load %arg13[%get3A_82, %get3A_83] : memref<1x128xf32, #tpu.memory_space<vmem>>, vector<1x128xf32>
    %add3A_85 = vector.broadcast %get3A_84 : vector<1x128xf32> to vector<2000x128xf32>
    %add3A_86 = arith.addf %dot_general3A_81, %add3A_85 : vector<2000x128xf32>
    %swap3A_87 = arith.constant 0 : index
    %swap3A_88 = arith.constant 0 : index
    %swap3A_89 = vector.load %arg15[%swap3A_87, %swap3A_88] : memref<2000x128xf32, #tpu.memory_space<vmem>>, vector<2000x128xf32>
    tpu.vector_store %arg15[%swap3A_87, %swap3A_88], %add3A_86 {strides = array<i32>} : memref<2000x128xf32, #tpu.memory_space<vmem>>, vector<2000x128xf32>,
    return
  }
  func.func @transform_0(%arg0: i32) -> (i32, i32) {
    %c0_i32 = arith.constant 0 : i32
    %c0_i32_0 = arith.constant 0 : i32
    return %arg0, %c0_i32 : i32, i32
  }
  func.func @transform_1(%arg0: i32) -> (i32, i32, i32) {
    %c0_i32 = arith.constant 0 : i32
    %c0_i32_0 = arith.constant 0 : i32
    %c0_i32_1 = arith.constant 0 : i32
    return %c0_i32, %arg0, %c0_i32_0 : i32, i32, i32
  }
  func.func @transform_2(%arg0: i32) -> (i32, i32) {
    %c0_i32 = arith.constant 0 : i32
    %c0_i32_0 = arith.constant 0 : i32
    %c0_i32_1 = arith.constant 0 : i32
    return %c0_i32, %c0_i32_0 : i32, i32
  }
  func.func @transform_3(%arg0: i32) -> (i32, i32) {
    %c0_i32 = arith.constant 0 : i32
    %c0_i32_0 = arith.constant 0 : i32
    %c0_i32_1 = arith.constant 0 : i32
    return %c0_i32, %c0_i32_0 : i32, i32
  }
  func.func @transform_4(%arg0: i32) -> (i32, i32) {
    %c0_i32 = arith.constant 0 : i32
    %c0_i32_0 = arith.constant 0 : i32
    %c0_i32_1 = arith.constant 0 : i32
    return %c0_i32, %c0_i32_0 : i32, i32
  }
  func.func @transform_5(%arg0: i32) -> (i32, i32) {
    %c0_i32 = arith.constant 0 : i32
    %c0_i32_0 = arith.constant 0 : i32
    %c0_i32_1 = arith.constant 0 : i32
    return %c0_i32, %c0_i32_0 : i32, i32
  }
  func.func @transform_6(%arg0: i32) -> (i32, i32) {
    %c0_i32 = arith.constant 0 : i32
    %c0_i32_0 = arith.constant 0 : i32
    %c0_i32_1 = arith.constant 0 : i32
    return %c0_i32, %c0_i32_0 : i32, i32
  }
  func.func @transform_7(%arg0: i32) -> (i32, i32) {
    %c0_i32 = arith.constant 0 : i32
    %c0_i32_0 = arith.constant 0 : i32
    %c0_i32_1 = arith.constant 0 : i32
    return %c0_i32, %c0_i32_0 : i32, i32
  }
  func.func @transform_8(%arg0: i32) -> (i32, i32) {
    %c0_i32 = arith.constant 0 : i32
    %c0_i32_0 = arith.constant 0 : i32
    %c0_i32_1 = arith.constant 0 : i32
    return %c0_i32, %c0_i32_0 : i32, i32
  }
  func.func @transform_9(%arg0: i32) -> (i32, i32) {
    %c0_i32 = arith.constant 0 : i32
    %c0_i32_0 = arith.constant 0 : i32
    %c0_i32_1 = arith.constant 0 : i32
    return %c0_i32, %c0_i32_0 : i32, i32
  }
  func.func @transform_10(%arg0: i32) -> (i32, i32) {
    %c0_i32 = arith.constant 0 : i32
    %c0_i32_0 = arith.constant 0 : i32
    %c0_i32_1 = arith.constant 0 : i32
    return %c0_i32, %c0_i32_0 : i32, i32
  }
  func.func @transform_11(%arg0: i32) -> (i32, i32) {
    %c0_i32 = arith.constant 0 : i32
    %c0_i32_0 = arith.constant 0 : i32
    %c0_i32_1 = arith.constant 0 : i32
    return %c0_i32, %c0_i32_0 : i32, i32
  }
  func.func @transform_12(%arg0: i32) -> (i32, i32) {
    %c0_i32 = arith.constant 0 : i32
    %c0_i32_0 = arith.constant 0 : i32
    %c0_i32_1 = arith.constant 0 : i32
    return %c0_i32, %c0_i32_0 : i32, i32
  }
  func.func @transform_13(%arg0: i32) -> (i32, i32) {
    %c0_i32 = arith.constant 0 : i32
    %c0_i32_0 = arith.constant 0 : i32
    return %arg0, %c0_i32 : i32, i32
  }
  func.func @transform_14(%arg0: i32) -> (i32, i32) {
    %c0_i32 = arith.constant 0 : i32
    %c0_i32_0 = arith.constant 0 : i32
    return %arg0, %c0_i32 : i32, i32
  }
}

module attributes {stable_mosaic.version = 14 : i64} {
  func.func @_lambda_(%arg0: i32, %arg1: memref<2000x128xf32, #tpu.memory_space<vmem>>, %arg2: memref<2x2000x128xf32, #tpu.memory_space<vmem>>, %arg3: memref<128x128xf32, #tpu.memory_space<vmem>>, %arg4: memref<128x128xf32, #tpu.memory_space<vmem>>, %arg5: memref<1x128xf32, #tpu.memory_space<vmem>>, %arg6: memref<128x128xf32, #tpu.memory_space<vmem>>, %arg7: memref<128x128xf32, #tpu.memory_space<vmem>>, %arg8: memref<1x128xf32, #tpu.memory_space<vmem>>, %arg9: memref<128x128xf32, #tpu.memory_space<vmem>>, %arg10: memref<128x128xf32, #tpu.memory_space<vmem>>, %arg11: memref<1x128xf32, #tpu.memory_space<vmem>>, %arg12: memref<128x128xf32, #tpu.memory_space<vmem>>, %arg13: memref<1x128xf32, #tpu.memory_space<vmem>>, %arg14: memref<2000x128xf32, #tpu.memory_space<vmem>>) attributes {dimension_semantics = [#tpu.dimension_semantics<arbitrary>], iteration_bounds = array<i64: 5>, scalar_prefetch = 0 : i64, scratch_operands = 0 : i64, tpu.core_type = #tpu.core_type<tc>, window_params = [{transform_indices = @transform_0, window_bounds = array<i64: 2000, 128>}, {transform_indices = @transform_1, window_bounds = array<i64: 2, 2000, 128>}, {pipeline_mode = #tpu.pipeline_mode<synchronous>, transform_indices = @transform_2, window_bounds = array<i64: 128, 128>}, {pipeline_mode = #tpu.pipeline_mode<synchronous>, transform_indices = @transform_3, window_bounds = array<i64: 128, 128>}, {pipeline_mode = #tpu.pipeline_mode<synchronous>, transform_indices = @transform_4, window_bounds = array<i64: 1, 128>}, {pipeline_mode = #tpu.pipeline_mode<synchronous>, transform_indices = @transform_5, window_bounds = array<i64: 128, 128>}, {pipeline_mode = #tpu.pipeline_mode<synchronous>, transform_indices = @transform_6, window_bounds = array<i64: 128, 128>}, {pipeline_mode = #tpu.pipeline_mode<synchronous>, transform_indices = @transform_7, window_bounds = array<i64: 1, 128>}, {pipeline_mode = #tpu.pipeline_mode<synchronous>, transform_indices = @transform_8, window_bounds = array<i64: 128, 128>}, {pipeline_mode = #tpu.pipeline_mode<synchronous>, transform_indices = @transform_9, window_bounds = array<i64: 128, 128>}, {pipeline_mode = #tpu.pipeline_mode<synchronous>, transform_indices = @transform_10, window_bounds = array<i64: 1, 128>}, {pipeline_mode = #tpu.pipeline_mode<synchronous>, transform_indices = @transform_11, window_bounds = array<i64: 128, 128>}, {pipeline_mode = #tpu.pipeline_mode<synchronous>, transform_indices = @transform_12, window_bounds = array<i64: 1, 128>}, {transform_indices = @transform_13, window_bounds = array<i64: 2000, 128>}]} {
    %get3A = arith.constant 0 : index
    %get3A_0 = arith.constant 0 : index
    %get3A_1 = arith.constant 0 : index
    %get3A_2 = vector.load %arg2[%get3A, %get3A_0, %get3A_1] : memref<2x2000x128xf32, #tpu.memory_space<vmem>>, vector<1x2000x128xf32>
    %get3A_3 = vector.shape_cast %get3A_2 : vector<1x2000x128xf32> to vector<2000x128xf32>
    %get3A_4 = arith.constant 1 : index
    %get3A_5 = arith.constant 0 : index
    %get3A_6 = arith.constant 0 : index
    %get3A_7 = vector.load %arg2[%get3A_4, %get3A_5, %get3A_6] : memref<2x2000x128xf32, #tpu.memory_space<vmem>>, vector<1x2000x128xf32>
    %get3A_8 = vector.shape_cast %get3A_7 : vector<1x2000x128xf32> to vector<2000x128xf32>
    %add3A = arith.addf %get3A_3, %get3A_8 : vector<2000x128xf32>
    %get3A_9 = arith.constant 0 : index
    %get3A_10 = arith.constant 0 : index
    %get3A_11 = vector.load %arg1[%get3A_9, %get3A_10] : memref<2000x128xf32, #tpu.memory_space<vmem>>, vector<2000x128xf32>
    %get3A_12 = arith.constant 0 : index
    %get3A_13 = arith.constant 0 : index
    %get3A_14 = vector.load %arg3[%get3A_12, %get3A_13] : memref<128x128xf32, #tpu.memory_space<vmem>>, vector<128x128xf32>
    %dot_general3A = arith.constant dense<0.000000e+00> : vector<2000x128xf32>
    %dot_general3A_15 = tpu.matmul %add3A, %get3A_14, %dot_general3A {dimension_numbers = #tpu.dot_dimension_numbers<[1], [0], [0], [1], [0, 0, 1, 1], [], []>, transpose_lhs_hint = false} : vector<2000x128xf32>, vector<128x128xf32>, vector<2000x128xf32> -> vector<2000x128xf32>
    %get3A_16 = arith.constant 0 : index
    %get3A_17 = arith.constant 0 : index
    %get3A_18 = vector.load %arg4[%get3A_16, %get3A_17] : memref<128x128xf32, #tpu.memory_space<vmem>>, vector<128x128xf32>
    %dot_general3A_19 = arith.constant dense<0.000000e+00> : vector<2000x128xf32>
    %dot_general3A_20 = tpu.matmul %get3A_11, %get3A_18, %dot_general3A_19 {dimension_numbers = #tpu.dot_dimension_numbers<[1], [0], [0], [1], [0, 0, 1, 1], [], []>, transpose_lhs_hint = false} : vector<2000x128xf32>, vector<128x128xf32>, vector<2000x128xf32> -> vector<2000x128xf32>
    %add3A_21 = arith.addf %dot_general3A_15, %dot_general3A_20 : vector<2000x128xf32>
    %get3A_22 = arith.constant 0 : index
    %get3A_23 = arith.constant 0 : index
    %get3A_24 = vector.load %arg5[%get3A_22, %get3A_23] : memref<1x128xf32, #tpu.memory_space<vmem>>, vector<1x128xf32>
    %add3A_25 = vector.broadcast %get3A_24 : vector<1x128xf32> to vector<2000x128xf32>
    %add3A_26 = arith.addf %add3A_21, %add3A_25 : vector<2000x128xf32>
    %logistic3A = arith.negf %add3A_26 : vector<2000x128xf32>
    %logistic3A_27 = math.exp %logistic3A : vector<2000x128xf32>
    %logistic3A_28 = arith.constant 1.000000e+00 : f32
    %logistic3A_29 = vector.broadcast %logistic3A_28 : f32 to vector<2000x128xf32>
    %logistic3A_30 = arith.addf %logistic3A_29, %logistic3A_27 : vector<2000x128xf32>
    %logistic3A_31 = arith.divf %logistic3A_29, %logistic3A_30 : vector<2000x128xf32>
    %get3A_32 = arith.constant 0 : index
    %get3A_33 = arith.constant 0 : index
    %get3A_34 = vector.load %arg6[%get3A_32, %get3A_33] : memref<128x128xf32, #tpu.memory_space<vmem>>, vector<128x128xf32>
    %dot_general3A_35 = arith.constant dense<0.000000e+00> : vector<2000x128xf32>
    %dot_general3A_36 = tpu.matmul %add3A, %get3A_34, %dot_general3A_35 {dimension_numbers = #tpu.dot_dimension_numbers<[1], [0], [0], [1], [0, 0, 1, 1], [], []>, transpose_lhs_hint = false} : vector<2000x128xf32>, vector<128x128xf32>, vector<2000x128xf32> -> vector<2000x128xf32>
    %get3A_37 = arith.constant 0 : index
    %get3A_38 = arith.constant 0 : index
    %get3A_39 = vector.load %arg7[%get3A_37, %get3A_38] : memref<128x128xf32, #tpu.memory_space<vmem>>, vector<128x128xf32>
    %dot_general3A_40 = arith.constant dense<0.000000e+00> : vector<2000x128xf32>
    %dot_general3A_41 = tpu.matmul %get3A_11, %get3A_39, %dot_general3A_40 {dimension_numbers = #tpu.dot_dimension_numbers<[1], [0], [0], [1], [0, 0, 1, 1], [], []>, transpose_lhs_hint = false} : vector<2000x128xf32>, vector<128x128xf32>, vector<2000x128xf32> -> vector<2000x128xf32>
    %add3A_42 = arith.addf %dot_general3A_36, %dot_general3A_41 : vector<2000x128xf32>
    %get3A_43 = arith.constant 0 : index
    %get3A_44 = arith.constant 0 : index
    %get3A_45 = vector.load %arg8[%get3A_43, %get3A_44] : memref<1x128xf32, #tpu.memory_space<vmem>>, vector<1x128xf32>
    %add3A_46 = vector.broadcast %get3A_45 : vector<1x128xf32> to vector<2000x128xf32>
    %add3A_47 = arith.addf %add3A_42, %add3A_46 : vector<2000x128xf32>
    %logistic3A_48 = arith.negf %add3A_47 : vector<2000x128xf32>
    %logistic3A_49 = math.exp %logistic3A_48 : vector<2000x128xf32>
    %logistic3A_50 = arith.constant 1.000000e+00 : f32
    %logistic3A_51 = vector.broadcast %logistic3A_50 : f32 to vector<2000x128xf32>
    %logistic3A_52 = arith.addf %logistic3A_51, %logistic3A_49 : vector<2000x128xf32>
    %logistic3A_53 = arith.divf %logistic3A_51, %logistic3A_52 : vector<2000x128xf32>
    %get3A_54 = arith.constant 0 : index
    %get3A_55 = arith.constant 0 : index
    %get3A_56 = vector.load %arg9[%get3A_54, %get3A_55] : memref<128x128xf32, #tpu.memory_space<vmem>>, vector<128x128xf32>
    %dot_general3A_57 = arith.constant dense<0.000000e+00> : vector<2000x128xf32>
    %dot_general3A_58 = tpu.matmul %add3A, %get3A_56, %dot_general3A_57 {dimension_numbers = #tpu.dot_dimension_numbers<[1], [0], [0], [1], [0, 0, 1, 1], [], []>, transpose_lhs_hint = false} : vector<2000x128xf32>, vector<128x128xf32>, vector<2000x128xf32> -> vector<2000x128xf32>
    %mul3A = arith.mulf %logistic3A_53, %get3A_11 : vector<2000x128xf32>
    %get3A_59 = arith.constant 0 : index
    %get3A_60 = arith.constant 0 : index
    %get3A_61 = vector.load %arg10[%get3A_59, %get3A_60] : memref<128x128xf32, #tpu.memory_space<vmem>>, vector<128x128xf32>
    %dot_general3A_62 = arith.constant dense<0.000000e+00> : vector<2000x128xf32>
    %dot_general3A_63 = tpu.matmul %mul3A, %get3A_61, %dot_general3A_62 {dimension_numbers = #tpu.dot_dimension_numbers<[1], [0], [0], [1], [0, 0, 1, 1], [], []>, transpose_lhs_hint = false} : vector<2000x128xf32>, vector<128x128xf32>, vector<2000x128xf32> -> vector<2000x128xf32>
    %add3A_64 = arith.addf %dot_general3A_58, %dot_general3A_63 : vector<2000x128xf32>
    %get3A_65 = arith.constant 0 : index
    %get3A_66 = arith.constant 0 : index
    %get3A_67 = vector.load %arg11[%get3A_65, %get3A_66] : memref<1x128xf32, #tpu.memory_space<vmem>>, vector<1x128xf32>
    %add3A_68 = vector.broadcast %get3A_67 : vector<1x128xf32> to vector<2000x128xf32>
    %add3A_69 = arith.addf %add3A_64, %add3A_68 : vector<2000x128xf32>
    %tanh3A = math.tanh %add3A_69 : vector<2000x128xf32>
    %sub3A = arith.constant 1.000000e+00 : f32
    %sub3A_70 = vector.broadcast %sub3A : f32 to vector<2000x128xf32>
    %sub3A_71 = arith.subf %sub3A_70, %logistic3A_31 : vector<2000x128xf32>
    %mul3A_72 = arith.mulf %sub3A_71, %get3A_11 : vector<2000x128xf32>
    %mul3A_73 = arith.mulf %logistic3A_31, %tanh3A : vector<2000x128xf32>
    %add3A_74 = arith.addf %mul3A_72, %mul3A_73 : vector<2000x128xf32>
    %swap3A = arith.constant 0 : index
    %swap3A_75 = arith.constant 0 : index
    %swap3A_76 = vector.load %arg14[%swap3A, %swap3A_75] : memref<2000x128xf32, #tpu.memory_space<vmem>>, vector<2000x128xf32>
    tpu.vector_store %arg14[%swap3A, %swap3A_75], %add3A_74 {strides = array<i32>} : memref<2000x128xf32, #tpu.memory_space<vmem>>, vector<2000x128xf32>,
    return
  }
  func.func @transform_0(%arg0: i32) -> (i32, i32) {
    %c0_i32 = arith.constant 0 : i32
    %c0_i32_0 = arith.constant 0 : i32
    return %arg0, %c0_i32 : i32, i32
  }
  func.func @transform_1(%arg0: i32) -> (i32, i32, i32) {
    %c0_i32 = arith.constant 0 : i32
    %c0_i32_0 = arith.constant 0 : i32
    %c0_i32_1 = arith.constant 0 : i32
    return %c0_i32, %arg0, %c0_i32_0 : i32, i32, i32
  }
  func.func @transform_2(%arg0: i32) -> (i32, i32) {
    %c0_i32 = arith.constant 0 : i32
    %c0_i32_0 = arith.constant 0 : i32
    %c0_i32_1 = arith.constant 0 : i32
    return %c0_i32, %c0_i32_0 : i32, i32
  }
  func.func @transform_3(%arg0: i32) -> (i32, i32) {
    %c0_i32 = arith.constant 0 : i32
    %c0_i32_0 = arith.constant 0 : i32
    %c0_i32_1 = arith.constant 0 : i32
    return %c0_i32, %c0_i32_0 : i32, i32
  }
  func.func @transform_4(%arg0: i32) -> (i32, i32) {
    %c0_i32 = arith.constant 0 : i32
    %c0_i32_0 = arith.constant 0 : i32
    %c0_i32_1 = arith.constant 0 : i32
    return %c0_i32, %c0_i32_0 : i32, i32
  }
  func.func @transform_5(%arg0: i32) -> (i32, i32) {
    %c0_i32 = arith.constant 0 : i32
    %c0_i32_0 = arith.constant 0 : i32
    %c0_i32_1 = arith.constant 0 : i32
    return %c0_i32, %c0_i32_0 : i32, i32
  }
  func.func @transform_6(%arg0: i32) -> (i32, i32) {
    %c0_i32 = arith.constant 0 : i32
    %c0_i32_0 = arith.constant 0 : i32
    %c0_i32_1 = arith.constant 0 : i32
    return %c0_i32, %c0_i32_0 : i32, i32
  }
  func.func @transform_7(%arg0: i32) -> (i32, i32) {
    %c0_i32 = arith.constant 0 : i32
    %c0_i32_0 = arith.constant 0 : i32
    %c0_i32_1 = arith.constant 0 : i32
    return %c0_i32, %c0_i32_0 : i32, i32
  }
  func.func @transform_8(%arg0: i32) -> (i32, i32) {
    %c0_i32 = arith.constant 0 : i32
    %c0_i32_0 = arith.constant 0 : i32
    %c0_i32_1 = arith.constant 0 : i32
    return %c0_i32, %c0_i32_0 : i32, i32
  }
  func.func @transform_9(%arg0: i32) -> (i32, i32) {
    %c0_i32 = arith.constant 0 : i32
    %c0_i32_0 = arith.constant 0 : i32
    %c0_i32_1 = arith.constant 0 : i32
    return %c0_i32, %c0_i32_0 : i32, i32
  }
  func.func @transform_10(%arg0: i32) -> (i32, i32) {
    %c0_i32 = arith.constant 0 : i32
    %c0_i32_0 = arith.constant 0 : i32
    %c0_i32_1 = arith.constant 0 : i32
    return %c0_i32, %c0_i32_0 : i32, i32
  }
  func.func @transform_11(%arg0: i32) -> (i32, i32) {
    %c0_i32 = arith.constant 0 : i32
    %c0_i32_0 = arith.constant 0 : i32
    %c0_i32_1 = arith.constant 0 : i32
    return %c0_i32, %c0_i32_0 : i32, i32
  }
  func.func @transform_12(%arg0: i32) -> (i32, i32) {
    %c0_i32 = arith.constant 0 : i32
    %c0_i32_0 = arith.constant 0 : i32
    %c0_i32_1 = arith.constant 0 : i32
    return %c0_i32, %c0_i32_0 : i32, i32
  }
  func.func @transform_13(%arg0: i32) -> (i32, i32) {
    %c0_i32 = arith.constant 0 : i32
    %c0_i32_0 = arith.constant 0 : i32
    return %arg0, %c0_i32 : i32, i32
  }
}

</mosaic_0001>

<sc_bundles>
// kernel: kernel.10.cloned.1.call-start
scs
__scs_entry_jumppad:
0x0: {  	(pc) =	sbr.rel $0x88, $3  }
0x1: {  	(tag) =	ssettag $0x0;
	lr =	simm.s32 $0x1  }
0x2: {  	[smem:$0x3F94] =	sst lr;
	_ =	strace $0xD0000000  }
0x3: {  	_ = 	snop  }
0x4: {  	_ = 	snop  }
0x5: {  	_ = 	snop  }
0x6: {  	_ = 	snop  }
0x7: {  	_ = 	snop  }
__scs_overlays_trampoline_lowered:
0x8: {  	[smem:$0x3FA3] =	sst s0  }
0x9: {  	[smem:$0x3FA4] =	sst s1  }
0xa: {  	[smem:$0x3FA5] =	sst s2  }
0xb: {  	[smem:$0x3FA6] =	sst s3  }
0xc: {  	[smem:$0x3FA7] =	sst s4  }
0xd: {  	[smem:$0x3FA8] =	sst s5  }
0xe: {  	[smem:$0x3FA9] =	sst s6  }
0xf: {  	[smem:$0x3FAA] =	sst s7  }
0x10: {  	[smem:$0x3FAB] =	sst s8  }
0x11: {  	[smem:$0x3FAC] =	sst s9;
	s0 =	simm.s32 @!p0 $0x0  }
0x12: {  	s1 =	sld [smem:$0x3F92];
	s0 =	simm.s32 @p0 $0x1  }
0x13: {  	[smem:$0x3FAD] =	sst s0;
	s0 =	simm.s32 @!p1 $0x0  }
0x14: {  	s2 =	sld [smem:$0x3F91];
	s0 =	simm.s32 @p1 $0x1  }
0x15: {  	[smem:$0x3FAE] =	sst s0;
	s0 =	simm.s32 @!p2 $0x0  }
0x16: {  	s3 =	sld [smem:$0x3FDB];
	s0 =	simm.s32 @p2 $0x1  }
0x17: {  	s4 =	simm.s32 $0x1BF5;
	[smem:$0x3FB0] =	sst s0  }
0x18: {  	s0 =	sld [smem:$0x3F93];
	_ =	swait.ge [sflag:s4], $0x0  }
0x19: {  	s7 =	sld [smem:$0x3F94]  }
0x1a: {  	s8 =	sadd.s32 $0xFFFFE003, lr  }
0x1b: {  	s9 =	sadd.s32 $0xFFFFFEF7, lr;
	s5 =	simm.s32 $0xFFFFFFFF;
	p2 =	slt.u32 s8, $0xFFFFF086  }
0x1c: {  	p1 =	slt.u32 s9, $0xF7A;
	s5 =	simm.s32 @!p2 $0x0  }
0x1d: {  	s5 =	simm.s32 @p1 $0x1;
	p0 =	seq.s32 s7, s2  }
0x1e: {  	s7 =	smul.u32 @!p0 $0xF7A, s2;
	p2 =	seq.s32 @!p0 s5, $0x0  }
0x1f: {  	s9 =	smul.u32 $0xF7A, s1;
	s8 =	simm.s32 @!p0 $0x1BF5;
	p2 =	por !p2, p0  }
0x20: {  	[sflag:s8] =	ssyncset.s32 @!p0 $0xFFFFF086;
	s6 =	sadd.s32 @!p0 s3, s7;
	s7 =	simm.s32 @!p0 $0x108  }
0x21: {  	s3 =	sadd.s32 s3, s9;
	s6 =	sadd.s32 @!p0 $0x88, s6;
	s7 =	simm.s32 @p2 $0x1082  }
0x22: {  	[simem:s7], [sflag:s8] =	dma.local @!p0 [hbm:s6], $0xF7A  }
0x23: {  	s9 =	sor.u32 $0xD0000000, s2;
	s6 =	simm.s32 $0x108;
	_ =	swait.ge @!p0 [sflag:s8], $0x0  }
0x24: {  	s3 =	sadd.s32 $0x88, s3;
	s6 =	simm.s32 @!p1 $0x1082;
	[sflag:s4] =	ssyncset.s32 $0xFFFFF086  }
0x25: {  	[simem:s6], [sflag:s4] =	dma.local [hbm:s3], $0xF7A  }
0x26: {  	[smem:$0x3F94] =	sst s1;
	(tag) =	ssettag s2;
	_ =	strace s9  }
0x27: {  	s1 =	sld [smem:$0x3FA4]  }
0x28: {  	s2 =	sld [smem:$0x3FA5]  }
0x29: {  	s4 =	sld [smem:$0x3FA7]  }
0x2a: {  	p0 =	seq.s32 s5, $0x0;
	s5 =	sld [smem:$0x3FA8]  }
0x2b: {  	s6 =	sld [smem:$0x3FA9]  }
0x2c: {  	s7 =	sld [smem:$0x3FAA]  }
0x2d: {  	s3 =	simm.s32 $0x108;
	s8 =	sld [smem:$0x3FAB]  }
0x2e: {  	s3 =	simm.s32 @!p0 $0x1082;
	s9 =	sld [smem:$0x3FAC]  }
0x2f: {  	lr =	sadd.s32 s0, s3;
	s0 =	sld [smem:$0x3FA3]  }
0x30: {  	s3 =	sld [smem:$0x3FA6]  }
0x31: {  	[smem:$0x3FAF] =	sst s10  }
0x32: {  	s10 =	sld [smem:$0x3FAD];
	_ =	sdelay $0x3  }
0x33: {  	p0 =	seq.s32 s10, $0x1;
	s10 =	sld [smem:$0x3FAF];
	_ =	sdelay $0x3  }
0x34: {  	[smem:$0x3FAF] =	sst s10  }
0x35: {  	s10 =	sld [smem:$0x3FAE];
	_ =	sdelay $0x3  }
0x36: {  	p1 =	seq.s32 s10, $0x1;
	s10 =	sld [smem:$0x3FAF];
	_ =	sdelay $0x3  }
0x37: {  	[smem:$0x3FAF] =	sst s10  }
0x38: {  	s10 =	sld [smem:$0x3FB0]  }
0x39: {  	_ = 	snop;
	(pc) =	sbr.ind lr, $3  }
0x3a: {  	_ = 	snop  }
0x3b: {  	_ = 	snop  }
0x3c: {  	p2 =	seq.s32 s10, $0x1;
	s10 =	sld [smem:$0x3FAF]  }
0x3d: {  	_ =	shalt  }
0x3e: {  	_ =	shalt  }
0x3f: {  	_ =	shalt  }
0x40: {  	_ =	shalt  }
0x41: {  	_ =	shalt  }
0x42: {  	_ =	shalt  }
0x43: {  	_ =	shalt  }
0x44: {  	_ =	shalt  }
0x45: {  	_ =	shalt  }
0x46: {  	_ =	shalt  }
0x47: {  	_ =	shalt  }
0x48: {  	_ =	shalt  }
0x49: {  	_ =	shalt  }
0x4a: {  	_ =	shalt  }
0x4b: {  	_ =	shalt  }
0x4c: {  	_ =	shalt  }
0x4d: {  	_ =	shalt  }
0x4e: {  	_ =	shalt  }
0x4f: {  	_ =	shalt  }
0x50: {  	_ =	shalt  }
0x51: {  	_ =	shalt  }
0x52: {  	_ =	shalt  }
0x53: {  	_ =	shalt  }
0x54: {  	_ =	shalt  }
0x55: {  	_ =	shalt  }
0x56: {  	_ =	shalt  }
0x57: {  	_ =	shalt  }
0x58: {  	_ =	shalt  }
0x59: {  	_ =	shalt  }
0x5a: {  	_ =	shalt  }
0x5b: {  	_ =	shalt  }
0x5c: {  	_ =	shalt  }
0x5d: {  	_ =	shalt  }
0x5e: {  	_ =	shalt  }
0x5f: {  	_ =	shalt  }
0x60: {  	_ =	shalt  }
0x61: {  	_ =	shalt  }
0x62: {  	_ =	shalt  }
0x63: {  	_ =	shalt  }
0x64: {  	_ =	shalt  }
0x65: {  	_ =	shalt  }
0x66: {  	_ =	shalt  }
0x67: {  	_ =	shalt  }
0x68: {  	_ =	shalt  }
0x69: {  	_ =	shalt  }
0x6a: {  	_ =	shalt  }
0x6b: {  	_ =	shalt  }
0x6c: {  	_ =	shalt  }
0x6d: {  	_ =	shalt  }
0x6e: {  	_ =	shalt  }
0x6f: {  	_ =	shalt  }
0x70: {  	_ =	shalt  }
0x71: {  	_ =	shalt  }
0x72: {  	_ =	shalt  }
0x73: {  	_ =	shalt  }
0x74: {  	_ =	shalt  }
0x75: {  	_ =	shalt  }
0x76: {  	_ =	shalt  }
0x77: {  	_ =	shalt  }
0x78: {  	_ =	shalt  }
0x79: {  	_ =	shalt  }
0x7a: {  	_ =	shalt  }
0x7b: {  	_ =	shalt  }
0x7c: {  	_ =	shalt  }
0x7d: {  	_ =	shalt  }
0x7e: {  	_ =	shalt  }
0x7f: {  	_ =	shalt  }
0x80: {  	_ =	shalt  }
0x81: {  	_ =	shalt  }
0x82: {  	_ =	shalt  }
0x83: {  	_ =	shalt  }
0x84: {  	_ =	shalt  }
0x85: {  	_ =	shalt  }
0x86: {  	_ =	shalt  }
0x87: {  	_ =	shalt  }
.Lfunc_end0:
.L_simem_size_0:
called_computation.1_lowered:
.L_overlay_start_0:
0x88: {  	s2 =	sld [smem:$0x3FD9]  }
0x89: {  	s3 =	sld [smem:$0x3FFE];
	_ =	sdelay $0x1  }
0x8a: {  	s1 =	srdreg.scid  }
0x8b: {  	s0 =	sand.u32 $0x1, s1  }
0x8c: {  	s17 =	sshll.u32 s0, $0xA;
	s2 =	sadd.s32 s3, s2  }
0x8d: {  	s2 =	sadd.s32 s2, s17  }
0x8e: {  	[smem:$0x3FBB] =	sst s2  }
0x8f: {  	_ = 	snop  }
0x90: {  	s2 =	sld [smem:$0x3FD0];
	(tm) =	ssettm $0x1  }
0x91: {  	s18 =	sld [smem:$0x3FFB];
	_ =	sdelay $0x3  }
0x92: {  	_ =	strace s18  }
0x93: {  	s3 =	sld [smem:$0x3FFC];
	_ =	sdelay $0x3  }
0x94: {  	_ =	strace s3  }
0x95: {  	s3 =	sld [smem:$0x3FFD];
	_ =	sdelay $0x3  }
0x96: {  	_ =	strace s3  }
0x97: {  	_ =	strace $0x8FFFFFFF  }
0x98: {  	s19 =	sld [smem:$0x3FDB];
	_ =	sdelay $0x1  }
0x99: {  	s4 =	simm.s32 $_scs_section_size  }
0x9a: {  	s5 =	simm.s32 $_size__tile_overlayer_lowered;
	s6 =	simm.s32 $_tile_overlayer_lowered  }
0x9b: {  	s22 =	simm.s32 $0x1BFF;
	s21 =	sshll.u32 s6, $0x1;
	s3 =	sadd.s32 s4, s19  }
0x9c: {  	s7 =	simm.s32 $0x0;
	s20 =	sshll.u32 s5, $0x1;
	s5 =	sadd.s32 s21, s3  }
0x9d: {  	[timem:s7], [sflag:s22] =	dma.local [hbm:s5], s20  }
0x9e: {  	_ =	swait.ge [sflag:s22], s20  }
0x9f: {  	s4 =	ssub.s32 $0x0, s20;
	[sflag:s22] =	ssyncset.done $0x0  }
0xa0: {  	[sflag:s22] =	ssyncadd.s32 s4;
	_ =	sdelay $0x1  }
0xa1: {  	s23 =	simm.s32 $0x1B8B  }
0xa2: {  	_ =	swait.ge [sflag:s23], $0x1  }
0xa3: {  	[sflag:s23] =	ssyncset.done $0x0  }
0xa4: {  	s25 =	simm.s32 $0x1B8E;
	s24 =	sld [smem:$0x3FFE];
	[sflag:s23] =	ssyncadd.s32 $0xFFFFFFFF  }
0xa5: {  	s26 =	simm.s32 $execute0_lowered;
	[smem:$0x3FD2] =	sst s25  }
0xa6: {  	s5 =	sshll.u32 s26, $0x1;
	_ =	strace $0x80000049;
	[dreg:$0x1] =	wrdreg $0xFFFFFFFF  }
0xa7: {  	s28 =	simm.s32 $_size_execute0_lowered;
	s3 =	sadd.s32 s3, s5;
	[dreg:$0x0] =	wrdreg $0x0  }
0xa8: {  	s5 =	sshll.u32 s28, $0x1;
	[dreg:$0x2] =	wrdreg s3  }
0xa9: {  	[dreg:$0x3] =	wrdreg s5  }
0xaa: {  	[dreg:$0x4] =	wrdreg $0xC0  }
0xab: {  	_ =	task [dreg:s7], $0x5FFFF  }
0xac: {  	[dreg:$0x1] =	wrdreg $0xFFFFFFFF  }
0xad: {  	[dreg:$0x0] =	wrdreg $0x60  }
0xae: {  	[dreg:$0x2] =	wrdreg s2  }
0xaf: {  	[dreg:$0x3] =	wrdreg s24  }
0xb0: {  	[dreg:$0x4] =	wrdreg $0x90000  }
0xb1: {  	[dreg:$0x5] =	wrdreg $0x9  }
0xb2: {  	_ =	task.clear_ibuf [dreg:s7], $0x6FFFF;
	_ =	strace $0x90000049  }
0xb3: {  	s29 =	simm.s32 $0x9;
	_ =	strace $0x8000004B  }
0xb4: {  	_ =	swait.ge [sflag:s29], $0x1  }
0xb5: {  	[sflag:s29] =	ssyncadd.s32 $0xFFFFFFFF  }
0xb6: {  	_ =	strace $0x9000004B  }
0xb7: {  	_ =	sfence  }
0xb8: {  	s30 =	sld [smem:$0x0];
	_ =	sdelay $0x2  }
0xb9: {  	s31 =	sshll.u32 s1, $0xD;
	s1 =	sshrl.u32 s1, $0x2  }
0xba: {  	s3 =	sand.u32 $0x4000, s31;
	s1 =	sadd.s32 s1, s30  }
0xbb: {  	s0 =	sor.u32 s3, s0;
	s1 =	sshll.u32 s1, $0x11  }
0xbc: {  	s0 =	sor.u32 s1, s0  }
0xbd: {  	s0 =	sadd.s32 $0x8F2B, s0  }
0xbe: {  	[sflag:s0] =	ssyncadd.remote.s32 $0x1  }
0xbf: {  	_ =	sfence.sel $0xFFFF  }
0xc0: {  	[dreg:$0x0] =	wrdreg $0xFFFFFFFF;
	(pc) =	sbr.abs _section_cstart, $3  }
0xc1: {  	[dreg:$0x1] =	wrdreg $0xFFFFFFFF  }
0xc2: {  	_ =	task.clear_ibuf [dreg:s7], $0x2FFFF;
	_ =	strace $0x9FFFFFFF  }
0xc3: {  	(tm) =	ssettm $0x7FFFFFFF  }
tec
execute0_lowered:
.L_overlay_start_1:
0x0: {  	(tag) =	ssettag $0x1  }
0x1: {  	s0 =	rddreg [dreg:$0x0]  }
0x2: {  	s1 =	rddreg [dreg:$0x1];
	s2 =	srdreg.scid  }
0x3: {  	s3 =	rddreg [dreg:$0x2];
	s13 =	stileid.u32;
	s4 =	simm.s32 $0x0  }
0x4: {  	s15 =	simm.s32 $0x480;
	s17 =	simm.s32 $0x100;
	s18 =	simm.s32 $0x500  }
0x5: {  	s20 =	simm.s32 $0x180;
	s21 =	simm.s32 $0x580;
	s22 =	simm.s32 $0x200  }
0x6: {  	s24 =	simm.s32 $0x600;
	[smem:$0x7FF] =	sst s4;
	s8 =	sadd.s32 $0x16400, s1  }
0x7: {  	s28 =	simm.s32 $0x2;
	_ =	strace $0x8000004A;
	[dreg:$0x1b] =	wrdreg s8  }
0x8: {  	s29 =	simm.s32 $0x3;
	s30 =	simm.s32 $0xA80;
	[dreg:$0x6] =	wrdreg s15  }
0x9: {  	s31 =	simm.s32 $0xE80;
	s6 =	smul.u32 $0x14000, s13;
	[dreg:$0x7] =	wrdreg s17  }
0xa: {  	s2 =	sand.u32 $0x1, s2;
	s25 =	smul.u32 $0xA00, s13;
	[dreg:$0x8] =	wrdreg s18  }
0xb: {  	s9 =	sshll.u32 s13, $0x1;
	s16 =	smul.u32 $0x50000, s13;
	[dreg:$0x9] =	wrdreg s20  }
0xc: {  	s5 =	smul.u32 $0x140000, s2;
	s26 =	ssub.s32 $0x2, s2;
	[dreg:$0xa] =	wrdreg s21  }
0xd: {  	s10 =	smul.u32 $0x500, s2;
	s9 =	sor.u32 s2, s9;
	[dreg:$0xb] =	wrdreg s22  }
0xe: {  	[dreg:$0xc] =	wrdreg s24;
	s15 =	smul.u32 $0xA0, s13;
	s17 =	simm.s32 $0x380  }
0xf: {  	s2 =	smul.u32 $0x50, s2;
	s18 =	simm.s32 $0x780;
	[dreg:$0x11] =	wrdreg s17  }
0x10: {  	s20 =	simm.s32 $0xC80;
	s21 =	simm.s32 $0x900;
	[dreg:$0x12] =	wrdreg s18  }
0x11: {  	s22 =	simm.s32 $0xD00;
	s24 =	simm.s32 $0xD80;
	[dreg:$0x14] =	wrdreg s20  }
0x12: {  	s11 =	sshrl.u32 s26, $0x1;
	s9 =	smul.u32 $0x500, s9;
	[dreg:$0x15] =	wrdreg s21  }
0x13: {  	s19 =	sshrl.u32 s16, $0x2;
	s16 =	simm.s32 $0x700;
	[dreg:$0x16] =	wrdreg s22  }
0x14: {  	[dreg:$0x18] =	wrdreg s24;
	s7 =	sadd.s32 s6, s5;
	s5 =	sadd.s32 $0x2400, s1  }
0x15: {  	s8 =	ssub.s32 s26, s11;
	s26 =	simm.s32 $0x280;
	[dreg:$0x10] =	wrdreg s16  }
0x16: {  	s6 =	sadd.s32 $0xC400, s1;
	s14 =	sadd.s32 s5, s9;
	[dreg:$0xd] =	wrdreg s26  }
0x17: {  	s18 =	simm.s32 $0x400;
	s9 =	sadd.s32 s6, s9;
	[dreg:$0x1c] =	wrdreg s14  }
0x18: {  	s7 =	sshrl.u32 s7, $0x3;
	s8 =	smax.u32 s8, $0x1;
	[dreg:$0x1d] =	wrdreg s9  }
0x19: {  	s12 =	sadd.s32 s25, s5;
	s26 =	simm.s32 $0xE00;
	[smem:$0x7FD] =	sst s8  }
0x1a: {  	s1 =	sadd.s32 s7, s1;
	s12 =	sadd.s32 s10, s12;
	[dreg:$0x1a] =	wrdreg s26  }
0x1b: {  	s7 =	sadd.s32 s25, s6;
	s14 =	simm.s32 $0x300;
	[dreg:$0x4] =	wrdreg s12  }
0x1c: {  	s20 =	simm.s32 $0x5;
	s7 =	sadd.s32 s10, s7;
	[dreg:$0xf] =	wrdreg s14  }
0x1d: {  	s21 =	simm.s32 $0x4;
	s1 =	sadd.s32 $0x16C00, s1;
	[dreg:$0x5] =	wrdreg s7  }
0x1e: {  	s22 =	simm.s32 $0x800;
	s12 =	simm.s32 $0x680;
	[smem:$0x7FC] =	sst s1  }
0x1f: {  	s10 =	sadd.s32 s19, s3;
	s19 =	simm.s32 $0x880;
	[dreg:$0xe] =	wrdreg s12  }
0x20: {  	s24 =	simm.s32 $0x80;
	s9 =	sadd.s32 $0x4000, s10;
	[dreg:$0x13] =	wrdreg s19  }
0x21: {  	s26 =	simm.s32 $0x5000;
	s23 =	sadd.s32 $0x8000, s10;
	[dreg:$0x1e] =	wrdreg s9  }
0x22: {  	s8 =	simm.s32 $0xF80;
	s25 =	sadd.s32 $0xC000, s10;
	[dreg:$0x1f] =	wrdreg s23  }
0x23: {  	s11 =	sadd.s32 $0x10000, s10;
	s19 =	simm.s32 $0x1000;
	[smem:$0x7FA] =	sst s25  }
0x24: {  	s1 =	simm.s32 $0xB00;
	s7 =	simm.s32 $0xB80;
	[smem:$0x7FB] =	sst s11  }
0x25: {  	s11 =	sadd.s32 s2, s15;
	s23 =	simm.s32 $0x980;
	s25 =	simm.s32 $0xA00  }
0x26: {  	s2 =	simm.s32 $0xF00;
	s9 =	simm.s32 $0x0;
	[dreg:$0x17] =	wrdreg s23  }
0x27: {  	s23 =	simm.s32 $0xC00;
	[dreg:$0x19] =	wrdreg s25;
	s25 =	simm.s32 $0x1  }
.LBB2_1:
0x28: {  	s12 =	rddreg [dreg:$0x1c]  }
0x29: {  	[tilespmem:s4], [sflag:$0x4] =	stream.linear.gather [hbm4b:s12+s4], $0x400, $0x38;
	[tilespmem:$0x1D000] =	vst v63  }
0x2a: {  	s13 =	rddreg [dreg:$0x1d]  }
0x2b: {  	[tilespmem:s18], [sflag:$0x4] =	stream.linear.gather [hbm4b:s13+s4], $0x400, $0x38;
	[tilespmem:$0x1D000] =	vst v63  }
0x2c: {  	s14 =	rddreg [dreg:$0x1b]  }
0x2d: {  	[tilespmem:s19], [sflag:$0x5] =	stream.linear.gather [hbm4b:s14+s4], $0x4000, $0x38;
	[tilespmem:$0x1D000] =	vst v63  }
0x2e: {  	_ =	swait.ge [sflag:s20], $0x4000  }
0x2f: {  	[sflag:s20] =	ssyncset.done $0x0  }
0x30: {  	[sflag:s20] =	ssyncadd.s32 $0xFFFFC000  }
0x31: {  	[spmem:s10] =	stream.linear.scatter [tilespmem:s19], [sflag:$0x5], $0x4000, $0x38;
	[tilespmem:$0x1D000] =	vst v63  }
0x32: {  	_ =	swait.ge [sflag:s20], $0x4000  }
0x33: {  	[sflag:s20] =	ssyncset.done $0x0  }
0x34: {  	s15 =	rddreg [dreg:$0x1e];
	[sflag:s20] =	ssyncadd.s32 $0xFFFFC000  }
0x35: {  	[spmem:s15] =	stream.linear.scatter [tilespmem:s19], [sflag:$0x5], $0x4000, $0x38;
	[tilespmem:$0x1D000] =	vst v63  }
0x36: {  	_ =	swait.ge [sflag:s20], $0x4000  }
0x37: {  	[sflag:s20] =	ssyncset.done $0x0  }
0x38: {  	s16 =	rddreg [dreg:$0x1f];
	[sflag:s20] =	ssyncadd.s32 $0xFFFFC000  }
0x39: {  	[spmem:s16] =	stream.linear.scatter [tilespmem:s19], [sflag:$0x5], $0x4000, $0x38;
	[tilespmem:$0x1D000] =	vst v63  }
0x3a: {  	_ =	swait.ge [sflag:s20], $0x4000  }
0x3b: {  	s17 =	sld [smem:$0x7FA]  }
0x3c: {  	[sflag:s20] =	ssyncset.done $0x0  }
0x3d: {  	[sflag:s20] =	ssyncadd.s32 $0xFFFFC000  }
0x3e: {  	[spmem:s17] =	stream.linear.scatter [tilespmem:s19], [sflag:$0x5], $0x4000, $0x38;
	[tilespmem:$0x1D000] =	vst v63  }
0x3f: {  	_ =	swait.ge [sflag:s20], $0x4000  }
0x40: {  	s13 =	sld [smem:$0x7FB]  }
0x41: {  	[sflag:s20] =	ssyncset.done $0x0  }
0x42: {  	[sflag:s20] =	ssyncadd.s32 $0xFFFFC000  }
0x43: {  	[spmem:s13] =	stream.linear.scatter [tilespmem:s19], [sflag:$0x5], $0x4000, $0x38;
	[tilespmem:$0x1D000] =	vst v63  }
0x44: {  	_ =	swait.ge [sflag:s20], $0x4000  }
0x45: {  	[sflag:s20] =	ssyncset.done $0x0  }
0x46: {  	[sflag:s20] =	ssyncadd.s32 $0xFFFFC000  }
0x47: {  	[bflag:$0x0] =	sbarrier.arrive $0xFFFF  }
0x48: {  	_ =	swait.ge [sflag:s21], $0x400  }
0x49: {  	[sflag:s21] =	ssyncset.done $0x0  }
0x4a: {  	[sflag:s21] =	ssyncadd.s32 $0xFFFFFC00  }
0x4b: {  	_ =	swait.ge [sflag:s21], $0x400  }
0x4c: {  	s14 =	rddreg [dreg:$0x4];
	[sflag:s21] =	ssyncset.done $0x0  }
0x4d: {  	s13 =	rddreg [dreg:$0x5];
	[sflag:s21] =	ssyncadd.s32 $0xFFFFFC00;
	s12 =	sadd.s32 $0x80, s14  }
0x4e: {  	[tilespmem:s22], [sflag:$0x4] =	stream.linear.gather [hbm4b:s12+s4], $0x400, $0x38;
	[tilespmem:$0x1D000] =	vst v63  }
0x4f: {  	s15 =	sadd.s32 $0x80, s13  }
0x50: {  	[tilespmem:s23], [sflag:$0x4] =	stream.linear.gather [hbm4b:s15+s4], $0x400, $0x38;
	[tilespmem:$0x1D000] =	vst v63  }
0x51: {  	_ = 	snop  }
0x52: {  	[tilespmem:s19], [sflag:$0x1] =	stream.indirect.gather [hbm4b:s0+s24], $0x80, s4, s24, $0xb8;
	[tilespmem:$0x1D000] =	vst v63  }
0x53: {  	_ =	swait.ge [sflag:s25], $0x4000  }
0x54: {  	[sflag:s25] =	ssyncset.done $0x0  }
0x55: {  	[sflag:s25] =	ssyncadd.s32 $0xFFFFC000  }
0x56: {  	[spmem:s3] =	stream.indirect.scatter.add.f32 [tilespmem:s19], [sflag:$0x2], $0x80, s18, s24, $0xb8;
	[tilespmem:$0x1D000] =	vst v63  }
0x57: {  	_ = 	snop  }
0x58: {  	[tilespmem:s26], [sflag:$0x1] =	stream.indirect.gather [hbm4b:s0+s24], $0x80, s24, s24, $0xb8;
	[tilespmem:$0x1D000] =	vst v63  }
0x59: {  	_ =	swait.ge [sflag:s25], $0x4000  }
0x5a: {  	[sflag:s25] =	ssyncset.done $0x0  }
0x5b: {  	s16 =	rddreg [dreg:$0x6];
	[sflag:s25] =	ssyncadd.s32 $0xFFFFC000  }
0x5c: {  	[spmem:s3] =	stream.indirect.scatter.add.f32 [tilespmem:s26], [sflag:$0x3], $0x80, s16, s24, $0xb8;
	[tilespmem:$0x1D000] =	vst v63  }
0x5d: {  	_ =	swait.ge [sflag:s28], $0x4000  }
0x5e: {  	[sflag:s28] =	ssyncset.done $0x0  }
0x5f: {  	s17 =	rddreg [dreg:$0x7];
	[sflag:s28] =	ssyncadd.s32 $0xFFFFC000  }
0x60: {  	[tilespmem:s19], [sflag:$0x1] =	stream.indirect.gather [hbm4b:s0+s24], $0x80, s17, s24, $0xb8;
	[tilespmem:$0x1D000] =	vst v63  }
0x61: {  	_ =	swait.ge [sflag:s25], $0x4000  }
0x62: {  	[sflag:s25] =	ssyncset.done $0x0  }
0x63: {  	s13 =	rddreg [dreg:$0x8];
	[sflag:s25] =	ssyncadd.s32 $0xFFFFC000  }
0x64: {  	[spmem:s3] =	stream.indirect.scatter.add.f32 [tilespmem:s19], [sflag:$0x2], $0x80, s13, s24, $0xb8;
	[tilespmem:$0x1D000] =	vst v63  }
0x65: {  	_ =	swait.ge [sflag:s29], $0x4000  }
0x66: {  	[sflag:s29] =	ssyncset.done $0x0  }
0x67: {  	s14 =	rddreg [dreg:$0x9];
	[sflag:s29] =	ssyncadd.s32 $0xFFFFC000  }
0x68: {  	[tilespmem:s26], [sflag:$0x1] =	stream.indirect.gather [hbm4b:s0+s24], $0x80, s14, s24, $0xb8;
	[tilespmem:$0x1D000] =	vst v63  }
0x69: {  	_ =	swait.ge [sflag:s25], $0x4000  }
0x6a: {  	[sflag:s25] =	ssyncset.done $0x0  }
0x6b: {  	s15 =	rddreg [dreg:$0xa];
	[sflag:s25] =	ssyncadd.s32 $0xFFFFC000  }
0x6c: {  	[spmem:s3] =	stream.indirect.scatter.add.f32 [tilespmem:s26], [sflag:$0x3], $0x80, s15, s24, $0xb8;
	[tilespmem:$0x1D000] =	vst v63  }
0x6d: {  	_ =	swait.ge [sflag:s28], $0x4000  }
0x6e: {  	[sflag:s28] =	ssyncset.done $0x0  }
0x6f: {  	s16 =	rddreg [dreg:$0xb];
	[sflag:s28] =	ssyncadd.s32 $0xFFFFC000  }
0x70: {  	[tilespmem:s19], [sflag:$0x1] =	stream.indirect.gather [hbm4b:s0+s24], $0x80, s16, s24, $0xb8;
	[tilespmem:$0x1D000] =	vst v63  }
0x71: {  	_ =	swait.ge [sflag:s25], $0x4000  }
0x72: {  	[sflag:s25] =	ssyncset.done $0x0  }
0x73: {  	s17 =	rddreg [dreg:$0xc];
	[sflag:s25] =	ssyncadd.s32 $0xFFFFC000  }
0x74: {  	[spmem:s3] =	stream.indirect.scatter.add.f32 [tilespmem:s19], [sflag:$0x2], $0x80, s17, s24, $0xb8;
	[tilespmem:$0x1D000] =	vst v63  }
0x75: {  	_ =	swait.ge [sflag:s29], $0x4000  }
0x76: {  	[sflag:s29] =	ssyncset.done $0x0  }
0x77: {  	s13 =	rddreg [dreg:$0xd];
	[sflag:s29] =	ssyncadd.s32 $0xFFFFC000  }
0x78: {  	[tilespmem:s26], [sflag:$0x1] =	stream.indirect.gather [hbm4b:s0+s24], $0x80, s13, s24, $0xb8;
	[tilespmem:$0x1D000] =	vst v63  }
0x79: {  	_ =	swait.ge [sflag:s25], $0x4000  }
0x7a: {  	[sflag:s25] =	ssyncset.done $0x0  }
0x7b: {  	s14 =	rddreg [dreg:$0xe];
	[sflag:s25] =	ssyncadd.s32 $0xFFFFC000  }
0x7c: {  	[spmem:s3] =	stream.indirect.scatter.add.f32 [tilespmem:s26], [sflag:$0x3], $0x80, s14, s24, $0xb8;
	[tilespmem:$0x1D000] =	vst v63  }
0x7d: {  	_ =	swait.ge [sflag:s28], $0x4000  }
0x7e: {  	[sflag:s28] =	ssyncset.done $0x0  }
0x7f: {  	s15 =	rddreg [dreg:$0xf];
	[sflag:s28] =	ssyncadd.s32 $0xFFFFC000  }
0x80: {  	[tilespmem:s19], [sflag:$0x1] =	stream.indirect.gather [hbm4b:s0+s24], $0x80, s15, s24, $0xb8;
	[tilespmem:$0x1D000] =	vst v63  }
0x81: {  	_ =	swait.ge [sflag:s25], $0x4000  }
0x82: {  	[sflag:s25] =	ssyncset.done $0x0  }
0x83: {  	s16 =	rddreg [dreg:$0x10];
	[sflag:s25] =	ssyncadd.s32 $0xFFFFC000  }
0x84: {  	[spmem:s3] =	stream.indirect.scatter.add.f32 [tilespmem:s19], [sflag:$0x2], $0x80, s16, s24, $0xb8;
	[tilespmem:$0x1D000] =	vst v63  }
0x85: {  	_ =	swait.ge [sflag:s29], $0x4000  }
0x86: {  	[sflag:s29] =	ssyncset.done $0x0  }
0x87: {  	s17 =	rddreg [dreg:$0x11];
	[sflag:s29] =	ssyncadd.s32 $0xFFFFC000  }
0x88: {  	[tilespmem:s26], [sflag:$0x1] =	stream.indirect.gather [hbm4b:s0+s24], $0x80, s17, s24, $0xb8;
	[tilespmem:$0x1D000] =	vst v63  }
0x89: {  	_ =	swait.ge [sflag:s25], $0x4000  }
0x8a: {  	[sflag:s25] =	ssyncset.done $0x0  }
0x8b: {  	s13 =	rddreg [dreg:$0x12];
	[sflag:s25] =	ssyncadd.s32 $0xFFFFC000  }
0x8c: {  	[spmem:s3] =	stream.indirect.scatter.add.f32 [tilespmem:s26], [sflag:$0x3], $0x80, s13, s24, $0xb8;
	[tilespmem:$0x1D000] =	vst v63  }
0x8d: {  	_ =	swait.ge [sflag:s21], $0x400  }
0x8e: {  	p0 =	slt.s32 s11, $0x9E8;
	s12 =	smov.u32 s11;
	[sflag:s21] =	ssyncset.done $0x0  }
0x8f: {  	s12 =	simm.s32 @!p0 $0x9E8;
	[sflag:s21] =	ssyncadd.s32 $0xFFFFFC00  }
0x90: {  	s12 =	sshll.u32 s12, $0x4;
	_ =	swait.ge [sflag:s21], $0x400  }
0x91: {  	s12 =	sadd.s32 $0x100, s12;
	[sflag:s21] =	ssyncset.done $0x0  }
0x92: {  	s14 =	sadd.s32 s5, s12;
	[sflag:s21] =	ssyncadd.s32 $0xFFFFFC00  }
0x93: {  	[tilespmem:s4], [sflag:$0x4] =	stream.linear.gather [hbm4b:s14+s4], $0x400, $0x38;
	[tilespmem:$0x1D000] =	vst v63  }
0x94: {  	s12 =	sadd.s32 s6, s12  }
0x95: {  	[tilespmem:s18], [sflag:$0x4] =	stream.linear.gather [hbm4b:s12+s4], $0x400, $0x38;
	[tilespmem:$0x1D000] =	vst v63  }
0x96: {  	_ =	swait.ge [sflag:s28], $0x4000  }
0x97: {  	[sflag:s28] =	ssyncset.done $0x0  }
0x98: {  	[sflag:s28] =	ssyncadd.s32 $0xFFFFC000  }
0x99: {  	[tilespmem:s19], [sflag:$0x1] =	stream.indirect.gather [hbm4b:s0+s24], $0x80, s22, s24, $0xb8;
	[tilespmem:$0x1D000] =	vst v63  }
0x9a: {  	_ =	swait.ge [sflag:s25], $0x4000  }
0x9b: {  	[sflag:s25] =	ssyncset.done $0x0  }
0x9c: {  	[sflag:s25] =	ssyncadd.s32 $0xFFFFC000  }
0x9d: {  	[spmem:s3] =	stream.indirect.scatter.add.f32 [tilespmem:s19], [sflag:$0x2], $0x80, s23, s24, $0xb8;
	[tilespmem:$0x1D000] =	vst v63  }
0x9e: {  	_ =	swait.ge [sflag:s29], $0x4000  }
0x9f: {  	[sflag:s29] =	ssyncset.done $0x0  }
0xa0: {  	s15 =	rddreg [dreg:$0x13];
	[sflag:s29] =	ssyncadd.s32 $0xFFFFC000  }
0xa1: {  	[tilespmem:s26], [sflag:$0x1] =	stream.indirect.gather [hbm4b:s0+s24], $0x80, s15, s24, $0xb8;
	[tilespmem:$0x1D000] =	vst v63  }
0xa2: {  	_ =	swait.ge [sflag:s25], $0x4000  }
0xa3: {  	[sflag:s25] =	ssyncset.done $0x0  }
0xa4: {  	s16 =	rddreg [dreg:$0x14];
	[sflag:s25] =	ssyncadd.s32 $0xFFFFC000  }
0xa5: {  	[spmem:s3] =	stream.indirect.scatter.add.f32 [tilespmem:s26], [sflag:$0x3], $0x80, s16, s24, $0xb8;
	[tilespmem:$0x1D000] =	vst v63  }
0xa6: {  	_ =	swait.ge [sflag:s28], $0x4000  }
0xa7: {  	[sflag:s28] =	ssyncset.done $0x0  }
0xa8: {  	s17 =	rddreg [dreg:$0x15];
	[sflag:s28] =	ssyncadd.s32 $0xFFFFC000  }
0xa9: {  	[tilespmem:s19], [sflag:$0x1] =	stream.indirect.gather [hbm4b:s0+s24], $0x80, s17, s24, $0xb8;
	[tilespmem:$0x1D000] =	vst v63  }
0xaa: {  	_ =	swait.ge [sflag:s25], $0x4000  }
0xab: {  	[sflag:s25] =	ssyncset.done $0x0  }
0xac: {  	s13 =	rddreg [dreg:$0x16];
	[sflag:s25] =	ssyncadd.s32 $0xFFFFC000  }
0xad: {  	[spmem:s3] =	stream.indirect.scatter.add.f32 [tilespmem:s19], [sflag:$0x2], $0x80, s13, s24, $0xb8;
	[tilespmem:$0x1D000] =	vst v63  }
0xae: {  	_ =	swait.ge [sflag:s29], $0x4000  }
0xaf: {  	[sflag:s29] =	ssyncset.done $0x0  }
0xb0: {  	s14 =	rddreg [dreg:$0x17];
	[sflag:s29] =	ssyncadd.s32 $0xFFFFC000  }
0xb1: {  	[tilespmem:s26], [sflag:$0x1] =	stream.indirect.gather [hbm4b:s0+s24], $0x80, s14, s24, $0xb8;
	[tilespmem:$0x1D000] =	vst v63  }
0xb2: {  	_ =	swait.ge [sflag:s25], $0x4000  }
0xb3: {  	[sflag:s25] =	ssyncset.done $0x0  }
0xb4: {  	s15 =	rddreg [dreg:$0x18];
	[sflag:s25] =	ssyncadd.s32 $0xFFFFC000  }
0xb5: {  	[spmem:s3] =	stream.indirect.scatter.add.f32 [tilespmem:s26], [sflag:$0x3], $0x80, s15, s24, $0xb8;
	[tilespmem:$0x1D000] =	vst v63  }
0xb6: {  	_ =	swait.ge [sflag:s28], $0x4000  }
0xb7: {  	[sflag:s28] =	ssyncset.done $0x0  }
0xb8: {  	s16 =	rddreg [dreg:$0x19];
	[sflag:s28] =	ssyncadd.s32 $0xFFFFC000  }
0xb9: {  	[tilespmem:s19], [sflag:$0x1] =	stream.indirect.gather [hbm4b:s0+s24], $0x80, s16, s24, $0xb8;
	[tilespmem:$0x1D000] =	vst v63  }
0xba: {  	_ =	swait.ge [sflag:s25], $0x4000  }
0xbb: {  	[sflag:s25] =	ssyncset.done $0x0  }
0xbc: {  	s17 =	rddreg [dreg:$0x1a];
	[sflag:s25] =	ssyncadd.s32 $0xFFFFC000  }
0xbd: {  	[spmem:s3] =	stream.indirect.scatter.add.f32 [tilespmem:s19], [sflag:$0x2], $0x80, s17, s24, $0xb8;
	[tilespmem:$0x1D000] =	vst v63  }
0xbe: {  	_ =	swait.ge [sflag:s29], $0x4000  }
0xbf: {  	[sflag:s29] =	ssyncset.done $0x0  }
0xc0: {  	[sflag:s29] =	ssyncadd.s32 $0xFFFFC000  }
0xc1: {  	[tilespmem:s26], [sflag:$0x1] =	stream.indirect.gather [hbm4b:s0+s24], $0x80, s30, s24, $0xb8;
	[tilespmem:$0x1D000] =	vst v63  }
0xc2: {  	_ =	swait.ge [sflag:s25], $0x4000  }
0xc3: {  	[sflag:s25] =	ssyncset.done $0x0  }
0xc4: {  	[sflag:s25] =	ssyncadd.s32 $0xFFFFC000  }
0xc5: {  	[spmem:s3] =	stream.indirect.scatter.add.f32 [tilespmem:s26], [sflag:$0x3], $0x80, s31, s24, $0xb8;
	[tilespmem:$0x1D000] =	vst v63  }
0xc6: {  	_ =	swait.ge [sflag:s28], $0x4000  }
0xc7: {  	[sflag:s28] =	ssyncset.done $0x0  }
0xc8: {  	[sflag:s28] =	ssyncadd.s32 $0xFFFFC000  }
0xc9: {  	[tilespmem:s19], [sflag:$0x1] =	stream.indirect.gather [hbm4b:s0+s24], $0x80, s1, s24, $0xb8;
	[tilespmem:$0x1D000] =	vst v63  }
0xca: {  	_ =	swait.ge [sflag:s25], $0x4000  }
0xcb: {  	[sflag:s25] =	ssyncset.done $0x0  }
0xcc: {  	[sflag:s25] =	ssyncadd.s32 $0xFFFFC000  }
0xcd: {  	[spmem:s3] =	stream.indirect.scatter.add.f32 [tilespmem:s19], [sflag:$0x2], $0x80, s2, s24, $0xb8;
	[tilespmem:$0x1D000] =	vst v63  }
0xce: {  	_ =	swait.ge [sflag:s29], $0x4000  }
0xcf: {  	[sflag:s29] =	ssyncset.done $0x0  }
0xd0: {  	[sflag:s29] =	ssyncadd.s32 $0xFFFFC000  }
0xd1: {  	[tilespmem:s26], [sflag:$0x1] =	stream.indirect.gather [hbm4b:s0+s24], $0x80, s7, s24, $0xb8;
	[tilespmem:$0x1D000] =	vst v63  }
0xd2: {  	_ =	swait.ge [sflag:s25], $0x4000  }
0xd3: {  	[sflag:s25] =	ssyncset.done $0x0  }
0xd4: {  	[sflag:s25] =	ssyncadd.s32 $0xFFFFC000  }
0xd5: {  	[spmem:s3] =	stream.indirect.scatter.add.f32 [tilespmem:s26], [sflag:$0x3], $0x80, s8, s24, $0xb8;
	[tilespmem:$0x1D000] =	vst v63  }
0xd6: {  	_ =	swait.ge [sflag:s28], $0x4000  }
0xd7: {  	[sflag:s28] =	ssyncset.done $0x0  }
0xd8: {  	[sflag:s28] =	ssyncadd.s32 $0xFFFFC000  }
0xd9: {  	_ =	swait.ge [sflag:s29], $0x4000  }
0xda: {  	[sflag:s29] =	ssyncset.done $0x0  }
0xdb: {  	[sflag:s29] =	ssyncadd.s32 $0xFFFFC000  }
0xdc: {  	_ =	swait.ge [sflag:s21], $0x400  }
0xdd: {  	[sflag:s21] =	ssyncset.done $0x0  }
0xde: {  	[sflag:s21] =	ssyncadd.s32 $0xFFFFFC00  }
0xdf: {  	s12 =	simm.s32 $0x180;
	s13 =	simm.s32 $0x280;
	_ =	swait.ge [sflag:s21], $0x400  }
0xe0: {  	s17 =	smov.u32 s11;
	s14 =	rddreg [dreg:$0x4];
	[sflag:s21] =	ssyncset.done $0x0  }
.LBB2_2:
0xe1: {  	[sflag:s21] =	ssyncadd.s32 $0xFFFFFC00;
	s15 =	rddreg [dreg:$0x5];
	s14 =	sadd.s32 s12, s14  }
0xe2: {  	[tilespmem:s22], [sflag:$0x4] =	stream.linear.gather [hbm4b:s14+s4], $0x400, $0x38;
	[tilespmem:$0x1D000] =	vst v63  }
0xe3: {  	s15 =	sadd.s32 s12, s15  }
0xe4: {  	[tilespmem:s23], [sflag:$0x4] =	stream.linear.gather [hbm4b:s15+s4], $0x400, $0x38;
	[tilespmem:$0x1D000] =	vst v63  }
0xe5: {  	_ = 	snop  }
0xe6: {  	[tilespmem:s19], [sflag:$0x1] =	stream.indirect.gather [hbm4b:s0+s24], $0x80, s4, s24, $0xb8;
	[tilespmem:$0x1D000] =	vst v63  }
0xe7: {  	_ =	swait.ge [sflag:s25], $0x4000  }
0xe8: {  	[sflag:s25] =	ssyncset.done $0x0  }
0xe9: {  	[sflag:s25] =	ssyncadd.s32 $0xFFFFC000  }
0xea: {  	[spmem:s3] =	stream.indirect.scatter.add.f32 [tilespmem:s19], [sflag:$0x2], $0x80, s18, s24, $0xb8;
	[tilespmem:$0x1D000] =	vst v63  }
0xeb: {  	_ = 	snop  }
0xec: {  	[tilespmem:s26], [sflag:$0x1] =	stream.indirect.gather [hbm4b:s0+s24], $0x80, s24, s24, $0xb8;
	[tilespmem:$0x1D000] =	vst v63  }
0xed: {  	_ =	swait.ge [sflag:s25], $0x4000  }
0xee: {  	[sflag:s25] =	ssyncset.done $0x0  }
0xef: {  	s15 =	rddreg [dreg:$0x6];
	[sflag:s25] =	ssyncadd.s32 $0xFFFFC000  }
0xf0: {  	[spmem:s3] =	stream.indirect.scatter.add.f32 [tilespmem:s26], [sflag:$0x3], $0x80, s15, s24, $0xb8;
	[tilespmem:$0x1D000] =	vst v63  }
0xf1: {  	_ =	swait.ge [sflag:s28], $0x4000  }
0xf2: {  	s16 =	smov.u32 s13;
	[sflag:s28] =	ssyncset.done $0x0  }
0xf3: {  	s12 =	smov.u32 s16;
	s16 =	rddreg [dreg:$0x7];
	[sflag:s28] =	ssyncadd.s32 $0xFFFFC000  }
0xf4: {  	[tilespmem:s19], [sflag:$0x1] =	stream.indirect.gather [hbm4b:s0+s24], $0x80, s16, s24, $0xb8;
	[tilespmem:$0x1D000] =	vst v63  }
0xf5: {  	_ =	swait.ge [sflag:s25], $0x4000  }
0xf6: {  	[sflag:s25] =	ssyncset.done $0x0  }
0xf7: {  	s15 =	rddreg [dreg:$0x8];
	[sflag:s25] =	ssyncadd.s32 $0xFFFFC000  }
0xf8: {  	[spmem:s3] =	stream.indirect.scatter.add.f32 [tilespmem:s19], [sflag:$0x2], $0x80, s15, s24, $0xb8;
	[tilespmem:$0x1D000] =	vst v63  }
0xf9: {  	_ =	swait.ge [sflag:s29], $0x4000  }
0xfa: {  	[sflag:s29] =	ssyncset.done $0x0  }
0xfb: {  	s16 =	rddreg [dreg:$0x9];
	[sflag:s29] =	ssyncadd.s32 $0xFFFFC000  }
0xfc: {  	[tilespmem:s26], [sflag:$0x1] =	stream.indirect.gather [hbm4b:s0+s24], $0x80, s16, s24, $0xb8;
	[tilespmem:$0x1D000] =	vst v63  }
0xfd: {  	_ =	swait.ge [sflag:s25], $0x4000  }
0xfe: {  	[sflag:s25] =	ssyncset.done $0x0  }
0xff: {  	s15 =	rddreg [dreg:$0xa];
	[sflag:s25] =	ssyncadd.s32 $0xFFFFC000  }
0x100: {  	[spmem:s3] =	stream.indirect.scatter.add.f32 [tilespmem:s26], [sflag:$0x3], $0x80, s15, s24, $0xb8;
	[tilespmem:$0x1D000] =	vst v63  }
0x101: {  	_ =	swait.ge [sflag:s28], $0x4000  }
0x102: {  	[sflag:s28] =	ssyncset.done $0x0  }
0x103: {  	s16 =	rddreg [dreg:$0xb];
	[sflag:s28] =	ssyncadd.s32 $0xFFFFC000  }
0x104: {  	[tilespmem:s19], [sflag:$0x1] =	stream.indirect.gather [hbm4b:s0+s24], $0x80, s16, s24, $0xb8;
	[tilespmem:$0x1D000] =	vst v63  }
0x105: {  	_ =	swait.ge [sflag:s25], $0x4000  }
0x106: {  	[sflag:s25] =	ssyncset.done $0x0  }
0x107: {  	s15 =	rddreg [dreg:$0xc];
	[sflag:s25] =	ssyncadd.s32 $0xFFFFC000  }
0x108: {  	[spmem:s3] =	stream.indirect.scatter.add.f32 [tilespmem:s19], [sflag:$0x2], $0x80, s15, s24, $0xb8;
	[tilespmem:$0x1D000] =	vst v63  }
0x109: {  	_ =	swait.ge [sflag:s29], $0x4000  }
0x10a: {  	[sflag:s29] =	ssyncset.done $0x0  }
0x10b: {  	s16 =	rddreg [dreg:$0xd];
	[sflag:s29] =	ssyncadd.s32 $0xFFFFC000  }
0x10c: {  	[tilespmem:s26], [sflag:$0x1] =	stream.indirect.gather [hbm4b:s0+s24], $0x80, s16, s24, $0xb8;
	[tilespmem:$0x1D000] =	vst v63  }
0x10d: {  	_ =	swait.ge [sflag:s25], $0x4000  }
0x10e: {  	[sflag:s25] =	ssyncset.done $0x0  }
0x10f: {  	s15 =	rddreg [dreg:$0xe];
	[sflag:s25] =	ssyncadd.s32 $0xFFFFC000  }
0x110: {  	[spmem:s3] =	stream.indirect.scatter.add.f32 [tilespmem:s26], [sflag:$0x3], $0x80, s15, s24, $0xb8;
	[tilespmem:$0x1D000] =	vst v63  }
0x111: {  	_ =	swait.ge [sflag:s28], $0x4000  }
0x112: {  	[sflag:s28] =	ssyncset.done $0x0  }
0x113: {  	s16 =	rddreg [dreg:$0xf];
	[sflag:s28] =	ssyncadd.s32 $0xFFFFC000  }
0x114: {  	[tilespmem:s19], [sflag:$0x1] =	stream.indirect.gather [hbm4b:s0+s24], $0x80, s16, s24, $0xb8;
	[tilespmem:$0x1D000] =	vst v63  }
0x115: {  	_ =	swait.ge [sflag:s25], $0x4000  }
0x116: {  	[sflag:s25] =	ssyncset.done $0x0  }
0x117: {  	s15 =	rddreg [dreg:$0x10];
	[sflag:s25] =	ssyncadd.s32 $0xFFFFC000  }
0x118: {  	[spmem:s3] =	stream.indirect.scatter.add.f32 [tilespmem:s19], [sflag:$0x2], $0x80, s15, s24, $0xb8;
	[tilespmem:$0x1D000] =	vst v63  }
0x119: {  	_ =	swait.ge [sflag:s29], $0x4000  }
0x11a: {  	[sflag:s29] =	ssyncset.done $0x0  }
0x11b: {  	s16 =	rddreg [dreg:$0x11];
	[sflag:s29] =	ssyncadd.s32 $0xFFFFC000  }
0x11c: {  	[tilespmem:s26], [sflag:$0x1] =	stream.indirect.gather [hbm4b:s0+s24], $0x80, s16, s24, $0xb8;
	[tilespmem:$0x1D000] =	vst v63  }
0x11d: {  	_ =	swait.ge [sflag:s25], $0x4000  }
0x11e: {  	[sflag:s25] =	ssyncset.done $0x0  }
0x11f: {  	s15 =	rddreg [dreg:$0x12];
	[sflag:s25] =	ssyncadd.s32 $0xFFFFC000  }
0x120: {  	[spmem:s3] =	stream.indirect.scatter.add.f32 [tilespmem:s26], [sflag:$0x3], $0x80, s15, s24, $0xb8;
	[tilespmem:$0x1D000] =	vst v63  }
0x121: {  	s17 =	sadd.s32 $0x10, s17;
	_ =	swait.ge [sflag:s21], $0x400  }
0x122: {  	p1 =	slt.s32 s17, $0x9E8;
	s14 =	smov.u32 s17;
	[sflag:s21] =	ssyncset.done $0x0  }
0x123: {  	s14 =	simm.s32 @!p1 $0x9E8;
	[sflag:s21] =	ssyncadd.s32 $0xFFFFFC00  }
0x124: {  	s14 =	sshll.u32 s14, $0x4;
	_ =	swait.ge [sflag:s21], $0x400  }
0x125: {  	s14 =	sadd.s32 $0x100, s14;
	[sflag:s21] =	ssyncset.done $0x0  }
0x126: {  	s16 =	sadd.s32 s5, s14;
	[sflag:s21] =	ssyncadd.s32 $0xFFFFFC00  }
0x127: {  	[tilespmem:s4], [sflag:$0x4] =	stream.linear.gather [hbm4b:s16+s4], $0x400, $0x38;
	[tilespmem:$0x1D000] =	vst v63  }
0x128: {  	s14 =	sadd.s32 s6, s14  }
0x129: {  	[tilespmem:s18], [sflag:$0x4] =	stream.linear.gather [hbm4b:s14+s4], $0x400, $0x38;
	[tilespmem:$0x1D000] =	vst v63  }
0x12a: {  	_ =	swait.ge [sflag:s28], $0x4000  }
0x12b: {  	[sflag:s28] =	ssyncset.done $0x0  }
0x12c: {  	[sflag:s28] =	ssyncadd.s32 $0xFFFFC000  }
0x12d: {  	[tilespmem:s19], [sflag:$0x1] =	stream.indirect.gather [hbm4b:s0+s24], $0x80, s22, s24, $0xb8;
	[tilespmem:$0x1D000] =	vst v63  }
0x12e: {  	_ =	swait.ge [sflag:s25], $0x4000  }
0x12f: {  	[sflag:s25] =	ssyncset.done $0x0  }
0x130: {  	[sflag:s25] =	ssyncadd.s32 $0xFFFFC000  }
0x131: {  	[spmem:s3] =	stream.indirect.scatter.add.f32 [tilespmem:s19], [sflag:$0x2], $0x80, s23, s24, $0xb8;
	[tilespmem:$0x1D000] =	vst v63  }
0x132: {  	_ =	swait.ge [sflag:s29], $0x4000  }
0x133: {  	[sflag:s29] =	ssyncset.done $0x0  }
0x134: {  	s15 =	rddreg [dreg:$0x13];
	[sflag:s29] =	ssyncadd.s32 $0xFFFFC000  }
0x135: {  	[tilespmem:s26], [sflag:$0x1] =	stream.indirect.gather [hbm4b:s0+s24], $0x80, s15, s24, $0xb8;
	[tilespmem:$0x1D000] =	vst v63  }
0x136: {  	_ =	swait.ge [sflag:s25], $0x4000  }
0x137: {  	[sflag:s25] =	ssyncset.done $0x0  }
0x138: {  	s16 =	rddreg [dreg:$0x14];
	[sflag:s25] =	ssyncadd.s32 $0xFFFFC000  }
0x139: {  	[spmem:s3] =	stream.indirect.scatter.add.f32 [tilespmem:s26], [sflag:$0x3], $0x80, s16, s24, $0xb8;
	[tilespmem:$0x1D000] =	vst v63  }
0x13a: {  	_ =	swait.ge [sflag:s28], $0x4000  }
0x13b: {  	[sflag:s28] =	ssyncset.done $0x0  }
0x13c: {  	s15 =	rddreg [dreg:$0x15];
	[sflag:s28] =	ssyncadd.s32 $0xFFFFC000  }
0x13d: {  	[tilespmem:s19], [sflag:$0x1] =	stream.indirect.gather [hbm4b:s0+s24], $0x80, s15, s24, $0xb8;
	[tilespmem:$0x1D000] =	vst v63  }
0x13e: {  	_ =	swait.ge [sflag:s25], $0x4000  }
0x13f: {  	[sflag:s25] =	ssyncset.done $0x0  }
0x140: {  	s16 =	rddreg [dreg:$0x16];
	[sflag:s25] =	ssyncadd.s32 $0xFFFFC000  }
0x141: {  	[spmem:s3] =	stream.indirect.scatter.add.f32 [tilespmem:s19], [sflag:$0x2], $0x80, s16, s24, $0xb8;
	[tilespmem:$0x1D000] =	vst v63  }
0x142: {  	_ =	swait.ge [sflag:s29], $0x4000  }
0x143: {  	[sflag:s29] =	ssyncset.done $0x0  }
0x144: {  	s15 =	rddreg [dreg:$0x17];
	[sflag:s29] =	ssyncadd.s32 $0xFFFFC000  }
0x145: {  	[tilespmem:s26], [sflag:$0x1] =	stream.indirect.gather [hbm4b:s0+s24], $0x80, s15, s24, $0xb8;
	[tilespmem:$0x1D000] =	vst v63  }
0x146: {  	_ =	swait.ge [sflag:s25], $0x4000  }
0x147: {  	[sflag:s25] =	ssyncset.done $0x0  }
0x148: {  	s16 =	rddreg [dreg:$0x18];
	[sflag:s25] =	ssyncadd.s32 $0xFFFFC000  }
0x149: {  	[spmem:s3] =	stream.indirect.scatter.add.f32 [tilespmem:s26], [sflag:$0x3], $0x80, s16, s24, $0xb8;
	[tilespmem:$0x1D000] =	vst v63  }
0x14a: {  	_ =	swait.ge [sflag:s28], $0x4000  }
0x14b: {  	[sflag:s28] =	ssyncset.done $0x0  }
0x14c: {  	s15 =	rddreg [dreg:$0x19];
	[sflag:s28] =	ssyncadd.s32 $0xFFFFC000  }
0x14d: {  	[tilespmem:s19], [sflag:$0x1] =	stream.indirect.gather [hbm4b:s0+s24], $0x80, s15, s24, $0xb8;
	[tilespmem:$0x1D000] =	vst v63  }
0x14e: {  	_ =	swait.ge [sflag:s25], $0x4000  }
0x14f: {  	[sflag:s25] =	ssyncset.done $0x0  }
0x150: {  	s16 =	rddreg [dreg:$0x1a];
	[sflag:s25] =	ssyncadd.s32 $0xFFFFC000  }
0x151: {  	[spmem:s3] =	stream.indirect.scatter.add.f32 [tilespmem:s19], [sflag:$0x2], $0x80, s16, s24, $0xb8;
	[tilespmem:$0x1D000] =	vst v63  }
0x152: {  	_ =	swait.ge [sflag:s29], $0x4000  }
0x153: {  	[sflag:s29] =	ssyncset.done $0x0  }
0x154: {  	[sflag:s29] =	ssyncadd.s32 $0xFFFFC000  }
0x155: {  	[tilespmem:s26], [sflag:$0x1] =	stream.indirect.gather [hbm4b:s0+s24], $0x80, s30, s24, $0xb8;
	[tilespmem:$0x1D000] =	vst v63  }
0x156: {  	_ =	swait.ge [sflag:s25], $0x4000  }
0x157: {  	[sflag:s25] =	ssyncset.done $0x0  }
0x158: {  	[sflag:s25] =	ssyncadd.s32 $0xFFFFC000  }
0x159: {  	[spmem:s3] =	stream.indirect.scatter.add.f32 [tilespmem:s26], [sflag:$0x3], $0x80, s31, s24, $0xb8;
	[tilespmem:$0x1D000] =	vst v63  }
0x15a: {  	_ =	swait.ge [sflag:s28], $0x4000  }
0x15b: {  	[sflag:s28] =	ssyncset.done $0x0  }
0x15c: {  	[sflag:s28] =	ssyncadd.s32 $0xFFFFC000  }
0x15d: {  	[tilespmem:s19], [sflag:$0x1] =	stream.indirect.gather [hbm4b:s0+s24], $0x80, s1, s24, $0xb8;
	[tilespmem:$0x1D000] =	vst v63  }
0x15e: {  	_ =	swait.ge [sflag:s25], $0x4000  }
0x15f: {  	[sflag:s25] =	ssyncset.done $0x0  }
0x160: {  	[sflag:s25] =	ssyncadd.s32 $0xFFFFC000  }
0x161: {  	[spmem:s3] =	stream.indirect.scatter.add.f32 [tilespmem:s19], [sflag:$0x2], $0x80, s2, s24, $0xb8;
	[tilespmem:$0x1D000] =	vst v63  }
0x162: {  	_ =	swait.ge [sflag:s29], $0x4000  }
0x163: {  	[sflag:s29] =	ssyncset.done $0x0  }
0x164: {  	[sflag:s29] =	ssyncadd.s32 $0xFFFFC000  }
0x165: {  	[tilespmem:s26], [sflag:$0x1] =	stream.indirect.gather [hbm4b:s0+s24], $0x80, s7, s24, $0xb8;
	[tilespmem:$0x1D000] =	vst v63  }
0x166: {  	_ =	swait.ge [sflag:s25], $0x4000  }
0x167: {  	[sflag:s25] =	ssyncset.done $0x0  }
0x168: {  	[sflag:s25] =	ssyncadd.s32 $0xFFFFC000  }
0x169: {  	[spmem:s3] =	stream.indirect.scatter.add.f32 [tilespmem:s26], [sflag:$0x3], $0x80, s8, s24, $0xb8;
	[tilespmem:$0x1D000] =	vst v63  }
0x16a: {  	_ =	swait.ge [sflag:s28], $0x4000  }
0x16b: {  	[sflag:s28] =	ssyncset.done $0x0  }
0x16c: {  	[sflag:s28] =	ssyncadd.s32 $0xFFFFC000  }
0x16d: {  	_ =	swait.ge [sflag:s29], $0x4000  }
0x16e: {  	[sflag:s29] =	ssyncset.done $0x0  }
0x16f: {  	p0 =	sne.s32 s13, $0x480;
	[sflag:s29] =	ssyncadd.s32 $0xFFFFC000  }
.Ltmp0:
0x170: {  	_ =	swait.ge [sflag:s21], $0x400;
	(pc) =	sbr.rel @p0 .LBB2_2-.Ltmp0, $4  }
0x171: {  	[sflag:s21] =	ssyncset.done $0x0  }
0x172: {  	[sflag:s21] =	ssyncadd.s32 $0xFFFFFC00  }
0x173: {  	_ =	swait.ge [sflag:s21], $0x400  }
0x174: {  	s13 =	sadd.s32 $0x100, s13;
	s14 =	rddreg [dreg:$0x4];
	[sflag:s21] =	ssyncset.done $0x0  }
0x175: {  	s13 =	rddreg [dreg:$0x5];
	[sflag:s21] =	ssyncadd.s32 $0xFFFFFC00;
	s14 =	sadd.s32 s12, s14  }
0x176: {  	[tilespmem:s22], [sflag:$0x4] =	stream.linear.gather [hbm4b:s14+s4], $0x400, $0x38;
	[tilespmem:$0x1D000] =	vst v63  }
0x177: {  	s13 =	sadd.s32 s12, s13  }
0x178: {  	[tilespmem:s23], [sflag:$0x4] =	stream.linear.gather [hbm4b:s13+s4], $0x400, $0x38;
	[tilespmem:$0x1D000] =	vst v63  }
0x179: {  	_ = 	snop  }
0x17a: {  	[tilespmem:s19], [sflag:$0x1] =	stream.indirect.gather [hbm4b:s0+s24], $0x80, s4, s24, $0xb8;
	[tilespmem:$0x1D000] =	vst v63  }
0x17b: {  	_ =	swait.ge [sflag:s25], $0x4000  }
0x17c: {  	[sflag:s25] =	ssyncset.done $0x0  }
0x17d: {  	[sflag:s25] =	ssyncadd.s32 $0xFFFFC000  }
0x17e: {  	[spmem:s3] =	stream.indirect.scatter.add.f32 [tilespmem:s19], [sflag:$0x2], $0x80, s18, s24, $0xb8;
	[tilespmem:$0x1D000] =	vst v63  }
0x17f: {  	_ = 	snop  }
0x180: {  	[tilespmem:s26], [sflag:$0x1] =	stream.indirect.gather [hbm4b:s0+s24], $0x80, s24, s24, $0xb8;
	[tilespmem:$0x1D000] =	vst v63  }
0x181: {  	_ =	swait.ge [sflag:s25], $0x4000  }
0x182: {  	[sflag:s25] =	ssyncset.done $0x0  }
0x183: {  	s14 =	rddreg [dreg:$0x6];
	[sflag:s25] =	ssyncadd.s32 $0xFFFFC000  }
0x184: {  	[spmem:s3] =	stream.indirect.scatter.add.f32 [tilespmem:s26], [sflag:$0x3], $0x80, s14, s24, $0xb8;
	[tilespmem:$0x1D000] =	vst v63  }
0x185: {  	_ =	swait.ge [sflag:s28], $0x4000  }
0x186: {  	[sflag:s28] =	ssyncset.done $0x0  }
0x187: {  	s15 =	rddreg [dreg:$0x7];
	[sflag:s28] =	ssyncadd.s32 $0xFFFFC000  }
0x188: {  	[tilespmem:s19], [sflag:$0x1] =	stream.indirect.gather [hbm4b:s0+s24], $0x80, s15, s24, $0xb8;
	[tilespmem:$0x1D000] =	vst v63  }
0x189: {  	_ =	swait.ge [sflag:s25], $0x4000  }
0x18a: {  	[sflag:s25] =	ssyncset.done $0x0  }
0x18b: {  	s16 =	rddreg [dreg:$0x8];
	[sflag:s25] =	ssyncadd.s32 $0xFFFFC000  }
0x18c: {  	[spmem:s3] =	stream.indirect.scatter.add.f32 [tilespmem:s19], [sflag:$0x2], $0x80, s16, s24, $0xb8;
	[tilespmem:$0x1D000] =	vst v63  }
0x18d: {  	_ =	swait.ge [sflag:s29], $0x4000  }
0x18e: {  	[sflag:s29] =	ssyncset.done $0x0  }
0x18f: {  	s13 =	rddreg [dreg:$0x9];
	[sflag:s29] =	ssyncadd.s32 $0xFFFFC000  }
0x190: {  	[tilespmem:s26], [sflag:$0x1] =	stream.indirect.gather [hbm4b:s0+s24], $0x80, s13, s24, $0xb8;
	[tilespmem:$0x1D000] =	vst v63  }
0x191: {  	_ =	swait.ge [sflag:s25], $0x4000  }
0x192: {  	[sflag:s25] =	ssyncset.done $0x0  }
0x193: {  	s14 =	rddreg [dreg:$0xa];
	[sflag:s25] =	ssyncadd.s32 $0xFFFFC000  }
0x194: {  	[spmem:s3] =	stream.indirect.scatter.add.f32 [tilespmem:s26], [sflag:$0x3], $0x80, s14, s24, $0xb8;
	[tilespmem:$0x1D000] =	vst v63  }
0x195: {  	_ =	swait.ge [sflag:s28], $0x4000  }
0x196: {  	[sflag:s28] =	ssyncset.done $0x0  }
0x197: {  	s15 =	rddreg [dreg:$0xb];
	[sflag:s28] =	ssyncadd.s32 $0xFFFFC000  }
0x198: {  	[tilespmem:s19], [sflag:$0x1] =	stream.indirect.gather [hbm4b:s0+s24], $0x80, s15, s24, $0xb8;
	[tilespmem:$0x1D000] =	vst v63  }
0x199: {  	_ =	swait.ge [sflag:s25], $0x4000  }
0x19a: {  	[sflag:s25] =	ssyncset.done $0x0  }
0x19b: {  	s16 =	rddreg [dreg:$0xc];
	[sflag:s25] =	ssyncadd.s32 $0xFFFFC000  }
0x19c: {  	[spmem:s3] =	stream.indirect.scatter.add.f32 [tilespmem:s19], [sflag:$0x2], $0x80, s16, s24, $0xb8;
	[tilespmem:$0x1D000] =	vst v63  }
0x19d: {  	_ =	swait.ge [sflag:s29], $0x4000  }
0x19e: {  	[sflag:s29] =	ssyncset.done $0x0  }
0x19f: {  	s13 =	rddreg [dreg:$0xd];
	[sflag:s29] =	ssyncadd.s32 $0xFFFFC000  }
0x1a0: {  	[tilespmem:s26], [sflag:$0x1] =	stream.indirect.gather [hbm4b:s0+s24], $0x80, s13, s24, $0xb8;
	[tilespmem:$0x1D000] =	vst v63  }
0x1a1: {  	_ =	swait.ge [sflag:s25], $0x4000  }
0x1a2: {  	[sflag:s25] =	ssyncset.done $0x0  }
0x1a3: {  	s14 =	rddreg [dreg:$0xe];
	[sflag:s25] =	ssyncadd.s32 $0xFFFFC000  }
0x1a4: {  	[spmem:s3] =	stream.indirect.scatter.add.f32 [tilespmem:s26], [sflag:$0x3], $0x80, s14, s24, $0xb8;
	[tilespmem:$0x1D000] =	vst v63  }
0x1a5: {  	_ =	swait.ge [sflag:s28], $0x4000  }
0x1a6: {  	[sflag:s28] =	ssyncset.done $0x0  }
0x1a7: {  	s15 =	rddreg [dreg:$0xf];
	[sflag:s28] =	ssyncadd.s32 $0xFFFFC000  }
0x1a8: {  	[tilespmem:s19], [sflag:$0x1] =	stream.indirect.gather [hbm4b:s0+s24], $0x80, s15, s24, $0xb8;
	[tilespmem:$0x1D000] =	vst v63  }
0x1a9: {  	_ =	swait.ge [sflag:s25], $0x4000  }
0x1aa: {  	[sflag:s25] =	ssyncset.done $0x0  }
0x1ab: {  	s16 =	rddreg [dreg:$0x10];
	[sflag:s25] =	ssyncadd.s32 $0xFFFFC000  }
0x1ac: {  	[spmem:s3] =	stream.indirect.scatter.add.f32 [tilespmem:s19], [sflag:$0x2], $0x80, s16, s24, $0xb8;
	[tilespmem:$0x1D000] =	vst v63  }
0x1ad: {  	_ =	swait.ge [sflag:s29], $0x4000  }
0x1ae: {  	[sflag:s29] =	ssyncset.done $0x0  }
0x1af: {  	s13 =	rddreg [dreg:$0x11];
	[sflag:s29] =	ssyncadd.s32 $0xFFFFC000  }
0x1b0: {  	[tilespmem:s26], [sflag:$0x1] =	stream.indirect.gather [hbm4b:s0+s24], $0x80, s13, s24, $0xb8;
	[tilespmem:$0x1D000] =	vst v63  }
0x1b1: {  	_ =	swait.ge [sflag:s25], $0x4000  }
0x1b2: {  	[sflag:s25] =	ssyncset.done $0x0  }
0x1b3: {  	s14 =	rddreg [dreg:$0x12];
	[sflag:s25] =	ssyncadd.s32 $0xFFFFC000  }
0x1b4: {  	[spmem:s3] =	stream.indirect.scatter.add.f32 [tilespmem:s26], [sflag:$0x3], $0x80, s14, s24, $0xb8;
	[tilespmem:$0x1D000] =	vst v63  }
0x1b5: {  	s12 =	sadd.s32 $0x10, s17;
	_ =	swait.ge [sflag:s21], $0x400  }
0x1b6: {  	p0 =	slt.s32 s12, $0x9E8;
	[sflag:s21] =	ssyncset.done $0x0  }
0x1b7: {  	s12 =	simm.s32 @!p0 $0x9E8;
	[sflag:s21] =	ssyncadd.s32 $0xFFFFFC00  }
0x1b8: {  	s12 =	sshll.u32 s12, $0x4;
	_ =	swait.ge [sflag:s21], $0x400  }
0x1b9: {  	s12 =	sadd.s32 $0x100, s12;
	[sflag:s21] =	ssyncset.done $0x0  }
0x1ba: {  	s15 =	sadd.s32 s5, s12;
	[sflag:s21] =	ssyncadd.s32 $0xFFFFFC00  }
0x1bb: {  	[tilespmem:s4], [sflag:$0x4] =	stream.linear.gather [hbm4b:s15+s4], $0x400, $0x38;
	[tilespmem:$0x1D000] =	vst v63  }
0x1bc: {  	s12 =	sadd.s32 s6, s12  }
0x1bd: {  	[tilespmem:s18], [sflag:$0x4] =	stream.linear.gather [hbm4b:s12+s4], $0x400, $0x38;
	[tilespmem:$0x1D000] =	vst v63  }
0x1be: {  	_ =	swait.ge [sflag:s28], $0x4000  }
0x1bf: {  	[sflag:s28] =	ssyncset.done $0x0  }
0x1c0: {  	[sflag:s28] =	ssyncadd.s32 $0xFFFFC000  }
0x1c1: {  	[tilespmem:s19], [sflag:$0x1] =	stream.indirect.gather [hbm4b:s0+s24], $0x80, s22, s24, $0xb8;
	[tilespmem:$0x1D000] =	vst v63  }
0x1c2: {  	_ =	swait.ge [sflag:s25], $0x4000  }
0x1c3: {  	[sflag:s25] =	ssyncset.done $0x0  }
0x1c4: {  	[sflag:s25] =	ssyncadd.s32 $0xFFFFC000  }
0x1c5: {  	[spmem:s3] =	stream.indirect.scatter.add.f32 [tilespmem:s19], [sflag:$0x2], $0x80, s23, s24, $0xb8;
	[tilespmem:$0x1D000] =	vst v63  }
0x1c6: {  	_ =	swait.ge [sflag:s29], $0x4000  }
0x1c7: {  	[sflag:s29] =	ssyncset.done $0x0  }
0x1c8: {  	s16 =	rddreg [dreg:$0x13];
	[sflag:s29] =	ssyncadd.s32 $0xFFFFC000  }
0x1c9: {  	[tilespmem:s26], [sflag:$0x1] =	stream.indirect.gather [hbm4b:s0+s24], $0x80, s16, s24, $0xb8;
	[tilespmem:$0x1D000] =	vst v63  }
0x1ca: {  	_ =	swait.ge [sflag:s25], $0x4000  }
0x1cb: {  	[sflag:s25] =	ssyncset.done $0x0  }
0x1cc: {  	s17 =	rddreg [dreg:$0x14];
	[sflag:s25] =	ssyncadd.s32 $0xFFFFC000  }
0x1cd: {  	[spmem:s3] =	stream.indirect.scatter.add.f32 [tilespmem:s26], [sflag:$0x3], $0x80, s17, s24, $0xb8;
	[tilespmem:$0x1D000] =	vst v63  }
0x1ce: {  	_ =	swait.ge [sflag:s28], $0x4000  }
0x1cf: {  	[sflag:s28] =	ssyncset.done $0x0  }
0x1d0: {  	s13 =	rddreg [dreg:$0x15];
	[sflag:s28] =	ssyncadd.s32 $0xFFFFC000  }
0x1d1: {  	[tilespmem:s19], [sflag:$0x1] =	stream.indirect.gather [hbm4b:s0+s24], $0x80, s13, s24, $0xb8;
	[tilespmem:$0x1D000] =	vst v63  }
0x1d2: {  	_ =	swait.ge [sflag:s25], $0x4000  }
0x1d3: {  	[sflag:s25] =	ssyncset.done $0x0  }
0x1d4: {  	s14 =	rddreg [dreg:$0x16];
	[sflag:s25] =	ssyncadd.s32 $0xFFFFC000  }
0x1d5: {  	[spmem:s3] =	stream.indirect.scatter.add.f32 [tilespmem:s19], [sflag:$0x2], $0x80, s14, s24, $0xb8;
	[tilespmem:$0x1D000] =	vst v63  }
0x1d6: {  	_ =	swait.ge [sflag:s29], $0x4000  }
0x1d7: {  	[sflag:s29] =	ssyncset.done $0x0  }
0x1d8: {  	s15 =	rddreg [dreg:$0x17];
	[sflag:s29] =	ssyncadd.s32 $0xFFFFC000  }
0x1d9: {  	[tilespmem:s26], [sflag:$0x1] =	stream.indirect.gather [hbm4b:s0+s24], $0x80, s15, s24, $0xb8;
	[tilespmem:$0x1D000] =	vst v63  }
0x1da: {  	_ =	swait.ge [sflag:s25], $0x4000  }
0x1db: {  	[sflag:s25] =	ssyncset.done $0x0  }
0x1dc: {  	s16 =	rddreg [dreg:$0x18];
	[sflag:s25] =	ssyncadd.s32 $0xFFFFC000  }
0x1dd: {  	[spmem:s3] =	stream.indirect.scatter.add.f32 [tilespmem:s26], [sflag:$0x3], $0x80, s16, s24, $0xb8;
	[tilespmem:$0x1D000] =	vst v63  }
0x1de: {  	_ =	swait.ge [sflag:s28], $0x4000  }
0x1df: {  	[sflag:s28] =	ssyncset.done $0x0  }
0x1e0: {  	s17 =	rddreg [dreg:$0x19];
	[sflag:s28] =	ssyncadd.s32 $0xFFFFC000  }
0x1e1: {  	[tilespmem:s19], [sflag:$0x1] =	stream.indirect.gather [hbm4b:s0+s24], $0x80, s17, s24, $0xb8;
	[tilespmem:$0x1D000] =	vst v63  }
0x1e2: {  	_ =	swait.ge [sflag:s25], $0x4000  }
0x1e3: {  	[sflag:s25] =	ssyncset.done $0x0  }
0x1e4: {  	s13 =	rddreg [dreg:$0x1a];
	[sflag:s25] =	ssyncadd.s32 $0xFFFFC000  }
0x1e5: {  	[spmem:s3] =	stream.indirect.scatter.add.f32 [tilespmem:s19], [sflag:$0x2], $0x80, s13, s24, $0xb8;
	[tilespmem:$0x1D000] =	vst v63  }
0x1e6: {  	_ =	swait.ge [sflag:s29], $0x4000  }
0x1e7: {  	[sflag:s29] =	ssyncset.done $0x0  }
0x1e8: {  	[sflag:s29] =	ssyncadd.s32 $0xFFFFC000  }
0x1e9: {  	[tilespmem:s26], [sflag:$0x1] =	stream.indirect.gather [hbm4b:s0+s24], $0x80, s30, s24, $0xb8;
	[tilespmem:$0x1D000] =	vst v63  }
0x1ea: {  	_ =	swait.ge [sflag:s25], $0x4000  }
0x1eb: {  	[sflag:s25] =	ssyncset.done $0x0  }
0x1ec: {  	[sflag:s25] =	ssyncadd.s32 $0xFFFFC000  }
0x1ed: {  	[spmem:s3] =	stream.indirect.scatter.add.f32 [tilespmem:s26], [sflag:$0x3], $0x80, s31, s24, $0xb8;
	[tilespmem:$0x1D000] =	vst v63  }
0x1ee: {  	_ =	swait.ge [sflag:s28], $0x4000  }
0x1ef: {  	[sflag:s28] =	ssyncset.done $0x0  }
0x1f0: {  	[sflag:s28] =	ssyncadd.s32 $0xFFFFC000  }
0x1f1: {  	[tilespmem:s19], [sflag:$0x1] =	stream.indirect.gather [hbm4b:s0+s24], $0x80, s1, s24, $0xb8;
	[tilespmem:$0x1D000] =	vst v63  }
0x1f2: {  	_ =	swait.ge [sflag:s25], $0x4000  }
0x1f3: {  	[sflag:s25] =	ssyncset.done $0x0  }
0x1f4: {  	[sflag:s25] =	ssyncadd.s32 $0xFFFFC000  }
0x1f5: {  	[spmem:s3] =	stream.indirect.scatter.add.f32 [tilespmem:s19], [sflag:$0x2], $0x80, s2, s24, $0xb8;
	[tilespmem:$0x1D000] =	vst v63  }
0x1f6: {  	_ =	swait.ge [sflag:s29], $0x4000  }
0x1f7: {  	[sflag:s29] =	ssyncset.done $0x0  }
0x1f8: {  	[sflag:s29] =	ssyncadd.s32 $0xFFFFC000  }
0x1f9: {  	[tilespmem:s26], [sflag:$0x1] =	stream.indirect.gather [hbm4b:s0+s24], $0x80, s7, s24, $0xb8;
	[tilespmem:$0x1D000] =	vst v63  }
0x1fa: {  	_ =	swait.ge [sflag:s25], $0x4000  }
0x1fb: {  	[sflag:s25] =	ssyncset.done $0x0  }
0x1fc: {  	[sflag:s25] =	ssyncadd.s32 $0xFFFFC000  }
0x1fd: {  	[spmem:s3] =	stream.indirect.scatter.add.f32 [tilespmem:s26], [sflag:$0x3], $0x80, s8, s24, $0xb8;
	[tilespmem:$0x1D000] =	vst v63  }
0x1fe: {  	_ =	swait.ge [sflag:s28], $0x4000  }
0x1ff: {  	[sflag:s28] =	ssyncset.done $0x0  }
0x200: {  	[sflag:s28] =	ssyncadd.s32 $0xFFFFC000  }
0x201: {  	_ =	swait.ge [sflag:s29], $0x4000  }
0x202: {  	[sflag:s29] =	ssyncset.done $0x0  }
0x203: {  	[sflag:s29] =	ssyncadd.s32 $0xFFFFC000  }
0x204: {  	_ =	swait.ge [sflag:s21], $0x400  }
0x205: {  	[sflag:s21] =	ssyncset.done $0x0  }
0x206: {  	[sflag:s21] =	ssyncadd.s32 $0xFFFFFC00  }
0x207: {  	_ =	swait.ge [sflag:s21], $0x400  }
0x208: {  	[sflag:s21] =	ssyncset.done $0x0  }
0x209: {  	[sflag:s21] =	ssyncadd.s32 $0xFFFFFC00  }
0x20a: {  	[bflag:$0x0] =	sbarrier.arrive $0xFFFF  }
0x20b: {  	s14 =	stileid.u32;
	s16 =	sld [smem:$0x7FC]  }
0x20c: {  	s12 =	sshll.u32 s14, $0x6  }
0x20d: {  	s12 =	sor.u32 $0x1C05, s12;
	s15 =	sshrl.u32 s10, $0x3  }
0x20e: {  	[hbm:s16], [sflag:s12] =	dma.local [spmem:s15], $0x2800  }
0x20f: {  	_ =	swait.ge [sflag:s20], $0x2800  }
0x210: {  	s17 =	sld [smem:$0x7FD];
	_ =	sdelay $0x1  }
0x211: {  	s9 =	sadd.s32 $0x1, s9  }
0x212: {  	p0 =	sne.s32 s9, s17  }
.Ltmp1:
0x213: {  	_ = 	snop;
	(pc) =	sbr.rel @p0 .LBB2_1-.Ltmp1, $3  }
0x214: {  	_ =	sdelay $0x1  }
0x215: {  	[sflag:s20] =	ssyncset.done $0x0  }
0x216: {  	[sflag:s20] =	ssyncadd.s32 $0xFFFFD800  }
0x217: {  	_ =	sfence.sel $0x180000  }
0x218: {  	[bflag:$0x0] =	sbarrier.arrive $0xFFFF  }
0x219: {  	_ =	strace $0x9000004A  }
0x21a: {  	s0 =	stileid.u32;
	[bflag:$0x2] =	sbarrier.arrive $0xFFFF  }
0x21b: {  	p0 =	sne.s32 s0, $0x0;
	s0 =	rddreg [dreg:$0x3]  }
0x21c: {  	s0 =	sadd.s32 @!p0 $0x100000, s0  }
0x21d: {  	[sflag:s0] =	ssyncadd.tile.s32 @!p0 $0x1;
	_ =	shalt  }
.Lfunc_end2:
_tile_overlayer_lowered:
.L_overlay_start_2:
0x21e: {  	(tag) =	ssettag $0x2  }
0x21f: {  	s0 =	rddreg [dreg:$0x0];
	s2 =	stileid.u32  }
0x220: {  	s1 =	rddreg [dreg:$0x1];
	p0 =	sne.s32 s2, $0x0  }
0x221: {  	s3 =	rddreg [dreg:$0x2];
	[bflag:$0x3] =	sbarrier.arrive $0xFFFF;
	s2 =	simm.s32 @!p0 $0x1C05  }
0x222: {  	[timem:s3], [sflag:s2] =	dma.local @!p0 [hbm:s0], s1  }
0x223: {  	s0 =	simm.s32 @!p0 $0x5  }
0x224: {  	_ =	swait.ge @!p0 [sflag:s0], s1  }
0x225: {  	s1 =	ssub.s32 @!p0 $0x0, s1;
	[sflag:s0] =	ssyncset.done @!p0 $0x0  }
0x226: {  	[sflag:s0] =	ssyncadd.s32 @!p0 s1  }
0x227: {  	[bflag:$0x3] =	sbarrier.arrive $0xFFFF  }
0x228: {  	_ =	shalt  }

// kernel: kernel.7.cloned.1.call-start
scs
__scs_entry_jumppad:
0x0: {  	(pc) =	sbr.rel $0x88, $3  }
0x1: {  	(tag) =	ssettag $0x0;
	lr =	simm.s32 $0x1  }
0x2: {  	[smem:$0x3F94] =	sst lr;
	_ =	strace $0xD0000000  }
0x3: {  	_ = 	snop  }
0x4: {  	_ = 	snop  }
0x5: {  	_ = 	snop  }
0x6: {  	_ = 	snop  }
0x7: {  	_ = 	snop  }
__scs_overlays_trampoline_lowered:
0x8: {  	[smem:$0x3FA3] =	sst s0  }
0x9: {  	[smem:$0x3FA4] =	sst s1  }
0xa: {  	[smem:$0x3FA5] =	sst s2  }
0xb: {  	[smem:$0x3FA6] =	sst s3  }
0xc: {  	[smem:$0x3FA7] =	sst s4  }
0xd: {  	[smem:$0x3FA8] =	sst s5  }
0xe: {  	[smem:$0x3FA9] =	sst s6  }
0xf: {  	[smem:$0x3FAA] =	sst s7  }
0x10: {  	[smem:$0x3FAB] =	sst s8  }
0x11: {  	[smem:$0x3FAC] =	sst s9;
	s0 =	simm.s32 @!p0 $0x0  }
0x12: {  	s1 =	sld [smem:$0x3F92];
	s0 =	simm.s32 @p0 $0x1  }
0x13: {  	[smem:$0x3FAD] =	sst s0;
	s0 =	simm.s32 @!p1 $0x0  }
0x14: {  	s2 =	sld [smem:$0x3F91];
	s0 =	simm.s32 @p1 $0x1  }
0x15: {  	[smem:$0x3FAE] =	sst s0;
	s0 =	simm.s32 @!p2 $0x0  }
0x16: {  	s3 =	sld [smem:$0x3FDB];
	s0 =	simm.s32 @p2 $0x1  }
0x17: {  	s4 =	simm.s32 $0x1BF5;
	[smem:$0x3FB0] =	sst s0  }
0x18: {  	s0 =	sld [smem:$0x3F93];
	_ =	swait.ge [sflag:s4], $0x0  }
0x19: {  	s7 =	sld [smem:$0x3F94]  }
0x1a: {  	s8 =	sadd.s32 $0xFFFFE003, lr  }
0x1b: {  	s9 =	sadd.s32 $0xFFFFFEF7, lr;
	s5 =	simm.s32 $0xFFFFFFFF;
	p2 =	slt.u32 s8, $0xFFFFF086  }
0x1c: {  	p1 =	slt.u32 s9, $0xF7A;
	s5 =	simm.s32 @!p2 $0x0  }
0x1d: {  	s5 =	simm.s32 @p1 $0x1;
	p0 =	seq.s32 s7, s2  }
0x1e: {  	s7 =	smul.u32 @!p0 $0xF7A, s2;
	p2 =	seq.s32 @!p0 s5, $0x0  }
0x1f: {  	s9 =	smul.u32 $0xF7A, s1;
	s8 =	simm.s32 @!p0 $0x1BF5;
	p2 =	por !p2, p0  }
0x20: {  	[sflag:s8] =	ssyncset.s32 @!p0 $0xFFFFF086;
	s6 =	sadd.s32 @!p0 s3, s7;
	s7 =	simm.s32 @!p0 $0x108  }
0x21: {  	s3 =	sadd.s32 s3, s9;
	s6 =	sadd.s32 @!p0 $0x88, s6;
	s7 =	simm.s32 @p2 $0x1082  }
0x22: {  	[simem:s7], [sflag:s8] =	dma.local @!p0 [hbm:s6], $0xF7A  }
0x23: {  	s9 =	sor.u32 $0xD0000000, s2;
	s6 =	simm.s32 $0x108;
	_ =	swait.ge @!p0 [sflag:s8], $0x0  }
0x24: {  	s3 =	sadd.s32 $0x88, s3;
	s6 =	simm.s32 @!p1 $0x1082;
	[sflag:s4] =	ssyncset.s32 $0xFFFFF086  }
0x25: {  	[simem:s6], [sflag:s4] =	dma.local [hbm:s3], $0xF7A  }
0x26: {  	[smem:$0x3F94] =	sst s1;
	(tag) =	ssettag s2;
	_ =	strace s9  }
0x27: {  	s1 =	sld [smem:$0x3FA4]  }
0x28: {  	s2 =	sld [smem:$0x3FA5]  }
0x29: {  	s4 =	sld [smem:$0x3FA7]  }
0x2a: {  	p0 =	seq.s32 s5, $0x0;
	s5 =	sld [smem:$0x3FA8]  }
0x2b: {  	s6 =	sld [smem:$0x3FA9]  }
0x2c: {  	s7 =	sld [smem:$0x3FAA]  }
0x2d: {  	s3 =	simm.s32 $0x108;
	s8 =	sld [smem:$0x3FAB]  }
0x2e: {  	s3 =	simm.s32 @!p0 $0x1082;
	s9 =	sld [smem:$0x3FAC]  }
0x2f: {  	lr =	sadd.s32 s0, s3;
	s0 =	sld [smem:$0x3FA3]  }
0x30: {  	s3 =	sld [smem:$0x3FA6]  }
0x31: {  	[smem:$0x3FAF] =	sst s10  }
0x32: {  	s10 =	sld [smem:$0x3FAD];
	_ =	sdelay $0x3  }
0x33: {  	p0 =	seq.s32 s10, $0x1;
	s10 =	sld [smem:$0x3FAF];
	_ =	sdelay $0x3  }
0x34: {  	[smem:$0x3FAF] =	sst s10  }
0x35: {  	s10 =	sld [smem:$0x3FAE];
	_ =	sdelay $0x3  }
0x36: {  	p1 =	seq.s32 s10, $0x1;
	s10 =	sld [smem:$0x3FAF];
	_ =	sdelay $0x3  }
0x37: {  	[smem:$0x3FAF] =	sst s10  }
0x38: {  	s10 =	sld [smem:$0x3FB0]  }
0x39: {  	_ = 	snop;
	(pc) =	sbr.ind lr, $3  }
0x3a: {  	_ = 	snop  }
0x3b: {  	_ = 	snop  }
0x3c: {  	p2 =	seq.s32 s10, $0x1;
	s10 =	sld [smem:$0x3FAF]  }
0x3d: {  	_ =	shalt  }
0x3e: {  	_ =	shalt  }
0x3f: {  	_ =	shalt  }
0x40: {  	_ =	shalt  }
0x41: {  	_ =	shalt  }
0x42: {  	_ =	shalt  }
0x43: {  	_ =	shalt  }
0x44: {  	_ =	shalt  }
0x45: {  	_ =	shalt  }
0x46: {  	_ =	shalt  }
0x47: {  	_ =	shalt  }
0x48: {  	_ =	shalt  }
0x49: {  	_ =	shalt  }
0x4a: {  	_ =	shalt  }
0x4b: {  	_ =	shalt  }
0x4c: {  	_ =	shalt  }
0x4d: {  	_ =	shalt  }
0x4e: {  	_ =	shalt  }
0x4f: {  	_ =	shalt  }
0x50: {  	_ =	shalt  }
0x51: {  	_ =	shalt  }
0x52: {  	_ =	shalt  }
0x53: {  	_ =	shalt  }
0x54: {  	_ =	shalt  }
0x55: {  	_ =	shalt  }
0x56: {  	_ =	shalt  }
0x57: {  	_ =	shalt  }
0x58: {  	_ =	shalt  }
0x59: {  	_ =	shalt  }
0x5a: {  	_ =	shalt  }
0x5b: {  	_ =	shalt  }
0x5c: {  	_ =	shalt  }
0x5d: {  	_ =	shalt  }
0x5e: {  	_ =	shalt  }
0x5f: {  	_ =	shalt  }
0x60: {  	_ =	shalt  }
0x61: {  	_ =	shalt  }
0x62: {  	_ =	shalt  }
0x63: {  	_ =	shalt  }
0x64: {  	_ =	shalt  }
0x65: {  	_ =	shalt  }
0x66: {  	_ =	shalt  }
0x67: {  	_ =	shalt  }
0x68: {  	_ =	shalt  }
0x69: {  	_ =	shalt  }
0x6a: {  	_ =	shalt  }
0x6b: {  	_ =	shalt  }
0x6c: {  	_ =	shalt  }
0x6d: {  	_ =	shalt  }
0x6e: {  	_ =	shalt  }
0x6f: {  	_ =	shalt  }
0x70: {  	_ =	shalt  }
0x71: {  	_ =	shalt  }
0x72: {  	_ =	shalt  }
0x73: {  	_ =	shalt  }
0x74: {  	_ =	shalt  }
0x75: {  	_ =	shalt  }
0x76: {  	_ =	shalt  }
0x77: {  	_ =	shalt  }
0x78: {  	_ =	shalt  }
0x79: {  	_ =	shalt  }
0x7a: {  	_ =	shalt  }
0x7b: {  	_ =	shalt  }
0x7c: {  	_ =	shalt  }
0x7d: {  	_ =	shalt  }
0x7e: {  	_ =	shalt  }
0x7f: {  	_ =	shalt  }
0x80: {  	_ =	shalt  }
0x81: {  	_ =	shalt  }
0x82: {  	_ =	shalt  }
0x83: {  	_ =	shalt  }
0x84: {  	_ =	shalt  }
0x85: {  	_ =	shalt  }
0x86: {  	_ =	shalt  }
0x87: {  	_ =	shalt  }
.Lfunc_end0:
.L_simem_size_0:
called_computation_lowered:
.L_overlay_start_0:
0x88: {  	s2 =	sld [smem:$0x3FD9]  }
0x89: {  	s3 =	sld [smem:$0x3FFE];
	_ =	sdelay $0x1  }
0x8a: {  	s1 =	srdreg.scid  }
0x8b: {  	s0 =	sand.u32 $0x1, s1  }
0x8c: {  	s17 =	sshll.u32 s0, $0xA;
	s2 =	sadd.s32 s3, s2  }
0x8d: {  	s2 =	sadd.s32 s2, s17  }
0x8e: {  	[smem:$0x3FBB] =	sst s2  }
0x8f: {  	_ = 	snop  }
0x90: {  	s2 =	sld [smem:$0x3FD0];
	(tm) =	ssettm $0x1  }
0x91: {  	s18 =	sld [smem:$0x3FFB];
	_ =	sdelay $0x3  }
0x92: {  	_ =	strace s18  }
0x93: {  	s3 =	sld [smem:$0x3FFC];
	_ =	sdelay $0x3  }
0x94: {  	_ =	strace s3  }
0x95: {  	s3 =	sld [smem:$0x3FFD];
	_ =	sdelay $0x3  }
0x96: {  	_ =	strace s3  }
0x97: {  	_ =	strace $0x8FFFFFFF  }
0x98: {  	s19 =	sld [smem:$0x3FDB];
	_ =	sdelay $0x1  }
0x99: {  	s4 =	simm.s32 $_scs_section_size  }
0x9a: {  	s5 =	simm.s32 $_size__tile_overlayer_lowered;
	s6 =	simm.s32 $_tile_overlayer_lowered  }
0x9b: {  	s22 =	simm.s32 $0x1BFF;
	s21 =	sshll.u32 s6, $0x1;
	s3 =	sadd.s32 s4, s19  }
0x9c: {  	s7 =	simm.s32 $0x0;
	s20 =	sshll.u32 s5, $0x1;
	s5 =	sadd.s32 s21, s3  }
0x9d: {  	[timem:s7], [sflag:s22] =	dma.local [hbm:s5], s20  }
0x9e: {  	_ =	swait.ge [sflag:s22], s20  }
0x9f: {  	s4 =	ssub.s32 $0x0, s20;
	[sflag:s22] =	ssyncset.done $0x0  }
0xa0: {  	[sflag:s22] =	ssyncadd.s32 s4;
	_ =	sdelay $0x1  }
0xa1: {  	s23 =	simm.s32 $0x1B8B  }
0xa2: {  	_ =	swait.ge [sflag:s23], $0x1  }
0xa3: {  	[sflag:s23] =	ssyncset.done $0x0  }
0xa4: {  	s25 =	simm.s32 $0x1B8E;
	s24 =	sld [smem:$0x3FFE];
	[sflag:s23] =	ssyncadd.s32 $0xFFFFFFFF  }
0xa5: {  	s26 =	simm.s32 $execute0_lowered;
	[smem:$0x3FD2] =	sst s25  }
0xa6: {  	s5 =	sshll.u32 s26, $0x1;
	_ =	strace $0x80000046;
	[dreg:$0x1] =	wrdreg $0xFFFFFFFF  }
0xa7: {  	s28 =	simm.s32 $_size_execute0_lowered;
	s3 =	sadd.s32 s3, s5;
	[dreg:$0x0] =	wrdreg $0x0  }
0xa8: {  	s5 =	sshll.u32 s28, $0x1;
	[dreg:$0x2] =	wrdreg s3  }
0xa9: {  	[dreg:$0x3] =	wrdreg s5  }
0xaa: {  	[dreg:$0x4] =	wrdreg $0xC0  }
0xab: {  	_ =	task [dreg:s7], $0x5FFFF  }
0xac: {  	[dreg:$0x1] =	wrdreg $0xFFFFFFFF  }
0xad: {  	[dreg:$0x0] =	wrdreg $0x60  }
0xae: {  	[dreg:$0x2] =	wrdreg s2  }
0xaf: {  	[dreg:$0x3] =	wrdreg s24  }
0xb0: {  	[dreg:$0x4] =	wrdreg $0x90000  }
0xb1: {  	[dreg:$0x5] =	wrdreg $0x9  }
0xb2: {  	_ =	task.clear_ibuf [dreg:s7], $0x6FFFF;
	_ =	strace $0x90000046  }
0xb3: {  	s29 =	simm.s32 $0x9;
	_ =	strace $0x80000048  }
0xb4: {  	_ =	swait.ge [sflag:s29], $0x1  }
0xb5: {  	[sflag:s29] =	ssyncadd.s32 $0xFFFFFFFF  }
0xb6: {  	_ =	strace $0x90000048  }
0xb7: {  	_ =	sfence  }
0xb8: {  	s30 =	sld [smem:$0x0];
	_ =	sdelay $0x2  }
0xb9: {  	s31 =	sshll.u32 s1, $0xD;
	s1 =	sshrl.u32 s1, $0x2  }
0xba: {  	s3 =	sand.u32 $0x4000, s31;
	s1 =	sadd.s32 s1, s30  }
0xbb: {  	s0 =	sor.u32 s3, s0;
	s1 =	sshll.u32 s1, $0x11  }
0xbc: {  	s0 =	sor.u32 s1, s0  }
0xbd: {  	s0 =	sadd.s32 $0x8F2B, s0  }
0xbe: {  	[sflag:s0] =	ssyncadd.remote.s32 $0x1  }
0xbf: {  	_ =	sfence.sel $0xFFFF  }
0xc0: {  	[dreg:$0x0] =	wrdreg $0xFFFFFFFF;
	(pc) =	sbr.abs _section_cstart, $3  }
0xc1: {  	[dreg:$0x1] =	wrdreg $0xFFFFFFFF  }
0xc2: {  	_ =	task.clear_ibuf [dreg:s7], $0x2FFFF;
	_ =	strace $0x9FFFFFFF  }
0xc3: {  	(tm) =	ssettm $0x7FFFFFFF  }
tec
execute0_lowered:
.L_overlay_start_1:
0x0: {  	(tag) =	ssettag $0x1  }
0x1: {  	s0 =	rddreg [dreg:$0x0]  }
0x2: {  	s1 =	rddreg [dreg:$0x1];
	s2 =	srdreg.scid  }
0x3: {  	s3 =	rddreg [dreg:$0x2];
	s13 =	stileid.u32;
	s4 =	simm.s32 $0x0  }
0x4: {  	s15 =	simm.s32 $0x480;
	s17 =	simm.s32 $0x100;
	s18 =	simm.s32 $0x500  }
0x5: {  	s20 =	simm.s32 $0x180;
	s21 =	simm.s32 $0x580;
	s22 =	simm.s32 $0x200  }
0x6: {  	s24 =	simm.s32 $0x600;
	[smem:$0x7FF] =	sst s4;
	s8 =	sadd.s32 $0x16400, s1  }
0x7: {  	s28 =	simm.s32 $0x2;
	_ =	strace $0x80000047;
	[dreg:$0x1b] =	wrdreg s8  }
0x8: {  	s29 =	simm.s32 $0x3;
	s30 =	simm.s32 $0xA80;
	[dreg:$0x6] =	wrdreg s15  }
0x9: {  	s31 =	simm.s32 $0xE80;
	s6 =	smul.u32 $0x14000, s13;
	[dreg:$0x7] =	wrdreg s17  }
0xa: {  	s2 =	sand.u32 $0x1, s2;
	s25 =	smul.u32 $0xA00, s13;
	[dreg:$0x8] =	wrdreg s18  }
0xb: {  	s9 =	sshll.u32 s13, $0x1;
	s16 =	smul.u32 $0x50000, s13;
	[dreg:$0x9] =	wrdreg s20  }
0xc: {  	s5 =	smul.u32 $0x140000, s2;
	s26 =	ssub.s32 $0x2, s2;
	[dreg:$0xa] =	wrdreg s21  }
0xd: {  	s10 =	smul.u32 $0x500, s2;
	s9 =	sor.u32 s2, s9;
	[dreg:$0xb] =	wrdreg s22  }
0xe: {  	[dreg:$0xc] =	wrdreg s24;
	s15 =	smul.u32 $0xA0, s13;
	s17 =	simm.s32 $0x380  }
0xf: {  	s2 =	smul.u32 $0x50, s2;
	s18 =	simm.s32 $0x780;
	[dreg:$0x11] =	wrdreg s17  }
0x10: {  	s20 =	simm.s32 $0xC80;
	s21 =	simm.s32 $0x900;
	[dreg:$0x12] =	wrdreg s18  }
0x11: {  	s22 =	simm.s32 $0xD00;
	s24 =	simm.s32 $0xD80;
	[dreg:$0x14] =	wrdreg s20  }
0x12: {  	s11 =	sshrl.u32 s26, $0x1;
	s9 =	smul.u32 $0x500, s9;
	[dreg:$0x15] =	wrdreg s21  }
0x13: {  	s19 =	sshrl.u32 s16, $0x2;
	s16 =	simm.s32 $0x700;
	[dreg:$0x16] =	wrdreg s22  }
0x14: {  	[dreg:$0x18] =	wrdreg s24;
	s7 =	sadd.s32 s6, s5;
	s5 =	sadd.s32 $0x2400, s1  }
0x15: {  	s8 =	ssub.s32 s26, s11;
	s26 =	simm.s32 $0x280;
	[dreg:$0x10] =	wrdreg s16  }
0x16: {  	s6 =	sadd.s32 $0xC400, s1;
	s14 =	sadd.s32 s5, s9;
	[dreg:$0xd] =	wrdreg s26  }
0x17: {  	s18 =	simm.s32 $0x400;
	s9 =	sadd.s32 s6, s9;
	[dreg:$0x1c] =	wrdreg s14  }
0x18: {  	s7 =	sshrl.u32 s7, $0x3;
	s8 =	smax.u32 s8, $0x1;
	[dreg:$0x1d] =	wrdreg s9  }
0x19: {  	s12 =	sadd.s32 s25, s5;
	s26 =	simm.s32 $0xE00;
	[smem:$0x7FD] =	sst s8  }
0x1a: {  	s1 =	sadd.s32 s7, s1;
	s12 =	sadd.s32 s10, s12;
	[dreg:$0x1a] =	wrdreg s26  }
0x1b: {  	s7 =	sadd.s32 s25, s6;
	s14 =	simm.s32 $0x300;
	[dreg:$0x4] =	wrdreg s12  }
0x1c: {  	s20 =	simm.s32 $0x5;
	s7 =	sadd.s32 s10, s7;
	[dreg:$0xf] =	wrdreg s14  }
0x1d: {  	s21 =	simm.s32 $0x4;
	s1 =	sadd.s32 $0x16C00, s1;
	[dreg:$0x5] =	wrdreg s7  }
0x1e: {  	s22 =	simm.s32 $0x800;
	s12 =	simm.s32 $0x680;
	[smem:$0x7FC] =	sst s1  }
0x1f: {  	s10 =	sadd.s32 s19, s3;
	s19 =	simm.s32 $0x880;
	[dreg:$0xe] =	wrdreg s12  }
0x20: {  	s24 =	simm.s32 $0x80;
	s9 =	sadd.s32 $0x4000, s10;
	[dreg:$0x13] =	wrdreg s19  }
0x21: {  	s26 =	simm.s32 $0x5000;
	s23 =	sadd.s32 $0x8000, s10;
	[dreg:$0x1e] =	wrdreg s9  }
0x22: {  	s8 =	simm.s32 $0xF80;
	s25 =	sadd.s32 $0xC000, s10;
	[dreg:$0x1f] =	wrdreg s23  }
0x23: {  	s11 =	sadd.s32 $0x10000, s10;
	s19 =	simm.s32 $0x1000;
	[smem:$0x7FA] =	sst s25  }
0x24: {  	s1 =	simm.s32 $0xB00;
	s7 =	simm.s32 $0xB80;
	[smem:$0x7FB] =	sst s11  }
0x25: {  	s11 =	sadd.s32 s2, s15;
	s23 =	simm.s32 $0x980;
	s25 =	simm.s32 $0xA00  }
0x26: {  	s2 =	simm.s32 $0xF00;
	s9 =	simm.s32 $0x0;
	[dreg:$0x17] =	wrdreg s23  }
0x27: {  	s23 =	simm.s32 $0xC00;
	[dreg:$0x19] =	wrdreg s25;
	s25 =	simm.s32 $0x1  }
.LBB2_1:
0x28: {  	s12 =	rddreg [dreg:$0x1c]  }
0x29: {  	[tilespmem:s4], [sflag:$0x4] =	stream.linear.gather [hbm4b:s12+s4], $0x400, $0x38;
	[tilespmem:$0x1D000] =	vst v63  }
0x2a: {  	s13 =	rddreg [dreg:$0x1d]  }
0x2b: {  	[tilespmem:s18], [sflag:$0x4] =	stream.linear.gather [hbm4b:s13+s4], $0x400, $0x38;
	[tilespmem:$0x1D000] =	vst v63  }
0x2c: {  	s14 =	rddreg [dreg:$0x1b]  }
0x2d: {  	[tilespmem:s19], [sflag:$0x5] =	stream.linear.gather [hbm4b:s14+s4], $0x4000, $0x38;
	[tilespmem:$0x1D000] =	vst v63  }
0x2e: {  	_ =	swait.ge [sflag:s20], $0x4000  }
0x2f: {  	[sflag:s20] =	ssyncset.done $0x0  }
0x30: {  	[sflag:s20] =	ssyncadd.s32 $0xFFFFC000  }
0x31: {  	[spmem:s10] =	stream.linear.scatter [tilespmem:s19], [sflag:$0x5], $0x4000, $0x38;
	[tilespmem:$0x1D000] =	vst v63  }
0x32: {  	_ =	swait.ge [sflag:s20], $0x4000  }
0x33: {  	[sflag:s20] =	ssyncset.done $0x0  }
0x34: {  	s15 =	rddreg [dreg:$0x1e];
	[sflag:s20] =	ssyncadd.s32 $0xFFFFC000  }
0x35: {  	[spmem:s15] =	stream.linear.scatter [tilespmem:s19], [sflag:$0x5], $0x4000, $0x38;
	[tilespmem:$0x1D000] =	vst v63  }
0x36: {  	_ =	swait.ge [sflag:s20], $0x4000  }
0x37: {  	[sflag:s20] =	ssyncset.done $0x0  }
0x38: {  	s16 =	rddreg [dreg:$0x1f];
	[sflag:s20] =	ssyncadd.s32 $0xFFFFC000  }
0x39: {  	[spmem:s16] =	stream.linear.scatter [tilespmem:s19], [sflag:$0x5], $0x4000, $0x38;
	[tilespmem:$0x1D000] =	vst v63  }
0x3a: {  	_ =	swait.ge [sflag:s20], $0x4000  }
0x3b: {  	s17 =	sld [smem:$0x7FA]  }
0x3c: {  	[sflag:s20] =	ssyncset.done $0x0  }
0x3d: {  	[sflag:s20] =	ssyncadd.s32 $0xFFFFC000  }
0x3e: {  	[spmem:s17] =	stream.linear.scatter [tilespmem:s19], [sflag:$0x5], $0x4000, $0x38;
	[tilespmem:$0x1D000] =	vst v63  }
0x3f: {  	_ =	swait.ge [sflag:s20], $0x4000  }
0x40: {  	s13 =	sld [smem:$0x7FB]  }
0x41: {  	[sflag:s20] =	ssyncset.done $0x0  }
0x42: {  	[sflag:s20] =	ssyncadd.s32 $0xFFFFC000  }
0x43: {  	[spmem:s13] =	stream.linear.scatter [tilespmem:s19], [sflag:$0x5], $0x4000, $0x38;
	[tilespmem:$0x1D000] =	vst v63  }
0x44: {  	_ =	swait.ge [sflag:s20], $0x4000  }
0x45: {  	[sflag:s20] =	ssyncset.done $0x0  }
0x46: {  	[sflag:s20] =	ssyncadd.s32 $0xFFFFC000  }
0x47: {  	[bflag:$0x0] =	sbarrier.arrive $0xFFFF  }
0x48: {  	_ =	swait.ge [sflag:s21], $0x400  }
0x49: {  	[sflag:s21] =	ssyncset.done $0x0  }
0x4a: {  	[sflag:s21] =	ssyncadd.s32 $0xFFFFFC00  }
0x4b: {  	_ =	swait.ge [sflag:s21], $0x400  }
0x4c: {  	s14 =	rddreg [dreg:$0x4];
	[sflag:s21] =	ssyncset.done $0x0  }
0x4d: {  	s13 =	rddreg [dreg:$0x5];
	[sflag:s21] =	ssyncadd.s32 $0xFFFFFC00;
	s12 =	sadd.s32 $0x80, s14  }
0x4e: {  	[tilespmem:s22], [sflag:$0x4] =	stream.linear.gather [hbm4b:s12+s4], $0x400, $0x38;
	[tilespmem:$0x1D000] =	vst v63  }
0x4f: {  	s15 =	sadd.s32 $0x80, s13  }
0x50: {  	[tilespmem:s23], [sflag:$0x4] =	stream.linear.gather [hbm4b:s15+s4], $0x400, $0x38;
	[tilespmem:$0x1D000] =	vst v63  }
0x51: {  	_ = 	snop  }
0x52: {  	[tilespmem:s19], [sflag:$0x1] =	stream.indirect.gather [hbm4b:s0+s24], $0x80, s4, s24, $0xb8;
	[tilespmem:$0x1D000] =	vst v63  }
0x53: {  	_ =	swait.ge [sflag:s25], $0x4000  }
0x54: {  	[sflag:s25] =	ssyncset.done $0x0  }
0x55: {  	[sflag:s25] =	ssyncadd.s32 $0xFFFFC000  }
0x56: {  	[spmem:s3] =	stream.indirect.scatter.add.f32 [tilespmem:s19], [sflag:$0x2], $0x80, s18, s24, $0xb8;
	[tilespmem:$0x1D000] =	vst v63  }
0x57: {  	_ = 	snop  }
0x58: {  	[tilespmem:s26], [sflag:$0x1] =	stream.indirect.gather [hbm4b:s0+s24], $0x80, s24, s24, $0xb8;
	[tilespmem:$0x1D000] =	vst v63  }
0x59: {  	_ =	swait.ge [sflag:s25], $0x4000  }
0x5a: {  	[sflag:s25] =	ssyncset.done $0x0  }
0x5b: {  	s16 =	rddreg [dreg:$0x6];
	[sflag:s25] =	ssyncadd.s32 $0xFFFFC000  }
0x5c: {  	[spmem:s3] =	stream.indirect.scatter.add.f32 [tilespmem:s26], [sflag:$0x3], $0x80, s16, s24, $0xb8;
	[tilespmem:$0x1D000] =	vst v63  }
0x5d: {  	_ =	swait.ge [sflag:s28], $0x4000  }
0x5e: {  	[sflag:s28] =	ssyncset.done $0x0  }
0x5f: {  	s17 =	rddreg [dreg:$0x7];
	[sflag:s28] =	ssyncadd.s32 $0xFFFFC000  }
0x60: {  	[tilespmem:s19], [sflag:$0x1] =	stream.indirect.gather [hbm4b:s0+s24], $0x80, s17, s24, $0xb8;
	[tilespmem:$0x1D000] =	vst v63  }
0x61: {  	_ =	swait.ge [sflag:s25], $0x4000  }
0x62: {  	[sflag:s25] =	ssyncset.done $0x0  }
0x63: {  	s13 =	rddreg [dreg:$0x8];
	[sflag:s25] =	ssyncadd.s32 $0xFFFFC000  }
0x64: {  	[spmem:s3] =	stream.indirect.scatter.add.f32 [tilespmem:s19], [sflag:$0x2], $0x80, s13, s24, $0xb8;
	[tilespmem:$0x1D000] =	vst v63  }
0x65: {  	_ =	swait.ge [sflag:s29], $0x4000  }
0x66: {  	[sflag:s29] =	ssyncset.done $0x0  }
0x67: {  	s14 =	rddreg [dreg:$0x9];
	[sflag:s29] =	ssyncadd.s32 $0xFFFFC000  }
0x68: {  	[tilespmem:s26], [sflag:$0x1] =	stream.indirect.gather [hbm4b:s0+s24], $0x80, s14, s24, $0xb8;
	[tilespmem:$0x1D000] =	vst v63  }
0x69: {  	_ =	swait.ge [sflag:s25], $0x4000  }
0x6a: {  	[sflag:s25] =	ssyncset.done $0x0  }
0x6b: {  	s15 =	rddreg [dreg:$0xa];
	[sflag:s25] =	ssyncadd.s32 $0xFFFFC000  }
0x6c: {  	[spmem:s3] =	stream.indirect.scatter.add.f32 [tilespmem:s26], [sflag:$0x3], $0x80, s15, s24, $0xb8;
	[tilespmem:$0x1D000] =	vst v63  }
0x6d: {  	_ =	swait.ge [sflag:s28], $0x4000  }
0x6e: {  	[sflag:s28] =	ssyncset.done $0x0  }
0x6f: {  	s16 =	rddreg [dreg:$0xb];
	[sflag:s28] =	ssyncadd.s32 $0xFFFFC000  }
0x70: {  	[tilespmem:s19], [sflag:$0x1] =	stream.indirect.gather [hbm4b:s0+s24], $0x80, s16, s24, $0xb8;
	[tilespmem:$0x1D000] =	vst v63  }
0x71: {  	_ =	swait.ge [sflag:s25], $0x4000  }
0x72: {  	[sflag:s25] =	ssyncset.done $0x0  }
0x73: {  	s17 =	rddreg [dreg:$0xc];
	[sflag:s25] =	ssyncadd.s32 $0xFFFFC000  }
0x74: {  	[spmem:s3] =	stream.indirect.scatter.add.f32 [tilespmem:s19], [sflag:$0x2], $0x80, s17, s24, $0xb8;
	[tilespmem:$0x1D000] =	vst v63  }
0x75: {  	_ =	swait.ge [sflag:s29], $0x4000  }
0x76: {  	[sflag:s29] =	ssyncset.done $0x0  }
0x77: {  	s13 =	rddreg [dreg:$0xd];
	[sflag:s29] =	ssyncadd.s32 $0xFFFFC000  }
0x78: {  	[tilespmem:s26], [sflag:$0x1] =	stream.indirect.gather [hbm4b:s0+s24], $0x80, s13, s24, $0xb8;
	[tilespmem:$0x1D000] =	vst v63  }
0x79: {  	_ =	swait.ge [sflag:s25], $0x4000  }
0x7a: {  	[sflag:s25] =	ssyncset.done $0x0  }
0x7b: {  	s14 =	rddreg [dreg:$0xe];
	[sflag:s25] =	ssyncadd.s32 $0xFFFFC000  }
0x7c: {  	[spmem:s3] =	stream.indirect.scatter.add.f32 [tilespmem:s26], [sflag:$0x3], $0x80, s14, s24, $0xb8;
	[tilespmem:$0x1D000] =	vst v63  }
0x7d: {  	_ =	swait.ge [sflag:s28], $0x4000  }
0x7e: {  	[sflag:s28] =	ssyncset.done $0x0  }
0x7f: {  	s15 =	rddreg [dreg:$0xf];
	[sflag:s28] =	ssyncadd.s32 $0xFFFFC000  }
0x80: {  	[tilespmem:s19], [sflag:$0x1] =	stream.indirect.gather [hbm4b:s0+s24], $0x80, s15, s24, $0xb8;
	[tilespmem:$0x1D000] =	vst v63  }
0x81: {  	_ =	swait.ge [sflag:s25], $0x4000  }
0x82: {  	[sflag:s25] =	ssyncset.done $0x0  }
0x83: {  	s16 =	rddreg [dreg:$0x10];
	[sflag:s25] =	ssyncadd.s32 $0xFFFFC000  }
0x84: {  	[spmem:s3] =	stream.indirect.scatter.add.f32 [tilespmem:s19], [sflag:$0x2], $0x80, s16, s24, $0xb8;
	[tilespmem:$0x1D000] =	vst v63  }
0x85: {  	_ =	swait.ge [sflag:s29], $0x4000  }
0x86: {  	[sflag:s29] =	ssyncset.done $0x0  }
0x87: {  	s17 =	rddreg [dreg:$0x11];
	[sflag:s29] =	ssyncadd.s32 $0xFFFFC000  }
0x88: {  	[tilespmem:s26], [sflag:$0x1] =	stream.indirect.gather [hbm4b:s0+s24], $0x80, s17, s24, $0xb8;
	[tilespmem:$0x1D000] =	vst v63  }
0x89: {  	_ =	swait.ge [sflag:s25], $0x4000  }
0x8a: {  	[sflag:s25] =	ssyncset.done $0x0  }
0x8b: {  	s13 =	rddreg [dreg:$0x12];
	[sflag:s25] =	ssyncadd.s32 $0xFFFFC000  }
0x8c: {  	[spmem:s3] =	stream.indirect.scatter.add.f32 [tilespmem:s26], [sflag:$0x3], $0x80, s13, s24, $0xb8;
	[tilespmem:$0x1D000] =	vst v63  }
0x8d: {  	_ =	swait.ge [sflag:s21], $0x400  }
0x8e: {  	p0 =	slt.s32 s11, $0x9E8;
	s12 =	smov.u32 s11;
	[sflag:s21] =	ssyncset.done $0x0  }
0x8f: {  	s12 =	simm.s32 @!p0 $0x9E8;
	[sflag:s21] =	ssyncadd.s32 $0xFFFFFC00  }
0x90: {  	s12 =	sshll.u32 s12, $0x4;
	_ =	swait.ge [sflag:s21], $0x400  }
0x91: {  	s12 =	sadd.s32 $0x100, s12;
	[sflag:s21] =	ssyncset.done $0x0  }
0x92: {  	s14 =	sadd.s32 s5, s12;
	[sflag:s21] =	ssyncadd.s32 $0xFFFFFC00  }
0x93: {  	[tilespmem:s4], [sflag:$0x4] =	stream.linear.gather [hbm4b:s14+s4], $0x400, $0x38;
	[tilespmem:$0x1D000] =	vst v63  }
0x94: {  	s12 =	sadd.s32 s6, s12  }
0x95: {  	[tilespmem:s18], [sflag:$0x4] =	stream.linear.gather [hbm4b:s12+s4], $0x400, $0x38;
	[tilespmem:$0x1D000] =	vst v63  }
0x96: {  	_ =	swait.ge [sflag:s28], $0x4000  }
0x97: {  	[sflag:s28] =	ssyncset.done $0x0  }
0x98: {  	[sflag:s28] =	ssyncadd.s32 $0xFFFFC000  }
0x99: {  	[tilespmem:s19], [sflag:$0x1] =	stream.indirect.gather [hbm4b:s0+s24], $0x80, s22, s24, $0xb8;
	[tilespmem:$0x1D000] =	vst v63  }
0x9a: {  	_ =	swait.ge [sflag:s25], $0x4000  }
0x9b: {  	[sflag:s25] =	ssyncset.done $0x0  }
0x9c: {  	[sflag:s25] =	ssyncadd.s32 $0xFFFFC000  }
0x9d: {  	[spmem:s3] =	stream.indirect.scatter.add.f32 [tilespmem:s19], [sflag:$0x2], $0x80, s23, s24, $0xb8;
	[tilespmem:$0x1D000] =	vst v63  }
0x9e: {  	_ =	swait.ge [sflag:s29], $0x4000  }
0x9f: {  	[sflag:s29] =	ssyncset.done $0x0  }
0xa0: {  	s15 =	rddreg [dreg:$0x13];
	[sflag:s29] =	ssyncadd.s32 $0xFFFFC000  }
0xa1: {  	[tilespmem:s26], [sflag:$0x1] =	stream.indirect.gather [hbm4b:s0+s24], $0x80, s15, s24, $0xb8;
	[tilespmem:$0x1D000] =	vst v63  }
0xa2: {  	_ =	swait.ge [sflag:s25], $0x4000  }
0xa3: {  	[sflag:s25] =	ssyncset.done $0x0  }
0xa4: {  	s16 =	rddreg [dreg:$0x14];
	[sflag:s25] =	ssyncadd.s32 $0xFFFFC000  }
0xa5: {  	[spmem:s3] =	stream.indirect.scatter.add.f32 [tilespmem:s26], [sflag:$0x3], $0x80, s16, s24, $0xb8;
	[tilespmem:$0x1D000] =	vst v63  }
0xa6: {  	_ =	swait.ge [sflag:s28], $0x4000  }
0xa7: {  	[sflag:s28] =	ssyncset.done $0x0  }
0xa8: {  	s17 =	rddreg [dreg:$0x15];
	[sflag:s28] =	ssyncadd.s32 $0xFFFFC000  }
0xa9: {  	[tilespmem:s19], [sflag:$0x1] =	stream.indirect.gather [hbm4b:s0+s24], $0x80, s17, s24, $0xb8;
	[tilespmem:$0x1D000] =	vst v63  }
0xaa: {  	_ =	swait.ge [sflag:s25], $0x4000  }
0xab: {  	[sflag:s25] =	ssyncset.done $0x0  }
0xac: {  	s13 =	rddreg [dreg:$0x16];
	[sflag:s25] =	ssyncadd.s32 $0xFFFFC000  }
0xad: {  	[spmem:s3] =	stream.indirect.scatter.add.f32 [tilespmem:s19], [sflag:$0x2], $0x80, s13, s24, $0xb8;
	[tilespmem:$0x1D000] =	vst v63  }
0xae: {  	_ =	swait.ge [sflag:s29], $0x4000  }
0xaf: {  	[sflag:s29] =	ssyncset.done $0x0  }
0xb0: {  	s14 =	rddreg [dreg:$0x17];
	[sflag:s29] =	ssyncadd.s32 $0xFFFFC000  }
0xb1: {  	[tilespmem:s26], [sflag:$0x1] =	stream.indirect.gather [hbm4b:s0+s24], $0x80, s14, s24, $0xb8;
	[tilespmem:$0x1D000] =	vst v63  }
0xb2: {  	_ =	swait.ge [sflag:s25], $0x4000  }
0xb3: {  	[sflag:s25] =	ssyncset.done $0x0  }
0xb4: {  	s15 =	rddreg [dreg:$0x18];
	[sflag:s25] =	ssyncadd.s32 $0xFFFFC000  }
0xb5: {  	[spmem:s3] =	stream.indirect.scatter.add.f32 [tilespmem:s26], [sflag:$0x3], $0x80, s15, s24, $0xb8;
	[tilespmem:$0x1D000] =	vst v63  }
0xb6: {  	_ =	swait.ge [sflag:s28], $0x4000  }
0xb7: {  	[sflag:s28] =	ssyncset.done $0x0  }
0xb8: {  	s16 =	rddreg [dreg:$0x19];
	[sflag:s28] =	ssyncadd.s32 $0xFFFFC000  }
0xb9: {  	[tilespmem:s19], [sflag:$0x1] =	stream.indirect.gather [hbm4b:s0+s24], $0x80, s16, s24, $0xb8;
	[tilespmem:$0x1D000] =	vst v63  }
0xba: {  	_ =	swait.ge [sflag:s25], $0x4000  }
0xbb: {  	[sflag:s25] =	ssyncset.done $0x0  }
0xbc: {  	s17 =	rddreg [dreg:$0x1a];
	[sflag:s25] =	ssyncadd.s32 $0xFFFFC000  }
0xbd: {  	[spmem:s3] =	stream.indirect.scatter.add.f32 [tilespmem:s19], [sflag:$0x2], $0x80, s17, s24, $0xb8;
	[tilespmem:$0x1D000] =	vst v63  }
0xbe: {  	_ =	swait.ge [sflag:s29], $0x4000  }
0xbf: {  	[sflag:s29] =	ssyncset.done $0x0  }
0xc0: {  	[sflag:s29] =	ssyncadd.s32 $0xFFFFC000  }
0xc1: {  	[tilespmem:s26], [sflag:$0x1] =	stream.indirect.gather [hbm4b:s0+s24], $0x80, s30, s24, $0xb8;
	[tilespmem:$0x1D000] =	vst v63  }
0xc2: {  	_ =	swait.ge [sflag:s25], $0x4000  }
0xc3: {  	[sflag:s25] =	ssyncset.done $0x0  }
0xc4: {  	[sflag:s25] =	ssyncadd.s32 $0xFFFFC000  }
0xc5: {  	[spmem:s3] =	stream.indirect.scatter.add.f32 [tilespmem:s26], [sflag:$0x3], $0x80, s31, s24, $0xb8;
	[tilespmem:$0x1D000] =	vst v63  }
0xc6: {  	_ =	swait.ge [sflag:s28], $0x4000  }
0xc7: {  	[sflag:s28] =	ssyncset.done $0x0  }
0xc8: {  	[sflag:s28] =	ssyncadd.s32 $0xFFFFC000  }
0xc9: {  	[tilespmem:s19], [sflag:$0x1] =	stream.indirect.gather [hbm4b:s0+s24], $0x80, s1, s24, $0xb8;
	[tilespmem:$0x1D000] =	vst v63  }
0xca: {  	_ =	swait.ge [sflag:s25], $0x4000  }
0xcb: {  	[sflag:s25] =	ssyncset.done $0x0  }
0xcc: {  	[sflag:s25] =	ssyncadd.s32 $0xFFFFC000  }
0xcd: {  	[spmem:s3] =	stream.indirect.scatter.add.f32 [tilespmem:s19], [sflag:$0x2], $0x80, s2, s24, $0xb8;
	[tilespmem:$0x1D000] =	vst v63  }
0xce: {  	_ =	swait.ge [sflag:s29], $0x4000  }
0xcf: {  	[sflag:s29] =	ssyncset.done $0x0  }
0xd0: {  	[sflag:s29] =	ssyncadd.s32 $0xFFFFC000  }
0xd1: {  	[tilespmem:s26], [sflag:$0x1] =	stream.indirect.gather [hbm4b:s0+s24], $0x80, s7, s24, $0xb8;
	[tilespmem:$0x1D000] =	vst v63  }
0xd2: {  	_ =	swait.ge [sflag:s25], $0x4000  }
0xd3: {  	[sflag:s25] =	ssyncset.done $0x0  }
0xd4: {  	[sflag:s25] =	ssyncadd.s32 $0xFFFFC000  }
0xd5: {  	[spmem:s3] =	stream.indirect.scatter.add.f32 [tilespmem:s26], [sflag:$0x3], $0x80, s8, s24, $0xb8;
	[tilespmem:$0x1D000] =	vst v63  }
0xd6: {  	_ =	swait.ge [sflag:s28], $0x4000  }
0xd7: {  	[sflag:s28] =	ssyncset.done $0x0  }
0xd8: {  	[sflag:s28] =	ssyncadd.s32 $0xFFFFC000  }
0xd9: {  	_ =	swait.ge [sflag:s29], $0x4000  }
0xda: {  	[sflag:s29] =	ssyncset.done $0x0  }
0xdb: {  	[sflag:s29] =	ssyncadd.s32 $0xFFFFC000  }
0xdc: {  	_ =	swait.ge [sflag:s21], $0x400  }
0xdd: {  	[sflag:s21] =	ssyncset.done $0x0  }
0xde: {  	[sflag:s21] =	ssyncadd.s32 $0xFFFFFC00  }
0xdf: {  	s12 =	simm.s32 $0x180;
	s13 =	simm.s32 $0x280;
	_ =	swait.ge [sflag:s21], $0x400  }
0xe0: {  	s17 =	smov.u32 s11;
	s14 =	rddreg [dreg:$0x4];
	[sflag:s21] =	ssyncset.done $0x0  }
.LBB2_2:
0xe1: {  	[sflag:s21] =	ssyncadd.s32 $0xFFFFFC00;
	s15 =	rddreg [dreg:$0x5];
	s14 =	sadd.s32 s12, s14  }
0xe2: {  	[tilespmem:s22], [sflag:$0x4] =	stream.linear.gather [hbm4b:s14+s4], $0x400, $0x38;
	[tilespmem:$0x1D000] =	vst v63  }
0xe3: {  	s15 =	sadd.s32 s12, s15  }
0xe4: {  	[tilespmem:s23], [sflag:$0x4] =	stream.linear.gather [hbm4b:s15+s4], $0x400, $0x38;
	[tilespmem:$0x1D000] =	vst v63  }
0xe5: {  	_ = 	snop  }
0xe6: {  	[tilespmem:s19], [sflag:$0x1] =	stream.indirect.gather [hbm4b:s0+s24], $0x80, s4, s24, $0xb8;
	[tilespmem:$0x1D000] =	vst v63  }
0xe7: {  	_ =	swait.ge [sflag:s25], $0x4000  }
0xe8: {  	[sflag:s25] =	ssyncset.done $0x0  }
0xe9: {  	[sflag:s25] =	ssyncadd.s32 $0xFFFFC000  }
0xea: {  	[spmem:s3] =	stream.indirect.scatter.add.f32 [tilespmem:s19], [sflag:$0x2], $0x80, s18, s24, $0xb8;
	[tilespmem:$0x1D000] =	vst v63  }
0xeb: {  	_ = 	snop  }
0xec: {  	[tilespmem:s26], [sflag:$0x1] =	stream.indirect.gather [hbm4b:s0+s24], $0x80, s24, s24, $0xb8;
	[tilespmem:$0x1D000] =	vst v63  }
0xed: {  	_ =	swait.ge [sflag:s25], $0x4000  }
0xee: {  	[sflag:s25] =	ssyncset.done $0x0  }
0xef: {  	s15 =	rddreg [dreg:$0x6];
	[sflag:s25] =	ssyncadd.s32 $0xFFFFC000  }
0xf0: {  	[spmem:s3] =	stream.indirect.scatter.add.f32 [tilespmem:s26], [sflag:$0x3], $0x80, s15, s24, $0xb8;
	[tilespmem:$0x1D000] =	vst v63  }
0xf1: {  	_ =	swait.ge [sflag:s28], $0x4000  }
0xf2: {  	s16 =	smov.u32 s13;
	[sflag:s28] =	ssyncset.done $0x0  }
0xf3: {  	s12 =	smov.u32 s16;
	s16 =	rddreg [dreg:$0x7];
	[sflag:s28] =	ssyncadd.s32 $0xFFFFC000  }
0xf4: {  	[tilespmem:s19], [sflag:$0x1] =	stream.indirect.gather [hbm4b:s0+s24], $0x80, s16, s24, $0xb8;
	[tilespmem:$0x1D000] =	vst v63  }
0xf5: {  	_ =	swait.ge [sflag:s25], $0x4000  }
0xf6: {  	[sflag:s25] =	ssyncset.done $0x0  }
0xf7: {  	s15 =	rddreg [dreg:$0x8];
	[sflag:s25] =	ssyncadd.s32 $0xFFFFC000  }
0xf8: {  	[spmem:s3] =	stream.indirect.scatter.add.f32 [tilespmem:s19], [sflag:$0x2], $0x80, s15, s24, $0xb8;
	[tilespmem:$0x1D000] =	vst v63  }
0xf9: {  	_ =	swait.ge [sflag:s29], $0x4000  }
0xfa: {  	[sflag:s29] =	ssyncset.done $0x0  }
0xfb: {  	s16 =	rddreg [dreg:$0x9];
	[sflag:s29] =	ssyncadd.s32 $0xFFFFC000  }
0xfc: {  	[tilespmem:s26], [sflag:$0x1] =	stream.indirect.gather [hbm4b:s0+s24], $0x80, s16, s24, $0xb8;
	[tilespmem:$0x1D000] =	vst v63  }
0xfd: {  	_ =	swait.ge [sflag:s25], $0x4000  }
0xfe: {  	[sflag:s25] =	ssyncset.done $0x0  }
0xff: {  	s15 =	rddreg [dreg:$0xa];
	[sflag:s25] =	ssyncadd.s32 $0xFFFFC000  }
0x100: {  	[spmem:s3] =	stream.indirect.scatter.add.f32 [tilespmem:s26], [sflag:$0x3], $0x80, s15, s24, $0xb8;
	[tilespmem:$0x1D000] =	vst v63  }
0x101: {  	_ =	swait.ge [sflag:s28], $0x4000  }
0x102: {  	[sflag:s28] =	ssyncset.done $0x0  }
0x103: {  	s16 =	rddreg [dreg:$0xb];
	[sflag:s28] =	ssyncadd.s32 $0xFFFFC000  }
0x104: {  	[tilespmem:s19], [sflag:$0x1] =	stream.indirect.gather [hbm4b:s0+s24], $0x80, s16, s24, $0xb8;
	[tilespmem:$0x1D000] =	vst v63  }
0x105: {  	_ =	swait.ge [sflag:s25], $0x4000  }
0x106: {  	[sflag:s25] =	ssyncset.done $0x0  }
0x107: {  	s15 =	rddreg [dreg:$0xc];
	[sflag:s25] =	ssyncadd.s32 $0xFFFFC000  }
0x108: {  	[spmem:s3] =	stream.indirect.scatter.add.f32 [tilespmem:s19], [sflag:$0x2], $0x80, s15, s24, $0xb8;
	[tilespmem:$0x1D000] =	vst v63  }
0x109: {  	_ =	swait.ge [sflag:s29], $0x4000  }
0x10a: {  	[sflag:s29] =	ssyncset.done $0x0  }
0x10b: {  	s16 =	rddreg [dreg:$0xd];
	[sflag:s29] =	ssyncadd.s32 $0xFFFFC000  }
0x10c: {  	[tilespmem:s26], [sflag:$0x1] =	stream.indirect.gather [hbm4b:s0+s24], $0x80, s16, s24, $0xb8;
	[tilespmem:$0x1D000] =	vst v63  }
0x10d: {  	_ =	swait.ge [sflag:s25], $0x4000  }
0x10e: {  	[sflag:s25] =	ssyncset.done $0x0  }
0x10f: {  	s15 =	rddreg [dreg:$0xe];
	[sflag:s25] =	ssyncadd.s32 $0xFFFFC000  }
0x110: {  	[spmem:s3] =	stream.indirect.scatter.add.f32 [tilespmem:s26], [sflag:$0x3], $0x80, s15, s24, $0xb8;
	[tilespmem:$0x1D000] =	vst v63  }
0x111: {  	_ =	swait.ge [sflag:s28], $0x4000  }
0x112: {  	[sflag:s28] =	ssyncset.done $0x0  }
0x113: {  	s16 =	rddreg [dreg:$0xf];
	[sflag:s28] =	ssyncadd.s32 $0xFFFFC000  }
0x114: {  	[tilespmem:s19], [sflag:$0x1] =	stream.indirect.gather [hbm4b:s0+s24], $0x80, s16, s24, $0xb8;
	[tilespmem:$0x1D000] =	vst v63  }
0x115: {  	_ =	swait.ge [sflag:s25], $0x4000  }
0x116: {  	[sflag:s25] =	ssyncset.done $0x0  }
0x117: {  	s15 =	rddreg [dreg:$0x10];
	[sflag:s25] =	ssyncadd.s32 $0xFFFFC000  }
0x118: {  	[spmem:s3] =	stream.indirect.scatter.add.f32 [tilespmem:s19], [sflag:$0x2], $0x80, s15, s24, $0xb8;
	[tilespmem:$0x1D000] =	vst v63  }
0x119: {  	_ =	swait.ge [sflag:s29], $0x4000  }
0x11a: {  	[sflag:s29] =	ssyncset.done $0x0  }
0x11b: {  	s16 =	rddreg [dreg:$0x11];
	[sflag:s29] =	ssyncadd.s32 $0xFFFFC000  }
0x11c: {  	[tilespmem:s26], [sflag:$0x1] =	stream.indirect.gather [hbm4b:s0+s24], $0x80, s16, s24, $0xb8;
	[tilespmem:$0x1D000] =	vst v63  }
0x11d: {  	_ =	swait.ge [sflag:s25], $0x4000  }
0x11e: {  	[sflag:s25] =	ssyncset.done $0x0  }
0x11f: {  	s15 =	rddreg [dreg:$0x12];
	[sflag:s25] =	ssyncadd.s32 $0xFFFFC000  }
0x120: {  	[spmem:s3] =	stream.indirect.scatter.add.f32 [tilespmem:s26], [sflag:$0x3], $0x80, s15, s24, $0xb8;
	[tilespmem:$0x1D000] =	vst v63  }
0x121: {  	s17 =	sadd.s32 $0x10, s17;
	_ =	swait.ge [sflag:s21], $0x400  }
0x122: {  	p1 =	slt.s32 s17, $0x9E8;
	s14 =	smov.u32 s17;
	[sflag:s21] =	ssyncset.done $0x0  }
0x123: {  	s14 =	simm.s32 @!p1 $0x9E8;
	[sflag:s21] =	ssyncadd.s32 $0xFFFFFC00  }
0x124: {  	s14 =	sshll.u32 s14, $0x4;
	_ =	swait.ge [sflag:s21], $0x400  }
0x125: {  	s14 =	sadd.s32 $0x100, s14;
	[sflag:s21] =	ssyncset.done $0x0  }
0x126: {  	s16 =	sadd.s32 s5, s14;
	[sflag:s21] =	ssyncadd.s32 $0xFFFFFC00  }
0x127: {  	[tilespmem:s4], [sflag:$0x4] =	stream.linear.gather [hbm4b:s16+s4], $0x400, $0x38;
	[tilespmem:$0x1D000] =	vst v63  }
0x128: {  	s14 =	sadd.s32 s6, s14  }
0x129: {  	[tilespmem:s18], [sflag:$0x4] =	stream.linear.gather [hbm4b:s14+s4], $0x400, $0x38;
	[tilespmem:$0x1D000] =	vst v63  }
0x12a: {  	_ =	swait.ge [sflag:s28], $0x4000  }
0x12b: {  	[sflag:s28] =	ssyncset.done $0x0  }
0x12c: {  	[sflag:s28] =	ssyncadd.s32 $0xFFFFC000  }
0x12d: {  	[tilespmem:s19], [sflag:$0x1] =	stream.indirect.gather [hbm4b:s0+s24], $0x80, s22, s24, $0xb8;
	[tilespmem:$0x1D000] =	vst v63  }
0x12e: {  	_ =	swait.ge [sflag:s25], $0x4000  }
0x12f: {  	[sflag:s25] =	ssyncset.done $0x0  }
0x130: {  	[sflag:s25] =	ssyncadd.s32 $0xFFFFC000  }
0x131: {  	[spmem:s3] =	stream.indirect.scatter.add.f32 [tilespmem:s19], [sflag:$0x2], $0x80, s23, s24, $0xb8;
	[tilespmem:$0x1D000] =	vst v63  }
0x132: {  	_ =	swait.ge [sflag:s29], $0x4000  }
0x133: {  	[sflag:s29] =	ssyncset.done $0x0  }
0x134: {  	s15 =	rddreg [dreg:$0x13];
	[sflag:s29] =	ssyncadd.s32 $0xFFFFC000  }
0x135: {  	[tilespmem:s26], [sflag:$0x1] =	stream.indirect.gather [hbm4b:s0+s24], $0x80, s15, s24, $0xb8;
	[tilespmem:$0x1D000] =	vst v63  }
0x136: {  	_ =	swait.ge [sflag:s25], $0x4000  }
0x137: {  	[sflag:s25] =	ssyncset.done $0x0  }
0x138: {  	s16 =	rddreg [dreg:$0x14];
	[sflag:s25] =	ssyncadd.s32 $0xFFFFC000  }
0x139: {  	[spmem:s3] =	stream.indirect.scatter.add.f32 [tilespmem:s26], [sflag:$0x3], $0x80, s16, s24, $0xb8;
	[tilespmem:$0x1D000] =	vst v63  }
0x13a: {  	_ =	swait.ge [sflag:s28], $0x4000  }
0x13b: {  	[sflag:s28] =	ssyncset.done $0x0  }
0x13c: {  	s15 =	rddreg [dreg:$0x15];
	[sflag:s28] =	ssyncadd.s32 $0xFFFFC000  }
0x13d: {  	[tilespmem:s19], [sflag:$0x1] =	stream.indirect.gather [hbm4b:s0+s24], $0x80, s15, s24, $0xb8;
	[tilespmem:$0x1D000] =	vst v63  }
0x13e: {  	_ =	swait.ge [sflag:s25], $0x4000  }
0x13f: {  	[sflag:s25] =	ssyncset.done $0x0  }
0x140: {  	s16 =	rddreg [dreg:$0x16];
	[sflag:s25] =	ssyncadd.s32 $0xFFFFC000  }
0x141: {  	[spmem:s3] =	stream.indirect.scatter.add.f32 [tilespmem:s19], [sflag:$0x2], $0x80, s16, s24, $0xb8;
	[tilespmem:$0x1D000] =	vst v63  }
0x142: {  	_ =	swait.ge [sflag:s29], $0x4000  }
0x143: {  	[sflag:s29] =	ssyncset.done $0x0  }
0x144: {  	s15 =	rddreg [dreg:$0x17];
	[sflag:s29] =	ssyncadd.s32 $0xFFFFC000  }
0x145: {  	[tilespmem:s26], [sflag:$0x1] =	stream.indirect.gather [hbm4b:s0+s24], $0x80, s15, s24, $0xb8;
	[tilespmem:$0x1D000] =	vst v63  }
0x146: {  	_ =	swait.ge [sflag:s25], $0x4000  }
0x147: {  	[sflag:s25] =	ssyncset.done $0x0  }
0x148: {  	s16 =	rddreg [dreg:$0x18];
	[sflag:s25] =	ssyncadd.s32 $0xFFFFC000  }
0x149: {  	[spmem:s3] =	stream.indirect.scatter.add.f32 [tilespmem:s26], [sflag:$0x3], $0x80, s16, s24, $0xb8;
	[tilespmem:$0x1D000] =	vst v63  }
0x14a: {  	_ =	swait.ge [sflag:s28], $0x4000  }
0x14b: {  	[sflag:s28] =	ssyncset.done $0x0  }
0x14c: {  	s15 =	rddreg [dreg:$0x19];
	[sflag:s28] =	ssyncadd.s32 $0xFFFFC000  }
0x14d: {  	[tilespmem:s19], [sflag:$0x1] =	stream.indirect.gather [hbm4b:s0+s24], $0x80, s15, s24, $0xb8;
	[tilespmem:$0x1D000] =	vst v63  }
0x14e: {  	_ =	swait.ge [sflag:s25], $0x4000  }
0x14f: {  	[sflag:s25] =	ssyncset.done $0x0  }
0x150: {  	s16 =	rddreg [dreg:$0x1a];
	[sflag:s25] =	ssyncadd.s32 $0xFFFFC000  }
0x151: {  	[spmem:s3] =	stream.indirect.scatter.add.f32 [tilespmem:s19], [sflag:$0x2], $0x80, s16, s24, $0xb8;
	[tilespmem:$0x1D000] =	vst v63  }
0x152: {  	_ =	swait.ge [sflag:s29], $0x4000  }
0x153: {  	[sflag:s29] =	ssyncset.done $0x0  }
0x154: {  	[sflag:s29] =	ssyncadd.s32 $0xFFFFC000  }
0x155: {  	[tilespmem:s26], [sflag:$0x1] =	stream.indirect.gather [hbm4b:s0+s24], $0x80, s30, s24, $0xb8;
	[tilespmem:$0x1D000] =	vst v63  }
0x156: {  	_ =	swait.ge [sflag:s25], $0x4000  }
0x157: {  	[sflag:s25] =	ssyncset.done $0x0  }
0x158: {  	[sflag:s25] =	ssyncadd.s32 $0xFFFFC000  }
0x159: {  	[spmem:s3] =	stream.indirect.scatter.add.f32 [tilespmem:s26], [sflag:$0x3], $0x80, s31, s24, $0xb8;
	[tilespmem:$0x1D000] =	vst v63  }
0x15a: {  	_ =	swait.ge [sflag:s28], $0x4000  }
0x15b: {  	[sflag:s28] =	ssyncset.done $0x0  }
0x15c: {  	[sflag:s28] =	ssyncadd.s32 $0xFFFFC000  }
0x15d: {  	[tilespmem:s19], [sflag:$0x1] =	stream.indirect.gather [hbm4b:s0+s24], $0x80, s1, s24, $0xb8;
	[tilespmem:$0x1D000] =	vst v63  }
0x15e: {  	_ =	swait.ge [sflag:s25], $0x4000  }
0x15f: {  	[sflag:s25] =	ssyncset.done $0x0  }
0x160: {  	[sflag:s25] =	ssyncadd.s32 $0xFFFFC000  }
0x161: {  	[spmem:s3] =	stream.indirect.scatter.add.f32 [tilespmem:s19], [sflag:$0x2], $0x80, s2, s24, $0xb8;
	[tilespmem:$0x1D000] =	vst v63  }
0x162: {  	_ =	swait.ge [sflag:s29], $0x4000  }
0x163: {  	[sflag:s29] =	ssyncset.done $0x0  }
0x164: {  	[sflag:s29] =	ssyncadd.s32 $0xFFFFC000  }
0x165: {  	[tilespmem:s26], [sflag:$0x1] =	stream.indirect.gather [hbm4b:s0+s24], $0x80, s7, s24, $0xb8;
	[tilespmem:$0x1D000] =	vst v63  }
0x166: {  	_ =	swait.ge [sflag:s25], $0x4000  }
0x167: {  	[sflag:s25] =	ssyncset.done $0x0  }
0x168: {  	[sflag:s25] =	ssyncadd.s32 $0xFFFFC000  }
0x169: {  	[spmem:s3] =	stream.indirect.scatter.add.f32 [tilespmem:s26], [sflag:$0x3], $0x80, s8, s24, $0xb8;
	[tilespmem:$0x1D000] =	vst v63  }
0x16a: {  	_ =	swait.ge [sflag:s28], $0x4000  }
0x16b: {  	[sflag:s28] =	ssyncset.done $0x0  }
0x16c: {  	[sflag:s28] =	ssyncadd.s32 $0xFFFFC000  }
0x16d: {  	_ =	swait.ge [sflag:s29], $0x4000  }
0x16e: {  	[sflag:s29] =	ssyncset.done $0x0  }
0x16f: {  	p0 =	sne.s32 s13, $0x480;
	[sflag:s29] =	ssyncadd.s32 $0xFFFFC000  }
.Ltmp0:
0x170: {  	_ =	swait.ge [sflag:s21], $0x400;
	(pc) =	sbr.rel @p0 .LBB2_2-.Ltmp0, $4  }
0x171: {  	[sflag:s21] =	ssyncset.done $0x0  }
0x172: {  	[sflag:s21] =	ssyncadd.s32 $0xFFFFFC00  }
0x173: {  	_ =	swait.ge [sflag:s21], $0x400  }
0x174: {  	s13 =	sadd.s32 $0x100, s13;
	s14 =	rddreg [dreg:$0x4];
	[sflag:s21] =	ssyncset.done $0x0  }
0x175: {  	s13 =	rddreg [dreg:$0x5];
	[sflag:s21] =	ssyncadd.s32 $0xFFFFFC00;
	s14 =	sadd.s32 s12, s14  }
0x176: {  	[tilespmem:s22], [sflag:$0x4] =	stream.linear.gather [hbm4b:s14+s4], $0x400, $0x38;
	[tilespmem:$0x1D000] =	vst v63  }
0x177: {  	s13 =	sadd.s32 s12, s13  }
0x178: {  	[tilespmem:s23], [sflag:$0x4] =	stream.linear.gather [hbm4b:s13+s4], $0x400, $0x38;
	[tilespmem:$0x1D000] =	vst v63  }
0x179: {  	_ = 	snop  }
0x17a: {  	[tilespmem:s19], [sflag:$0x1] =	stream.indirect.gather [hbm4b:s0+s24], $0x80, s4, s24, $0xb8;
	[tilespmem:$0x1D000] =	vst v63  }
0x17b: {  	_ =	swait.ge [sflag:s25], $0x4000  }
0x17c: {  	[sflag:s25] =	ssyncset.done $0x0  }
0x17d: {  	[sflag:s25] =	ssyncadd.s32 $0xFFFFC000  }
0x17e: {  	[spmem:s3] =	stream.indirect.scatter.add.f32 [tilespmem:s19], [sflag:$0x2], $0x80, s18, s24, $0xb8;
	[tilespmem:$0x1D000] =	vst v63  }
0x17f: {  	_ = 	snop  }
0x180: {  	[tilespmem:s26], [sflag:$0x1] =	stream.indirect.gather [hbm4b:s0+s24], $0x80, s24, s24, $0xb8;
	[tilespmem:$0x1D000] =	vst v63  }
0x181: {  	_ =	swait.ge [sflag:s25], $0x4000  }
0x182: {  	[sflag:s25] =	ssyncset.done $0x0  }
0x183: {  	s14 =	rddreg [dreg:$0x6];
	[sflag:s25] =	ssyncadd.s32 $0xFFFFC000  }
0x184: {  	[spmem:s3] =	stream.indirect.scatter.add.f32 [tilespmem:s26], [sflag:$0x3], $0x80, s14, s24, $0xb8;
	[tilespmem:$0x1D000] =	vst v63  }
0x185: {  	_ =	swait.ge [sflag:s28], $0x4000  }
0x186: {  	[sflag:s28] =	ssyncset.done $0x0  }
0x187: {  	s15 =	rddreg [dreg:$0x7];
	[sflag:s28] =	ssyncadd.s32 $0xFFFFC000  }
0x188: {  	[tilespmem:s19], [sflag:$0x1] =	stream.indirect.gather [hbm4b:s0+s24], $0x80, s15, s24, $0xb8;
	[tilespmem:$0x1D000] =	vst v63  }
0x189: {  	_ =	swait.ge [sflag:s25], $0x4000  }
0x18a: {  	[sflag:s25] =	ssyncset.done $0x0  }
0x18b: {  	s16 =	rddreg [dreg:$0x8];
	[sflag:s25] =	ssyncadd.s32 $0xFFFFC000  }
0x18c: {  	[spmem:s3] =	stream.indirect.scatter.add.f32 [tilespmem:s19], [sflag:$0x2], $0x80, s16, s24, $0xb8;
	[tilespmem:$0x1D000] =	vst v63  }
0x18d: {  	_ =	swait.ge [sflag:s29], $0x4000  }
0x18e: {  	[sflag:s29] =	ssyncset.done $0x0  }
0x18f: {  	s13 =	rddreg [dreg:$0x9];
	[sflag:s29] =	ssyncadd.s32 $0xFFFFC000  }
0x190: {  	[tilespmem:s26], [sflag:$0x1] =	stream.indirect.gather [hbm4b:s0+s24], $0x80, s13, s24, $0xb8;
	[tilespmem:$0x1D000] =	vst v63  }
0x191: {  	_ =	swait.ge [sflag:s25], $0x4000  }
0x192: {  	[sflag:s25] =	ssyncset.done $0x0  }
0x193: {  	s14 =	rddreg [dreg:$0xa];
	[sflag:s25] =	ssyncadd.s32 $0xFFFFC000  }
0x194: {  	[spmem:s3] =	stream.indirect.scatter.add.f32 [tilespmem:s26], [sflag:$0x3], $0x80, s14, s24, $0xb8;
	[tilespmem:$0x1D000] =	vst v63  }
0x195: {  	_ =	swait.ge [sflag:s28], $0x4000  }
0x196: {  	[sflag:s28] =	ssyncset.done $0x0  }
0x197: {  	s15 =	rddreg [dreg:$0xb];
	[sflag:s28] =	ssyncadd.s32 $0xFFFFC000  }
0x198: {  	[tilespmem:s19], [sflag:$0x1] =	stream.indirect.gather [hbm4b:s0+s24], $0x80, s15, s24, $0xb8;
	[tilespmem:$0x1D000] =	vst v63  }
0x199: {  	_ =	swait.ge [sflag:s25], $0x4000  }
0x19a: {  	[sflag:s25] =	ssyncset.done $0x0  }
0x19b: {  	s16 =	rddreg [dreg:$0xc];
	[sflag:s25] =	ssyncadd.s32 $0xFFFFC000  }
0x19c: {  	[spmem:s3] =	stream.indirect.scatter.add.f32 [tilespmem:s19], [sflag:$0x2], $0x80, s16, s24, $0xb8;
	[tilespmem:$0x1D000] =	vst v63  }
0x19d: {  	_ =	swait.ge [sflag:s29], $0x4000  }
0x19e: {  	[sflag:s29] =	ssyncset.done $0x0  }
0x19f: {  	s13 =	rddreg [dreg:$0xd];
	[sflag:s29] =	ssyncadd.s32 $0xFFFFC000  }
0x1a0: {  	[tilespmem:s26], [sflag:$0x1] =	stream.indirect.gather [hbm4b:s0+s24], $0x80, s13, s24, $0xb8;
	[tilespmem:$0x1D000] =	vst v63  }
0x1a1: {  	_ =	swait.ge [sflag:s25], $0x4000  }
0x1a2: {  	[sflag:s25] =	ssyncset.done $0x0  }
0x1a3: {  	s14 =	rddreg [dreg:$0xe];
	[sflag:s25] =	ssyncadd.s32 $0xFFFFC000  }
0x1a4: {  	[spmem:s3] =	stream.indirect.scatter.add.f32 [tilespmem:s26], [sflag:$0x3], $0x80, s14, s24, $0xb8;
	[tilespmem:$0x1D000] =	vst v63  }
0x1a5: {  	_ =	swait.ge [sflag:s28], $0x4000  }
0x1a6: {  	[sflag:s28] =	ssyncset.done $0x0  }
0x1a7: {  	s15 =	rddreg [dreg:$0xf];
	[sflag:s28] =	ssyncadd.s32 $0xFFFFC000  }
0x1a8: {  	[tilespmem:s19], [sflag:$0x1] =	stream.indirect.gather [hbm4b:s0+s24], $0x80, s15, s24, $0xb8;
	[tilespmem:$0x1D000] =	vst v63  }
0x1a9: {  	_ =	swait.ge [sflag:s25], $0x4000  }
0x1aa: {  	[sflag:s25] =	ssyncset.done $0x0  }
0x1ab: {  	s16 =	rddreg [dreg:$0x10];
	[sflag:s25] =	ssyncadd.s32 $0xFFFFC000  }
0x1ac: {  	[spmem:s3] =	stream.indirect.scatter.add.f32 [tilespmem:s19], [sflag:$0x2], $0x80, s16, s24, $0xb8;
	[tilespmem:$0x1D000] =	vst v63  }
0x1ad: {  	_ =	swait.ge [sflag:s29], $0x4000  }
0x1ae: {  	[sflag:s29] =	ssyncset.done $0x0  }
0x1af: {  	s13 =	rddreg [dreg:$0x11];
	[sflag:s29] =	ssyncadd.s32 $0xFFFFC000  }
0x1b0: {  	[tilespmem:s26], [sflag:$0x1] =	stream.indirect.gather [hbm4b:s0+s24], $0x80, s13, s24, $0xb8;
	[tilespmem:$0x1D000] =	vst v63  }
0x1b1: {  	_ =	swait.ge [sflag:s25], $0x4000  }
0x1b2: {  	[sflag:s25] =	ssyncset.done $0x0  }
0x1b3: {  	s14 =	rddreg [dreg:$0x12];
	[sflag:s25] =	ssyncadd.s32 $0xFFFFC000  }
0x1b4: {  	[spmem:s3] =	stream.indirect.scatter.add.f32 [tilespmem:s26], [sflag:$0x3], $0x80, s14, s24, $0xb8;
	[tilespmem:$0x1D000] =	vst v63  }
0x1b5: {  	s12 =	sadd.s32 $0x10, s17;
	_ =	swait.ge [sflag:s21], $0x400  }
0x1b6: {  	p0 =	slt.s32 s12, $0x9E8;
	[sflag:s21] =	ssyncset.done $0x0  }
0x1b7: {  	s12 =	simm.s32 @!p0 $0x9E8;
	[sflag:s21] =	ssyncadd.s32 $0xFFFFFC00  }
0x1b8: {  	s12 =	sshll.u32 s12, $0x4;
	_ =	swait.ge [sflag:s21], $0x400  }
0x1b9: {  	s12 =	sadd.s32 $0x100, s12;
	[sflag:s21] =	ssyncset.done $0x0  }
0x1ba: {  	s15 =	sadd.s32 s5, s12;
	[sflag:s21] =	ssyncadd.s32 $0xFFFFFC00  }
0x1bb: {  	[tilespmem:s4], [sflag:$0x4] =	stream.linear.gather [hbm4b:s15+s4], $0x400, $0x38;
	[tilespmem:$0x1D000] =	vst v63  }
0x1bc: {  	s12 =	sadd.s32 s6, s12  }
0x1bd: {  	[tilespmem:s18], [sflag:$0x4] =	stream.linear.gather [hbm4b:s12+s4], $0x400, $0x38;
	[tilespmem:$0x1D000] =	vst v63  }
0x1be: {  	_ =	swait.ge [sflag:s28], $0x4000  }
0x1bf: {  	[sflag:s28] =	ssyncset.done $0x0  }
0x1c0: {  	[sflag:s28] =	ssyncadd.s32 $0xFFFFC000  }
0x1c1: {  	[tilespmem:s19], [sflag:$0x1] =	stream.indirect.gather [hbm4b:s0+s24], $0x80, s22, s24, $0xb8;
	[tilespmem:$0x1D000] =	vst v63  }
0x1c2: {  	_ =	swait.ge [sflag:s25], $0x4000  }
0x1c3: {  	[sflag:s25] =	ssyncset.done $0x0  }
0x1c4: {  	[sflag:s25] =	ssyncadd.s32 $0xFFFFC000  }
0x1c5: {  	[spmem:s3] =	stream.indirect.scatter.add.f32 [tilespmem:s19], [sflag:$0x2], $0x80, s23, s24, $0xb8;
	[tilespmem:$0x1D000] =	vst v63  }
0x1c6: {  	_ =	swait.ge [sflag:s29], $0x4000  }
0x1c7: {  	[sflag:s29] =	ssyncset.done $0x0  }
0x1c8: {  	s16 =	rddreg [dreg:$0x13];
	[sflag:s29] =	ssyncadd.s32 $0xFFFFC000  }
0x1c9: {  	[tilespmem:s26], [sflag:$0x1] =	stream.indirect.gather [hbm4b:s0+s24], $0x80, s16, s24, $0xb8;
	[tilespmem:$0x1D000] =	vst v63  }
0x1ca: {  	_ =	swait.ge [sflag:s25], $0x4000  }
0x1cb: {  	[sflag:s25] =	ssyncset.done $0x0  }
0x1cc: {  	s17 =	rddreg [dreg:$0x14];
	[sflag:s25] =	ssyncadd.s32 $0xFFFFC000  }
0x1cd: {  	[spmem:s3] =	stream.indirect.scatter.add.f32 [tilespmem:s26], [sflag:$0x3], $0x80, s17, s24, $0xb8;
	[tilespmem:$0x1D000] =	vst v63  }
0x1ce: {  	_ =	swait.ge [sflag:s28], $0x4000  }
0x1cf: {  	[sflag:s28] =	ssyncset.done $0x0  }
0x1d0: {  	s13 =	rddreg [dreg:$0x15];
	[sflag:s28] =	ssyncadd.s32 $0xFFFFC000  }
0x1d1: {  	[tilespmem:s19], [sflag:$0x1] =	stream.indirect.gather [hbm4b:s0+s24], $0x80, s13, s24, $0xb8;
	[tilespmem:$0x1D000] =	vst v63  }
0x1d2: {  	_ =	swait.ge [sflag:s25], $0x4000  }
0x1d3: {  	[sflag:s25] =	ssyncset.done $0x0  }
0x1d4: {  	s14 =	rddreg [dreg:$0x16];
	[sflag:s25] =	ssyncadd.s32 $0xFFFFC000  }
0x1d5: {  	[spmem:s3] =	stream.indirect.scatter.add.f32 [tilespmem:s19], [sflag:$0x2], $0x80, s14, s24, $0xb8;
	[tilespmem:$0x1D000] =	vst v63  }
0x1d6: {  	_ =	swait.ge [sflag:s29], $0x4000  }
0x1d7: {  	[sflag:s29] =	ssyncset.done $0x0  }
0x1d8: {  	s15 =	rddreg [dreg:$0x17];
	[sflag:s29] =	ssyncadd.s32 $0xFFFFC000  }
0x1d9: {  	[tilespmem:s26], [sflag:$0x1] =	stream.indirect.gather [hbm4b:s0+s24], $0x80, s15, s24, $0xb8;
	[tilespmem:$0x1D000] =	vst v63  }
0x1da: {  	_ =	swait.ge [sflag:s25], $0x4000  }
0x1db: {  	[sflag:s25] =	ssyncset.done $0x0  }
0x1dc: {  	s16 =	rddreg [dreg:$0x18];
	[sflag:s25] =	ssyncadd.s32 $0xFFFFC000  }
0x1dd: {  	[spmem:s3] =	stream.indirect.scatter.add.f32 [tilespmem:s26], [sflag:$0x3], $0x80, s16, s24, $0xb8;
	[tilespmem:$0x1D000] =	vst v63  }
0x1de: {  	_ =	swait.ge [sflag:s28], $0x4000  }
0x1df: {  	[sflag:s28] =	ssyncset.done $0x0  }
0x1e0: {  	s17 =	rddreg [dreg:$0x19];
	[sflag:s28] =	ssyncadd.s32 $0xFFFFC000  }
0x1e1: {  	[tilespmem:s19], [sflag:$0x1] =	stream.indirect.gather [hbm4b:s0+s24], $0x80, s17, s24, $0xb8;
	[tilespmem:$0x1D000] =	vst v63  }
0x1e2: {  	_ =	swait.ge [sflag:s25], $0x4000  }
0x1e3: {  	[sflag:s25] =	ssyncset.done $0x0  }
0x1e4: {  	s13 =	rddreg [dreg:$0x1a];
	[sflag:s25] =	ssyncadd.s32 $0xFFFFC000  }
0x1e5: {  	[spmem:s3] =	stream.indirect.scatter.add.f32 [tilespmem:s19], [sflag:$0x2], $0x80, s13, s24, $0xb8;
	[tilespmem:$0x1D000] =	vst v63  }
0x1e6: {  	_ =	swait.ge [sflag:s29], $0x4000  }
0x1e7: {  	[sflag:s29] =	ssyncset.done $0x0  }
0x1e8: {  	[sflag:s29] =	ssyncadd.s32 $0xFFFFC000  }
0x1e9: {  	[tilespmem:s26], [sflag:$0x1] =	stream.indirect.gather [hbm4b:s0+s24], $0x80, s30, s24, $0xb8;
	[tilespmem:$0x1D000] =	vst v63  }
0x1ea: {  	_ =	swait.ge [sflag:s25], $0x4000  }
0x1eb: {  	[sflag:s25] =	ssyncset.done $0x0  }
0x1ec: {  	[sflag:s25] =	ssyncadd.s32 $0xFFFFC000  }
0x1ed: {  	[spmem:s3] =	stream.indirect.scatter.add.f32 [tilespmem:s26], [sflag:$0x3], $0x80, s31, s24, $0xb8;
	[tilespmem:$0x1D000] =	vst v63  }
0x1ee: {  	_ =	swait.ge [sflag:s28], $0x4000  }
0x1ef: {  	[sflag:s28] =	ssyncset.done $0x0  }
0x1f0: {  	[sflag:s28] =	ssyncadd.s32 $0xFFFFC000  }
0x1f1: {  	[tilespmem:s19], [sflag:$0x1] =	stream.indirect.gather [hbm4b:s0+s24], $0x80, s1, s24, $0xb8;
	[tilespmem:$0x1D000] =	vst v63  }
0x1f2: {  	_ =	swait.ge [sflag:s25], $0x4000  }
0x1f3: {  	[sflag:s25] =	ssyncset.done $0x0  }
0x1f4: {  	[sflag:s25] =	ssyncadd.s32 $0xFFFFC000  }
0x1f5: {  	[spmem:s3] =	stream.indirect.scatter.add.f32 [tilespmem:s19], [sflag:$0x2], $0x80, s2, s24, $0xb8;
	[tilespmem:$0x1D000] =	vst v63  }
0x1f6: {  	_ =	swait.ge [sflag:s29], $0x4000  }
0x1f7: {  	[sflag:s29] =	ssyncset.done $0x0  }
0x1f8: {  	[sflag:s29] =	ssyncadd.s32 $0xFFFFC000  }
0x1f9: {  	[tilespmem:s26], [sflag:$0x1] =	stream.indirect.gather [hbm4b:s0+s24], $0x80, s7, s24, $0xb8;
	[tilespmem:$0x1D000] =	vst v63  }
0x1fa: {  	_ =	swait.ge [sflag:s25], $0x4000  }
0x1fb: {  	[sflag:s25] =	ssyncset.done $0x0  }
0x1fc: {  	[sflag:s25] =	ssyncadd.s32 $0xFFFFC000  }
0x1fd: {  	[spmem:s3] =	stream.indirect.scatter.add.f32 [tilespmem:s26], [sflag:$0x3], $0x80, s8, s24, $0xb8;
	[tilespmem:$0x1D000] =	vst v63  }
0x1fe: {  	_ =	swait.ge [sflag:s28], $0x4000  }
0x1ff: {  	[sflag:s28] =	ssyncset.done $0x0  }
0x200: {  	[sflag:s28] =	ssyncadd.s32 $0xFFFFC000  }
0x201: {  	_ =	swait.ge [sflag:s29], $0x4000  }
0x202: {  	[sflag:s29] =	ssyncset.done $0x0  }
0x203: {  	[sflag:s29] =	ssyncadd.s32 $0xFFFFC000  }
0x204: {  	_ =	swait.ge [sflag:s21], $0x400  }
0x205: {  	[sflag:s21] =	ssyncset.done $0x0  }
0x206: {  	[sflag:s21] =	ssyncadd.s32 $0xFFFFFC00  }
0x207: {  	_ =	swait.ge [sflag:s21], $0x400  }
0x208: {  	[sflag:s21] =	ssyncset.done $0x0  }
0x209: {  	[sflag:s21] =	ssyncadd.s32 $0xFFFFFC00  }
0x20a: {  	[bflag:$0x0] =	sbarrier.arrive $0xFFFF  }
0x20b: {  	s14 =	stileid.u32;
	s16 =	sld [smem:$0x7FC]  }
0x20c: {  	s12 =	sshll.u32 s14, $0x6  }
0x20d: {  	s12 =	sor.u32 $0x1C05, s12;
	s15 =	sshrl.u32 s10, $0x3  }
0x20e: {  	[hbm:s16], [sflag:s12] =	dma.local [spmem:s15], $0x2800  }
0x20f: {  	_ =	swait.ge [sflag:s20], $0x2800  }
0x210: {  	s17 =	sld [smem:$0x7FD];
	_ =	sdelay $0x1  }
0x211: {  	s9 =	sadd.s32 $0x1, s9  }
0x212: {  	p0 =	sne.s32 s9, s17  }
.Ltmp1:
0x213: {  	_ = 	snop;
	(pc) =	sbr.rel @p0 .LBB2_1-.Ltmp1, $3  }
0x214: {  	_ =	sdelay $0x1  }
0x215: {  	[sflag:s20] =	ssyncset.done $0x0  }
0x216: {  	[sflag:s20] =	ssyncadd.s32 $0xFFFFD800  }
0x217: {  	_ =	sfence.sel $0x180000  }
0x218: {  	[bflag:$0x0] =	sbarrier.arrive $0xFFFF  }
0x219: {  	_ =	strace $0x90000047  }
0x21a: {  	s0 =	stileid.u32;
	[bflag:$0x2] =	sbarrier.arrive $0xFFFF  }
0x21b: {  	p0 =	sne.s32 s0, $0x0;
	s0 =	rddreg [dreg:$0x3]  }
0x21c: {  	s0 =	sadd.s32 @!p0 $0x100000, s0  }
0x21d: {  	[sflag:s0] =	ssyncadd.tile.s32 @!p0 $0x1;
	_ =	shalt  }
.Lfunc_end2:
_tile_overlayer_lowered:
.L_overlay_start_2:
0x21e: {  	(tag) =	ssettag $0x2  }
0x21f: {  	s0 =	rddreg [dreg:$0x0];
	s2 =	stileid.u32  }
0x220: {  	s1 =	rddreg [dreg:$0x1];
	p0 =	sne.s32 s2, $0x0  }
0x221: {  	s3 =	rddreg [dreg:$0x2];
	[bflag:$0x3] =	sbarrier.arrive $0xFFFF;
	s2 =	simm.s32 @!p0 $0x1C05  }
0x222: {  	[timem:s3], [sflag:s2] =	dma.local @!p0 [hbm:s0], s1  }
0x223: {  	s0 =	simm.s32 @!p0 $0x5  }
0x224: {  	_ =	swait.ge @!p0 [sflag:s0], s1  }
0x225: {  	s1 =	ssub.s32 @!p0 $0x0, s1;
	[sflag:s0] =	ssyncset.done @!p0 $0x0  }
0x226: {  	[sflag:s0] =	ssyncadd.s32 @!p0 s1  }
0x227: {  	[bflag:$0x3] =	sbarrier.arrive $0xFFFF  }
0x228: {  	_ =	shalt  }

</sc_bundles>
